<compile_context>
chip_gen: v7x
topology: tpu7x:2x2x1
jax: 0.10.2.dev20260603
libtpu: 0.0.44.dev20260713+nightly
codegen_flags: <defaults>
</compile_context>

<pallas_src>
import functools

import jax
import jax.numpy as jnp
from jax import lax
from jax.experimental import pallas as pl
from jax.experimental.pallas import tpu as pltpu
from jax.experimental.pallas import tpu_sc as plsc

N = 320000
D = 128
S = 512
NC = 2
NS = 16
NW = NC * NS
CHUNK = 128
NB = 6
NCHUNK = N // CHUNK
NBASE = NCHUNK // NW
NEXTRA = NCHUNK - NBASE * NW

assert N % CHUNK == 0 and NBASE % NB == 0


def _sc_body(x_hbm, batch_hbm, sums_hbm, cnts_hbm,
             x_bufs, idx_bufs, ones_v, zero_v, acc_sh, cnt_sh,
             semx0, semx1, semx2, semx3, semx4, semx5,
             semi0, semi1, semi2, semi3, semi4, semi5,
             sems0, sems1, sems2, sems3, sems4, sems5):
    cid = lax.axis_index("c")
    sid = lax.axis_index("s")
    wid = cid * NS + sid
    semx = (semx0, semx1, semx2, semx3, semx4, semx5)
    semi = (semi0, semi1, semi2, semi3, semi4, semi5)
    sems = (sems0, sems1, sems2, sems3, sems4, sems5)

    zeros16 = jnp.zeros((16,), jnp.float32)
    ones16 = jnp.ones((16,), jnp.float32)
    for j in range(CHUNK // 16):
        ones_v[pl.ds(j * 16, 16)] = ones16
    for i in range(S // NS):
        for j in range(D // 16):
            zero_v[i, pl.ds(j * 16, 16)] = zeros16

    pltpu.sync_copy(zero_v, acc_sh.at[pl.ds(sid * (S // NS), S // NS)])
    pltpu.sync_copy(zero_v.at[0, pl.ds(0, S // NS)],
                    cnt_sh.at[pl.ds(sid * (S // NS), S // NS)])
    plsc.subcore_barrier()

    def chunk_row(t):
        return (wid + t * NW) * CHUNK

    def start_load(t, b):
        row = chunk_row(t)
        pltpu.async_copy(x_hbm.at[pl.ds(row, CHUNK), :], x_bufs.at[b], semx[b])
        pltpu.async_copy(batch_hbm.at[pl.ds(row, CHUNK)], idx_bufs.at[b], semi[b])

    def wait_load(t, b):
        row = chunk_row(t)
        pltpu.make_async_copy(x_hbm.at[pl.ds(row, CHUNK), :], x_bufs.at[b],
                              semx[b]).wait()
        pltpu.make_async_copy(batch_hbm.at[pl.ds(row, CHUNK)], idx_bufs.at[b],
                              semi[b]).wait()

    def start_scatter(b):
        pltpu.async_copy(x_bufs.at[b], acc_sh.at[idx_bufs.at[b]], sems[b],
                         add=True)
        pltpu.async_copy(ones_v, cnt_sh.at[idx_bufs.at[b]], sems[b], add=True)

    def wait_scatter(b):
        pltpu.make_async_copy(x_bufs.at[b], acc_sh.at[idx_bufs.at[b]],
                              sems[b]).wait()
        pltpu.make_async_copy(ones_v, cnt_sh.at[idx_bufs.at[b]],
                              sems[b]).wait()

    start_load(0, 0)
    start_load(1, 1)

    def body(tt, carry):
        for u in range(NB):
            t = tt * NB + u
            b = u
            wait_load(t, b)
            start_scatter(b)
            tf = t + 2
            bf = (u + 2) % NB

            @pl.when(tf < NBASE)
            def _():
                @pl.when(tf >= NB)
                def _():
                    wait_scatter(bf)
                start_load(tf, bf)
        return carry

    lax.fori_loop(0, NBASE // NB, body, 0)

    @pl.when(wid < NEXTRA)
    def _():
        wait_scatter(0)
        row = (NBASE * NW + wid) * CHUNK
        pltpu.async_copy(x_hbm.at[pl.ds(row, CHUNK), :], x_bufs.at[0], semx[0])
        pltpu.async_copy(batch_hbm.at[pl.ds(row, CHUNK)], idx_bufs.at[0],
                         semi[0])
        pltpu.make_async_copy(x_hbm.at[pl.ds(row, CHUNK), :], x_bufs.at[0],
                              semx[0]).wait()
        pltpu.make_async_copy(batch_hbm.at[pl.ds(row, CHUNK)], idx_bufs.at[0],
                              semi[0]).wait()
        start_scatter(0)

    for b in (1, 2, 3, 4, 5, 0):
        wait_scatter(b)

    plsc.subcore_barrier()

    r0 = sid * (S // NS)
    pltpu.sync_copy(acc_sh.at[pl.ds(r0, S // NS)],
                    sums_hbm.at[cid, pl.ds(r0, S // NS)])
    cnt_v = ones_v.at[pl.ds(0, S // NS)]
    pltpu.sync_copy(cnt_sh.at[pl.ds(r0, S // NS)], cnt_v)
    pltpu.sync_copy(cnt_v, cnts_hbm.at[cid, pl.ds(r0, S // NS)])


_sc_segment_sum = functools.partial(
    pl.kernel,
    out_type=[
        jax.ShapeDtypeStruct((NC, S, D), jnp.float32),
        jax.ShapeDtypeStruct((NC, S), jnp.float32),
    ],
    mesh=plsc.VectorSubcoreMesh(core_axis_name="c", subcore_axis_name="s"),
    scratch_types=[
        pltpu.VMEM((NB, CHUNK, D), jnp.float32),
        pltpu.VMEM((NB, CHUNK), jnp.int32),
        pltpu.VMEM((CHUNK,), jnp.float32),
        pltpu.VMEM((S // NS, D), jnp.float32),
        pltpu.VMEM_SHARED((S, D), jnp.float32),
        pltpu.VMEM_SHARED((S,), jnp.float32),
    ] + [pltpu.SemaphoreType.DMA] * 18,
)(_sc_body)


def _finalize_body(s_ref, c_ref, o_ref):
    s = s_ref[0] + s_ref[1]
    c = jnp.maximum(c_ref[0] + c_ref[1], 1.0)
    o_ref[...] = s / c


_finalize = pl.pallas_call(
    _finalize_body,
    out_shape=jax.ShapeDtypeStruct((S, D), jnp.float32),
)


@jax.jit
def kernel(x, batch):
    sums, cnts = _sc_segment_sum(x, batch.astype(jnp.int32))
    return _finalize(sums, cnts.reshape(NC, S, 1))

# --- scband reference (transcript-rebuilt; emitter-appended) ---
"""Pipeline reference for scband-global-mean-pool-1864015807075 (READ-ONLY COPY).

The authoritative reference and input builder live on the scoring server;
editing this copy changes nothing except your own understanding.
"""

import jax, jax.numpy as jnp
import numpy as np

N = 320000
D = 128
NUM_SEGMENTS = 512


def setup_inputs(seed: int = 0) -> dict:
    key = jax.random.key(seed)
    k1, k2 = jax.random.split(key)
    x = jax.random.normal(k1, (N, D), dtype=jnp.float32)
    batch = jnp.sort(jax.random.randint(k2, (N,), 0, NUM_SEGMENTS))
    return {"x": x, "batch": batch}


def reference(x, batch):
    # global_mean_pool: segment-wise mean of node features x grouped by graph id `batch`.
    sums = jax.ops.segment_sum(x, batch, num_segments=NUM_SEGMENTS)
    counts = jax.ops.segment_sum(jnp.ones((x.shape[0],), dtype=x.dtype), batch, num_segments=NUM_SEGMENTS)
    counts = jnp.maximum(counts, 1.0)
    return sums / counts[:, None]

if __name__ == "__main__":
    import jax
    _d = setup_inputs()
    print(jax.jit(kernel)(*tuple(_d.values())))

</pallas_src>

<mosaic_0001>
#map = affine_map<(d0, d1) -> (0, 0)>
#map1 = affine_map<(d0, d1) -> (0)>
#map2 = affine_map<(d0, d1) -> (0, 0, 0)>
module attributes {stable_mosaic.version = 14 : i64} {
  func.func @_sc_body(%arg0: i32, %arg1: i32, %arg2: memref<320000x128xf32, #tpu.memory_space<hbm>>, %arg3: memref<320000xi32, #tpu.memory_space<hbm>>, %arg4: memref<2x512x128xf32, #tpu.memory_space<hbm>>, %arg5: memref<2x512xf32, #tpu.memory_space<hbm>>, %arg6: memref<6x128x128xf32, #tpu.memory_space<vmem>>, %arg7: memref<6x128xi32, #tpu.memory_space<vmem>>, %arg8: memref<128xf32, #tpu.memory_space<vmem>>, %arg9: memref<32x128xf32, #tpu.memory_space<vmem>>, %arg10: memref<512x128xf32, #tpu.memory_space<vmem_shared>>, %arg11: memref<512xf32, #tpu.memory_space<vmem_shared>>, %arg12: memref<!tpu.dma_semaphore, #tpu.memory_space<semaphore_mem>>, %arg13: memref<!tpu.dma_semaphore, #tpu.memory_space<semaphore_mem>>, %arg14: memref<!tpu.dma_semaphore, #tpu.memory_space<semaphore_mem>>, %arg15: memref<!tpu.dma_semaphore, #tpu.memory_space<semaphore_mem>>, %arg16: memref<!tpu.dma_semaphore, #tpu.memory_space<semaphore_mem>>, %arg17: memref<!tpu.dma_semaphore, #tpu.memory_space<semaphore_mem>>, %arg18: memref<!tpu.dma_semaphore, #tpu.memory_space<semaphore_mem>>, %arg19: memref<!tpu.dma_semaphore, #tpu.memory_space<semaphore_mem>>, %arg20: memref<!tpu.dma_semaphore, #tpu.memory_space<semaphore_mem>>, %arg21: memref<!tpu.dma_semaphore, #tpu.memory_space<semaphore_mem>>, %arg22: memref<!tpu.dma_semaphore, #tpu.memory_space<semaphore_mem>>, %arg23: memref<!tpu.dma_semaphore, #tpu.memory_space<semaphore_mem>>, %arg24: memref<!tpu.dma_semaphore, #tpu.memory_space<semaphore_mem>>, %arg25: memref<!tpu.dma_semaphore, #tpu.memory_space<semaphore_mem>>, %arg26: memref<!tpu.dma_semaphore, #tpu.memory_space<semaphore_mem>>, %arg27: memref<!tpu.dma_semaphore, #tpu.memory_space<semaphore_mem>>, %arg28: memref<!tpu.dma_semaphore, #tpu.memory_space<semaphore_mem>>, %arg29: memref<!tpu.dma_semaphore, #tpu.memory_space<semaphore_mem>>) attributes {dimension_semantics = [#tpu.dimension_semantics<core_parallel>, #tpu.dimension_semantics<subcore_parallel>], iteration_bounds = array<i64: 2, 16>, scalar_prefetch = 0 : i64, scratch_operands = 24 : i64, tpu.core_type = #tpu.core_type<sc_vector_subcore>, window_params = [{transform_indices = #map}, {transform_indices = #map1}, {transform_indices = #map2}, {transform_indices = #map}]} {
    %mul3A = arith.constant 16 : i32
    %mul3A_0 = arith.muli %arg0, %mul3A : i32
    %add3A = arith.addi %mul3A_0, %arg1 : i32
    %broadcast_in_dim3A = arith.constant 0.000000e+00 : f32
    %broadcast_in_dim3A_1 = vector.broadcast %broadcast_in_dim3A : f32 to vector<16xf32>
    %broadcast_in_dim3A_2 = arith.constant 1.000000e+00 : f32
    %broadcast_in_dim3A_3 = vector.broadcast %broadcast_in_dim3A_2 : f32 to vector<16xf32>
    %swap3A = arith.constant 0 : index
    %swap3A_4 = tpu.vector_load %arg8[%swap3A] {strides = array<i32>} : memref<128xf32, #tpu.memory_space<vmem>>, vector<16xf32>,
    %swap3A_5 = vector.shape_cast %swap3A_4 : vector<16xf32> to vector<16xf32>
    %swap3A_6 = vector.shape_cast %broadcast_in_dim3A_3 : vector<16xf32> to vector<16xf32>
    tpu.vector_store %arg8[%swap3A], %swap3A_6 {strides = array<i32>} : memref<128xf32, #tpu.memory_space<vmem>>, vector<16xf32>,
    %swap3A_7 = arith.constant 16 : index
    %swap3A_8 = tpu.vector_load %arg8[%swap3A_7] {strides = array<i32>} : memref<128xf32, #tpu.memory_space<vmem>>, vector<16xf32>,
    %swap3A_9 = vector.shape_cast %swap3A_8 : vector<16xf32> to vector<16xf32>
    %swap3A_10 = vector.shape_cast %broadcast_in_dim3A_3 : vector<16xf32> to vector<16xf32>
    tpu.vector_store %arg8[%swap3A_7], %swap3A_10 {strides = array<i32>} : memref<128xf32, #tpu.memory_space<vmem>>, vector<16xf32>,
    %swap3A_11 = arith.constant 32 : index
    %swap3A_12 = tpu.vector_load %arg8[%swap3A_11] {strides = array<i32>} : memref<128xf32, #tpu.memory_space<vmem>>, vector<16xf32>,
    %swap3A_13 = vector.shape_cast %swap3A_12 : vector<16xf32> to vector<16xf32>
    %swap3A_14 = vector.shape_cast %broadcast_in_dim3A_3 : vector<16xf32> to vector<16xf32>
    tpu.vector_store %arg8[%swap3A_11], %swap3A_14 {strides = array<i32>} : memref<128xf32, #tpu.memory_space<vmem>>, vector<16xf32>,
    %swap3A_15 = arith.constant 48 : index
    %swap3A_16 = tpu.vector_load %arg8[%swap3A_15] {strides = array<i32>} : memref<128xf32, #tpu.memory_space<vmem>>, vector<16xf32>,
    %swap3A_17 = vector.shape_cast %swap3A_16 : vector<16xf32> to vector<16xf32>
    %swap3A_18 = vector.shape_cast %broadcast_in_dim3A_3 : vector<16xf32> to vector<16xf32>
    tpu.vector_store %arg8[%swap3A_15], %swap3A_18 {strides = array<i32>} : memref<128xf32, #tpu.memory_space<vmem>>, vector<16xf32>,
    %swap3A_19 = arith.constant 64 : index
    %swap3A_20 = tpu.vector_load %arg8[%swap3A_19] {strides = array<i32>} : memref<128xf32, #tpu.memory_space<vmem>>, vector<16xf32>,
    %swap3A_21 = vector.shape_cast %swap3A_20 : vector<16xf32> to vector<16xf32>
    %swap3A_22 = vector.shape_cast %broadcast_in_dim3A_3 : vector<16xf32> to vector<16xf32>
    tpu.vector_store %arg8[%swap3A_19], %swap3A_22 {strides = array<i32>} : memref<128xf32, #tpu.memory_space<vmem>>, vector<16xf32>,
    %swap3A_23 = arith.constant 80 : index
    %swap3A_24 = tpu.vector_load %arg8[%swap3A_23] {strides = array<i32>} : memref<128xf32, #tpu.memory_space<vmem>>, vector<16xf32>,
    %swap3A_25 = vector.shape_cast %swap3A_24 : vector<16xf32> to vector<16xf32>
    %swap3A_26 = vector.shape_cast %broadcast_in_dim3A_3 : vector<16xf32> to vector<16xf32>
    tpu.vector_store %arg8[%swap3A_23], %swap3A_26 {strides = array<i32>} : memref<128xf32, #tpu.memory_space<vmem>>, vector<16xf32>,
    %swap3A_27 = arith.constant 96 : index
    %swap3A_28 = tpu.vector_load %arg8[%swap3A_27] {strides = array<i32>} : memref<128xf32, #tpu.memory_space<vmem>>, vector<16xf32>,
    %swap3A_29 = vector.shape_cast %swap3A_28 : vector<16xf32> to vector<16xf32>
    %swap3A_30 = vector.shape_cast %broadcast_in_dim3A_3 : vector<16xf32> to vector<16xf32>
    tpu.vector_store %arg8[%swap3A_27], %swap3A_30 {strides = array<i32>} : memref<128xf32, #tpu.memory_space<vmem>>, vector<16xf32>,
    %swap3A_31 = arith.constant 112 : index
    %swap3A_32 = tpu.vector_load %arg8[%swap3A_31] {strides = array<i32>} : memref<128xf32, #tpu.memory_space<vmem>>, vector<16xf32>,
    %swap3A_33 = vector.shape_cast %swap3A_32 : vector<16xf32> to vector<16xf32>
    %swap3A_34 = vector.shape_cast %broadcast_in_dim3A_3 : vector<16xf32> to vector<16xf32>
    tpu.vector_store %arg8[%swap3A_31], %swap3A_34 {strides = array<i32>} : memref<128xf32, #tpu.memory_space<vmem>>, vector<16xf32>,
    %swap3A_35 = arith.constant 0 : i32
    %swap3A_36 = arith.index_cast %swap3A_35 : i32 to index
    %swap3A_37 = arith.constant 0 : index
    %swap3A_38 = tpu.vector_load %arg9[%swap3A_36, %swap3A_37] {strides = array<i32>} : memref<32x128xf32, #tpu.memory_space<vmem>>, vector<1x16xf32>,
    %swap3A_39 = vector.shape_cast %swap3A_38 : vector<1x16xf32> to vector<16xf32>
    %swap3A_40 = vector.shape_cast %broadcast_in_dim3A_1 : vector<16xf32> to vector<1x16xf32>
    tpu.vector_store %arg9[%swap3A_36, %swap3A_37], %swap3A_40 {strides = array<i32>} : memref<32x128xf32, #tpu.memory_space<vmem>>, vector<1x16xf32>,
    %swap3A_41 = arith.constant 0 : i32
    %swap3A_42 = arith.index_cast %swap3A_41 : i32 to index
    %swap3A_43 = arith.constant 16 : index
    %swap3A_44 = tpu.vector_load %arg9[%swap3A_42, %swap3A_43] {strides = array<i32>} : memref<32x128xf32, #tpu.memory_space<vmem>>, vector<1x16xf32>,
    %swap3A_45 = vector.shape_cast %swap3A_44 : vector<1x16xf32> to vector<16xf32>
    %swap3A_46 = vector.shape_cast %broadcast_in_dim3A_1 : vector<16xf32> to vector<1x16xf32>
    tpu.vector_store %arg9[%swap3A_42, %swap3A_43], %swap3A_46 {strides = array<i32>} : memref<32x128xf32, #tpu.memory_space<vmem>>, vector<1x16xf32>,
    %swap3A_47 = arith.constant 0 : i32
    %swap3A_48 = arith.index_cast %swap3A_47 : i32 to index
    %swap3A_49 = arith.constant 32 : index
    %swap3A_50 = tpu.vector_load %arg9[%swap3A_48, %swap3A_49] {strides = array<i32>} : memref<32x128xf32, #tpu.memory_space<vmem>>, vector<1x16xf32>,
    %swap3A_51 = vector.shape_cast %swap3A_50 : vector<1x16xf32> to vector<16xf32>
    %swap3A_52 = vector.shape_cast %broadcast_in_dim3A_1 : vector<16xf32> to vector<1x16xf32>
    tpu.vector_store %arg9[%swap3A_48, %swap3A_49], %swap3A_52 {strides = array<i32>} : memref<32x128xf32, #tpu.memory_space<vmem>>, vector<1x16xf32>,
    %swap3A_53 = arith.constant 0 : i32
    %swap3A_54 = arith.index_cast %swap3A_53 : i32 to index
    %swap3A_55 = arith.constant 48 : index
    %swap3A_56 = tpu.vector_load %arg9[%swap3A_54, %swap3A_55] {strides = array<i32>} : memref<32x128xf32, #tpu.memory_space<vmem>>, vector<1x16xf32>,
    %swap3A_57 = vector.shape_cast %swap3A_56 : vector<1x16xf32> to vector<16xf32>
    %swap3A_58 = vector.shape_cast %broadcast_in_dim3A_1 : vector<16xf32> to vector<1x16xf32>
    tpu.vector_store %arg9[%swap3A_54, %swap3A_55], %swap3A_58 {strides = array<i32>} : memref<32x128xf32, #tpu.memory_space<vmem>>, vector<1x16xf32>,
    %swap3A_59 = arith.constant 0 : i32
    %swap3A_60 = arith.index_cast %swap3A_59 : i32 to index
    %swap3A_61 = arith.constant 64 : index
    %swap3A_62 = tpu.vector_load %arg9[%swap3A_60, %swap3A_61] {strides = array<i32>} : memref<32x128xf32, #tpu.memory_space<vmem>>, vector<1x16xf32>,
    %swap3A_63 = vector.shape_cast %swap3A_62 : vector<1x16xf32> to vector<16xf32>
    %swap3A_64 = vector.shape_cast %broadcast_in_dim3A_1 : vector<16xf32> to vector<1x16xf32>
    tpu.vector_store %arg9[%swap3A_60, %swap3A_61], %swap3A_64 {strides = array<i32>} : memref<32x128xf32, #tpu.memory_space<vmem>>, vector<1x16xf32>,
    %swap3A_65 = arith.constant 0 : i32
    %swap3A_66 = arith.index_cast %swap3A_65 : i32 to index
    %swap3A_67 = arith.constant 80 : index
    %swap3A_68 = tpu.vector_load %arg9[%swap3A_66, %swap3A_67] {strides = array<i32>} : memref<32x128xf32, #tpu.memory_space<vmem>>, vector<1x16xf32>,
    %swap3A_69 = vector.shape_cast %swap3A_68 : vector<1x16xf32> to vector<16xf32>
    %swap3A_70 = vector.shape_cast %broadcast_in_dim3A_1 : vector<16xf32> to vector<1x16xf32>
    tpu.vector_store %arg9[%swap3A_66, %swap3A_67], %swap3A_70 {strides = array<i32>} : memref<32x128xf32, #tpu.memory_space<vmem>>, vector<1x16xf32>,
    %swap3A_71 = arith.constant 0 : i32
    %swap3A_72 = arith.index_cast %swap3A_71 : i32 to index
    %swap3A_73 = arith.constant 96 : index
    %swap3A_74 = tpu.vector_load %arg9[%swap3A_72, %swap3A_73] {strides = array<i32>} : memref<32x128xf32, #tpu.memory_space<vmem>>, vector<1x16xf32>,
    %swap3A_75 = vector.shape_cast %swap3A_74 : vector<1x16xf32> to vector<16xf32>
    %swap3A_76 = vector.shape_cast %broadcast_in_dim3A_1 : vector<16xf32> to vector<1x16xf32>
    tpu.vector_store %arg9[%swap3A_72, %swap3A_73], %swap3A_76 {strides = array<i32>} : memref<32x128xf32, #tpu.memory_space<vmem>>, vector<1x16xf32>,
    %swap3A_77 = arith.constant 0 : i32
    %swap3A_78 = arith.index_cast %swap3A_77 : i32 to index
    %swap3A_79 = arith.constant 112 : index
    %swap3A_80 = tpu.vector_load %arg9[%swap3A_78, %swap3A_79] {strides = array<i32>} : memref<32x128xf32, #tpu.memory_space<vmem>>, vector<1x16xf32>,
    %swap3A_81 = vector.shape_cast %swap3A_80 : vector<1x16xf32> to vector<16xf32>
    %swap3A_82 = vector.shape_cast %broadcast_in_dim3A_1 : vector<16xf32> to vector<1x16xf32>
    tpu.vector_store %arg9[%swap3A_78, %swap3A_79], %swap3A_82 {strides = array<i32>} : memref<32x128xf32, #tpu.memory_space<vmem>>, vector<1x16xf32>,
    %swap3A_83 = arith.constant 1 : i32
    %swap3A_84 = arith.index_cast %swap3A_83 : i32 to index
    %swap3A_85 = arith.constant 0 : index
    %swap3A_86 = tpu.vector_load %arg9[%swap3A_84, %swap3A_85] {strides = array<i32>} : memref<32x128xf32, #tpu.memory_space<vmem>>, vector<1x16xf32>,
    %swap3A_87 = vector.shape_cast %swap3A_86 : vector<1x16xf32> to vector<16xf32>
    %swap3A_88 = vector.shape_cast %broadcast_in_dim3A_1 : vector<16xf32> to vector<1x16xf32>
    tpu.vector_store %arg9[%swap3A_84, %swap3A_85], %swap3A_88 {strides = array<i32>} : memref<32x128xf32, #tpu.memory_space<vmem>>, vector<1x16xf32>,
    %swap3A_89 = arith.constant 1 : i32
    %swap3A_90 = arith.index_cast %swap3A_89 : i32 to index
    %swap3A_91 = arith.constant 16 : index
    %swap3A_92 = tpu.vector_load %arg9[%swap3A_90, %swap3A_91] {strides = array<i32>} : memref<32x128xf32, #tpu.memory_space<vmem>>, vector<1x16xf32>,
    %swap3A_93 = vector.shape_cast %swap3A_92 : vector<1x16xf32> to vector<16xf32>
    %swap3A_94 = vector.shape_cast %broadcast_in_dim3A_1 : vector<16xf32> to vector<1x16xf32>
    tpu.vector_store %arg9[%swap3A_90, %swap3A_91], %swap3A_94 {strides = array<i32>} : memref<32x128xf32, #tpu.memory_space<vmem>>, vector<1x16xf32>,
    %swap3A_95 = arith.constant 1 : i32
    %swap3A_96 = arith.index_cast %swap3A_95 : i32 to index
    %swap3A_97 = arith.constant 32 : index
    %swap3A_98 = tpu.vector_load %arg9[%swap3A_96, %swap3A_97] {strides = array<i32>} : memref<32x128xf32, #tpu.memory_space<vmem>>, vector<1x16xf32>,
    %swap3A_99 = vector.shape_cast %swap3A_98 : vector<1x16xf32> to vector<16xf32>
    %swap3A_100 = vector.shape_cast %broadcast_in_dim3A_1 : vector<16xf32> to vector<1x16xf32>
    tpu.vector_store %arg9[%swap3A_96, %swap3A_97], %swap3A_100 {strides = array<i32>} : memref<32x128xf32, #tpu.memory_space<vmem>>, vector<1x16xf32>,
    %swap3A_101 = arith.constant 1 : i32
    %swap3A_102 = arith.index_cast %swap3A_101 : i32 to index
    %swap3A_103 = arith.constant 48 : index
    %swap3A_104 = tpu.vector_load %arg9[%swap3A_102, %swap3A_103] {strides = array<i32>} : memref<32x128xf32, #tpu.memory_space<vmem>>, vector<1x16xf32>,
    %swap3A_105 = vector.shape_cast %swap3A_104 : vector<1x16xf32> to vector<16xf32>
    %swap3A_106 = vector.shape_cast %broadcast_in_dim3A_1 : vector<16xf32> to vector<1x16xf32>
    tpu.vector_store %arg9[%swap3A_102, %swap3A_103], %swap3A_106 {strides = array<i32>} : memref<32x128xf32, #tpu.memory_space<vmem>>, vector<1x16xf32>,
    %swap3A_107 = arith.constant 1 : i32
    %swap3A_108 = arith.index_cast %swap3A_107 : i32 to index
    %swap3A_109 = arith.constant 64 : index
    %swap3A_110 = tpu.vector_load %arg9[%swap3A_108, %swap3A_109] {strides = array<i32>} : memref<32x128xf32, #tpu.memory_space<vmem>>, vector<1x16xf32>,
    %swap3A_111 = vector.shape_cast %swap3A_110 : vector<1x16xf32> to vector<16xf32>
    %swap3A_112 = vector.shape_cast %broadcast_in_dim3A_1 : vector<16xf32> to vector<1x16xf32>
    tpu.vector_store %arg9[%swap3A_108, %swap3A_109], %swap3A_112 {strides = array<i32>} : memref<32x128xf32, #tpu.memory_space<vmem>>, vector<1x16xf32>,
    %swap3A_113 = arith.constant 1 : i32
    %swap3A_114 = arith.index_cast %swap3A_113 : i32 to index
    %swap3A_115 = arith.constant 80 : index
    %swap3A_116 = tpu.vector_load %arg9[%swap3A_114, %swap3A_115] {strides = array<i32>} : memref<32x128xf32, #tpu.memory_space<vmem>>, vector<1x16xf32>,
    %swap3A_117 = vector.shape_cast %swap3A_116 : vector<1x16xf32> to vector<16xf32>
    %swap3A_118 = vector.shape_cast %broadcast_in_dim3A_1 : vector<16xf32> to vector<1x16xf32>
    tpu.vector_store %arg9[%swap3A_114, %swap3A_115], %swap3A_118 {strides = array<i32>} : memref<32x128xf32, #tpu.memory_space<vmem>>, vector<1x16xf32>,
    %swap3A_119 = arith.constant 1 : i32
    %swap3A_120 = arith.index_cast %swap3A_119 : i32 to index
    %swap3A_121 = arith.constant 96 : index
    %swap3A_122 = tpu.vector_load %arg9[%swap3A_120, %swap3A_121] {strides = array<i32>} : memref<32x128xf32, #tpu.memory_space<vmem>>, vector<1x16xf32>,
    %swap3A_123 = vector.shape_cast %swap3A_122 : vector<1x16xf32> to vector<16xf32>
    %swap3A_124 = vector.shape_cast %broadcast_in_dim3A_1 : vector<16xf32> to vector<1x16xf32>
    tpu.vector_store %arg9[%swap3A_120, %swap3A_121], %swap3A_124 {strides = array<i32>} : memref<32x128xf32, #tpu.memory_space<vmem>>, vector<1x16xf32>,
    %swap3A_125 = arith.constant 1 : i32
    %swap3A_126 = arith.index_cast %swap3A_125 : i32 to index
    %swap3A_127 = arith.constant 112 : index
    %swap3A_128 = tpu.vector_load %arg9[%swap3A_126, %swap3A_127] {strides = array<i32>} : memref<32x128xf32, #tpu.memory_space<vmem>>, vector<1x16xf32>,
    %swap3A_129 = vector.shape_cast %swap3A_128 : vector<1x16xf32> to vector<16xf32>
    %swap3A_130 = vector.shape_cast %broadcast_in_dim3A_1 : vector<16xf32> to vector<1x16xf32>
    tpu.vector_store %arg9[%swap3A_126, %swap3A_127], %swap3A_130 {strides = array<i32>} : memref<32x128xf32, #tpu.memory_space<vmem>>, vector<1x16xf32>,
    %swap3A_131 = arith.constant 2 : i32
    %swap3A_132 = arith.index_cast %swap3A_131 : i32 to index
    %swap3A_133 = arith.constant 0 : index
    %swap3A_134 = tpu.vector_load %arg9[%swap3A_132, %swap3A_133] {strides = array<i32>} : memref<32x128xf32, #tpu.memory_space<vmem>>, vector<1x16xf32>,
    %swap3A_135 = vector.shape_cast %swap3A_134 : vector<1x16xf32> to vector<16xf32>
    %swap3A_136 = vector.shape_cast %broadcast_in_dim3A_1 : vector<16xf32> to vector<1x16xf32>
    tpu.vector_store %arg9[%swap3A_132, %swap3A_133], %swap3A_136 {strides = array<i32>} : memref<32x128xf32, #tpu.memory_space<vmem>>, vector<1x16xf32>,
    %swap3A_137 = arith.constant 2 : i32
    %swap3A_138 = arith.index_cast %swap3A_137 : i32 to index
    %swap3A_139 = arith.constant 16 : index
    %swap3A_140 = tpu.vector_load %arg9[%swap3A_138, %swap3A_139] {strides = array<i32>} : memref<32x128xf32, #tpu.memory_space<vmem>>, vector<1x16xf32>,
    %swap3A_141 = vector.shape_cast %swap3A_140 : vector<1x16xf32> to vector<16xf32>
    %swap3A_142 = vector.shape_cast %broadcast_in_dim3A_1 : vector<16xf32> to vector<1x16xf32>
    tpu.vector_store %arg9[%swap3A_138, %swap3A_139], %swap3A_142 {strides = array<i32>} : memref<32x128xf32, #tpu.memory_space<vmem>>, vector<1x16xf32>,
    %swap3A_143 = arith.constant 2 : i32
    %swap3A_144 = arith.index_cast %swap3A_143 : i32 to index
    %swap3A_145 = arith.constant 32 : index
    %swap3A_146 = tpu.vector_load %arg9[%swap3A_144, %swap3A_145] {strides = array<i32>} : memref<32x128xf32, #tpu.memory_space<vmem>>, vector<1x16xf32>,
    %swap3A_147 = vector.shape_cast %swap3A_146 : vector<1x16xf32> to vector<16xf32>
    %swap3A_148 = vector.shape_cast %broadcast_in_dim3A_1 : vector<16xf32> to vector<1x16xf32>
    tpu.vector_store %arg9[%swap3A_144, %swap3A_145], %swap3A_148 {strides = array<i32>} : memref<32x128xf32, #tpu.memory_space<vmem>>, vector<1x16xf32>,
    %swap3A_149 = arith.constant 2 : i32
    %swap3A_150 = arith.index_cast %swap3A_149 : i32 to index
    %swap3A_151 = arith.constant 48 : index
    %swap3A_152 = tpu.vector_load %arg9[%swap3A_150, %swap3A_151] {strides = array<i32>} : memref<32x128xf32, #tpu.memory_space<vmem>>, vector<1x16xf32>,
    %swap3A_153 = vector.shape_cast %swap3A_152 : vector<1x16xf32> to vector<16xf32>
    %swap3A_154 = vector.shape_cast %broadcast_in_dim3A_1 : vector<16xf32> to vector<1x16xf32>
    tpu.vector_store %arg9[%swap3A_150, %swap3A_151], %swap3A_154 {strides = array<i32>} : memref<32x128xf32, #tpu.memory_space<vmem>>, vector<1x16xf32>,
    %swap3A_155 = arith.constant 2 : i32
    %swap3A_156 = arith.index_cast %swap3A_155 : i32 to index
    %swap3A_157 = arith.constant 64 : index
    %swap3A_158 = tpu.vector_load %arg9[%swap3A_156, %swap3A_157] {strides = array<i32>} : memref<32x128xf32, #tpu.memory_space<vmem>>, vector<1x16xf32>,
    %swap3A_159 = vector.shape_cast %swap3A_158 : vector<1x16xf32> to vector<16xf32>
    %swap3A_160 = vector.shape_cast %broadcast_in_dim3A_1 : vector<16xf32> to vector<1x16xf32>
    tpu.vector_store %arg9[%swap3A_156, %swap3A_157], %swap3A_160 {strides = array<i32>} : memref<32x128xf32, #tpu.memory_space<vmem>>, vector<1x16xf32>,
    %swap3A_161 = arith.constant 2 : i32
    %swap3A_162 = arith.index_cast %swap3A_161 : i32 to index
    %swap3A_163 = arith.constant 80 : index
    %swap3A_164 = tpu.vector_load %arg9[%swap3A_162, %swap3A_163] {strides = array<i32>} : memref<32x128xf32, #tpu.memory_space<vmem>>, vector<1x16xf32>,
    %swap3A_165 = vector.shape_cast %swap3A_164 : vector<1x16xf32> to vector<16xf32>
    %swap3A_166 = vector.shape_cast %broadcast_in_dim3A_1 : vector<16xf32> to vector<1x16xf32>
    tpu.vector_store %arg9[%swap3A_162, %swap3A_163], %swap3A_166 {strides = array<i32>} : memref<32x128xf32, #tpu.memory_space<vmem>>, vector<1x16xf32>,
    %swap3A_167 = arith.constant 2 : i32
    %swap3A_168 = arith.index_cast %swap3A_167 : i32 to index
    %swap3A_169 = arith.constant 96 : index
    %swap3A_170 = tpu.vector_load %arg9[%swap3A_168, %swap3A_169] {strides = array<i32>} : memref<32x128xf32, #tpu.memory_space<vmem>>, vector<1x16xf32>,
    %swap3A_171 = vector.shape_cast %swap3A_170 : vector<1x16xf32> to vector<16xf32>
    %swap3A_172 = vector.shape_cast %broadcast_in_dim3A_1 : vector<16xf32> to vector<1x16xf32>
    tpu.vector_store %arg9[%swap3A_168, %swap3A_169], %swap3A_172 {strides = array<i32>} : memref<32x128xf32, #tpu.memory_space<vmem>>, vector<1x16xf32>,
    %swap3A_173 = arith.constant 2 : i32
    %swap3A_174 = arith.index_cast %swap3A_173 : i32 to index
    %swap3A_175 = arith.constant 112 : index
    %swap3A_176 = tpu.vector_load %arg9[%swap3A_174, %swap3A_175] {strides = array<i32>} : memref<32x128xf32, #tpu.memory_space<vmem>>, vector<1x16xf32>,
    %swap3A_177 = vector.shape_cast %swap3A_176 : vector<1x16xf32> to vector<16xf32>
    %swap3A_178 = vector.shape_cast %broadcast_in_dim3A_1 : vector<16xf32> to vector<1x16xf32>
    tpu.vector_store %arg9[%swap3A_174, %swap3A_175], %swap3A_178 {strides = array<i32>} : memref<32x128xf32, #tpu.memory_space<vmem>>, vector<1x16xf32>,
    %swap3A_179 = arith.constant 3 : i32
    %swap3A_180 = arith.index_cast %swap3A_179 : i32 to index
    %swap3A_181 = arith.constant 0 : index
    %swap3A_182 = tpu.vector_load %arg9[%swap3A_180, %swap3A_181] {strides = array<i32>} : memref<32x128xf32, #tpu.memory_space<vmem>>, vector<1x16xf32>,
    %swap3A_183 = vector.shape_cast %swap3A_182 : vector<1x16xf32> to vector<16xf32>
    %swap3A_184 = vector.shape_cast %broadcast_in_dim3A_1 : vector<16xf32> to vector<1x16xf32>
    tpu.vector_store %arg9[%swap3A_180, %swap3A_181], %swap3A_184 {strides = array<i32>} : memref<32x128xf32, #tpu.memory_space<vmem>>, vector<1x16xf32>,
    %swap3A_185 = arith.constant 3 : i32
    %swap3A_186 = arith.index_cast %swap3A_185 : i32 to index
    %swap3A_187 = arith.constant 16 : index
    %swap3A_188 = tpu.vector_load %arg9[%swap3A_186, %swap3A_187] {strides = array<i32>} : memref<32x128xf32, #tpu.memory_space<vmem>>, vector<1x16xf32>,
    %swap3A_189 = vector.shape_cast %swap3A_188 : vector<1x16xf32> to vector<16xf32>
    %swap3A_190 = vector.shape_cast %broadcast_in_dim3A_1 : vector<16xf32> to vector<1x16xf32>
    tpu.vector_store %arg9[%swap3A_186, %swap3A_187], %swap3A_190 {strides = array<i32>} : memref<32x128xf32, #tpu.memory_space<vmem>>, vector<1x16xf32>,
    %swap3A_191 = arith.constant 3 : i32
    %swap3A_192 = arith.index_cast %swap3A_191 : i32 to index
    %swap3A_193 = arith.constant 32 : index
    %swap3A_194 = tpu.vector_load %arg9[%swap3A_192, %swap3A_193] {strides = array<i32>} : memref<32x128xf32, #tpu.memory_space<vmem>>, vector<1x16xf32>,
    %swap3A_195 = vector.shape_cast %swap3A_194 : vector<1x16xf32> to vector<16xf32>
    %swap3A_196 = vector.shape_cast %broadcast_in_dim3A_1 : vector<16xf32> to vector<1x16xf32>
    tpu.vector_store %arg9[%swap3A_192, %swap3A_193], %swap3A_196 {strides = array<i32>} : memref<32x128xf32, #tpu.memory_space<vmem>>, vector<1x16xf32>,
    %swap3A_197 = arith.constant 3 : i32
    %swap3A_198 = arith.index_cast %swap3A_197 : i32 to index
    %swap3A_199 = arith.constant 48 : index
    %swap3A_200 = tpu.vector_load %arg9[%swap3A_198, %swap3A_199] {strides = array<i32>} : memref<32x128xf32, #tpu.memory_space<vmem>>, vector<1x16xf32>,
    %swap3A_201 = vector.shape_cast %swap3A_200 : vector<1x16xf32> to vector<16xf32>
    %swap3A_202 = vector.shape_cast %broadcast_in_dim3A_1 : vector<16xf32> to vector<1x16xf32>
    tpu.vector_store %arg9[%swap3A_198, %swap3A_199], %swap3A_202 {strides = array<i32>} : memref<32x128xf32, #tpu.memory_space<vmem>>, vector<1x16xf32>,
    %swap3A_203 = arith.constant 3 : i32
    %swap3A_204 = arith.index_cast %swap3A_203 : i32 to index
    %swap3A_205 = arith.constant 64 : index
    %swap3A_206 = tpu.vector_load %arg9[%swap3A_204, %swap3A_205] {strides = array<i32>} : memref<32x128xf32, #tpu.memory_space<vmem>>, vector<1x16xf32>,
    %swap3A_207 = vector.shape_cast %swap3A_206 : vector<1x16xf32> to vector<16xf32>
    %swap3A_208 = vector.shape_cast %broadcast_in_dim3A_1 : vector<16xf32> to vector<1x16xf32>
    tpu.vector_store %arg9[%swap3A_204, %swap3A_205], %swap3A_208 {strides = array<i32>} : memref<32x128xf32, #tpu.memory_space<vmem>>, vector<1x16xf32>,
    %swap3A_209 = arith.constant 3 : i32
    %swap3A_210 = arith.index_cast %swap3A_209 : i32 to index
    %swap3A_211 = arith.constant 80 : index
    %swap3A_212 = tpu.vector_load %arg9[%swap3A_210, %swap3A_211] {strides = array<i32>} : memref<32x128xf32, #tpu.memory_space<vmem>>, vector<1x16xf32>,
    %swap3A_213 = vector.shape_cast %swap3A_212 : vector<1x16xf32> to vector<16xf32>
    %swap3A_214 = vector.shape_cast %broadcast_in_dim3A_1 : vector<16xf32> to vector<1x16xf32>
    tpu.vector_store %arg9[%swap3A_210, %swap3A_211], %swap3A_214 {strides = array<i32>} : memref<32x128xf32, #tpu.memory_space<vmem>>, vector<1x16xf32>,
    %swap3A_215 = arith.constant 3 : i32
    %swap3A_216 = arith.index_cast %swap3A_215 : i32 to index
    %swap3A_217 = arith.constant 96 : index
    %swap3A_218 = tpu.vector_load %arg9[%swap3A_216, %swap3A_217] {strides = array<i32>} : memref<32x128xf32, #tpu.memory_space<vmem>>, vector<1x16xf32>,
    %swap3A_219 = vector.shape_cast %swap3A_218 : vector<1x16xf32> to vector<16xf32>
    %swap3A_220 = vector.shape_cast %broadcast_in_dim3A_1 : vector<16xf32> to vector<1x16xf32>
    tpu.vector_store %arg9[%swap3A_216, %swap3A_217], %swap3A_220 {strides = array<i32>} : memref<32x128xf32, #tpu.memory_space<vmem>>, vector<1x16xf32>,
    %swap3A_221 = arith.constant 3 : i32
    %swap3A_222 = arith.index_cast %swap3A_221 : i32 to index
    %swap3A_223 = arith.constant 112 : index
    %swap3A_224 = tpu.vector_load %arg9[%swap3A_222, %swap3A_223] {strides = array<i32>} : memref<32x128xf32, #tpu.memory_space<vmem>>, vector<1x16xf32>,
    %swap3A_225 = vector.shape_cast %swap3A_224 : vector<1x16xf32> to vector<16xf32>
    %swap3A_226 = vector.shape_cast %broadcast_in_dim3A_1 : vector<16xf32> to vector<1x16xf32>
    tpu.vector_store %arg9[%swap3A_222, %swap3A_223], %swap3A_226 {strides = array<i32>} : memref<32x128xf32, #tpu.memory_space<vmem>>, vector<1x16xf32>,
    %swap3A_227 = arith.constant 4 : i32
    %swap3A_228 = arith.index_cast %swap3A_227 : i32 to index
    %swap3A_229 = arith.constant 0 : index
    %swap3A_230 = tpu.vector_load %arg9[%swap3A_228, %swap3A_229] {strides = array<i32>} : memref<32x128xf32, #tpu.memory_space<vmem>>, vector<1x16xf32>,
    %swap3A_231 = vector.shape_cast %swap3A_230 : vector<1x16xf32> to vector<16xf32>
    %swap3A_232 = vector.shape_cast %broadcast_in_dim3A_1 : vector<16xf32> to vector<1x16xf32>
    tpu.vector_store %arg9[%swap3A_228, %swap3A_229], %swap3A_232 {strides = array<i32>} : memref<32x128xf32, #tpu.memory_space<vmem>>, vector<1x16xf32>,
    %swap3A_233 = arith.constant 4 : i32
    %swap3A_234 = arith.index_cast %swap3A_233 : i32 to index
    %swap3A_235 = arith.constant 16 : index
    %swap3A_236 = tpu.vector_load %arg9[%swap3A_234, %swap3A_235] {strides = array<i32>} : memref<32x128xf32, #tpu.memory_space<vmem>>, vector<1x16xf32>,
    %swap3A_237 = vector.shape_cast %swap3A_236 : vector<1x16xf32> to vector<16xf32>
    %swap3A_238 = vector.shape_cast %broadcast_in_dim3A_1 : vector<16xf32> to vector<1x16xf32>
    tpu.vector_store %arg9[%swap3A_234, %swap3A_235], %swap3A_238 {strides = array<i32>} : memref<32x128xf32, #tpu.memory_space<vmem>>, vector<1x16xf32>,
    %swap3A_239 = arith.constant 4 : i32
    %swap3A_240 = arith.index_cast %swap3A_239 : i32 to index
    %swap3A_241 = arith.constant 32 : index
    %swap3A_242 = tpu.vector_load %arg9[%swap3A_240, %swap3A_241] {strides = array<i32>} : memref<32x128xf32, #tpu.memory_space<vmem>>, vector<1x16xf32>,
    %swap3A_243 = vector.shape_cast %swap3A_242 : vector<1x16xf32> to vector<16xf32>
    %swap3A_244 = vector.shape_cast %broadcast_in_dim3A_1 : vector<16xf32> to vector<1x16xf32>
    tpu.vector_store %arg9[%swap3A_240, %swap3A_241], %swap3A_244 {strides = array<i32>} : memref<32x128xf32, #tpu.memory_space<vmem>>, vector<1x16xf32>,
    %swap3A_245 = arith.constant 4 : i32
    %swap3A_246 = arith.index_cast %swap3A_245 : i32 to index
    %swap3A_247 = arith.constant 48 : index
    %swap3A_248 = tpu.vector_load %arg9[%swap3A_246, %swap3A_247] {strides = array<i32>} : memref<32x128xf32, #tpu.memory_space<vmem>>, vector<1x16xf32>,
    %swap3A_249 = vector.shape_cast %swap3A_248 : vector<1x16xf32> to vector<16xf32>
    %swap3A_250 = vector.shape_cast %broadcast_in_dim3A_1 : vector<16xf32> to vector<1x16xf32>
    tpu.vector_store %arg9[%swap3A_246, %swap3A_247], %swap3A_250 {strides = array<i32>} : memref<32x128xf32, #tpu.memory_space<vmem>>, vector<1x16xf32>,
    %swap3A_251 = arith.constant 4 : i32
    %swap3A_252 = arith.index_cast %swap3A_251 : i32 to index
    %swap3A_253 = arith.constant 64 : index
    %swap3A_254 = tpu.vector_load %arg9[%swap3A_252, %swap3A_253] {strides = array<i32>} : memref<32x128xf32, #tpu.memory_space<vmem>>, vector<1x16xf32>,
    %swap3A_255 = vector.shape_cast %swap3A_254 : vector<1x16xf32> to vector<16xf32>
    %swap3A_256 = vector.shape_cast %broadcast_in_dim3A_1 : vector<16xf32> to vector<1x16xf32>
    tpu.vector_store %arg9[%swap3A_252, %swap3A_253], %swap3A_256 {strides = array<i32>} : memref<32x128xf32, #tpu.memory_space<vmem>>, vector<1x16xf32>,
    %swap3A_257 = arith.constant 4 : i32
    %swap3A_258 = arith.index_cast %swap3A_257 : i32 to index
    %swap3A_259 = arith.constant 80 : index
    %swap3A_260 = tpu.vector_load %arg9[%swap3A_258, %swap3A_259] {strides = array<i32>} : memref<32x128xf32, #tpu.memory_space<vmem>>, vector<1x16xf32>,
    %swap3A_261 = vector.shape_cast %swap3A_260 : vector<1x16xf32> to vector<16xf32>
    %swap3A_262 = vector.shape_cast %broadcast_in_dim3A_1 : vector<16xf32> to vector<1x16xf32>
    tpu.vector_store %arg9[%swap3A_258, %swap3A_259], %swap3A_262 {strides = array<i32>} : memref<32x128xf32, #tpu.memory_space<vmem>>, vector<1x16xf32>,
    %swap3A_263 = arith.constant 4 : i32
    %swap3A_264 = arith.index_cast %swap3A_263 : i32 to index
    %swap3A_265 = arith.constant 96 : index
    %swap3A_266 = tpu.vector_load %arg9[%swap3A_264, %swap3A_265] {strides = array<i32>} : memref<32x128xf32, #tpu.memory_space<vmem>>, vector<1x16xf32>,
    %swap3A_267 = vector.shape_cast %swap3A_266 : vector<1x16xf32> to vector<16xf32>
    %swap3A_268 = vector.shape_cast %broadcast_in_dim3A_1 : vector<16xf32> to vector<1x16xf32>
    tpu.vector_store %arg9[%swap3A_264, %swap3A_265], %swap3A_268 {strides = array<i32>} : memref<32x128xf32, #tpu.memory_space<vmem>>, vector<1x16xf32>,
    %swap3A_269 = arith.constant 4 : i32
    %swap3A_270 = arith.index_cast %swap3A_269 : i32 to index
    %swap3A_271 = arith.constant 112 : index
    %swap3A_272 = tpu.vector_load %arg9[%swap3A_270, %swap3A_271] {strides = array<i32>} : memref<32x128xf32, #tpu.memory_space<vmem>>, vector<1x16xf32>,
    %swap3A_273 = vector.shape_cast %swap3A_272 : vector<1x16xf32> to vector<16xf32>
    %swap3A_274 = vector.shape_cast %broadcast_in_dim3A_1 : vector<16xf32> to vector<1x16xf32>
    tpu.vector_store %arg9[%swap3A_270, %swap3A_271], %swap3A_274 {strides = array<i32>} : memref<32x128xf32, #tpu.memory_space<vmem>>, vector<1x16xf32>,
    %swap3A_275 = arith.constant 5 : i32
    %swap3A_276 = arith.index_cast %swap3A_275 : i32 to index
    %swap3A_277 = arith.constant 0 : index
    %swap3A_278 = tpu.vector_load %arg9[%swap3A_276, %swap3A_277] {strides = array<i32>} : memref<32x128xf32, #tpu.memory_space<vmem>>, vector<1x16xf32>,
    %swap3A_279 = vector.shape_cast %swap3A_278 : vector<1x16xf32> to vector<16xf32>
    %swap3A_280 = vector.shape_cast %broadcast_in_dim3A_1 : vector<16xf32> to vector<1x16xf32>
    tpu.vector_store %arg9[%swap3A_276, %swap3A_277], %swap3A_280 {strides = array<i32>} : memref<32x128xf32, #tpu.memory_space<vmem>>, vector<1x16xf32>,
    %swap3A_281 = arith.constant 5 : i32
    %swap3A_282 = arith.index_cast %swap3A_281 : i32 to index
    %swap3A_283 = arith.constant 16 : index
    %swap3A_284 = tpu.vector_load %arg9[%swap3A_282, %swap3A_283] {strides = array<i32>} : memref<32x128xf32, #tpu.memory_space<vmem>>, vector<1x16xf32>,
    %swap3A_285 = vector.shape_cast %swap3A_284 : vector<1x16xf32> to vector<16xf32>
    %swap3A_286 = vector.shape_cast %broadcast_in_dim3A_1 : vector<16xf32> to vector<1x16xf32>
    tpu.vector_store %arg9[%swap3A_282, %swap3A_283], %swap3A_286 {strides = array<i32>} : memref<32x128xf32, #tpu.memory_space<vmem>>, vector<1x16xf32>,
    %swap3A_287 = arith.constant 5 : i32
    %swap3A_288 = arith.index_cast %swap3A_287 : i32 to index
    %swap3A_289 = arith.constant 32 : index
    %swap3A_290 = tpu.vector_load %arg9[%swap3A_288, %swap3A_289] {strides = array<i32>} : memref<32x128xf32, #tpu.memory_space<vmem>>, vector<1x16xf32>,
    %swap3A_291 = vector.shape_cast %swap3A_290 : vector<1x16xf32> to vector<16xf32>
    %swap3A_292 = vector.shape_cast %broadcast_in_dim3A_1 : vector<16xf32> to vector<1x16xf32>
    tpu.vector_store %arg9[%swap3A_288, %swap3A_289], %swap3A_292 {strides = array<i32>} : memref<32x128xf32, #tpu.memory_space<vmem>>, vector<1x16xf32>,
    %swap3A_293 = arith.constant 5 : i32
    %swap3A_294 = arith.index_cast %swap3A_293 : i32 to index
    %swap3A_295 = arith.constant 48 : index
    %swap3A_296 = tpu.vector_load %arg9[%swap3A_294, %swap3A_295] {strides = array<i32>} : memref<32x128xf32, #tpu.memory_space<vmem>>, vector<1x16xf32>,
    %swap3A_297 = vector.shape_cast %swap3A_296 : vector<1x16xf32> to vector<16xf32>
    %swap3A_298 = vector.shape_cast %broadcast_in_dim3A_1 : vector<16xf32> to vector<1x16xf32>
    tpu.vector_store %arg9[%swap3A_294, %swap3A_295], %swap3A_298 {strides = array<i32>} : memref<32x128xf32, #tpu.memory_space<vmem>>, vector<1x16xf32>,
    %swap3A_299 = arith.constant 5 : i32
    %swap3A_300 = arith.index_cast %swap3A_299 : i32 to index
    %swap3A_301 = arith.constant 64 : index
    %swap3A_302 = tpu.vector_load %arg9[%swap3A_300, %swap3A_301] {strides = array<i32>} : memref<32x128xf32, #tpu.memory_space<vmem>>, vector<1x16xf32>,
    %swap3A_303 = vector.shape_cast %swap3A_302 : vector<1x16xf32> to vector<16xf32>
    %swap3A_304 = vector.shape_cast %broadcast_in_dim3A_1 : vector<16xf32> to vector<1x16xf32>
    tpu.vector_store %arg9[%swap3A_300, %swap3A_301], %swap3A_304 {strides = array<i32>} : memref<32x128xf32, #tpu.memory_space<vmem>>, vector<1x16xf32>,
    %swap3A_305 = arith.constant 5 : i32
    %swap3A_306 = arith.index_cast %swap3A_305 : i32 to index
    %swap3A_307 = arith.constant 80 : index
    %swap3A_308 = tpu.vector_load %arg9[%swap3A_306, %swap3A_307] {strides = array<i32>} : memref<32x128xf32, #tpu.memory_space<vmem>>, vector<1x16xf32>,
    %swap3A_309 = vector.shape_cast %swap3A_308 : vector<1x16xf32> to vector<16xf32>
    %swap3A_310 = vector.shape_cast %broadcast_in_dim3A_1 : vector<16xf32> to vector<1x16xf32>
    tpu.vector_store %arg9[%swap3A_306, %swap3A_307], %swap3A_310 {strides = array<i32>} : memref<32x128xf32, #tpu.memory_space<vmem>>, vector<1x16xf32>,
    %swap3A_311 = arith.constant 5 : i32
    %swap3A_312 = arith.index_cast %swap3A_311 : i32 to index
    %swap3A_313 = arith.constant 96 : index
    %swap3A_314 = tpu.vector_load %arg9[%swap3A_312, %swap3A_313] {strides = array<i32>} : memref<32x128xf32, #tpu.memory_space<vmem>>, vector<1x16xf32>,
    %swap3A_315 = vector.shape_cast %swap3A_314 : vector<1x16xf32> to vector<16xf32>
    %swap3A_316 = vector.shape_cast %broadcast_in_dim3A_1 : vector<16xf32> to vector<1x16xf32>
    tpu.vector_store %arg9[%swap3A_312, %swap3A_313], %swap3A_316 {strides = array<i32>} : memref<32x128xf32, #tpu.memory_space<vmem>>, vector<1x16xf32>,
    %swap3A_317 = arith.constant 5 : i32
    %swap3A_318 = arith.index_cast %swap3A_317 : i32 to index
    %swap3A_319 = arith.constant 112 : index
    %swap3A_320 = tpu.vector_load %arg9[%swap3A_318, %swap3A_319] {strides = array<i32>} : memref<32x128xf32, #tpu.memory_space<vmem>>, vector<1x16xf32>,
    %swap3A_321 = vector.shape_cast %swap3A_320 : vector<1x16xf32> to vector<16xf32>
    %swap3A_322 = vector.shape_cast %broadcast_in_dim3A_1 : vector<16xf32> to vector<1x16xf32>
    tpu.vector_store %arg9[%swap3A_318, %swap3A_319], %swap3A_322 {strides = array<i32>} : memref<32x128xf32, #tpu.memory_space<vmem>>, vector<1x16xf32>,
    %swap3A_323 = arith.constant 6 : i32
    %swap3A_324 = arith.index_cast %swap3A_323 : i32 to index
    %swap3A_325 = arith.constant 0 : index
    %swap3A_326 = tpu.vector_load %arg9[%swap3A_324, %swap3A_325] {strides = array<i32>} : memref<32x128xf32, #tpu.memory_space<vmem>>, vector<1x16xf32>,
    %swap3A_327 = vector.shape_cast %swap3A_326 : vector<1x16xf32> to vector<16xf32>
    %swap3A_328 = vector.shape_cast %broadcast_in_dim3A_1 : vector<16xf32> to vector<1x16xf32>
    tpu.vector_store %arg9[%swap3A_324, %swap3A_325], %swap3A_328 {strides = array<i32>} : memref<32x128xf32, #tpu.memory_space<vmem>>, vector<1x16xf32>,
    %swap3A_329 = arith.constant 6 : i32
    %swap3A_330 = arith.index_cast %swap3A_329 : i32 to index
    %swap3A_331 = arith.constant 16 : index
    %swap3A_332 = tpu.vector_load %arg9[%swap3A_330, %swap3A_331] {strides = array<i32>} : memref<32x128xf32, #tpu.memory_space<vmem>>, vector<1x16xf32>,
    %swap3A_333 = vector.shape_cast %swap3A_332 : vector<1x16xf32> to vector<16xf32>
    %swap3A_334 = vector.shape_cast %broadcast_in_dim3A_1 : vector<16xf32> to vector<1x16xf32>
    tpu.vector_store %arg9[%swap3A_330, %swap3A_331], %swap3A_334 {strides = array<i32>} : memref<32x128xf32, #tpu.memory_space<vmem>>, vector<1x16xf32>,
    %swap3A_335 = arith.constant 6 : i32
    %swap3A_336 = arith.index_cast %swap3A_335 : i32 to index
    %swap3A_337 = arith.constant 32 : index
    %swap3A_338 = tpu.vector_load %arg9[%swap3A_336, %swap3A_337] {strides = array<i32>} : memref<32x128xf32, #tpu.memory_space<vmem>>, vector<1x16xf32>,
    %swap3A_339 = vector.shape_cast %swap3A_338 : vector<1x16xf32> to vector<16xf32>
    %swap3A_340 = vector.shape_cast %broadcast_in_dim3A_1 : vector<16xf32> to vector<1x16xf32>
    tpu.vector_store %arg9[%swap3A_336, %swap3A_337], %swap3A_340 {strides = array<i32>} : memref<32x128xf32, #tpu.memory_space<vmem>>, vector<1x16xf32>,
    %swap3A_341 = arith.constant 6 : i32
    %swap3A_342 = arith.index_cast %swap3A_341 : i32 to index
    %swap3A_343 = arith.constant 48 : index
    %swap3A_344 = tpu.vector_load %arg9[%swap3A_342, %swap3A_343] {strides = array<i32>} : memref<32x128xf32, #tpu.memory_space<vmem>>, vector<1x16xf32>,
    %swap3A_345 = vector.shape_cast %swap3A_344 : vector<1x16xf32> to vector<16xf32>
    %swap3A_346 = vector.shape_cast %broadcast_in_dim3A_1 : vector<16xf32> to vector<1x16xf32>
    tpu.vector_store %arg9[%swap3A_342, %swap3A_343], %swap3A_346 {strides = array<i32>} : memref<32x128xf32, #tpu.memory_space<vmem>>, vector<1x16xf32>,
    %swap3A_347 = arith.constant 6 : i32
    %swap3A_348 = arith.index_cast %swap3A_347 : i32 to index
    %swap3A_349 = arith.constant 64 : index
    %swap3A_350 = tpu.vector_load %arg9[%swap3A_348, %swap3A_349] {strides = array<i32>} : memref<32x128xf32, #tpu.memory_space<vmem>>, vector<1x16xf32>,
    %swap3A_351 = vector.shape_cast %swap3A_350 : vector<1x16xf32> to vector<16xf32>
    %swap3A_352 = vector.shape_cast %broadcast_in_dim3A_1 : vector<16xf32> to vector<1x16xf32>
    tpu.vector_store %arg9[%swap3A_348, %swap3A_349], %swap3A_352 {strides = array<i32>} : memref<32x128xf32, #tpu.memory_space<vmem>>, vector<1x16xf32>,
    %swap3A_353 = arith.constant 6 : i32
    %swap3A_354 = arith.index_cast %swap3A_353 : i32 to index
    %swap3A_355 = arith.constant 80 : index
    %swap3A_356 = tpu.vector_load %arg9[%swap3A_354, %swap3A_355] {strides = array<i32>} : memref<32x128xf32, #tpu.memory_space<vmem>>, vector<1x16xf32>,
    %swap3A_357 = vector.shape_cast %swap3A_356 : vector<1x16xf32> to vector<16xf32>
    %swap3A_358 = vector.shape_cast %broadcast_in_dim3A_1 : vector<16xf32> to vector<1x16xf32>
    tpu.vector_store %arg9[%swap3A_354, %swap3A_355], %swap3A_358 {strides = array<i32>} : memref<32x128xf32, #tpu.memory_space<vmem>>, vector<1x16xf32>,
    %swap3A_359 = arith.constant 6 : i32
    %swap3A_360 = arith.index_cast %swap3A_359 : i32 to index
    %swap3A_361 = arith.constant 96 : index
    %swap3A_362 = tpu.vector_load %arg9[%swap3A_360, %swap3A_361] {strides = array<i32>} : memref<32x128xf32, #tpu.memory_space<vmem>>, vector<1x16xf32>,
    %swap3A_363 = vector.shape_cast %swap3A_362 : vector<1x16xf32> to vector<16xf32>
    %swap3A_364 = vector.shape_cast %broadcast_in_dim3A_1 : vector<16xf32> to vector<1x16xf32>
    tpu.vector_store %arg9[%swap3A_360, %swap3A_361], %swap3A_364 {strides = array<i32>} : memref<32x128xf32, #tpu.memory_space<vmem>>, vector<1x16xf32>,
    %swap3A_365 = arith.constant 6 : i32
    %swap3A_366 = arith.index_cast %swap3A_365 : i32 to index
    %swap3A_367 = arith.constant 112 : index
    %swap3A_368 = tpu.vector_load %arg9[%swap3A_366, %swap3A_367] {strides = array<i32>} : memref<32x128xf32, #tpu.memory_space<vmem>>, vector<1x16xf32>,
    %swap3A_369 = vector.shape_cast %swap3A_368 : vector<1x16xf32> to vector<16xf32>
    %swap3A_370 = vector.shape_cast %broadcast_in_dim3A_1 : vector<16xf32> to vector<1x16xf32>
    tpu.vector_store %arg9[%swap3A_366, %swap3A_367], %swap3A_370 {strides = array<i32>} : memref<32x128xf32, #tpu.memory_space<vmem>>, vector<1x16xf32>,
    %swap3A_371 = arith.constant 7 : i32
    %swap3A_372 = arith.index_cast %swap3A_371 : i32 to index
    %swap3A_373 = arith.constant 0 : index
    %swap3A_374 = tpu.vector_load %arg9[%swap3A_372, %swap3A_373] {strides = array<i32>} : memref<32x128xf32, #tpu.memory_space<vmem>>, vector<1x16xf32>,
    %swap3A_375 = vector.shape_cast %swap3A_374 : vector<1x16xf32> to vector<16xf32>
    %swap3A_376 = vector.shape_cast %broadcast_in_dim3A_1 : vector<16xf32> to vector<1x16xf32>
    tpu.vector_store %arg9[%swap3A_372, %swap3A_373], %swap3A_376 {strides = array<i32>} : memref<32x128xf32, #tpu.memory_space<vmem>>, vector<1x16xf32>,
    %swap3A_377 = arith.constant 7 : i32
    %swap3A_378 = arith.index_cast %swap3A_377 : i32 to index
    %swap3A_379 = arith.constant 16 : index
    %swap3A_380 = tpu.vector_load %arg9[%swap3A_378, %swap3A_379] {strides = array<i32>} : memref<32x128xf32, #tpu.memory_space<vmem>>, vector<1x16xf32>,
    %swap3A_381 = vector.shape_cast %swap3A_380 : vector<1x16xf32> to vector<16xf32>
    %swap3A_382 = vector.shape_cast %broadcast_in_dim3A_1 : vector<16xf32> to vector<1x16xf32>
    tpu.vector_store %arg9[%swap3A_378, %swap3A_379], %swap3A_382 {strides = array<i32>} : memref<32x128xf32, #tpu.memory_space<vmem>>, vector<1x16xf32>,
    %swap3A_383 = arith.constant 7 : i32
    %swap3A_384 = arith.index_cast %swap3A_383 : i32 to index
    %swap3A_385 = arith.constant 32 : index
    %swap3A_386 = tpu.vector_load %arg9[%swap3A_384, %swap3A_385] {strides = array<i32>} : memref<32x128xf32, #tpu.memory_space<vmem>>, vector<1x16xf32>,
    %swap3A_387 = vector.shape_cast %swap3A_386 : vector<1x16xf32> to vector<16xf32>
    %swap3A_388 = vector.shape_cast %broadcast_in_dim3A_1 : vector<16xf32> to vector<1x16xf32>
    tpu.vector_store %arg9[%swap3A_384, %swap3A_385], %swap3A_388 {strides = array<i32>} : memref<32x128xf32, #tpu.memory_space<vmem>>, vector<1x16xf32>,
    %swap3A_389 = arith.constant 7 : i32
    %swap3A_390 = arith.index_cast %swap3A_389 : i32 to index
    %swap3A_391 = arith.constant 48 : index
    %swap3A_392 = tpu.vector_load %arg9[%swap3A_390, %swap3A_391] {strides = array<i32>} : memref<32x128xf32, #tpu.memory_space<vmem>>, vector<1x16xf32>,
    %swap3A_393 = vector.shape_cast %swap3A_392 : vector<1x16xf32> to vector<16xf32>
    %swap3A_394 = vector.shape_cast %broadcast_in_dim3A_1 : vector<16xf32> to vector<1x16xf32>
    tpu.vector_store %arg9[%swap3A_390, %swap3A_391], %swap3A_394 {strides = array<i32>} : memref<32x128xf32, #tpu.memory_space<vmem>>, vector<1x16xf32>,
    %swap3A_395 = arith.constant 7 : i32
    %swap3A_396 = arith.index_cast %swap3A_395 : i32 to index
    %swap3A_397 = arith.constant 64 : index
    %swap3A_398 = tpu.vector_load %arg9[%swap3A_396, %swap3A_397] {strides = array<i32>} : memref<32x128xf32, #tpu.memory_space<vmem>>, vector<1x16xf32>,
    %swap3A_399 = vector.shape_cast %swap3A_398 : vector<1x16xf32> to vector<16xf32>
    %swap3A_400 = vector.shape_cast %broadcast_in_dim3A_1 : vector<16xf32> to vector<1x16xf32>
    tpu.vector_store %arg9[%swap3A_396, %swap3A_397], %swap3A_400 {strides = array<i32>} : memref<32x128xf32, #tpu.memory_space<vmem>>, vector<1x16xf32>,
    %swap3A_401 = arith.constant 7 : i32
    %swap3A_402 = arith.index_cast %swap3A_401 : i32 to index
    %swap3A_403 = arith.constant 80 : index
    %swap3A_404 = tpu.vector_load %arg9[%swap3A_402, %swap3A_403] {strides = array<i32>} : memref<32x128xf32, #tpu.memory_space<vmem>>, vector<1x16xf32>,
    %swap3A_405 = vector.shape_cast %swap3A_404 : vector<1x16xf32> to vector<16xf32>
    %swap3A_406 = vector.shape_cast %broadcast_in_dim3A_1 : vector<16xf32> to vector<1x16xf32>
    tpu.vector_store %arg9[%swap3A_402, %swap3A_403], %swap3A_406 {strides = array<i32>} : memref<32x128xf32, #tpu.memory_space<vmem>>, vector<1x16xf32>,
    %swap3A_407 = arith.constant 7 : i32
    %swap3A_408 = arith.index_cast %swap3A_407 : i32 to index
    %swap3A_409 = arith.constant 96 : index
    %swap3A_410 = tpu.vector_load %arg9[%swap3A_408, %swap3A_409] {strides = array<i32>} : memref<32x128xf32, #tpu.memory_space<vmem>>, vector<1x16xf32>,
    %swap3A_411 = vector.shape_cast %swap3A_410 : vector<1x16xf32> to vector<16xf32>
    %swap3A_412 = vector.shape_cast %broadcast_in_dim3A_1 : vector<16xf32> to vector<1x16xf32>
    tpu.vector_store %arg9[%swap3A_408, %swap3A_409], %swap3A_412 {strides = array<i32>} : memref<32x128xf32, #tpu.memory_space<vmem>>, vector<1x16xf32>,
    %swap3A_413 = arith.constant 7 : i32
    %swap3A_414 = arith.index_cast %swap3A_413 : i32 to index
    %swap3A_415 = arith.constant 112 : index
    %swap3A_416 = tpu.vector_load %arg9[%swap3A_414, %swap3A_415] {strides = array<i32>} : memref<32x128xf32, #tpu.memory_space<vmem>>, vector<1x16xf32>,
    %swap3A_417 = vector.shape_cast %swap3A_416 : vector<1x16xf32> to vector<16xf32>
    %swap3A_418 = vector.shape_cast %broadcast_in_dim3A_1 : vector<16xf32> to vector<1x16xf32>
    tpu.vector_store %arg9[%swap3A_414, %swap3A_415], %swap3A_418 {strides = array<i32>} : memref<32x128xf32, #tpu.memory_space<vmem>>, vector<1x16xf32>,
    %swap3A_419 = arith.constant 8 : i32
    %swap3A_420 = arith.index_cast %swap3A_419 : i32 to index
    %swap3A_421 = arith.constant 0 : index
    %swap3A_422 = tpu.vector_load %arg9[%swap3A_420, %swap3A_421] {strides = array<i32>} : memref<32x128xf32, #tpu.memory_space<vmem>>, vector<1x16xf32>,
    %swap3A_423 = vector.shape_cast %swap3A_422 : vector<1x16xf32> to vector<16xf32>
    %swap3A_424 = vector.shape_cast %broadcast_in_dim3A_1 : vector<16xf32> to vector<1x16xf32>
    tpu.vector_store %arg9[%swap3A_420, %swap3A_421], %swap3A_424 {strides = array<i32>} : memref<32x128xf32, #tpu.memory_space<vmem>>, vector<1x16xf32>,
    %swap3A_425 = arith.constant 8 : i32
    %swap3A_426 = arith.index_cast %swap3A_425 : i32 to index
    %swap3A_427 = arith.constant 16 : index
    %swap3A_428 = tpu.vector_load %arg9[%swap3A_426, %swap3A_427] {strides = array<i32>} : memref<32x128xf32, #tpu.memory_space<vmem>>, vector<1x16xf32>,
    %swap3A_429 = vector.shape_cast %swap3A_428 : vector<1x16xf32> to vector<16xf32>
    %swap3A_430 = vector.shape_cast %broadcast_in_dim3A_1 : vector<16xf32> to vector<1x16xf32>
    tpu.vector_store %arg9[%swap3A_426, %swap3A_427], %swap3A_430 {strides = array<i32>} : memref<32x128xf32, #tpu.memory_space<vmem>>, vector<1x16xf32>,
    %swap3A_431 = arith.constant 8 : i32
    %swap3A_432 = arith.index_cast %swap3A_431 : i32 to index
    %swap3A_433 = arith.constant 32 : index
    %swap3A_434 = tpu.vector_load %arg9[%swap3A_432, %swap3A_433] {strides = array<i32>} : memref<32x128xf32, #tpu.memory_space<vmem>>, vector<1x16xf32>,
    %swap3A_435 = vector.shape_cast %swap3A_434 : vector<1x16xf32> to vector<16xf32>
    %swap3A_436 = vector.shape_cast %broadcast_in_dim3A_1 : vector<16xf32> to vector<1x16xf32>
    tpu.vector_store %arg9[%swap3A_432, %swap3A_433], %swap3A_436 {strides = array<i32>} : memref<32x128xf32, #tpu.memory_space<vmem>>, vector<1x16xf32>,
    %swap3A_437 = arith.constant 8 : i32
    %swap3A_438 = arith.index_cast %swap3A_437 : i32 to index
    %swap3A_439 = arith.constant 48 : index
    %swap3A_440 = tpu.vector_load %arg9[%swap3A_438, %swap3A_439] {strides = array<i32>} : memref<32x128xf32, #tpu.memory_space<vmem>>, vector<1x16xf32>,
    %swap3A_441 = vector.shape_cast %swap3A_440 : vector<1x16xf32> to vector<16xf32>
    %swap3A_442 = vector.shape_cast %broadcast_in_dim3A_1 : vector<16xf32> to vector<1x16xf32>
    tpu.vector_store %arg9[%swap3A_438, %swap3A_439], %swap3A_442 {strides = array<i32>} : memref<32x128xf32, #tpu.memory_space<vmem>>, vector<1x16xf32>,
    %swap3A_443 = arith.constant 8 : i32
    %swap3A_444 = arith.index_cast %swap3A_443 : i32 to index
    %swap3A_445 = arith.constant 64 : index
    %swap3A_446 = tpu.vector_load %arg9[%swap3A_444, %swap3A_445] {strides = array<i32>} : memref<32x128xf32, #tpu.memory_space<vmem>>, vector<1x16xf32>,
    %swap3A_447 = vector.shape_cast %swap3A_446 : vector<1x16xf32> to vector<16xf32>
    %swap3A_448 = vector.shape_cast %broadcast_in_dim3A_1 : vector<16xf32> to vector<1x16xf32>
    tpu.vector_store %arg9[%swap3A_444, %swap3A_445], %swap3A_448 {strides = array<i32>} : memref<32x128xf32, #tpu.memory_space<vmem>>, vector<1x16xf32>,
    %swap3A_449 = arith.constant 8 : i32
    %swap3A_450 = arith.index_cast %swap3A_449 : i32 to index
    %swap3A_451 = arith.constant 80 : index
    %swap3A_452 = tpu.vector_load %arg9[%swap3A_450, %swap3A_451] {strides = array<i32>} : memref<32x128xf32, #tpu.memory_space<vmem>>, vector<1x16xf32>,
    %swap3A_453 = vector.shape_cast %swap3A_452 : vector<1x16xf32> to vector<16xf32>
    %swap3A_454 = vector.shape_cast %broadcast_in_dim3A_1 : vector<16xf32> to vector<1x16xf32>
    tpu.vector_store %arg9[%swap3A_450, %swap3A_451], %swap3A_454 {strides = array<i32>} : memref<32x128xf32, #tpu.memory_space<vmem>>, vector<1x16xf32>,
    %swap3A_455 = arith.constant 8 : i32
    %swap3A_456 = arith.index_cast %swap3A_455 : i32 to index
    %swap3A_457 = arith.constant 96 : index
    %swap3A_458 = tpu.vector_load %arg9[%swap3A_456, %swap3A_457] {strides = array<i32>} : memref<32x128xf32, #tpu.memory_space<vmem>>, vector<1x16xf32>,
    %swap3A_459 = vector.shape_cast %swap3A_458 : vector<1x16xf32> to vector<16xf32>
    %swap3A_460 = vector.shape_cast %broadcast_in_dim3A_1 : vector<16xf32> to vector<1x16xf32>
    tpu.vector_store %arg9[%swap3A_456, %swap3A_457], %swap3A_460 {strides = array<i32>} : memref<32x128xf32, #tpu.memory_space<vmem>>, vector<1x16xf32>,
    %swap3A_461 = arith.constant 8 : i32
    %swap3A_462 = arith.index_cast %swap3A_461 : i32 to index
    %swap3A_463 = arith.constant 112 : index
    %swap3A_464 = tpu.vector_load %arg9[%swap3A_462, %swap3A_463] {strides = array<i32>} : memref<32x128xf32, #tpu.memory_space<vmem>>, vector<1x16xf32>,
    %swap3A_465 = vector.shape_cast %swap3A_464 : vector<1x16xf32> to vector<16xf32>
    %swap3A_466 = vector.shape_cast %broadcast_in_dim3A_1 : vector<16xf32> to vector<1x16xf32>
    tpu.vector_store %arg9[%swap3A_462, %swap3A_463], %swap3A_466 {strides = array<i32>} : memref<32x128xf32, #tpu.memory_space<vmem>>, vector<1x16xf32>,
    %swap3A_467 = arith.constant 9 : i32
    %swap3A_468 = arith.index_cast %swap3A_467 : i32 to index
    %swap3A_469 = arith.constant 0 : index
    %swap3A_470 = tpu.vector_load %arg9[%swap3A_468, %swap3A_469] {strides = array<i32>} : memref<32x128xf32, #tpu.memory_space<vmem>>, vector<1x16xf32>,
    %swap3A_471 = vector.shape_cast %swap3A_470 : vector<1x16xf32> to vector<16xf32>
    %swap3A_472 = vector.shape_cast %broadcast_in_dim3A_1 : vector<16xf32> to vector<1x16xf32>
    tpu.vector_store %arg9[%swap3A_468, %swap3A_469], %swap3A_472 {strides = array<i32>} : memref<32x128xf32, #tpu.memory_space<vmem>>, vector<1x16xf32>,
    %swap3A_473 = arith.constant 9 : i32
    %swap3A_474 = arith.index_cast %swap3A_473 : i32 to index
    %swap3A_475 = arith.constant 16 : index
    %swap3A_476 = tpu.vector_load %arg9[%swap3A_474, %swap3A_475] {strides = array<i32>} : memref<32x128xf32, #tpu.memory_space<vmem>>, vector<1x16xf32>,
    %swap3A_477 = vector.shape_cast %swap3A_476 : vector<1x16xf32> to vector<16xf32>
    %swap3A_478 = vector.shape_cast %broadcast_in_dim3A_1 : vector<16xf32> to vector<1x16xf32>
    tpu.vector_store %arg9[%swap3A_474, %swap3A_475], %swap3A_478 {strides = array<i32>} : memref<32x128xf32, #tpu.memory_space<vmem>>, vector<1x16xf32>,
    %swap3A_479 = arith.constant 9 : i32
    %swap3A_480 = arith.index_cast %swap3A_479 : i32 to index
    %swap3A_481 = arith.constant 32 : index
    %swap3A_482 = tpu.vector_load %arg9[%swap3A_480, %swap3A_481] {strides = array<i32>} : memref<32x128xf32, #tpu.memory_space<vmem>>, vector<1x16xf32>,
    %swap3A_483 = vector.shape_cast %swap3A_482 : vector<1x16xf32> to vector<16xf32>
    %swap3A_484 = vector.shape_cast %broadcast_in_dim3A_1 : vector<16xf32> to vector<1x16xf32>
    tpu.vector_store %arg9[%swap3A_480, %swap3A_481], %swap3A_484 {strides = array<i32>} : memref<32x128xf32, #tpu.memory_space<vmem>>, vector<1x16xf32>,
    %swap3A_485 = arith.constant 9 : i32
    %swap3A_486 = arith.index_cast %swap3A_485 : i32 to index
    %swap3A_487 = arith.constant 48 : index
    %swap3A_488 = tpu.vector_load %arg9[%swap3A_486, %swap3A_487] {strides = array<i32>} : memref<32x128xf32, #tpu.memory_space<vmem>>, vector<1x16xf32>,
    %swap3A_489 = vector.shape_cast %swap3A_488 : vector<1x16xf32> to vector<16xf32>
    %swap3A_490 = vector.shape_cast %broadcast_in_dim3A_1 : vector<16xf32> to vector<1x16xf32>
    tpu.vector_store %arg9[%swap3A_486, %swap3A_487], %swap3A_490 {strides = array<i32>} : memref<32x128xf32, #tpu.memory_space<vmem>>, vector<1x16xf32>,
    %swap3A_491 = arith.constant 9 : i32
    %swap3A_492 = arith.index_cast %swap3A_491 : i32 to index
    %swap3A_493 = arith.constant 64 : index
    %swap3A_494 = tpu.vector_load %arg9[%swap3A_492, %swap3A_493] {strides = array<i32>} : memref<32x128xf32, #tpu.memory_space<vmem>>, vector<1x16xf32>,
    %swap3A_495 = vector.shape_cast %swap3A_494 : vector<1x16xf32> to vector<16xf32>
    %swap3A_496 = vector.shape_cast %broadcast_in_dim3A_1 : vector<16xf32> to vector<1x16xf32>
    tpu.vector_store %arg9[%swap3A_492, %swap3A_493], %swap3A_496 {strides = array<i32>} : memref<32x128xf32, #tpu.memory_space<vmem>>, vector<1x16xf32>,
    %swap3A_497 = arith.constant 9 : i32
    %swap3A_498 = arith.index_cast %swap3A_497 : i32 to index
    %swap3A_499 = arith.constant 80 : index
    %swap3A_500 = tpu.vector_load %arg9[%swap3A_498, %swap3A_499] {strides = array<i32>} : memref<32x128xf32, #tpu.memory_space<vmem>>, vector<1x16xf32>,
    %swap3A_501 = vector.shape_cast %swap3A_500 : vector<1x16xf32> to vector<16xf32>
    %swap3A_502 = vector.shape_cast %broadcast_in_dim3A_1 : vector<16xf32> to vector<1x16xf32>
    tpu.vector_store %arg9[%swap3A_498, %swap3A_499], %swap3A_502 {strides = array<i32>} : memref<32x128xf32, #tpu.memory_space<vmem>>, vector<1x16xf32>,
    %swap3A_503 = arith.constant 9 : i32
    %swap3A_504 = arith.index_cast %swap3A_503 : i32 to index
    %swap3A_505 = arith.constant 96 : index
    %swap3A_506 = tpu.vector_load %arg9[%swap3A_504, %swap3A_505] {strides = array<i32>} : memref<32x128xf32, #tpu.memory_space<vmem>>, vector<1x16xf32>,
    %swap3A_507 = vector.shape_cast %swap3A_506 : vector<1x16xf32> to vector<16xf32>
    %swap3A_508 = vector.shape_cast %broadcast_in_dim3A_1 : vector<16xf32> to vector<1x16xf32>
    tpu.vector_store %arg9[%swap3A_504, %swap3A_505], %swap3A_508 {strides = array<i32>} : memref<32x128xf32, #tpu.memory_space<vmem>>, vector<1x16xf32>,
    %swap3A_509 = arith.constant 9 : i32
    %swap3A_510 = arith.index_cast %swap3A_509 : i32 to index
    %swap3A_511 = arith.constant 112 : index
    %swap3A_512 = tpu.vector_load %arg9[%swap3A_510, %swap3A_511] {strides = array<i32>} : memref<32x128xf32, #tpu.memory_space<vmem>>, vector<1x16xf32>,
    %swap3A_513 = vector.shape_cast %swap3A_512 : vector<1x16xf32> to vector<16xf32>
    %swap3A_514 = vector.shape_cast %broadcast_in_dim3A_1 : vector<16xf32> to vector<1x16xf32>
    tpu.vector_store %arg9[%swap3A_510, %swap3A_511], %swap3A_514 {strides = array<i32>} : memref<32x128xf32, #tpu.memory_space<vmem>>, vector<1x16xf32>,
    %swap3A_515 = arith.constant 10 : i32
    %swap3A_516 = arith.index_cast %swap3A_515 : i32 to index
    %swap3A_517 = arith.constant 0 : index
    %swap3A_518 = tpu.vector_load %arg9[%swap3A_516, %swap3A_517] {strides = array<i32>} : memref<32x128xf32, #tpu.memory_space<vmem>>, vector<1x16xf32>,
    %swap3A_519 = vector.shape_cast %swap3A_518 : vector<1x16xf32> to vector<16xf32>
    %swap3A_520 = vector.shape_cast %broadcast_in_dim3A_1 : vector<16xf32> to vector<1x16xf32>
    tpu.vector_store %arg9[%swap3A_516, %swap3A_517], %swap3A_520 {strides = array<i32>} : memref<32x128xf32, #tpu.memory_space<vmem>>, vector<1x16xf32>,
    %swap3A_521 = arith.constant 10 : i32
    %swap3A_522 = arith.index_cast %swap3A_521 : i32 to index
    %swap3A_523 = arith.constant 16 : index
    %swap3A_524 = tpu.vector_load %arg9[%swap3A_522, %swap3A_523] {strides = array<i32>} : memref<32x128xf32, #tpu.memory_space<vmem>>, vector<1x16xf32>,
    %swap3A_525 = vector.shape_cast %swap3A_524 : vector<1x16xf32> to vector<16xf32>
    %swap3A_526 = vector.shape_cast %broadcast_in_dim3A_1 : vector<16xf32> to vector<1x16xf32>
    tpu.vector_store %arg9[%swap3A_522, %swap3A_523], %swap3A_526 {strides = array<i32>} : memref<32x128xf32, #tpu.memory_space<vmem>>, vector<1x16xf32>,
    %swap3A_527 = arith.constant 10 : i32
    %swap3A_528 = arith.index_cast %swap3A_527 : i32 to index
    %swap3A_529 = arith.constant 32 : index
    %swap3A_530 = tpu.vector_load %arg9[%swap3A_528, %swap3A_529] {strides = array<i32>} : memref<32x128xf32, #tpu.memory_space<vmem>>, vector<1x16xf32>,
    %swap3A_531 = vector.shape_cast %swap3A_530 : vector<1x16xf32> to vector<16xf32>
    %swap3A_532 = vector.shape_cast %broadcast_in_dim3A_1 : vector<16xf32> to vector<1x16xf32>
    tpu.vector_store %arg9[%swap3A_528, %swap3A_529], %swap3A_532 {strides = array<i32>} : memref<32x128xf32, #tpu.memory_space<vmem>>, vector<1x16xf32>,
    %swap3A_533 = arith.constant 10 : i32
    %swap3A_534 = arith.index_cast %swap3A_533 : i32 to index
    %swap3A_535 = arith.constant 48 : index
    %swap3A_536 = tpu.vector_load %arg9[%swap3A_534, %swap3A_535] {strides = array<i32>} : memref<32x128xf32, #tpu.memory_space<vmem>>, vector<1x16xf32>,
    %swap3A_537 = vector.shape_cast %swap3A_536 : vector<1x16xf32> to vector<16xf32>
    %swap3A_538 = vector.shape_cast %broadcast_in_dim3A_1 : vector<16xf32> to vector<1x16xf32>
    tpu.vector_store %arg9[%swap3A_534, %swap3A_535], %swap3A_538 {strides = array<i32>} : memref<32x128xf32, #tpu.memory_space<vmem>>, vector<1x16xf32>,
    %swap3A_539 = arith.constant 10 : i32
    %swap3A_540 = arith.index_cast %swap3A_539 : i32 to index
    %swap3A_541 = arith.constant 64 : index
    %swap3A_542 = tpu.vector_load %arg9[%swap3A_540, %swap3A_541] {strides = array<i32>} : memref<32x128xf32, #tpu.memory_space<vmem>>, vector<1x16xf32>,
    %swap3A_543 = vector.shape_cast %swap3A_542 : vector<1x16xf32> to vector<16xf32>
    %swap3A_544 = vector.shape_cast %broadcast_in_dim3A_1 : vector<16xf32> to vector<1x16xf32>
    tpu.vector_store %arg9[%swap3A_540, %swap3A_541], %swap3A_544 {strides = array<i32>} : memref<32x128xf32, #tpu.memory_space<vmem>>, vector<1x16xf32>,
    %swap3A_545 = arith.constant 10 : i32
    %swap3A_546 = arith.index_cast %swap3A_545 : i32 to index
    %swap3A_547 = arith.constant 80 : index
    %swap3A_548 = tpu.vector_load %arg9[%swap3A_546, %swap3A_547] {strides = array<i32>} : memref<32x128xf32, #tpu.memory_space<vmem>>, vector<1x16xf32>,
    %swap3A_549 = vector.shape_cast %swap3A_548 : vector<1x16xf32> to vector<16xf32>
    %swap3A_550 = vector.shape_cast %broadcast_in_dim3A_1 : vector<16xf32> to vector<1x16xf32>
    tpu.vector_store %arg9[%swap3A_546, %swap3A_547], %swap3A_550 {strides = array<i32>} : memref<32x128xf32, #tpu.memory_space<vmem>>, vector<1x16xf32>,
    %swap3A_551 = arith.constant 10 : i32
    %swap3A_552 = arith.index_cast %swap3A_551 : i32 to index
    %swap3A_553 = arith.constant 96 : index
    %swap3A_554 = tpu.vector_load %arg9[%swap3A_552, %swap3A_553] {strides = array<i32>} : memref<32x128xf32, #tpu.memory_space<vmem>>, vector<1x16xf32>,
    %swap3A_555 = vector.shape_cast %swap3A_554 : vector<1x16xf32> to vector<16xf32>
    %swap3A_556 = vector.shape_cast %broadcast_in_dim3A_1 : vector<16xf32> to vector<1x16xf32>
    tpu.vector_store %arg9[%swap3A_552, %swap3A_553], %swap3A_556 {strides = array<i32>} : memref<32x128xf32, #tpu.memory_space<vmem>>, vector<1x16xf32>,
    %swap3A_557 = arith.constant 10 : i32
    %swap3A_558 = arith.index_cast %swap3A_557 : i32 to index
    %swap3A_559 = arith.constant 112 : index
    %swap3A_560 = tpu.vector_load %arg9[%swap3A_558, %swap3A_559] {strides = array<i32>} : memref<32x128xf32, #tpu.memory_space<vmem>>, vector<1x16xf32>,
    %swap3A_561 = vector.shape_cast %swap3A_560 : vector<1x16xf32> to vector<16xf32>
    %swap3A_562 = vector.shape_cast %broadcast_in_dim3A_1 : vector<16xf32> to vector<1x16xf32>
    tpu.vector_store %arg9[%swap3A_558, %swap3A_559], %swap3A_562 {strides = array<i32>} : memref<32x128xf32, #tpu.memory_space<vmem>>, vector<1x16xf32>,
    %swap3A_563 = arith.constant 11 : i32
    %swap3A_564 = arith.index_cast %swap3A_563 : i32 to index
    %swap3A_565 = arith.constant 0 : index
    %swap3A_566 = tpu.vector_load %arg9[%swap3A_564, %swap3A_565] {strides = array<i32>} : memref<32x128xf32, #tpu.memory_space<vmem>>, vector<1x16xf32>,
    %swap3A_567 = vector.shape_cast %swap3A_566 : vector<1x16xf32> to vector<16xf32>
    %swap3A_568 = vector.shape_cast %broadcast_in_dim3A_1 : vector<16xf32> to vector<1x16xf32>
    tpu.vector_store %arg9[%swap3A_564, %swap3A_565], %swap3A_568 {strides = array<i32>} : memref<32x128xf32, #tpu.memory_space<vmem>>, vector<1x16xf32>,
    %swap3A_569 = arith.constant 11 : i32
    %swap3A_570 = arith.index_cast %swap3A_569 : i32 to index
    %swap3A_571 = arith.constant 16 : index
    %swap3A_572 = tpu.vector_load %arg9[%swap3A_570, %swap3A_571] {strides = array<i32>} : memref<32x128xf32, #tpu.memory_space<vmem>>, vector<1x16xf32>,
    %swap3A_573 = vector.shape_cast %swap3A_572 : vector<1x16xf32> to vector<16xf32>
    %swap3A_574 = vector.shape_cast %broadcast_in_dim3A_1 : vector<16xf32> to vector<1x16xf32>
    tpu.vector_store %arg9[%swap3A_570, %swap3A_571], %swap3A_574 {strides = array<i32>} : memref<32x128xf32, #tpu.memory_space<vmem>>, vector<1x16xf32>,
    %swap3A_575 = arith.constant 11 : i32
    %swap3A_576 = arith.index_cast %swap3A_575 : i32 to index
    %swap3A_577 = arith.constant 32 : index
    %swap3A_578 = tpu.vector_load %arg9[%swap3A_576, %swap3A_577] {strides = array<i32>} : memref<32x128xf32, #tpu.memory_space<vmem>>, vector<1x16xf32>,
    %swap3A_579 = vector.shape_cast %swap3A_578 : vector<1x16xf32> to vector<16xf32>
    %swap3A_580 = vector.shape_cast %broadcast_in_dim3A_1 : vector<16xf32> to vector<1x16xf32>
    tpu.vector_store %arg9[%swap3A_576, %swap3A_577], %swap3A_580 {strides = array<i32>} : memref<32x128xf32, #tpu.memory_space<vmem>>, vector<1x16xf32>,
    %swap3A_581 = arith.constant 11 : i32
    %swap3A_582 = arith.index_cast %swap3A_581 : i32 to index
    %swap3A_583 = arith.constant 48 : index
    %swap3A_584 = tpu.vector_load %arg9[%swap3A_582, %swap3A_583] {strides = array<i32>} : memref<32x128xf32, #tpu.memory_space<vmem>>, vector<1x16xf32>,
    %swap3A_585 = vector.shape_cast %swap3A_584 : vector<1x16xf32> to vector<16xf32>
    %swap3A_586 = vector.shape_cast %broadcast_in_dim3A_1 : vector<16xf32> to vector<1x16xf32>
    tpu.vector_store %arg9[%swap3A_582, %swap3A_583], %swap3A_586 {strides = array<i32>} : memref<32x128xf32, #tpu.memory_space<vmem>>, vector<1x16xf32>,
    %swap3A_587 = arith.constant 11 : i32
    %swap3A_588 = arith.index_cast %swap3A_587 : i32 to index
    %swap3A_589 = arith.constant 64 : index
    %swap3A_590 = tpu.vector_load %arg9[%swap3A_588, %swap3A_589] {strides = array<i32>} : memref<32x128xf32, #tpu.memory_space<vmem>>, vector<1x16xf32>,
    %swap3A_591 = vector.shape_cast %swap3A_590 : vector<1x16xf32> to vector<16xf32>
    %swap3A_592 = vector.shape_cast %broadcast_in_dim3A_1 : vector<16xf32> to vector<1x16xf32>
    tpu.vector_store %arg9[%swap3A_588, %swap3A_589], %swap3A_592 {strides = array<i32>} : memref<32x128xf32, #tpu.memory_space<vmem>>, vector<1x16xf32>,
    %swap3A_593 = arith.constant 11 : i32
    %swap3A_594 = arith.index_cast %swap3A_593 : i32 to index
    %swap3A_595 = arith.constant 80 : index
    %swap3A_596 = tpu.vector_load %arg9[%swap3A_594, %swap3A_595] {strides = array<i32>} : memref<32x128xf32, #tpu.memory_space<vmem>>, vector<1x16xf32>,
    %swap3A_597 = vector.shape_cast %swap3A_596 : vector<1x16xf32> to vector<16xf32>
    %swap3A_598 = vector.shape_cast %broadcast_in_dim3A_1 : vector<16xf32> to vector<1x16xf32>
    tpu.vector_store %arg9[%swap3A_594, %swap3A_595], %swap3A_598 {strides = array<i32>} : memref<32x128xf32, #tpu.memory_space<vmem>>, vector<1x16xf32>,
    %swap3A_599 = arith.constant 11 : i32
    %swap3A_600 = arith.index_cast %swap3A_599 : i32 to index
    %swap3A_601 = arith.constant 96 : index
    %swap3A_602 = tpu.vector_load %arg9[%swap3A_600, %swap3A_601] {strides = array<i32>} : memref<32x128xf32, #tpu.memory_space<vmem>>, vector<1x16xf32>,
    %swap3A_603 = vector.shape_cast %swap3A_602 : vector<1x16xf32> to vector<16xf32>
    %swap3A_604 = vector.shape_cast %broadcast_in_dim3A_1 : vector<16xf32> to vector<1x16xf32>
    tpu.vector_store %arg9[%swap3A_600, %swap3A_601], %swap3A_604 {strides = array<i32>} : memref<32x128xf32, #tpu.memory_space<vmem>>, vector<1x16xf32>,
    %swap3A_605 = arith.constant 11 : i32
    %swap3A_606 = arith.index_cast %swap3A_605 : i32 to index
    %swap3A_607 = arith.constant 112 : index
    %swap3A_608 = tpu.vector_load %arg9[%swap3A_606, %swap3A_607] {strides = array<i32>} : memref<32x128xf32, #tpu.memory_space<vmem>>, vector<1x16xf32>,
    %swap3A_609 = vector.shape_cast %swap3A_608 : vector<1x16xf32> to vector<16xf32>
    %swap3A_610 = vector.shape_cast %broadcast_in_dim3A_1 : vector<16xf32> to vector<1x16xf32>
    tpu.vector_store %arg9[%swap3A_606, %swap3A_607], %swap3A_610 {strides = array<i32>} : memref<32x128xf32, #tpu.memory_space<vmem>>, vector<1x16xf32>,
    %swap3A_611 = arith.constant 12 : i32
    %swap3A_612 = arith.index_cast %swap3A_611 : i32 to index
    %swap3A_613 = arith.constant 0 : index
    %swap3A_614 = tpu.vector_load %arg9[%swap3A_612, %swap3A_613] {strides = array<i32>} : memref<32x128xf32, #tpu.memory_space<vmem>>, vector<1x16xf32>,
    %swap3A_615 = vector.shape_cast %swap3A_614 : vector<1x16xf32> to vector<16xf32>
    %swap3A_616 = vector.shape_cast %broadcast_in_dim3A_1 : vector<16xf32> to vector<1x16xf32>
    tpu.vector_store %arg9[%swap3A_612, %swap3A_613], %swap3A_616 {strides = array<i32>} : memref<32x128xf32, #tpu.memory_space<vmem>>, vector<1x16xf32>,
    %swap3A_617 = arith.constant 12 : i32
    %swap3A_618 = arith.index_cast %swap3A_617 : i32 to index
    %swap3A_619 = arith.constant 16 : index
    %swap3A_620 = tpu.vector_load %arg9[%swap3A_618, %swap3A_619] {strides = array<i32>} : memref<32x128xf32, #tpu.memory_space<vmem>>, vector<1x16xf32>,
    %swap3A_621 = vector.shape_cast %swap3A_620 : vector<1x16xf32> to vector<16xf32>
    %swap3A_622 = vector.shape_cast %broadcast_in_dim3A_1 : vector<16xf32> to vector<1x16xf32>
    tpu.vector_store %arg9[%swap3A_618, %swap3A_619], %swap3A_622 {strides = array<i32>} : memref<32x128xf32, #tpu.memory_space<vmem>>, vector<1x16xf32>,
    %swap3A_623 = arith.constant 12 : i32
    %swap3A_624 = arith.index_cast %swap3A_623 : i32 to index
    %swap3A_625 = arith.constant 32 : index
    %swap3A_626 = tpu.vector_load %arg9[%swap3A_624, %swap3A_625] {strides = array<i32>} : memref<32x128xf32, #tpu.memory_space<vmem>>, vector<1x16xf32>,
    %swap3A_627 = vector.shape_cast %swap3A_626 : vector<1x16xf32> to vector<16xf32>
    %swap3A_628 = vector.shape_cast %broadcast_in_dim3A_1 : vector<16xf32> to vector<1x16xf32>
    tpu.vector_store %arg9[%swap3A_624, %swap3A_625], %swap3A_628 {strides = array<i32>} : memref<32x128xf32, #tpu.memory_space<vmem>>, vector<1x16xf32>,
    %swap3A_629 = arith.constant 12 : i32
    %swap3A_630 = arith.index_cast %swap3A_629 : i32 to index
    %swap3A_631 = arith.constant 48 : index
    %swap3A_632 = tpu.vector_load %arg9[%swap3A_630, %swap3A_631] {strides = array<i32>} : memref<32x128xf32, #tpu.memory_space<vmem>>, vector<1x16xf32>,
    %swap3A_633 = vector.shape_cast %swap3A_632 : vector<1x16xf32> to vector<16xf32>
    %swap3A_634 = vector.shape_cast %broadcast_in_dim3A_1 : vector<16xf32> to vector<1x16xf32>
    tpu.vector_store %arg9[%swap3A_630, %swap3A_631], %swap3A_634 {strides = array<i32>} : memref<32x128xf32, #tpu.memory_space<vmem>>, vector<1x16xf32>,
    %swap3A_635 = arith.constant 12 : i32
    %swap3A_636 = arith.index_cast %swap3A_635 : i32 to index
    %swap3A_637 = arith.constant 64 : index
    %swap3A_638 = tpu.vector_load %arg9[%swap3A_636, %swap3A_637] {strides = array<i32>} : memref<32x128xf32, #tpu.memory_space<vmem>>, vector<1x16xf32>,
    %swap3A_639 = vector.shape_cast %swap3A_638 : vector<1x16xf32> to vector<16xf32>
    %swap3A_640 = vector.shape_cast %broadcast_in_dim3A_1 : vector<16xf32> to vector<1x16xf32>
    tpu.vector_store %arg9[%swap3A_636, %swap3A_637], %swap3A_640 {strides = array<i32>} : memref<32x128xf32, #tpu.memory_space<vmem>>, vector<1x16xf32>,
    %swap3A_641 = arith.constant 12 : i32
    %swap3A_642 = arith.index_cast %swap3A_641 : i32 to index
    %swap3A_643 = arith.constant 80 : index
    %swap3A_644 = tpu.vector_load %arg9[%swap3A_642, %swap3A_643] {strides = array<i32>} : memref<32x128xf32, #tpu.memory_space<vmem>>, vector<1x16xf32>,
    %swap3A_645 = vector.shape_cast %swap3A_644 : vector<1x16xf32> to vector<16xf32>
    %swap3A_646 = vector.shape_cast %broadcast_in_dim3A_1 : vector<16xf32> to vector<1x16xf32>
    tpu.vector_store %arg9[%swap3A_642, %swap3A_643], %swap3A_646 {strides = array<i32>} : memref<32x128xf32, #tpu.memory_space<vmem>>, vector<1x16xf32>,
    %swap3A_647 = arith.constant 12 : i32
    %swap3A_648 = arith.index_cast %swap3A_647 : i32 to index
    %swap3A_649 = arith.constant 96 : index
    %swap3A_650 = tpu.vector_load %arg9[%swap3A_648, %swap3A_649] {strides = array<i32>} : memref<32x128xf32, #tpu.memory_space<vmem>>, vector<1x16xf32>,
    %swap3A_651 = vector.shape_cast %swap3A_650 : vector<1x16xf32> to vector<16xf32>
    %swap3A_652 = vector.shape_cast %broadcast_in_dim3A_1 : vector<16xf32> to vector<1x16xf32>
    tpu.vector_store %arg9[%swap3A_648, %swap3A_649], %swap3A_652 {strides = array<i32>} : memref<32x128xf32, #tpu.memory_space<vmem>>, vector<1x16xf32>,
    %swap3A_653 = arith.constant 12 : i32
    %swap3A_654 = arith.index_cast %swap3A_653 : i32 to index
    %swap3A_655 = arith.constant 112 : index
    %swap3A_656 = tpu.vector_load %arg9[%swap3A_654, %swap3A_655] {strides = array<i32>} : memref<32x128xf32, #tpu.memory_space<vmem>>, vector<1x16xf32>,
    %swap3A_657 = vector.shape_cast %swap3A_656 : vector<1x16xf32> to vector<16xf32>
    %swap3A_658 = vector.shape_cast %broadcast_in_dim3A_1 : vector<16xf32> to vector<1x16xf32>
    tpu.vector_store %arg9[%swap3A_654, %swap3A_655], %swap3A_658 {strides = array<i32>} : memref<32x128xf32, #tpu.memory_space<vmem>>, vector<1x16xf32>,
    %swap3A_659 = arith.constant 13 : i32
    %swap3A_660 = arith.index_cast %swap3A_659 : i32 to index
    %swap3A_661 = arith.constant 0 : index
    %swap3A_662 = tpu.vector_load %arg9[%swap3A_660, %swap3A_661] {strides = array<i32>} : memref<32x128xf32, #tpu.memory_space<vmem>>, vector<1x16xf32>,
    %swap3A_663 = vector.shape_cast %swap3A_662 : vector<1x16xf32> to vector<16xf32>
    %swap3A_664 = vector.shape_cast %broadcast_in_dim3A_1 : vector<16xf32> to vector<1x16xf32>
    tpu.vector_store %arg9[%swap3A_660, %swap3A_661], %swap3A_664 {strides = array<i32>} : memref<32x128xf32, #tpu.memory_space<vmem>>, vector<1x16xf32>,
    %swap3A_665 = arith.constant 13 : i32
    %swap3A_666 = arith.index_cast %swap3A_665 : i32 to index
    %swap3A_667 = arith.constant 16 : index
    %swap3A_668 = tpu.vector_load %arg9[%swap3A_666, %swap3A_667] {strides = array<i32>} : memref<32x128xf32, #tpu.memory_space<vmem>>, vector<1x16xf32>,
    %swap3A_669 = vector.shape_cast %swap3A_668 : vector<1x16xf32> to vector<16xf32>
    %swap3A_670 = vector.shape_cast %broadcast_in_dim3A_1 : vector<16xf32> to vector<1x16xf32>
    tpu.vector_store %arg9[%swap3A_666, %swap3A_667], %swap3A_670 {strides = array<i32>} : memref<32x128xf32, #tpu.memory_space<vmem>>, vector<1x16xf32>,
    %swap3A_671 = arith.constant 13 : i32
    %swap3A_672 = arith.index_cast %swap3A_671 : i32 to index
    %swap3A_673 = arith.constant 32 : index
    %swap3A_674 = tpu.vector_load %arg9[%swap3A_672, %swap3A_673] {strides = array<i32>} : memref<32x128xf32, #tpu.memory_space<vmem>>, vector<1x16xf32>,
    %swap3A_675 = vector.shape_cast %swap3A_674 : vector<1x16xf32> to vector<16xf32>
    %swap3A_676 = vector.shape_cast %broadcast_in_dim3A_1 : vector<16xf32> to vector<1x16xf32>
    tpu.vector_store %arg9[%swap3A_672, %swap3A_673], %swap3A_676 {strides = array<i32>} : memref<32x128xf32, #tpu.memory_space<vmem>>, vector<1x16xf32>,
    %swap3A_677 = arith.constant 13 : i32
    %swap3A_678 = arith.index_cast %swap3A_677 : i32 to index
    %swap3A_679 = arith.constant 48 : index
    %swap3A_680 = tpu.vector_load %arg9[%swap3A_678, %swap3A_679] {strides = array<i32>} : memref<32x128xf32, #tpu.memory_space<vmem>>, vector<1x16xf32>,
    %swap3A_681 = vector.shape_cast %swap3A_680 : vector<1x16xf32> to vector<16xf32>
    %swap3A_682 = vector.shape_cast %broadcast_in_dim3A_1 : vector<16xf32> to vector<1x16xf32>
    tpu.vector_store %arg9[%swap3A_678, %swap3A_679], %swap3A_682 {strides = array<i32>} : memref<32x128xf32, #tpu.memory_space<vmem>>, vector<1x16xf32>,
    %swap3A_683 = arith.constant 13 : i32
    %swap3A_684 = arith.index_cast %swap3A_683 : i32 to index
    %swap3A_685 = arith.constant 64 : index
    %swap3A_686 = tpu.vector_load %arg9[%swap3A_684, %swap3A_685] {strides = array<i32>} : memref<32x128xf32, #tpu.memory_space<vmem>>, vector<1x16xf32>,
    %swap3A_687 = vector.shape_cast %swap3A_686 : vector<1x16xf32> to vector<16xf32>
    %swap3A_688 = vector.shape_cast %broadcast_in_dim3A_1 : vector<16xf32> to vector<1x16xf32>
    tpu.vector_store %arg9[%swap3A_684, %swap3A_685], %swap3A_688 {strides = array<i32>} : memref<32x128xf32, #tpu.memory_space<vmem>>, vector<1x16xf32>,
    %swap3A_689 = arith.constant 13 : i32
    %swap3A_690 = arith.index_cast %swap3A_689 : i32 to index
    %swap3A_691 = arith.constant 80 : index
    %swap3A_692 = tpu.vector_load %arg9[%swap3A_690, %swap3A_691] {strides = array<i32>} : memref<32x128xf32, #tpu.memory_space<vmem>>, vector<1x16xf32>,
    %swap3A_693 = vector.shape_cast %swap3A_692 : vector<1x16xf32> to vector<16xf32>
    %swap3A_694 = vector.shape_cast %broadcast_in_dim3A_1 : vector<16xf32> to vector<1x16xf32>
    tpu.vector_store %arg9[%swap3A_690, %swap3A_691], %swap3A_694 {strides = array<i32>} : memref<32x128xf32, #tpu.memory_space<vmem>>, vector<1x16xf32>,
    %swap3A_695 = arith.constant 13 : i32
    %swap3A_696 = arith.index_cast %swap3A_695 : i32 to index
    %swap3A_697 = arith.constant 96 : index
    %swap3A_698 = tpu.vector_load %arg9[%swap3A_696, %swap3A_697] {strides = array<i32>} : memref<32x128xf32, #tpu.memory_space<vmem>>, vector<1x16xf32>,
    %swap3A_699 = vector.shape_cast %swap3A_698 : vector<1x16xf32> to vector<16xf32>
    %swap3A_700 = vector.shape_cast %broadcast_in_dim3A_1 : vector<16xf32> to vector<1x16xf32>
    tpu.vector_store %arg9[%swap3A_696, %swap3A_697], %swap3A_700 {strides = array<i32>} : memref<32x128xf32, #tpu.memory_space<vmem>>, vector<1x16xf32>,
    %swap3A_701 = arith.constant 13 : i32
    %swap3A_702 = arith.index_cast %swap3A_701 : i32 to index
    %swap3A_703 = arith.constant 112 : index
    %swap3A_704 = tpu.vector_load %arg9[%swap3A_702, %swap3A_703] {strides = array<i32>} : memref<32x128xf32, #tpu.memory_space<vmem>>, vector<1x16xf32>,
    %swap3A_705 = vector.shape_cast %swap3A_704 : vector<1x16xf32> to vector<16xf32>
    %swap3A_706 = vector.shape_cast %broadcast_in_dim3A_1 : vector<16xf32> to vector<1x16xf32>
    tpu.vector_store %arg9[%swap3A_702, %swap3A_703], %swap3A_706 {strides = array<i32>} : memref<32x128xf32, #tpu.memory_space<vmem>>, vector<1x16xf32>,
    %swap3A_707 = arith.constant 14 : i32
    %swap3A_708 = arith.index_cast %swap3A_707 : i32 to index
    %swap3A_709 = arith.constant 0 : index
    %swap3A_710 = tpu.vector_load %arg9[%swap3A_708, %swap3A_709] {strides = array<i32>} : memref<32x128xf32, #tpu.memory_space<vmem>>, vector<1x16xf32>,
    %swap3A_711 = vector.shape_cast %swap3A_710 : vector<1x16xf32> to vector<16xf32>
    %swap3A_712 = vector.shape_cast %broadcast_in_dim3A_1 : vector<16xf32> to vector<1x16xf32>
    tpu.vector_store %arg9[%swap3A_708, %swap3A_709], %swap3A_712 {strides = array<i32>} : memref<32x128xf32, #tpu.memory_space<vmem>>, vector<1x16xf32>,
    %swap3A_713 = arith.constant 14 : i32
    %swap3A_714 = arith.index_cast %swap3A_713 : i32 to index
    %swap3A_715 = arith.constant 16 : index
    %swap3A_716 = tpu.vector_load %arg9[%swap3A_714, %swap3A_715] {strides = array<i32>} : memref<32x128xf32, #tpu.memory_space<vmem>>, vector<1x16xf32>,
    %swap3A_717 = vector.shape_cast %swap3A_716 : vector<1x16xf32> to vector<16xf32>
    %swap3A_718 = vector.shape_cast %broadcast_in_dim3A_1 : vector<16xf32> to vector<1x16xf32>
    tpu.vector_store %arg9[%swap3A_714, %swap3A_715], %swap3A_718 {strides = array<i32>} : memref<32x128xf32, #tpu.memory_space<vmem>>, vector<1x16xf32>,
    %swap3A_719 = arith.constant 14 : i32
    %swap3A_720 = arith.index_cast %swap3A_719 : i32 to index
    %swap3A_721 = arith.constant 32 : index
    %swap3A_722 = tpu.vector_load %arg9[%swap3A_720, %swap3A_721] {strides = array<i32>} : memref<32x128xf32, #tpu.memory_space<vmem>>, vector<1x16xf32>,
    %swap3A_723 = vector.shape_cast %swap3A_722 : vector<1x16xf32> to vector<16xf32>
    %swap3A_724 = vector.shape_cast %broadcast_in_dim3A_1 : vector<16xf32> to vector<1x16xf32>
    tpu.vector_store %arg9[%swap3A_720, %swap3A_721], %swap3A_724 {strides = array<i32>} : memref<32x128xf32, #tpu.memory_space<vmem>>, vector<1x16xf32>,
    %swap3A_725 = arith.constant 14 : i32
    %swap3A_726 = arith.index_cast %swap3A_725 : i32 to index
    %swap3A_727 = arith.constant 48 : index
    %swap3A_728 = tpu.vector_load %arg9[%swap3A_726, %swap3A_727] {strides = array<i32>} : memref<32x128xf32, #tpu.memory_space<vmem>>, vector<1x16xf32>,
    %swap3A_729 = vector.shape_cast %swap3A_728 : vector<1x16xf32> to vector<16xf32>
    %swap3A_730 = vector.shape_cast %broadcast_in_dim3A_1 : vector<16xf32> to vector<1x16xf32>
    tpu.vector_store %arg9[%swap3A_726, %swap3A_727], %swap3A_730 {strides = array<i32>} : memref<32x128xf32, #tpu.memory_space<vmem>>, vector<1x16xf32>,
    %swap3A_731 = arith.constant 14 : i32
    %swap3A_732 = arith.index_cast %swap3A_731 : i32 to index
    %swap3A_733 = arith.constant 64 : index
    %swap3A_734 = tpu.vector_load %arg9[%swap3A_732, %swap3A_733] {strides = array<i32>} : memref<32x128xf32, #tpu.memory_space<vmem>>, vector<1x16xf32>,
    %swap3A_735 = vector.shape_cast %swap3A_734 : vector<1x16xf32> to vector<16xf32>
    %swap3A_736 = vector.shape_cast %broadcast_in_dim3A_1 : vector<16xf32> to vector<1x16xf32>
    tpu.vector_store %arg9[%swap3A_732, %swap3A_733], %swap3A_736 {strides = array<i32>} : memref<32x128xf32, #tpu.memory_space<vmem>>, vector<1x16xf32>,
    %swap3A_737 = arith.constant 14 : i32
    %swap3A_738 = arith.index_cast %swap3A_737 : i32 to index
    %swap3A_739 = arith.constant 80 : index
    %swap3A_740 = tpu.vector_load %arg9[%swap3A_738, %swap3A_739] {strides = array<i32>} : memref<32x128xf32, #tpu.memory_space<vmem>>, vector<1x16xf32>,
    %swap3A_741 = vector.shape_cast %swap3A_740 : vector<1x16xf32> to vector<16xf32>
    %swap3A_742 = vector.shape_cast %broadcast_in_dim3A_1 : vector<16xf32> to vector<1x16xf32>
    tpu.vector_store %arg9[%swap3A_738, %swap3A_739], %swap3A_742 {strides = array<i32>} : memref<32x128xf32, #tpu.memory_space<vmem>>, vector<1x16xf32>,
    %swap3A_743 = arith.constant 14 : i32
    %swap3A_744 = arith.index_cast %swap3A_743 : i32 to index
    %swap3A_745 = arith.constant 96 : index
    %swap3A_746 = tpu.vector_load %arg9[%swap3A_744, %swap3A_745] {strides = array<i32>} : memref<32x128xf32, #tpu.memory_space<vmem>>, vector<1x16xf32>,
    %swap3A_747 = vector.shape_cast %swap3A_746 : vector<1x16xf32> to vector<16xf32>
    %swap3A_748 = vector.shape_cast %broadcast_in_dim3A_1 : vector<16xf32> to vector<1x16xf32>
    tpu.vector_store %arg9[%swap3A_744, %swap3A_745], %swap3A_748 {strides = array<i32>} : memref<32x128xf32, #tpu.memory_space<vmem>>, vector<1x16xf32>,
    %swap3A_749 = arith.constant 14 : i32
    %swap3A_750 = arith.index_cast %swap3A_749 : i32 to index
    %swap3A_751 = arith.constant 112 : index
    %swap3A_752 = tpu.vector_load %arg9[%swap3A_750, %swap3A_751] {strides = array<i32>} : memref<32x128xf32, #tpu.memory_space<vmem>>, vector<1x16xf32>,
    %swap3A_753 = vector.shape_cast %swap3A_752 : vector<1x16xf32> to vector<16xf32>
    %swap3A_754 = vector.shape_cast %broadcast_in_dim3A_1 : vector<16xf32> to vector<1x16xf32>
    tpu.vector_store %arg9[%swap3A_750, %swap3A_751], %swap3A_754 {strides = array<i32>} : memref<32x128xf32, #tpu.memory_space<vmem>>, vector<1x16xf32>,
    %swap3A_755 = arith.constant 15 : i32
    %swap3A_756 = arith.index_cast %swap3A_755 : i32 to index
    %swap3A_757 = arith.constant 0 : index
    %swap3A_758 = tpu.vector_load %arg9[%swap3A_756, %swap3A_757] {strides = array<i32>} : memref<32x128xf32, #tpu.memory_space<vmem>>, vector<1x16xf32>,
    %swap3A_759 = vector.shape_cast %swap3A_758 : vector<1x16xf32> to vector<16xf32>
    %swap3A_760 = vector.shape_cast %broadcast_in_dim3A_1 : vector<16xf32> to vector<1x16xf32>
    tpu.vector_store %arg9[%swap3A_756, %swap3A_757], %swap3A_760 {strides = array<i32>} : memref<32x128xf32, #tpu.memory_space<vmem>>, vector<1x16xf32>,
    %swap3A_761 = arith.constant 15 : i32
    %swap3A_762 = arith.index_cast %swap3A_761 : i32 to index
    %swap3A_763 = arith.constant 16 : index
    %swap3A_764 = tpu.vector_load %arg9[%swap3A_762, %swap3A_763] {strides = array<i32>} : memref<32x128xf32, #tpu.memory_space<vmem>>, vector<1x16xf32>,
    %swap3A_765 = vector.shape_cast %swap3A_764 : vector<1x16xf32> to vector<16xf32>
    %swap3A_766 = vector.shape_cast %broadcast_in_dim3A_1 : vector<16xf32> to vector<1x16xf32>
    tpu.vector_store %arg9[%swap3A_762, %swap3A_763], %swap3A_766 {strides = array<i32>} : memref<32x128xf32, #tpu.memory_space<vmem>>, vector<1x16xf32>,
    %swap3A_767 = arith.constant 15 : i32
    %swap3A_768 = arith.index_cast %swap3A_767 : i32 to index
    %swap3A_769 = arith.constant 32 : index
    %swap3A_770 = tpu.vector_load %arg9[%swap3A_768, %swap3A_769] {strides = array<i32>} : memref<32x128xf32, #tpu.memory_space<vmem>>, vector<1x16xf32>,
    %swap3A_771 = vector.shape_cast %swap3A_770 : vector<1x16xf32> to vector<16xf32>
    %swap3A_772 = vector.shape_cast %broadcast_in_dim3A_1 : vector<16xf32> to vector<1x16xf32>
    tpu.vector_store %arg9[%swap3A_768, %swap3A_769], %swap3A_772 {strides = array<i32>} : memref<32x128xf32, #tpu.memory_space<vmem>>, vector<1x16xf32>,
    %swap3A_773 = arith.constant 15 : i32
    %swap3A_774 = arith.index_cast %swap3A_773 : i32 to index
    %swap3A_775 = arith.constant 48 : index
    %swap3A_776 = tpu.vector_load %arg9[%swap3A_774, %swap3A_775] {strides = array<i32>} : memref<32x128xf32, #tpu.memory_space<vmem>>, vector<1x16xf32>,
    %swap3A_777 = vector.shape_cast %swap3A_776 : vector<1x16xf32> to vector<16xf32>
    %swap3A_778 = vector.shape_cast %broadcast_in_dim3A_1 : vector<16xf32> to vector<1x16xf32>
    tpu.vector_store %arg9[%swap3A_774, %swap3A_775], %swap3A_778 {strides = array<i32>} : memref<32x128xf32, #tpu.memory_space<vmem>>, vector<1x16xf32>,
    %swap3A_779 = arith.constant 15 : i32
    %swap3A_780 = arith.index_cast %swap3A_779 : i32 to index
    %swap3A_781 = arith.constant 64 : index
    %swap3A_782 = tpu.vector_load %arg9[%swap3A_780, %swap3A_781] {strides = array<i32>} : memref<32x128xf32, #tpu.memory_space<vmem>>, vector<1x16xf32>,
    %swap3A_783 = vector.shape_cast %swap3A_782 : vector<1x16xf32> to vector<16xf32>
    %swap3A_784 = vector.shape_cast %broadcast_in_dim3A_1 : vector<16xf32> to vector<1x16xf32>
    tpu.vector_store %arg9[%swap3A_780, %swap3A_781], %swap3A_784 {strides = array<i32>} : memref<32x128xf32, #tpu.memory_space<vmem>>, vector<1x16xf32>,
    %swap3A_785 = arith.constant 15 : i32
    %swap3A_786 = arith.index_cast %swap3A_785 : i32 to index
    %swap3A_787 = arith.constant 80 : index
    %swap3A_788 = tpu.vector_load %arg9[%swap3A_786, %swap3A_787] {strides = array<i32>} : memref<32x128xf32, #tpu.memory_space<vmem>>, vector<1x16xf32>,
    %swap3A_789 = vector.shape_cast %swap3A_788 : vector<1x16xf32> to vector<16xf32>
    %swap3A_790 = vector.shape_cast %broadcast_in_dim3A_1 : vector<16xf32> to vector<1x16xf32>
    tpu.vector_store %arg9[%swap3A_786, %swap3A_787], %swap3A_790 {strides = array<i32>} : memref<32x128xf32, #tpu.memory_space<vmem>>, vector<1x16xf32>,
    %swap3A_791 = arith.constant 15 : i32
    %swap3A_792 = arith.index_cast %swap3A_791 : i32 to index
    %swap3A_793 = arith.constant 96 : index
    %swap3A_794 = tpu.vector_load %arg9[%swap3A_792, %swap3A_793] {strides = array<i32>} : memref<32x128xf32, #tpu.memory_space<vmem>>, vector<1x16xf32>,
    %swap3A_795 = vector.shape_cast %swap3A_794 : vector<1x16xf32> to vector<16xf32>
    %swap3A_796 = vector.shape_cast %broadcast_in_dim3A_1 : vector<16xf32> to vector<1x16xf32>
    tpu.vector_store %arg9[%swap3A_792, %swap3A_793], %swap3A_796 {strides = array<i32>} : memref<32x128xf32, #tpu.memory_space<vmem>>, vector<1x16xf32>,
    %swap3A_797 = arith.constant 15 : i32
    %swap3A_798 = arith.index_cast %swap3A_797 : i32 to index
    %swap3A_799 = arith.constant 112 : index
    %swap3A_800 = tpu.vector_load %arg9[%swap3A_798, %swap3A_799] {strides = array<i32>} : memref<32x128xf32, #tpu.memory_space<vmem>>, vector<1x16xf32>,
    %swap3A_801 = vector.shape_cast %swap3A_800 : vector<1x16xf32> to vector<16xf32>
    %swap3A_802 = vector.shape_cast %broadcast_in_dim3A_1 : vector<16xf32> to vector<1x16xf32>
    tpu.vector_store %arg9[%swap3A_798, %swap3A_799], %swap3A_802 {strides = array<i32>} : memref<32x128xf32, #tpu.memory_space<vmem>>, vector<1x16xf32>,
    %swap3A_803 = arith.constant 16 : i32
    %swap3A_804 = arith.index_cast %swap3A_803 : i32 to index
    %swap3A_805 = arith.constant 0 : index
    %swap3A_806 = tpu.vector_load %arg9[%swap3A_804, %swap3A_805] {strides = array<i32>} : memref<32x128xf32, #tpu.memory_space<vmem>>, vector<1x16xf32>,
    %swap3A_807 = vector.shape_cast %swap3A_806 : vector<1x16xf32> to vector<16xf32>
    %swap3A_808 = vector.shape_cast %broadcast_in_dim3A_1 : vector<16xf32> to vector<1x16xf32>
    tpu.vector_store %arg9[%swap3A_804, %swap3A_805], %swap3A_808 {strides = array<i32>} : memref<32x128xf32, #tpu.memory_space<vmem>>, vector<1x16xf32>,
    %swap3A_809 = arith.constant 16 : i32
    %swap3A_810 = arith.index_cast %swap3A_809 : i32 to index
    %swap3A_811 = arith.constant 16 : index
    %swap3A_812 = tpu.vector_load %arg9[%swap3A_810, %swap3A_811] {strides = array<i32>} : memref<32x128xf32, #tpu.memory_space<vmem>>, vector<1x16xf32>,
    %swap3A_813 = vector.shape_cast %swap3A_812 : vector<1x16xf32> to vector<16xf32>
    %swap3A_814 = vector.shape_cast %broadcast_in_dim3A_1 : vector<16xf32> to vector<1x16xf32>
    tpu.vector_store %arg9[%swap3A_810, %swap3A_811], %swap3A_814 {strides = array<i32>} : memref<32x128xf32, #tpu.memory_space<vmem>>, vector<1x16xf32>,
    %swap3A_815 = arith.constant 16 : i32
    %swap3A_816 = arith.index_cast %swap3A_815 : i32 to index
    %swap3A_817 = arith.constant 32 : index
    %swap3A_818 = tpu.vector_load %arg9[%swap3A_816, %swap3A_817] {strides = array<i32>} : memref<32x128xf32, #tpu.memory_space<vmem>>, vector<1x16xf32>,
    %swap3A_819 = vector.shape_cast %swap3A_818 : vector<1x16xf32> to vector<16xf32>
    %swap3A_820 = vector.shape_cast %broadcast_in_dim3A_1 : vector<16xf32> to vector<1x16xf32>
    tpu.vector_store %arg9[%swap3A_816, %swap3A_817], %swap3A_820 {strides = array<i32>} : memref<32x128xf32, #tpu.memory_space<vmem>>, vector<1x16xf32>,
    %swap3A_821 = arith.constant 16 : i32
    %swap3A_822 = arith.index_cast %swap3A_821 : i32 to index
    %swap3A_823 = arith.constant 48 : index
    %swap3A_824 = tpu.vector_load %arg9[%swap3A_822, %swap3A_823] {strides = array<i32>} : memref<32x128xf32, #tpu.memory_space<vmem>>, vector<1x16xf32>,
    %swap3A_825 = vector.shape_cast %swap3A_824 : vector<1x16xf32> to vector<16xf32>
    %swap3A_826 = vector.shape_cast %broadcast_in_dim3A_1 : vector<16xf32> to vector<1x16xf32>
    tpu.vector_store %arg9[%swap3A_822, %swap3A_823], %swap3A_826 {strides = array<i32>} : memref<32x128xf32, #tpu.memory_space<vmem>>, vector<1x16xf32>,
    %swap3A_827 = arith.constant 16 : i32
    %swap3A_828 = arith.index_cast %swap3A_827 : i32 to index
    %swap3A_829 = arith.constant 64 : index
    %swap3A_830 = tpu.vector_load %arg9[%swap3A_828, %swap3A_829] {strides = array<i32>} : memref<32x128xf32, #tpu.memory_space<vmem>>, vector<1x16xf32>,
    %swap3A_831 = vector.shape_cast %swap3A_830 : vector<1x16xf32> to vector<16xf32>
    %swap3A_832 = vector.shape_cast %broadcast_in_dim3A_1 : vector<16xf32> to vector<1x16xf32>
    tpu.vector_store %arg9[%swap3A_828, %swap3A_829], %swap3A_832 {strides = array<i32>} : memref<32x128xf32, #tpu.memory_space<vmem>>, vector<1x16xf32>,
    %swap3A_833 = arith.constant 16 : i32
    %swap3A_834 = arith.index_cast %swap3A_833 : i32 to index
    %swap3A_835 = arith.constant 80 : index
    %swap3A_836 = tpu.vector_load %arg9[%swap3A_834, %swap3A_835] {strides = array<i32>} : memref<32x128xf32, #tpu.memory_space<vmem>>, vector<1x16xf32>,
    %swap3A_837 = vector.shape_cast %swap3A_836 : vector<1x16xf32> to vector<16xf32>
    %swap3A_838 = vector.shape_cast %broadcast_in_dim3A_1 : vector<16xf32> to vector<1x16xf32>
    tpu.vector_store %arg9[%swap3A_834, %swap3A_835], %swap3A_838 {strides = array<i32>} : memref<32x128xf32, #tpu.memory_space<vmem>>, vector<1x16xf32>,
    %swap3A_839 = arith.constant 16 : i32
    %swap3A_840 = arith.index_cast %swap3A_839 : i32 to index
    %swap3A_841 = arith.constant 96 : index
    %swap3A_842 = tpu.vector_load %arg9[%swap3A_840, %swap3A_841] {strides = array<i32>} : memref<32x128xf32, #tpu.memory_space<vmem>>, vector<1x16xf32>,
    %swap3A_843 = vector.shape_cast %swap3A_842 : vector<1x16xf32> to vector<16xf32>
    %swap3A_844 = vector.shape_cast %broadcast_in_dim3A_1 : vector<16xf32> to vector<1x16xf32>
    tpu.vector_store %arg9[%swap3A_840, %swap3A_841], %swap3A_844 {strides = array<i32>} : memref<32x128xf32, #tpu.memory_space<vmem>>, vector<1x16xf32>,
    %swap3A_845 = arith.constant 16 : i32
    %swap3A_846 = arith.index_cast %swap3A_845 : i32 to index
    %swap3A_847 = arith.constant 112 : index
    %swap3A_848 = tpu.vector_load %arg9[%swap3A_846, %swap3A_847] {strides = array<i32>} : memref<32x128xf32, #tpu.memory_space<vmem>>, vector<1x16xf32>,
    %swap3A_849 = vector.shape_cast %swap3A_848 : vector<1x16xf32> to vector<16xf32>
    %swap3A_850 = vector.shape_cast %broadcast_in_dim3A_1 : vector<16xf32> to vector<1x16xf32>
    tpu.vector_store %arg9[%swap3A_846, %swap3A_847], %swap3A_850 {strides = array<i32>} : memref<32x128xf32, #tpu.memory_space<vmem>>, vector<1x16xf32>,
    %swap3A_851 = arith.constant 17 : i32
    %swap3A_852 = arith.index_cast %swap3A_851 : i32 to index
    %swap3A_853 = arith.constant 0 : index
    %swap3A_854 = tpu.vector_load %arg9[%swap3A_852, %swap3A_853] {strides = array<i32>} : memref<32x128xf32, #tpu.memory_space<vmem>>, vector<1x16xf32>,
    %swap3A_855 = vector.shape_cast %swap3A_854 : vector<1x16xf32> to vector<16xf32>
    %swap3A_856 = vector.shape_cast %broadcast_in_dim3A_1 : vector<16xf32> to vector<1x16xf32>
    tpu.vector_store %arg9[%swap3A_852, %swap3A_853], %swap3A_856 {strides = array<i32>} : memref<32x128xf32, #tpu.memory_space<vmem>>, vector<1x16xf32>,
    %swap3A_857 = arith.constant 17 : i32
    %swap3A_858 = arith.index_cast %swap3A_857 : i32 to index
    %swap3A_859 = arith.constant 16 : index
    %swap3A_860 = tpu.vector_load %arg9[%swap3A_858, %swap3A_859] {strides = array<i32>} : memref<32x128xf32, #tpu.memory_space<vmem>>, vector<1x16xf32>,
    %swap3A_861 = vector.shape_cast %swap3A_860 : vector<1x16xf32> to vector<16xf32>
    %swap3A_862 = vector.shape_cast %broadcast_in_dim3A_1 : vector<16xf32> to vector<1x16xf32>
    tpu.vector_store %arg9[%swap3A_858, %swap3A_859], %swap3A_862 {strides = array<i32>} : memref<32x128xf32, #tpu.memory_space<vmem>>, vector<1x16xf32>,
    %swap3A_863 = arith.constant 17 : i32
    %swap3A_864 = arith.index_cast %swap3A_863 : i32 to index
    %swap3A_865 = arith.constant 32 : index
    %swap3A_866 = tpu.vector_load %arg9[%swap3A_864, %swap3A_865] {strides = array<i32>} : memref<32x128xf32, #tpu.memory_space<vmem>>, vector<1x16xf32>,
    %swap3A_867 = vector.shape_cast %swap3A_866 : vector<1x16xf32> to vector<16xf32>
    %swap3A_868 = vector.shape_cast %broadcast_in_dim3A_1 : vector<16xf32> to vector<1x16xf32>
    tpu.vector_store %arg9[%swap3A_864, %swap3A_865], %swap3A_868 {strides = array<i32>} : memref<32x128xf32, #tpu.memory_space<vmem>>, vector<1x16xf32>,
    %swap3A_869 = arith.constant 17 : i32
    %swap3A_870 = arith.index_cast %swap3A_869 : i32 to index
    %swap3A_871 = arith.constant 48 : index
    %swap3A_872 = tpu.vector_load %arg9[%swap3A_870, %swap3A_871] {strides = array<i32>} : memref<32x128xf32, #tpu.memory_space<vmem>>, vector<1x16xf32>,
    %swap3A_873 = vector.shape_cast %swap3A_872 : vector<1x16xf32> to vector<16xf32>
    %swap3A_874 = vector.shape_cast %broadcast_in_dim3A_1 : vector<16xf32> to vector<1x16xf32>
    tpu.vector_store %arg9[%swap3A_870, %swap3A_871], %swap3A_874 {strides = array<i32>} : memref<32x128xf32, #tpu.memory_space<vmem>>, vector<1x16xf32>,
    %swap3A_875 = arith.constant 17 : i32
    %swap3A_876 = arith.index_cast %swap3A_875 : i32 to index
    %swap3A_877 = arith.constant 64 : index
    %swap3A_878 = tpu.vector_load %arg9[%swap3A_876, %swap3A_877] {strides = array<i32>} : memref<32x128xf32, #tpu.memory_space<vmem>>, vector<1x16xf32>,
    %swap3A_879 = vector.shape_cast %swap3A_878 : vector<1x16xf32> to vector<16xf32>
    %swap3A_880 = vector.shape_cast %broadcast_in_dim3A_1 : vector<16xf32> to vector<1x16xf32>
    tpu.vector_store %arg9[%swap3A_876, %swap3A_877], %swap3A_880 {strides = array<i32>} : memref<32x128xf32, #tpu.memory_space<vmem>>, vector<1x16xf32>,
    %swap3A_881 = arith.constant 17 : i32
    %swap3A_882 = arith.index_cast %swap3A_881 : i32 to index
    %swap3A_883 = arith.constant 80 : index
    %swap3A_884 = tpu.vector_load %arg9[%swap3A_882, %swap3A_883] {strides = array<i32>} : memref<32x128xf32, #tpu.memory_space<vmem>>, vector<1x16xf32>,
    %swap3A_885 = vector.shape_cast %swap3A_884 : vector<1x16xf32> to vector<16xf32>
    %swap3A_886 = vector.shape_cast %broadcast_in_dim3A_1 : vector<16xf32> to vector<1x16xf32>
    tpu.vector_store %arg9[%swap3A_882, %swap3A_883], %swap3A_886 {strides = array<i32>} : memref<32x128xf32, #tpu.memory_space<vmem>>, vector<1x16xf32>,
    %swap3A_887 = arith.constant 17 : i32
    %swap3A_888 = arith.index_cast %swap3A_887 : i32 to index
    %swap3A_889 = arith.constant 96 : index
    %swap3A_890 = tpu.vector_load %arg9[%swap3A_888, %swap3A_889] {strides = array<i32>} : memref<32x128xf32, #tpu.memory_space<vmem>>, vector<1x16xf32>,
    %swap3A_891 = vector.shape_cast %swap3A_890 : vector<1x16xf32> to vector<16xf32>
    %swap3A_892 = vector.shape_cast %broadcast_in_dim3A_1 : vector<16xf32> to vector<1x16xf32>
    tpu.vector_store %arg9[%swap3A_888, %swap3A_889], %swap3A_892 {strides = array<i32>} : memref<32x128xf32, #tpu.memory_space<vmem>>, vector<1x16xf32>,
    %swap3A_893 = arith.constant 17 : i32
    %swap3A_894 = arith.index_cast %swap3A_893 : i32 to index
    %swap3A_895 = arith.constant 112 : index
    %swap3A_896 = tpu.vector_load %arg9[%swap3A_894, %swap3A_895] {strides = array<i32>} : memref<32x128xf32, #tpu.memory_space<vmem>>, vector<1x16xf32>,
    %swap3A_897 = vector.shape_cast %swap3A_896 : vector<1x16xf32> to vector<16xf32>
    %swap3A_898 = vector.shape_cast %broadcast_in_dim3A_1 : vector<16xf32> to vector<1x16xf32>
    tpu.vector_store %arg9[%swap3A_894, %swap3A_895], %swap3A_898 {strides = array<i32>} : memref<32x128xf32, #tpu.memory_space<vmem>>, vector<1x16xf32>,
    %swap3A_899 = arith.constant 18 : i32
    %swap3A_900 = arith.index_cast %swap3A_899 : i32 to index
    %swap3A_901 = arith.constant 0 : index
    %swap3A_902 = tpu.vector_load %arg9[%swap3A_900, %swap3A_901] {strides = array<i32>} : memref<32x128xf32, #tpu.memory_space<vmem>>, vector<1x16xf32>,
    %swap3A_903 = vector.shape_cast %swap3A_902 : vector<1x16xf32> to vector<16xf32>
    %swap3A_904 = vector.shape_cast %broadcast_in_dim3A_1 : vector<16xf32> to vector<1x16xf32>
    tpu.vector_store %arg9[%swap3A_900, %swap3A_901], %swap3A_904 {strides = array<i32>} : memref<32x128xf32, #tpu.memory_space<vmem>>, vector<1x16xf32>,
    %swap3A_905 = arith.constant 18 : i32
    %swap3A_906 = arith.index_cast %swap3A_905 : i32 to index
    %swap3A_907 = arith.constant 16 : index
    %swap3A_908 = tpu.vector_load %arg9[%swap3A_906, %swap3A_907] {strides = array<i32>} : memref<32x128xf32, #tpu.memory_space<vmem>>, vector<1x16xf32>,
    %swap3A_909 = vector.shape_cast %swap3A_908 : vector<1x16xf32> to vector<16xf32>
    %swap3A_910 = vector.shape_cast %broadcast_in_dim3A_1 : vector<16xf32> to vector<1x16xf32>
    tpu.vector_store %arg9[%swap3A_906, %swap3A_907], %swap3A_910 {strides = array<i32>} : memref<32x128xf32, #tpu.memory_space<vmem>>, vector<1x16xf32>,
    %swap3A_911 = arith.constant 18 : i32
    %swap3A_912 = arith.index_cast %swap3A_911 : i32 to index
    %swap3A_913 = arith.constant 32 : index
    %swap3A_914 = tpu.vector_load %arg9[%swap3A_912, %swap3A_913] {strides = array<i32>} : memref<32x128xf32, #tpu.memory_space<vmem>>, vector<1x16xf32>,
    %swap3A_915 = vector.shape_cast %swap3A_914 : vector<1x16xf32> to vector<16xf32>
    %swap3A_916 = vector.shape_cast %broadcast_in_dim3A_1 : vector<16xf32> to vector<1x16xf32>
    tpu.vector_store %arg9[%swap3A_912, %swap3A_913], %swap3A_916 {strides = array<i32>} : memref<32x128xf32, #tpu.memory_space<vmem>>, vector<1x16xf32>,
    %swap3A_917 = arith.constant 18 : i32
    %swap3A_918 = arith.index_cast %swap3A_917 : i32 to index
    %swap3A_919 = arith.constant 48 : index
    %swap3A_920 = tpu.vector_load %arg9[%swap3A_918, %swap3A_919] {strides = array<i32>} : memref<32x128xf32, #tpu.memory_space<vmem>>, vector<1x16xf32>,
    %swap3A_921 = vector.shape_cast %swap3A_920 : vector<1x16xf32> to vector<16xf32>
    %swap3A_922 = vector.shape_cast %broadcast_in_dim3A_1 : vector<16xf32> to vector<1x16xf32>
    tpu.vector_store %arg9[%swap3A_918, %swap3A_919], %swap3A_922 {strides = array<i32>} : memref<32x128xf32, #tpu.memory_space<vmem>>, vector<1x16xf32>,
    %swap3A_923 = arith.constant 18 : i32
    %swap3A_924 = arith.index_cast %swap3A_923 : i32 to index
    %swap3A_925 = arith.constant 64 : index
    %swap3A_926 = tpu.vector_load %arg9[%swap3A_924, %swap3A_925] {strides = array<i32>} : memref<32x128xf32, #tpu.memory_space<vmem>>, vector<1x16xf32>,
    %swap3A_927 = vector.shape_cast %swap3A_926 : vector<1x16xf32> to vector<16xf32>
    %swap3A_928 = vector.shape_cast %broadcast_in_dim3A_1 : vector<16xf32> to vector<1x16xf32>
    tpu.vector_store %arg9[%swap3A_924, %swap3A_925], %swap3A_928 {strides = array<i32>} : memref<32x128xf32, #tpu.memory_space<vmem>>, vector<1x16xf32>,
    %swap3A_929 = arith.constant 18 : i32
    %swap3A_930 = arith.index_cast %swap3A_929 : i32 to index
    %swap3A_931 = arith.constant 80 : index
    %swap3A_932 = tpu.vector_load %arg9[%swap3A_930, %swap3A_931] {strides = array<i32>} : memref<32x128xf32, #tpu.memory_space<vmem>>, vector<1x16xf32>,
    %swap3A_933 = vector.shape_cast %swap3A_932 : vector<1x16xf32> to vector<16xf32>
    %swap3A_934 = vector.shape_cast %broadcast_in_dim3A_1 : vector<16xf32> to vector<1x16xf32>
    tpu.vector_store %arg9[%swap3A_930, %swap3A_931], %swap3A_934 {strides = array<i32>} : memref<32x128xf32, #tpu.memory_space<vmem>>, vector<1x16xf32>,
    %swap3A_935 = arith.constant 18 : i32
    %swap3A_936 = arith.index_cast %swap3A_935 : i32 to index
    %swap3A_937 = arith.constant 96 : index
    %swap3A_938 = tpu.vector_load %arg9[%swap3A_936, %swap3A_937] {strides = array<i32>} : memref<32x128xf32, #tpu.memory_space<vmem>>, vector<1x16xf32>,
    %swap3A_939 = vector.shape_cast %swap3A_938 : vector<1x16xf32> to vector<16xf32>
    %swap3A_940 = vector.shape_cast %broadcast_in_dim3A_1 : vector<16xf32> to vector<1x16xf32>
    tpu.vector_store %arg9[%swap3A_936, %swap3A_937], %swap3A_940 {strides = array<i32>} : memref<32x128xf32, #tpu.memory_space<vmem>>, vector<1x16xf32>,
    %swap3A_941 = arith.constant 18 : i32
    %swap3A_942 = arith.index_cast %swap3A_941 : i32 to index
    %swap3A_943 = arith.constant 112 : index
    %swap3A_944 = tpu.vector_load %arg9[%swap3A_942, %swap3A_943] {strides = array<i32>} : memref<32x128xf32, #tpu.memory_space<vmem>>, vector<1x16xf32>,
    %swap3A_945 = vector.shape_cast %swap3A_944 : vector<1x16xf32> to vector<16xf32>
    %swap3A_946 = vector.shape_cast %broadcast_in_dim3A_1 : vector<16xf32> to vector<1x16xf32>
    tpu.vector_store %arg9[%swap3A_942, %swap3A_943], %swap3A_946 {strides = array<i32>} : memref<32x128xf32, #tpu.memory_space<vmem>>, vector<1x16xf32>,
    %swap3A_947 = arith.constant 19 : i32
    %swap3A_948 = arith.index_cast %swap3A_947 : i32 to index
    %swap3A_949 = arith.constant 0 : index
    %swap3A_950 = tpu.vector_load %arg9[%swap3A_948, %swap3A_949] {strides = array<i32>} : memref<32x128xf32, #tpu.memory_space<vmem>>, vector<1x16xf32>,
    %swap3A_951 = vector.shape_cast %swap3A_950 : vector<1x16xf32> to vector<16xf32>
    %swap3A_952 = vector.shape_cast %broadcast_in_dim3A_1 : vector<16xf32> to vector<1x16xf32>
    tpu.vector_store %arg9[%swap3A_948, %swap3A_949], %swap3A_952 {strides = array<i32>} : memref<32x128xf32, #tpu.memory_space<vmem>>, vector<1x16xf32>,
    %swap3A_953 = arith.constant 19 : i32
    %swap3A_954 = arith.index_cast %swap3A_953 : i32 to index
    %swap3A_955 = arith.constant 16 : index
    %swap3A_956 = tpu.vector_load %arg9[%swap3A_954, %swap3A_955] {strides = array<i32>} : memref<32x128xf32, #tpu.memory_space<vmem>>, vector<1x16xf32>,
    %swap3A_957 = vector.shape_cast %swap3A_956 : vector<1x16xf32> to vector<16xf32>
    %swap3A_958 = vector.shape_cast %broadcast_in_dim3A_1 : vector<16xf32> to vector<1x16xf32>
    tpu.vector_store %arg9[%swap3A_954, %swap3A_955], %swap3A_958 {strides = array<i32>} : memref<32x128xf32, #tpu.memory_space<vmem>>, vector<1x16xf32>,
    %swap3A_959 = arith.constant 19 : i32
    %swap3A_960 = arith.index_cast %swap3A_959 : i32 to index
    %swap3A_961 = arith.constant 32 : index
    %swap3A_962 = tpu.vector_load %arg9[%swap3A_960, %swap3A_961] {strides = array<i32>} : memref<32x128xf32, #tpu.memory_space<vmem>>, vector<1x16xf32>,
    %swap3A_963 = vector.shape_cast %swap3A_962 : vector<1x16xf32> to vector<16xf32>
    %swap3A_964 = vector.shape_cast %broadcast_in_dim3A_1 : vector<16xf32> to vector<1x16xf32>
    tpu.vector_store %arg9[%swap3A_960, %swap3A_961], %swap3A_964 {strides = array<i32>} : memref<32x128xf32, #tpu.memory_space<vmem>>, vector<1x16xf32>,
    %swap3A_965 = arith.constant 19 : i32
    %swap3A_966 = arith.index_cast %swap3A_965 : i32 to index
    %swap3A_967 = arith.constant 48 : index
    %swap3A_968 = tpu.vector_load %arg9[%swap3A_966, %swap3A_967] {strides = array<i32>} : memref<32x128xf32, #tpu.memory_space<vmem>>, vector<1x16xf32>,
    %swap3A_969 = vector.shape_cast %swap3A_968 : vector<1x16xf32> to vector<16xf32>
    %swap3A_970 = vector.shape_cast %broadcast_in_dim3A_1 : vector<16xf32> to vector<1x16xf32>
    tpu.vector_store %arg9[%swap3A_966, %swap3A_967], %swap3A_970 {strides = array<i32>} : memref<32x128xf32, #tpu.memory_space<vmem>>, vector<1x16xf32>,
    %swap3A_971 = arith.constant 19 : i32
    %swap3A_972 = arith.index_cast %swap3A_971 : i32 to index
    %swap3A_973 = arith.constant 64 : index
    %swap3A_974 = tpu.vector_load %arg9[%swap3A_972, %swap3A_973] {strides = array<i32>} : memref<32x128xf32, #tpu.memory_space<vmem>>, vector<1x16xf32>,
    %swap3A_975 = vector.shape_cast %swap3A_974 : vector<1x16xf32> to vector<16xf32>
    %swap3A_976 = vector.shape_cast %broadcast_in_dim3A_1 : vector<16xf32> to vector<1x16xf32>
    tpu.vector_store %arg9[%swap3A_972, %swap3A_973], %swap3A_976 {strides = array<i32>} : memref<32x128xf32, #tpu.memory_space<vmem>>, vector<1x16xf32>,
    %swap3A_977 = arith.constant 19 : i32
    %swap3A_978 = arith.index_cast %swap3A_977 : i32 to index
    %swap3A_979 = arith.constant 80 : index
    %swap3A_980 = tpu.vector_load %arg9[%swap3A_978, %swap3A_979] {strides = array<i32>} : memref<32x128xf32, #tpu.memory_space<vmem>>, vector<1x16xf32>,
    %swap3A_981 = vector.shape_cast %swap3A_980 : vector<1x16xf32> to vector<16xf32>
    %swap3A_982 = vector.shape_cast %broadcast_in_dim3A_1 : vector<16xf32> to vector<1x16xf32>
    tpu.vector_store %arg9[%swap3A_978, %swap3A_979], %swap3A_982 {strides = array<i32>} : memref<32x128xf32, #tpu.memory_space<vmem>>, vector<1x16xf32>,
    %swap3A_983 = arith.constant 19 : i32
    %swap3A_984 = arith.index_cast %swap3A_983 : i32 to index
    %swap3A_985 = arith.constant 96 : index
    %swap3A_986 = tpu.vector_load %arg9[%swap3A_984, %swap3A_985] {strides = array<i32>} : memref<32x128xf32, #tpu.memory_space<vmem>>, vector<1x16xf32>,
    %swap3A_987 = vector.shape_cast %swap3A_986 : vector<1x16xf32> to vector<16xf32>
    %swap3A_988 = vector.shape_cast %broadcast_in_dim3A_1 : vector<16xf32> to vector<1x16xf32>
    tpu.vector_store %arg9[%swap3A_984, %swap3A_985], %swap3A_988 {strides = array<i32>} : memref<32x128xf32, #tpu.memory_space<vmem>>, vector<1x16xf32>,
    %swap3A_989 = arith.constant 19 : i32
    %swap3A_990 = arith.index_cast %swap3A_989 : i32 to index
    %swap3A_991 = arith.constant 112 : index
    %swap3A_992 = tpu.vector_load %arg9[%swap3A_990, %swap3A_991] {strides = array<i32>} : memref<32x128xf32, #tpu.memory_space<vmem>>, vector<1x16xf32>,
    %swap3A_993 = vector.shape_cast %swap3A_992 : vector<1x16xf32> to vector<16xf32>
    %swap3A_994 = vector.shape_cast %broadcast_in_dim3A_1 : vector<16xf32> to vector<1x16xf32>
    tpu.vector_store %arg9[%swap3A_990, %swap3A_991], %swap3A_994 {strides = array<i32>} : memref<32x128xf32, #tpu.memory_space<vmem>>, vector<1x16xf32>,
    %swap3A_995 = arith.constant 20 : i32
    %swap3A_996 = arith.index_cast %swap3A_995 : i32 to index
    %swap3A_997 = arith.constant 0 : index
    %swap3A_998 = tpu.vector_load %arg9[%swap3A_996, %swap3A_997] {strides = array<i32>} : memref<32x128xf32, #tpu.memory_space<vmem>>, vector<1x16xf32>,
    %swap3A_999 = vector.shape_cast %swap3A_998 : vector<1x16xf32> to vector<16xf32>
    %swap3A_1000 = vector.shape_cast %broadcast_in_dim3A_1 : vector<16xf32> to vector<1x16xf32>
    tpu.vector_store %arg9[%swap3A_996, %swap3A_997], %swap3A_1000 {strides = array<i32>} : memref<32x128xf32, #tpu.memory_space<vmem>>, vector<1x16xf32>,
    %swap3A_1001 = arith.constant 20 : i32
    %swap3A_1002 = arith.index_cast %swap3A_1001 : i32 to index
    %swap3A_1003 = arith.constant 16 : index
    %swap3A_1004 = tpu.vector_load %arg9[%swap3A_1002, %swap3A_1003] {strides = array<i32>} : memref<32x128xf32, #tpu.memory_space<vmem>>, vector<1x16xf32>,
    %swap3A_1005 = vector.shape_cast %swap3A_1004 : vector<1x16xf32> to vector<16xf32>
    %swap3A_1006 = vector.shape_cast %broadcast_in_dim3A_1 : vector<16xf32> to vector<1x16xf32>
    tpu.vector_store %arg9[%swap3A_1002, %swap3A_1003], %swap3A_1006 {strides = array<i32>} : memref<32x128xf32, #tpu.memory_space<vmem>>, vector<1x16xf32>,
    %swap3A_1007 = arith.constant 20 : i32
    %swap3A_1008 = arith.index_cast %swap3A_1007 : i32 to index
    %swap3A_1009 = arith.constant 32 : index
    %swap3A_1010 = tpu.vector_load %arg9[%swap3A_1008, %swap3A_1009] {strides = array<i32>} : memref<32x128xf32, #tpu.memory_space<vmem>>, vector<1x16xf32>,
    %swap3A_1011 = vector.shape_cast %swap3A_1010 : vector<1x16xf32> to vector<16xf32>
    %swap3A_1012 = vector.shape_cast %broadcast_in_dim3A_1 : vector<16xf32> to vector<1x16xf32>
    tpu.vector_store %arg9[%swap3A_1008, %swap3A_1009], %swap3A_1012 {strides = array<i32>} : memref<32x128xf32, #tpu.memory_space<vmem>>, vector<1x16xf32>,
    %swap3A_1013 = arith.constant 20 : i32
    %swap3A_1014 = arith.index_cast %swap3A_1013 : i32 to index
    %swap3A_1015 = arith.constant 48 : index
    %swap3A_1016 = tpu.vector_load %arg9[%swap3A_1014, %swap3A_1015] {strides = array<i32>} : memref<32x128xf32, #tpu.memory_space<vmem>>, vector<1x16xf32>,
    %swap3A_1017 = vector.shape_cast %swap3A_1016 : vector<1x16xf32> to vector<16xf32>
    %swap3A_1018 = vector.shape_cast %broadcast_in_dim3A_1 : vector<16xf32> to vector<1x16xf32>
    tpu.vector_store %arg9[%swap3A_1014, %swap3A_1015], %swap3A_1018 {strides = array<i32>} : memref<32x128xf32, #tpu.memory_space<vmem>>, vector<1x16xf32>,
    %swap3A_1019 = arith.constant 20 : i32
    %swap3A_1020 = arith.index_cast %swap3A_1019 : i32 to index
    %swap3A_1021 = arith.constant 64 : index
    %swap3A_1022 = tpu.vector_load %arg9[%swap3A_1020, %swap3A_1021] {strides = array<i32>} : memref<32x128xf32, #tpu.memory_space<vmem>>, vector<1x16xf32>,
    %swap3A_1023 = vector.shape_cast %swap3A_1022 : vector<1x16xf32> to vector<16xf32>
    %swap3A_1024 = vector.shape_cast %broadcast_in_dim3A_1 : vector<16xf32> to vector<1x16xf32>
    tpu.vector_store %arg9[%swap3A_1020, %swap3A_1021], %swap3A_1024 {strides = array<i32>} : memref<32x128xf32, #tpu.memory_space<vmem>>, vector<1x16xf32>,
    %swap3A_1025 = arith.constant 20 : i32
    %swap3A_1026 = arith.index_cast %swap3A_1025 : i32 to index
    %swap3A_1027 = arith.constant 80 : index
    %swap3A_1028 = tpu.vector_load %arg9[%swap3A_1026, %swap3A_1027] {strides = array<i32>} : memref<32x128xf32, #tpu.memory_space<vmem>>, vector<1x16xf32>,
    %swap3A_1029 = vector.shape_cast %swap3A_1028 : vector<1x16xf32> to vector<16xf32>
    %swap3A_1030 = vector.shape_cast %broadcast_in_dim3A_1 : vector<16xf32> to vector<1x16xf32>
    tpu.vector_store %arg9[%swap3A_1026, %swap3A_1027], %swap3A_1030 {strides = array<i32>} : memref<32x128xf32, #tpu.memory_space<vmem>>, vector<1x16xf32>,
    %swap3A_1031 = arith.constant 20 : i32
    %swap3A_1032 = arith.index_cast %swap3A_1031 : i32 to index
    %swap3A_1033 = arith.constant 96 : index
    %swap3A_1034 = tpu.vector_load %arg9[%swap3A_1032, %swap3A_1033] {strides = array<i32>} : memref<32x128xf32, #tpu.memory_space<vmem>>, vector<1x16xf32>,
    %swap3A_1035 = vector.shape_cast %swap3A_1034 : vector<1x16xf32> to vector<16xf32>
    %swap3A_1036 = vector.shape_cast %broadcast_in_dim3A_1 : vector<16xf32> to vector<1x16xf32>
    tpu.vector_store %arg9[%swap3A_1032, %swap3A_1033], %swap3A_1036 {strides = array<i32>} : memref<32x128xf32, #tpu.memory_space<vmem>>, vector<1x16xf32>,
    %swap3A_1037 = arith.constant 20 : i32
    %swap3A_1038 = arith.index_cast %swap3A_1037 : i32 to index
    %swap3A_1039 = arith.constant 112 : index
    %swap3A_1040 = tpu.vector_load %arg9[%swap3A_1038, %swap3A_1039] {strides = array<i32>} : memref<32x128xf32, #tpu.memory_space<vmem>>, vector<1x16xf32>,
    %swap3A_1041 = vector.shape_cast %swap3A_1040 : vector<1x16xf32> to vector<16xf32>
    %swap3A_1042 = vector.shape_cast %broadcast_in_dim3A_1 : vector<16xf32> to vector<1x16xf32>
    tpu.vector_store %arg9[%swap3A_1038, %swap3A_1039], %swap3A_1042 {strides = array<i32>} : memref<32x128xf32, #tpu.memory_space<vmem>>, vector<1x16xf32>,
    %swap3A_1043 = arith.constant 21 : i32
    %swap3A_1044 = arith.index_cast %swap3A_1043 : i32 to index
    %swap3A_1045 = arith.constant 0 : index
    %swap3A_1046 = tpu.vector_load %arg9[%swap3A_1044, %swap3A_1045] {strides = array<i32>} : memref<32x128xf32, #tpu.memory_space<vmem>>, vector<1x16xf32>,
    %swap3A_1047 = vector.shape_cast %swap3A_1046 : vector<1x16xf32> to vector<16xf32>
    %swap3A_1048 = vector.shape_cast %broadcast_in_dim3A_1 : vector<16xf32> to vector<1x16xf32>
    tpu.vector_store %arg9[%swap3A_1044, %swap3A_1045], %swap3A_1048 {strides = array<i32>} : memref<32x128xf32, #tpu.memory_space<vmem>>, vector<1x16xf32>,
    %swap3A_1049 = arith.constant 21 : i32
    %swap3A_1050 = arith.index_cast %swap3A_1049 : i32 to index
    %swap3A_1051 = arith.constant 16 : index
    %swap3A_1052 = tpu.vector_load %arg9[%swap3A_1050, %swap3A_1051] {strides = array<i32>} : memref<32x128xf32, #tpu.memory_space<vmem>>, vector<1x16xf32>,
    %swap3A_1053 = vector.shape_cast %swap3A_1052 : vector<1x16xf32> to vector<16xf32>
    %swap3A_1054 = vector.shape_cast %broadcast_in_dim3A_1 : vector<16xf32> to vector<1x16xf32>
    tpu.vector_store %arg9[%swap3A_1050, %swap3A_1051], %swap3A_1054 {strides = array<i32>} : memref<32x128xf32, #tpu.memory_space<vmem>>, vector<1x16xf32>,
    %swap3A_1055 = arith.constant 21 : i32
    %swap3A_1056 = arith.index_cast %swap3A_1055 : i32 to index
    %swap3A_1057 = arith.constant 32 : index
    %swap3A_1058 = tpu.vector_load %arg9[%swap3A_1056, %swap3A_1057] {strides = array<i32>} : memref<32x128xf32, #tpu.memory_space<vmem>>, vector<1x16xf32>,
    %swap3A_1059 = vector.shape_cast %swap3A_1058 : vector<1x16xf32> to vector<16xf32>
    %swap3A_1060 = vector.shape_cast %broadcast_in_dim3A_1 : vector<16xf32> to vector<1x16xf32>
    tpu.vector_store %arg9[%swap3A_1056, %swap3A_1057], %swap3A_1060 {strides = array<i32>} : memref<32x128xf32, #tpu.memory_space<vmem>>, vector<1x16xf32>,
    %swap3A_1061 = arith.constant 21 : i32
    %swap3A_1062 = arith.index_cast %swap3A_1061 : i32 to index
    %swap3A_1063 = arith.constant 48 : index
    %swap3A_1064 = tpu.vector_load %arg9[%swap3A_1062, %swap3A_1063] {strides = array<i32>} : memref<32x128xf32, #tpu.memory_space<vmem>>, vector<1x16xf32>,
    %swap3A_1065 = vector.shape_cast %swap3A_1064 : vector<1x16xf32> to vector<16xf32>
    %swap3A_1066 = vector.shape_cast %broadcast_in_dim3A_1 : vector<16xf32> to vector<1x16xf32>
    tpu.vector_store %arg9[%swap3A_1062, %swap3A_1063], %swap3A_1066 {strides = array<i32>} : memref<32x128xf32, #tpu.memory_space<vmem>>, vector<1x16xf32>,
    %swap3A_1067 = arith.constant 21 : i32
    %swap3A_1068 = arith.index_cast %swap3A_1067 : i32 to index
    %swap3A_1069 = arith.constant 64 : index
    %swap3A_1070 = tpu.vector_load %arg9[%swap3A_1068, %swap3A_1069] {strides = array<i32>} : memref<32x128xf32, #tpu.memory_space<vmem>>, vector<1x16xf32>,
    %swap3A_1071 = vector.shape_cast %swap3A_1070 : vector<1x16xf32> to vector<16xf32>
    %swap3A_1072 = vector.shape_cast %broadcast_in_dim3A_1 : vector<16xf32> to vector<1x16xf32>
    tpu.vector_store %arg9[%swap3A_1068, %swap3A_1069], %swap3A_1072 {strides = array<i32>} : memref<32x128xf32, #tpu.memory_space<vmem>>, vector<1x16xf32>,
    %swap3A_1073 = arith.constant 21 : i32
    %swap3A_1074 = arith.index_cast %swap3A_1073 : i32 to index
    %swap3A_1075 = arith.constant 80 : index
    %swap3A_1076 = tpu.vector_load %arg9[%swap3A_1074, %swap3A_1075] {strides = array<i32>} : memref<32x128xf32, #tpu.memory_space<vmem>>, vector<1x16xf32>,
    %swap3A_1077 = vector.shape_cast %swap3A_1076 : vector<1x16xf32> to vector<16xf32>
    %swap3A_1078 = vector.shape_cast %broadcast_in_dim3A_1 : vector<16xf32> to vector<1x16xf32>
    tpu.vector_store %arg9[%swap3A_1074, %swap3A_1075], %swap3A_1078 {strides = array<i32>} : memref<32x128xf32, #tpu.memory_space<vmem>>, vector<1x16xf32>,
    %swap3A_1079 = arith.constant 21 : i32
    %swap3A_1080 = arith.index_cast %swap3A_1079 : i32 to index
    %swap3A_1081 = arith.constant 96 : index
    %swap3A_1082 = tpu.vector_load %arg9[%swap3A_1080, %swap3A_1081] {strides = array<i32>} : memref<32x128xf32, #tpu.memory_space<vmem>>, vector<1x16xf32>,
    %swap3A_1083 = vector.shape_cast %swap3A_1082 : vector<1x16xf32> to vector<16xf32>
    %swap3A_1084 = vector.shape_cast %broadcast_in_dim3A_1 : vector<16xf32> to vector<1x16xf32>
    tpu.vector_store %arg9[%swap3A_1080, %swap3A_1081], %swap3A_1084 {strides = array<i32>} : memref<32x128xf32, #tpu.memory_space<vmem>>, vector<1x16xf32>,
    %swap3A_1085 = arith.constant 21 : i32
    %swap3A_1086 = arith.index_cast %swap3A_1085 : i32 to index
    %swap3A_1087 = arith.constant 112 : index
    %swap3A_1088 = tpu.vector_load %arg9[%swap3A_1086, %swap3A_1087] {strides = array<i32>} : memref<32x128xf32, #tpu.memory_space<vmem>>, vector<1x16xf32>,
    %swap3A_1089 = vector.shape_cast %swap3A_1088 : vector<1x16xf32> to vector<16xf32>
    %swap3A_1090 = vector.shape_cast %broadcast_in_dim3A_1 : vector<16xf32> to vector<1x16xf32>
    tpu.vector_store %arg9[%swap3A_1086, %swap3A_1087], %swap3A_1090 {strides = array<i32>} : memref<32x128xf32, #tpu.memory_space<vmem>>, vector<1x16xf32>,
    %swap3A_1091 = arith.constant 22 : i32
    %swap3A_1092 = arith.index_cast %swap3A_1091 : i32 to index
    %swap3A_1093 = arith.constant 0 : index
    %swap3A_1094 = tpu.vector_load %arg9[%swap3A_1092, %swap3A_1093] {strides = array<i32>} : memref<32x128xf32, #tpu.memory_space<vmem>>, vector<1x16xf32>,
    %swap3A_1095 = vector.shape_cast %swap3A_1094 : vector<1x16xf32> to vector<16xf32>
    %swap3A_1096 = vector.shape_cast %broadcast_in_dim3A_1 : vector<16xf32> to vector<1x16xf32>
    tpu.vector_store %arg9[%swap3A_1092, %swap3A_1093], %swap3A_1096 {strides = array<i32>} : memref<32x128xf32, #tpu.memory_space<vmem>>, vector<1x16xf32>,
    %swap3A_1097 = arith.constant 22 : i32
    %swap3A_1098 = arith.index_cast %swap3A_1097 : i32 to index
    %swap3A_1099 = arith.constant 16 : index
    %swap3A_1100 = tpu.vector_load %arg9[%swap3A_1098, %swap3A_1099] {strides = array<i32>} : memref<32x128xf32, #tpu.memory_space<vmem>>, vector<1x16xf32>,
    %swap3A_1101 = vector.shape_cast %swap3A_1100 : vector<1x16xf32> to vector<16xf32>
    %swap3A_1102 = vector.shape_cast %broadcast_in_dim3A_1 : vector<16xf32> to vector<1x16xf32>
    tpu.vector_store %arg9[%swap3A_1098, %swap3A_1099], %swap3A_1102 {strides = array<i32>} : memref<32x128xf32, #tpu.memory_space<vmem>>, vector<1x16xf32>,
    %swap3A_1103 = arith.constant 22 : i32
    %swap3A_1104 = arith.index_cast %swap3A_1103 : i32 to index
    %swap3A_1105 = arith.constant 32 : index
    %swap3A_1106 = tpu.vector_load %arg9[%swap3A_1104, %swap3A_1105] {strides = array<i32>} : memref<32x128xf32, #tpu.memory_space<vmem>>, vector<1x16xf32>,
    %swap3A_1107 = vector.shape_cast %swap3A_1106 : vector<1x16xf32> to vector<16xf32>
    %swap3A_1108 = vector.shape_cast %broadcast_in_dim3A_1 : vector<16xf32> to vector<1x16xf32>
    tpu.vector_store %arg9[%swap3A_1104, %swap3A_1105], %swap3A_1108 {strides = array<i32>} : memref<32x128xf32, #tpu.memory_space<vmem>>, vector<1x16xf32>,
    %swap3A_1109 = arith.constant 22 : i32
    %swap3A_1110 = arith.index_cast %swap3A_1109 : i32 to index
    %swap3A_1111 = arith.constant 48 : index
    %swap3A_1112 = tpu.vector_load %arg9[%swap3A_1110, %swap3A_1111] {strides = array<i32>} : memref<32x128xf32, #tpu.memory_space<vmem>>, vector<1x16xf32>,
    %swap3A_1113 = vector.shape_cast %swap3A_1112 : vector<1x16xf32> to vector<16xf32>
    %swap3A_1114 = vector.shape_cast %broadcast_in_dim3A_1 : vector<16xf32> to vector<1x16xf32>
    tpu.vector_store %arg9[%swap3A_1110, %swap3A_1111], %swap3A_1114 {strides = array<i32>} : memref<32x128xf32, #tpu.memory_space<vmem>>, vector<1x16xf32>,
    %swap3A_1115 = arith.constant 22 : i32
    %swap3A_1116 = arith.index_cast %swap3A_1115 : i32 to index
    %swap3A_1117 = arith.constant 64 : index
    %swap3A_1118 = tpu.vector_load %arg9[%swap3A_1116, %swap3A_1117] {strides = array<i32>} : memref<32x128xf32, #tpu.memory_space<vmem>>, vector<1x16xf32>,
    %swap3A_1119 = vector.shape_cast %swap3A_1118 : vector<1x16xf32> to vector<16xf32>
    %swap3A_1120 = vector.shape_cast %broadcast_in_dim3A_1 : vector<16xf32> to vector<1x16xf32>
    tpu.vector_store %arg9[%swap3A_1116, %swap3A_1117], %swap3A_1120 {strides = array<i32>} : memref<32x128xf32, #tpu.memory_space<vmem>>, vector<1x16xf32>,
    %swap3A_1121 = arith.constant 22 : i32
    %swap3A_1122 = arith.index_cast %swap3A_1121 : i32 to index
    %swap3A_1123 = arith.constant 80 : index
    %swap3A_1124 = tpu.vector_load %arg9[%swap3A_1122, %swap3A_1123] {strides = array<i32>} : memref<32x128xf32, #tpu.memory_space<vmem>>, vector<1x16xf32>,
    %swap3A_1125 = vector.shape_cast %swap3A_1124 : vector<1x16xf32> to vector<16xf32>
    %swap3A_1126 = vector.shape_cast %broadcast_in_dim3A_1 : vector<16xf32> to vector<1x16xf32>
    tpu.vector_store %arg9[%swap3A_1122, %swap3A_1123], %swap3A_1126 {strides = array<i32>} : memref<32x128xf32, #tpu.memory_space<vmem>>, vector<1x16xf32>,
    %swap3A_1127 = arith.constant 22 : i32
    %swap3A_1128 = arith.index_cast %swap3A_1127 : i32 to index
    %swap3A_1129 = arith.constant 96 : index
    %swap3A_1130 = tpu.vector_load %arg9[%swap3A_1128, %swap3A_1129] {strides = array<i32>} : memref<32x128xf32, #tpu.memory_space<vmem>>, vector<1x16xf32>,
    %swap3A_1131 = vector.shape_cast %swap3A_1130 : vector<1x16xf32> to vector<16xf32>
    %swap3A_1132 = vector.shape_cast %broadcast_in_dim3A_1 : vector<16xf32> to vector<1x16xf32>
    tpu.vector_store %arg9[%swap3A_1128, %swap3A_1129], %swap3A_1132 {strides = array<i32>} : memref<32x128xf32, #tpu.memory_space<vmem>>, vector<1x16xf32>,
    %swap3A_1133 = arith.constant 22 : i32
    %swap3A_1134 = arith.index_cast %swap3A_1133 : i32 to index
    %swap3A_1135 = arith.constant 112 : index
    %swap3A_1136 = tpu.vector_load %arg9[%swap3A_1134, %swap3A_1135] {strides = array<i32>} : memref<32x128xf32, #tpu.memory_space<vmem>>, vector<1x16xf32>,
    %swap3A_1137 = vector.shape_cast %swap3A_1136 : vector<1x16xf32> to vector<16xf32>
    %swap3A_1138 = vector.shape_cast %broadcast_in_dim3A_1 : vector<16xf32> to vector<1x16xf32>
    tpu.vector_store %arg9[%swap3A_1134, %swap3A_1135], %swap3A_1138 {strides = array<i32>} : memref<32x128xf32, #tpu.memory_space<vmem>>, vector<1x16xf32>,
    %swap3A_1139 = arith.constant 23 : i32
    %swap3A_1140 = arith.index_cast %swap3A_1139 : i32 to index
    %swap3A_1141 = arith.constant 0 : index
    %swap3A_1142 = tpu.vector_load %arg9[%swap3A_1140, %swap3A_1141] {strides = array<i32>} : memref<32x128xf32, #tpu.memory_space<vmem>>, vector<1x16xf32>,
    %swap3A_1143 = vector.shape_cast %swap3A_1142 : vector<1x16xf32> to vector<16xf32>
    %swap3A_1144 = vector.shape_cast %broadcast_in_dim3A_1 : vector<16xf32> to vector<1x16xf32>
    tpu.vector_store %arg9[%swap3A_1140, %swap3A_1141], %swap3A_1144 {strides = array<i32>} : memref<32x128xf32, #tpu.memory_space<vmem>>, vector<1x16xf32>,
    %swap3A_1145 = arith.constant 23 : i32
    %swap3A_1146 = arith.index_cast %swap3A_1145 : i32 to index
    %swap3A_1147 = arith.constant 16 : index
    %swap3A_1148 = tpu.vector_load %arg9[%swap3A_1146, %swap3A_1147] {strides = array<i32>} : memref<32x128xf32, #tpu.memory_space<vmem>>, vector<1x16xf32>,
    %swap3A_1149 = vector.shape_cast %swap3A_1148 : vector<1x16xf32> to vector<16xf32>
    %swap3A_1150 = vector.shape_cast %broadcast_in_dim3A_1 : vector<16xf32> to vector<1x16xf32>
    tpu.vector_store %arg9[%swap3A_1146, %swap3A_1147], %swap3A_1150 {strides = array<i32>} : memref<32x128xf32, #tpu.memory_space<vmem>>, vector<1x16xf32>,
    %swap3A_1151 = arith.constant 23 : i32
    %swap3A_1152 = arith.index_cast %swap3A_1151 : i32 to index
    %swap3A_1153 = arith.constant 32 : index
    %swap3A_1154 = tpu.vector_load %arg9[%swap3A_1152, %swap3A_1153] {strides = array<i32>} : memref<32x128xf32, #tpu.memory_space<vmem>>, vector<1x16xf32>,
    %swap3A_1155 = vector.shape_cast %swap3A_1154 : vector<1x16xf32> to vector<16xf32>
    %swap3A_1156 = vector.shape_cast %broadcast_in_dim3A_1 : vector<16xf32> to vector<1x16xf32>
    tpu.vector_store %arg9[%swap3A_1152, %swap3A_1153], %swap3A_1156 {strides = array<i32>} : memref<32x128xf32, #tpu.memory_space<vmem>>, vector<1x16xf32>,
    %swap3A_1157 = arith.constant 23 : i32
    %swap3A_1158 = arith.index_cast %swap3A_1157 : i32 to index
    %swap3A_1159 = arith.constant 48 : index
    %swap3A_1160 = tpu.vector_load %arg9[%swap3A_1158, %swap3A_1159] {strides = array<i32>} : memref<32x128xf32, #tpu.memory_space<vmem>>, vector<1x16xf32>,
    %swap3A_1161 = vector.shape_cast %swap3A_1160 : vector<1x16xf32> to vector<16xf32>
    %swap3A_1162 = vector.shape_cast %broadcast_in_dim3A_1 : vector<16xf32> to vector<1x16xf32>
    tpu.vector_store %arg9[%swap3A_1158, %swap3A_1159], %swap3A_1162 {strides = array<i32>} : memref<32x128xf32, #tpu.memory_space<vmem>>, vector<1x16xf32>,
    %swap3A_1163 = arith.constant 23 : i32
    %swap3A_1164 = arith.index_cast %swap3A_1163 : i32 to index
    %swap3A_1165 = arith.constant 64 : index
    %swap3A_1166 = tpu.vector_load %arg9[%swap3A_1164, %swap3A_1165] {strides = array<i32>} : memref<32x128xf32, #tpu.memory_space<vmem>>, vector<1x16xf32>,
    %swap3A_1167 = vector.shape_cast %swap3A_1166 : vector<1x16xf32> to vector<16xf32>
    %swap3A_1168 = vector.shape_cast %broadcast_in_dim3A_1 : vector<16xf32> to vector<1x16xf32>
    tpu.vector_store %arg9[%swap3A_1164, %swap3A_1165], %swap3A_1168 {strides = array<i32>} : memref<32x128xf32, #tpu.memory_space<vmem>>, vector<1x16xf32>,
    %swap3A_1169 = arith.constant 23 : i32
    %swap3A_1170 = arith.index_cast %swap3A_1169 : i32 to index
    %swap3A_1171 = arith.constant 80 : index
    %swap3A_1172 = tpu.vector_load %arg9[%swap3A_1170, %swap3A_1171] {strides = array<i32>} : memref<32x128xf32, #tpu.memory_space<vmem>>, vector<1x16xf32>,
    %swap3A_1173 = vector.shape_cast %swap3A_1172 : vector<1x16xf32> to vector<16xf32>
    %swap3A_1174 = vector.shape_cast %broadcast_in_dim3A_1 : vector<16xf32> to vector<1x16xf32>
    tpu.vector_store %arg9[%swap3A_1170, %swap3A_1171], %swap3A_1174 {strides = array<i32>} : memref<32x128xf32, #tpu.memory_space<vmem>>, vector<1x16xf32>,
    %swap3A_1175 = arith.constant 23 : i32
    %swap3A_1176 = arith.index_cast %swap3A_1175 : i32 to index
    %swap3A_1177 = arith.constant 96 : index
    %swap3A_1178 = tpu.vector_load %arg9[%swap3A_1176, %swap3A_1177] {strides = array<i32>} : memref<32x128xf32, #tpu.memory_space<vmem>>, vector<1x16xf32>,
    %swap3A_1179 = vector.shape_cast %swap3A_1178 : vector<1x16xf32> to vector<16xf32>
    %swap3A_1180 = vector.shape_cast %broadcast_in_dim3A_1 : vector<16xf32> to vector<1x16xf32>
    tpu.vector_store %arg9[%swap3A_1176, %swap3A_1177], %swap3A_1180 {strides = array<i32>} : memref<32x128xf32, #tpu.memory_space<vmem>>, vector<1x16xf32>,
    %swap3A_1181 = arith.constant 23 : i32
    %swap3A_1182 = arith.index_cast %swap3A_1181 : i32 to index
    %swap3A_1183 = arith.constant 112 : index
    %swap3A_1184 = tpu.vector_load %arg9[%swap3A_1182, %swap3A_1183] {strides = array<i32>} : memref<32x128xf32, #tpu.memory_space<vmem>>, vector<1x16xf32>,
    %swap3A_1185 = vector.shape_cast %swap3A_1184 : vector<1x16xf32> to vector<16xf32>
    %swap3A_1186 = vector.shape_cast %broadcast_in_dim3A_1 : vector<16xf32> to vector<1x16xf32>
    tpu.vector_store %arg9[%swap3A_1182, %swap3A_1183], %swap3A_1186 {strides = array<i32>} : memref<32x128xf32, #tpu.memory_space<vmem>>, vector<1x16xf32>,
    %swap3A_1187 = arith.constant 24 : i32
    %swap3A_1188 = arith.index_cast %swap3A_1187 : i32 to index
    %swap3A_1189 = arith.constant 0 : index
    %swap3A_1190 = tpu.vector_load %arg9[%swap3A_1188, %swap3A_1189] {strides = array<i32>} : memref<32x128xf32, #tpu.memory_space<vmem>>, vector<1x16xf32>,
    %swap3A_1191 = vector.shape_cast %swap3A_1190 : vector<1x16xf32> to vector<16xf32>
    %swap3A_1192 = vector.shape_cast %broadcast_in_dim3A_1 : vector<16xf32> to vector<1x16xf32>
    tpu.vector_store %arg9[%swap3A_1188, %swap3A_1189], %swap3A_1192 {strides = array<i32>} : memref<32x128xf32, #tpu.memory_space<vmem>>, vector<1x16xf32>,
    %swap3A_1193 = arith.constant 24 : i32
    %swap3A_1194 = arith.index_cast %swap3A_1193 : i32 to index
    %swap3A_1195 = arith.constant 16 : index
    %swap3A_1196 = tpu.vector_load %arg9[%swap3A_1194, %swap3A_1195] {strides = array<i32>} : memref<32x128xf32, #tpu.memory_space<vmem>>, vector<1x16xf32>,
    %swap3A_1197 = vector.shape_cast %swap3A_1196 : vector<1x16xf32> to vector<16xf32>
    %swap3A_1198 = vector.shape_cast %broadcast_in_dim3A_1 : vector<16xf32> to vector<1x16xf32>
    tpu.vector_store %arg9[%swap3A_1194, %swap3A_1195], %swap3A_1198 {strides = array<i32>} : memref<32x128xf32, #tpu.memory_space<vmem>>, vector<1x16xf32>,
    %swap3A_1199 = arith.constant 24 : i32
    %swap3A_1200 = arith.index_cast %swap3A_1199 : i32 to index
    %swap3A_1201 = arith.constant 32 : index
    %swap3A_1202 = tpu.vector_load %arg9[%swap3A_1200, %swap3A_1201] {strides = array<i32>} : memref<32x128xf32, #tpu.memory_space<vmem>>, vector<1x16xf32>,
    %swap3A_1203 = vector.shape_cast %swap3A_1202 : vector<1x16xf32> to vector<16xf32>
    %swap3A_1204 = vector.shape_cast %broadcast_in_dim3A_1 : vector<16xf32> to vector<1x16xf32>
    tpu.vector_store %arg9[%swap3A_1200, %swap3A_1201], %swap3A_1204 {strides = array<i32>} : memref<32x128xf32, #tpu.memory_space<vmem>>, vector<1x16xf32>,
    %swap3A_1205 = arith.constant 24 : i32
    %swap3A_1206 = arith.index_cast %swap3A_1205 : i32 to index
    %swap3A_1207 = arith.constant 48 : index
    %swap3A_1208 = tpu.vector_load %arg9[%swap3A_1206, %swap3A_1207] {strides = array<i32>} : memref<32x128xf32, #tpu.memory_space<vmem>>, vector<1x16xf32>,
    %swap3A_1209 = vector.shape_cast %swap3A_1208 : vector<1x16xf32> to vector<16xf32>
    %swap3A_1210 = vector.shape_cast %broadcast_in_dim3A_1 : vector<16xf32> to vector<1x16xf32>
    tpu.vector_store %arg9[%swap3A_1206, %swap3A_1207], %swap3A_1210 {strides = array<i32>} : memref<32x128xf32, #tpu.memory_space<vmem>>, vector<1x16xf32>,
    %swap3A_1211 = arith.constant 24 : i32
    %swap3A_1212 = arith.index_cast %swap3A_1211 : i32 to index
    %swap3A_1213 = arith.constant 64 : index
    %swap3A_1214 = tpu.vector_load %arg9[%swap3A_1212, %swap3A_1213] {strides = array<i32>} : memref<32x128xf32, #tpu.memory_space<vmem>>, vector<1x16xf32>,
    %swap3A_1215 = vector.shape_cast %swap3A_1214 : vector<1x16xf32> to vector<16xf32>
    %swap3A_1216 = vector.shape_cast %broadcast_in_dim3A_1 : vector<16xf32> to vector<1x16xf32>
    tpu.vector_store %arg9[%swap3A_1212, %swap3A_1213], %swap3A_1216 {strides = array<i32>} : memref<32x128xf32, #tpu.memory_space<vmem>>, vector<1x16xf32>,
    %swap3A_1217 = arith.constant 24 : i32
    %swap3A_1218 = arith.index_cast %swap3A_1217 : i32 to index
    %swap3A_1219 = arith.constant 80 : index
    %swap3A_1220 = tpu.vector_load %arg9[%swap3A_1218, %swap3A_1219] {strides = array<i32>} : memref<32x128xf32, #tpu.memory_space<vmem>>, vector<1x16xf32>,
    %swap3A_1221 = vector.shape_cast %swap3A_1220 : vector<1x16xf32> to vector<16xf32>
    %swap3A_1222 = vector.shape_cast %broadcast_in_dim3A_1 : vector<16xf32> to vector<1x16xf32>
    tpu.vector_store %arg9[%swap3A_1218, %swap3A_1219], %swap3A_1222 {strides = array<i32>} : memref<32x128xf32, #tpu.memory_space<vmem>>, vector<1x16xf32>,
    %swap3A_1223 = arith.constant 24 : i32
    %swap3A_1224 = arith.index_cast %swap3A_1223 : i32 to index
    %swap3A_1225 = arith.constant 96 : index
    %swap3A_1226 = tpu.vector_load %arg9[%swap3A_1224, %swap3A_1225] {strides = array<i32>} : memref<32x128xf32, #tpu.memory_space<vmem>>, vector<1x16xf32>,
    %swap3A_1227 = vector.shape_cast %swap3A_1226 : vector<1x16xf32> to vector<16xf32>
    %swap3A_1228 = vector.shape_cast %broadcast_in_dim3A_1 : vector<16xf32> to vector<1x16xf32>
    tpu.vector_store %arg9[%swap3A_1224, %swap3A_1225], %swap3A_1228 {strides = array<i32>} : memref<32x128xf32, #tpu.memory_space<vmem>>, vector<1x16xf32>,
    %swap3A_1229 = arith.constant 24 : i32
    %swap3A_1230 = arith.index_cast %swap3A_1229 : i32 to index
    %swap3A_1231 = arith.constant 112 : index
    %swap3A_1232 = tpu.vector_load %arg9[%swap3A_1230, %swap3A_1231] {strides = array<i32>} : memref<32x128xf32, #tpu.memory_space<vmem>>, vector<1x16xf32>,
    %swap3A_1233 = vector.shape_cast %swap3A_1232 : vector<1x16xf32> to vector<16xf32>
    %swap3A_1234 = vector.shape_cast %broadcast_in_dim3A_1 : vector<16xf32> to vector<1x16xf32>
    tpu.vector_store %arg9[%swap3A_1230, %swap3A_1231], %swap3A_1234 {strides = array<i32>} : memref<32x128xf32, #tpu.memory_space<vmem>>, vector<1x16xf32>,
    %swap3A_1235 = arith.constant 25 : i32
    %swap3A_1236 = arith.index_cast %swap3A_1235 : i32 to index
    %swap3A_1237 = arith.constant 0 : index
    %swap3A_1238 = tpu.vector_load %arg9[%swap3A_1236, %swap3A_1237] {strides = array<i32>} : memref<32x128xf32, #tpu.memory_space<vmem>>, vector<1x16xf32>,
    %swap3A_1239 = vector.shape_cast %swap3A_1238 : vector<1x16xf32> to vector<16xf32>
    %swap3A_1240 = vector.shape_cast %broadcast_in_dim3A_1 : vector<16xf32> to vector<1x16xf32>
    tpu.vector_store %arg9[%swap3A_1236, %swap3A_1237], %swap3A_1240 {strides = array<i32>} : memref<32x128xf32, #tpu.memory_space<vmem>>, vector<1x16xf32>,
    %swap3A_1241 = arith.constant 25 : i32
    %swap3A_1242 = arith.index_cast %swap3A_1241 : i32 to index
    %swap3A_1243 = arith.constant 16 : index
    %swap3A_1244 = tpu.vector_load %arg9[%swap3A_1242, %swap3A_1243] {strides = array<i32>} : memref<32x128xf32, #tpu.memory_space<vmem>>, vector<1x16xf32>,
    %swap3A_1245 = vector.shape_cast %swap3A_1244 : vector<1x16xf32> to vector<16xf32>
    %swap3A_1246 = vector.shape_cast %broadcast_in_dim3A_1 : vector<16xf32> to vector<1x16xf32>
    tpu.vector_store %arg9[%swap3A_1242, %swap3A_1243], %swap3A_1246 {strides = array<i32>} : memref<32x128xf32, #tpu.memory_space<vmem>>, vector<1x16xf32>,
    %swap3A_1247 = arith.constant 25 : i32
    %swap3A_1248 = arith.index_cast %swap3A_1247 : i32 to index
    %swap3A_1249 = arith.constant 32 : index
    %swap3A_1250 = tpu.vector_load %arg9[%swap3A_1248, %swap3A_1249] {strides = array<i32>} : memref<32x128xf32, #tpu.memory_space<vmem>>, vector<1x16xf32>,
    %swap3A_1251 = vector.shape_cast %swap3A_1250 : vector<1x16xf32> to vector<16xf32>
    %swap3A_1252 = vector.shape_cast %broadcast_in_dim3A_1 : vector<16xf32> to vector<1x16xf32>
    tpu.vector_store %arg9[%swap3A_1248, %swap3A_1249], %swap3A_1252 {strides = array<i32>} : memref<32x128xf32, #tpu.memory_space<vmem>>, vector<1x16xf32>,
    %swap3A_1253 = arith.constant 25 : i32
    %swap3A_1254 = arith.index_cast %swap3A_1253 : i32 to index
    %swap3A_1255 = arith.constant 48 : index
    %swap3A_1256 = tpu.vector_load %arg9[%swap3A_1254, %swap3A_1255] {strides = array<i32>} : memref<32x128xf32, #tpu.memory_space<vmem>>, vector<1x16xf32>,
    %swap3A_1257 = vector.shape_cast %swap3A_1256 : vector<1x16xf32> to vector<16xf32>
    %swap3A_1258 = vector.shape_cast %broadcast_in_dim3A_1 : vector<16xf32> to vector<1x16xf32>
    tpu.vector_store %arg9[%swap3A_1254, %swap3A_1255], %swap3A_1258 {strides = array<i32>} : memref<32x128xf32, #tpu.memory_space<vmem>>, vector<1x16xf32>,
    %swap3A_1259 = arith.constant 25 : i32
    %swap3A_1260 = arith.index_cast %swap3A_1259 : i32 to index
    %swap3A_1261 = arith.constant 64 : index
    %swap3A_1262 = tpu.vector_load %arg9[%swap3A_1260, %swap3A_1261] {strides = array<i32>} : memref<32x128xf32, #tpu.memory_space<vmem>>, vector<1x16xf32>,
    %swap3A_1263 = vector.shape_cast %swap3A_1262 : vector<1x16xf32> to vector<16xf32>
    %swap3A_1264 = vector.shape_cast %broadcast_in_dim3A_1 : vector<16xf32> to vector<1x16xf32>
    tpu.vector_store %arg9[%swap3A_1260, %swap3A_1261], %swap3A_1264 {strides = array<i32>} : memref<32x128xf32, #tpu.memory_space<vmem>>, vector<1x16xf32>,
    %swap3A_1265 = arith.constant 25 : i32
    %swap3A_1266 = arith.index_cast %swap3A_1265 : i32 to index
    %swap3A_1267 = arith.constant 80 : index
    %swap3A_1268 = tpu.vector_load %arg9[%swap3A_1266, %swap3A_1267] {strides = array<i32>} : memref<32x128xf32, #tpu.memory_space<vmem>>, vector<1x16xf32>,
    %swap3A_1269 = vector.shape_cast %swap3A_1268 : vector<1x16xf32> to vector<16xf32>
    %swap3A_1270 = vector.shape_cast %broadcast_in_dim3A_1 : vector<16xf32> to vector<1x16xf32>
    tpu.vector_store %arg9[%swap3A_1266, %swap3A_1267], %swap3A_1270 {strides = array<i32>} : memref<32x128xf32, #tpu.memory_space<vmem>>, vector<1x16xf32>,
    %swap3A_1271 = arith.constant 25 : i32
    %swap3A_1272 = arith.index_cast %swap3A_1271 : i32 to index
    %swap3A_1273 = arith.constant 96 : index
    %swap3A_1274 = tpu.vector_load %arg9[%swap3A_1272, %swap3A_1273] {strides = array<i32>} : memref<32x128xf32, #tpu.memory_space<vmem>>, vector<1x16xf32>,
    %swap3A_1275 = vector.shape_cast %swap3A_1274 : vector<1x16xf32> to vector<16xf32>
    %swap3A_1276 = vector.shape_cast %broadcast_in_dim3A_1 : vector<16xf32> to vector<1x16xf32>
    tpu.vector_store %arg9[%swap3A_1272, %swap3A_1273], %swap3A_1276 {strides = array<i32>} : memref<32x128xf32, #tpu.memory_space<vmem>>, vector<1x16xf32>,
    %swap3A_1277 = arith.constant 25 : i32
    %swap3A_1278 = arith.index_cast %swap3A_1277 : i32 to index
    %swap3A_1279 = arith.constant 112 : index
    %swap3A_1280 = tpu.vector_load %arg9[%swap3A_1278, %swap3A_1279] {strides = array<i32>} : memref<32x128xf32, #tpu.memory_space<vmem>>, vector<1x16xf32>,
    %swap3A_1281 = vector.shape_cast %swap3A_1280 : vector<1x16xf32> to vector<16xf32>
    %swap3A_1282 = vector.shape_cast %broadcast_in_dim3A_1 : vector<16xf32> to vector<1x16xf32>
    tpu.vector_store %arg9[%swap3A_1278, %swap3A_1279], %swap3A_1282 {strides = array<i32>} : memref<32x128xf32, #tpu.memory_space<vmem>>, vector<1x16xf32>,
    %swap3A_1283 = arith.constant 26 : i32
    %swap3A_1284 = arith.index_cast %swap3A_1283 : i32 to index
    %swap3A_1285 = arith.constant 0 : index
    %swap3A_1286 = tpu.vector_load %arg9[%swap3A_1284, %swap3A_1285] {strides = array<i32>} : memref<32x128xf32, #tpu.memory_space<vmem>>, vector<1x16xf32>,
    %swap3A_1287 = vector.shape_cast %swap3A_1286 : vector<1x16xf32> to vector<16xf32>
    %swap3A_1288 = vector.shape_cast %broadcast_in_dim3A_1 : vector<16xf32> to vector<1x16xf32>
    tpu.vector_store %arg9[%swap3A_1284, %swap3A_1285], %swap3A_1288 {strides = array<i32>} : memref<32x128xf32, #tpu.memory_space<vmem>>, vector<1x16xf32>,
    %swap3A_1289 = arith.constant 26 : i32
    %swap3A_1290 = arith.index_cast %swap3A_1289 : i32 to index
    %swap3A_1291 = arith.constant 16 : index
    %swap3A_1292 = tpu.vector_load %arg9[%swap3A_1290, %swap3A_1291] {strides = array<i32>} : memref<32x128xf32, #tpu.memory_space<vmem>>, vector<1x16xf32>,
    %swap3A_1293 = vector.shape_cast %swap3A_1292 : vector<1x16xf32> to vector<16xf32>
    %swap3A_1294 = vector.shape_cast %broadcast_in_dim3A_1 : vector<16xf32> to vector<1x16xf32>
    tpu.vector_store %arg9[%swap3A_1290, %swap3A_1291], %swap3A_1294 {strides = array<i32>} : memref<32x128xf32, #tpu.memory_space<vmem>>, vector<1x16xf32>,
    %swap3A_1295 = arith.constant 26 : i32
    %swap3A_1296 = arith.index_cast %swap3A_1295 : i32 to index
    %swap3A_1297 = arith.constant 32 : index
    %swap3A_1298 = tpu.vector_load %arg9[%swap3A_1296, %swap3A_1297] {strides = array<i32>} : memref<32x128xf32, #tpu.memory_space<vmem>>, vector<1x16xf32>,
    %swap3A_1299 = vector.shape_cast %swap3A_1298 : vector<1x16xf32> to vector<16xf32>
    %swap3A_1300 = vector.shape_cast %broadcast_in_dim3A_1 : vector<16xf32> to vector<1x16xf32>
    tpu.vector_store %arg9[%swap3A_1296, %swap3A_1297], %swap3A_1300 {strides = array<i32>} : memref<32x128xf32, #tpu.memory_space<vmem>>, vector<1x16xf32>,
    %swap3A_1301 = arith.constant 26 : i32
    %swap3A_1302 = arith.index_cast %swap3A_1301 : i32 to index
    %swap3A_1303 = arith.constant 48 : index
    %swap3A_1304 = tpu.vector_load %arg9[%swap3A_1302, %swap3A_1303] {strides = array<i32>} : memref<32x128xf32, #tpu.memory_space<vmem>>, vector<1x16xf32>,
    %swap3A_1305 = vector.shape_cast %swap3A_1304 : vector<1x16xf32> to vector<16xf32>
    %swap3A_1306 = vector.shape_cast %broadcast_in_dim3A_1 : vector<16xf32> to vector<1x16xf32>
    tpu.vector_store %arg9[%swap3A_1302, %swap3A_1303], %swap3A_1306 {strides = array<i32>} : memref<32x128xf32, #tpu.memory_space<vmem>>, vector<1x16xf32>,
    %swap3A_1307 = arith.constant 26 : i32
    %swap3A_1308 = arith.index_cast %swap3A_1307 : i32 to index
    %swap3A_1309 = arith.constant 64 : index
    %swap3A_1310 = tpu.vector_load %arg9[%swap3A_1308, %swap3A_1309] {strides = array<i32>} : memref<32x128xf32, #tpu.memory_space<vmem>>, vector<1x16xf32>,
    %swap3A_1311 = vector.shape_cast %swap3A_1310 : vector<1x16xf32> to vector<16xf32>
    %swap3A_1312 = vector.shape_cast %broadcast_in_dim3A_1 : vector<16xf32> to vector<1x16xf32>
    tpu.vector_store %arg9[%swap3A_1308, %swap3A_1309], %swap3A_1312 {strides = array<i32>} : memref<32x128xf32, #tpu.memory_space<vmem>>, vector<1x16xf32>,
    %swap3A_1313 = arith.constant 26 : i32
    %swap3A_1314 = arith.index_cast %swap3A_1313 : i32 to index
    %swap3A_1315 = arith.constant 80 : index
    %swap3A_1316 = tpu.vector_load %arg9[%swap3A_1314, %swap3A_1315] {strides = array<i32>} : memref<32x128xf32, #tpu.memory_space<vmem>>, vector<1x16xf32>,
    %swap3A_1317 = vector.shape_cast %swap3A_1316 : vector<1x16xf32> to vector<16xf32>
    %swap3A_1318 = vector.shape_cast %broadcast_in_dim3A_1 : vector<16xf32> to vector<1x16xf32>
    tpu.vector_store %arg9[%swap3A_1314, %swap3A_1315], %swap3A_1318 {strides = array<i32>} : memref<32x128xf32, #tpu.memory_space<vmem>>, vector<1x16xf32>,
    %swap3A_1319 = arith.constant 26 : i32
    %swap3A_1320 = arith.index_cast %swap3A_1319 : i32 to index
    %swap3A_1321 = arith.constant 96 : index
    %swap3A_1322 = tpu.vector_load %arg9[%swap3A_1320, %swap3A_1321] {strides = array<i32>} : memref<32x128xf32, #tpu.memory_space<vmem>>, vector<1x16xf32>,
    %swap3A_1323 = vector.shape_cast %swap3A_1322 : vector<1x16xf32> to vector<16xf32>
    %swap3A_1324 = vector.shape_cast %broadcast_in_dim3A_1 : vector<16xf32> to vector<1x16xf32>
    tpu.vector_store %arg9[%swap3A_1320, %swap3A_1321], %swap3A_1324 {strides = array<i32>} : memref<32x128xf32, #tpu.memory_space<vmem>>, vector<1x16xf32>,
    %swap3A_1325 = arith.constant 26 : i32
    %swap3A_1326 = arith.index_cast %swap3A_1325 : i32 to index
    %swap3A_1327 = arith.constant 112 : index
    %swap3A_1328 = tpu.vector_load %arg9[%swap3A_1326, %swap3A_1327] {strides = array<i32>} : memref<32x128xf32, #tpu.memory_space<vmem>>, vector<1x16xf32>,
    %swap3A_1329 = vector.shape_cast %swap3A_1328 : vector<1x16xf32> to vector<16xf32>
    %swap3A_1330 = vector.shape_cast %broadcast_in_dim3A_1 : vector<16xf32> to vector<1x16xf32>
    tpu.vector_store %arg9[%swap3A_1326, %swap3A_1327], %swap3A_1330 {strides = array<i32>} : memref<32x128xf32, #tpu.memory_space<vmem>>, vector<1x16xf32>,
    %swap3A_1331 = arith.constant 27 : i32
    %swap3A_1332 = arith.index_cast %swap3A_1331 : i32 to index
    %swap3A_1333 = arith.constant 0 : index
    %swap3A_1334 = tpu.vector_load %arg9[%swap3A_1332, %swap3A_1333] {strides = array<i32>} : memref<32x128xf32, #tpu.memory_space<vmem>>, vector<1x16xf32>,
    %swap3A_1335 = vector.shape_cast %swap3A_1334 : vector<1x16xf32> to vector<16xf32>
    %swap3A_1336 = vector.shape_cast %broadcast_in_dim3A_1 : vector<16xf32> to vector<1x16xf32>
    tpu.vector_store %arg9[%swap3A_1332, %swap3A_1333], %swap3A_1336 {strides = array<i32>} : memref<32x128xf32, #tpu.memory_space<vmem>>, vector<1x16xf32>,
    %swap3A_1337 = arith.constant 27 : i32
    %swap3A_1338 = arith.index_cast %swap3A_1337 : i32 to index
    %swap3A_1339 = arith.constant 16 : index
    %swap3A_1340 = tpu.vector_load %arg9[%swap3A_1338, %swap3A_1339] {strides = array<i32>} : memref<32x128xf32, #tpu.memory_space<vmem>>, vector<1x16xf32>,
    %swap3A_1341 = vector.shape_cast %swap3A_1340 : vector<1x16xf32> to vector<16xf32>
    %swap3A_1342 = vector.shape_cast %broadcast_in_dim3A_1 : vector<16xf32> to vector<1x16xf32>
    tpu.vector_store %arg9[%swap3A_1338, %swap3A_1339], %swap3A_1342 {strides = array<i32>} : memref<32x128xf32, #tpu.memory_space<vmem>>, vector<1x16xf32>,
    %swap3A_1343 = arith.constant 27 : i32
    %swap3A_1344 = arith.index_cast %swap3A_1343 : i32 to index
    %swap3A_1345 = arith.constant 32 : index
    %swap3A_1346 = tpu.vector_load %arg9[%swap3A_1344, %swap3A_1345] {strides = array<i32>} : memref<32x128xf32, #tpu.memory_space<vmem>>, vector<1x16xf32>,
    %swap3A_1347 = vector.shape_cast %swap3A_1346 : vector<1x16xf32> to vector<16xf32>
    %swap3A_1348 = vector.shape_cast %broadcast_in_dim3A_1 : vector<16xf32> to vector<1x16xf32>
    tpu.vector_store %arg9[%swap3A_1344, %swap3A_1345], %swap3A_1348 {strides = array<i32>} : memref<32x128xf32, #tpu.memory_space<vmem>>, vector<1x16xf32>,
    %swap3A_1349 = arith.constant 27 : i32
    %swap3A_1350 = arith.index_cast %swap3A_1349 : i32 to index
    %swap3A_1351 = arith.constant 48 : index
    %swap3A_1352 = tpu.vector_load %arg9[%swap3A_1350, %swap3A_1351] {strides = array<i32>} : memref<32x128xf32, #tpu.memory_space<vmem>>, vector<1x16xf32>,
    %swap3A_1353 = vector.shape_cast %swap3A_1352 : vector<1x16xf32> to vector<16xf32>
    %swap3A_1354 = vector.shape_cast %broadcast_in_dim3A_1 : vector<16xf32> to vector<1x16xf32>
    tpu.vector_store %arg9[%swap3A_1350, %swap3A_1351], %swap3A_1354 {strides = array<i32>} : memref<32x128xf32, #tpu.memory_space<vmem>>, vector<1x16xf32>,
    %swap3A_1355 = arith.constant 27 : i32
    %swap3A_1356 = arith.index_cast %swap3A_1355 : i32 to index
    %swap3A_1357 = arith.constant 64 : index
    %swap3A_1358 = tpu.vector_load %arg9[%swap3A_1356, %swap3A_1357] {strides = array<i32>} : memref<32x128xf32, #tpu.memory_space<vmem>>, vector<1x16xf32>,
    %swap3A_1359 = vector.shape_cast %swap3A_1358 : vector<1x16xf32> to vector<16xf32>
    %swap3A_1360 = vector.shape_cast %broadcast_in_dim3A_1 : vector<16xf32> to vector<1x16xf32>
    tpu.vector_store %arg9[%swap3A_1356, %swap3A_1357], %swap3A_1360 {strides = array<i32>} : memref<32x128xf32, #tpu.memory_space<vmem>>, vector<1x16xf32>,
    %swap3A_1361 = arith.constant 27 : i32
    %swap3A_1362 = arith.index_cast %swap3A_1361 : i32 to index
    %swap3A_1363 = arith.constant 80 : index
    %swap3A_1364 = tpu.vector_load %arg9[%swap3A_1362, %swap3A_1363] {strides = array<i32>} : memref<32x128xf32, #tpu.memory_space<vmem>>, vector<1x16xf32>,
    %swap3A_1365 = vector.shape_cast %swap3A_1364 : vector<1x16xf32> to vector<16xf32>
    %swap3A_1366 = vector.shape_cast %broadcast_in_dim3A_1 : vector<16xf32> to vector<1x16xf32>
    tpu.vector_store %arg9[%swap3A_1362, %swap3A_1363], %swap3A_1366 {strides = array<i32>} : memref<32x128xf32, #tpu.memory_space<vmem>>, vector<1x16xf32>,
    %swap3A_1367 = arith.constant 27 : i32
    %swap3A_1368 = arith.index_cast %swap3A_1367 : i32 to index
    %swap3A_1369 = arith.constant 96 : index
    %swap3A_1370 = tpu.vector_load %arg9[%swap3A_1368, %swap3A_1369] {strides = array<i32>} : memref<32x128xf32, #tpu.memory_space<vmem>>, vector<1x16xf32>,
    %swap3A_1371 = vector.shape_cast %swap3A_1370 : vector<1x16xf32> to vector<16xf32>
    %swap3A_1372 = vector.shape_cast %broadcast_in_dim3A_1 : vector<16xf32> to vector<1x16xf32>
    tpu.vector_store %arg9[%swap3A_1368, %swap3A_1369], %swap3A_1372 {strides = array<i32>} : memref<32x128xf32, #tpu.memory_space<vmem>>, vector<1x16xf32>,
    %swap3A_1373 = arith.constant 27 : i32
    %swap3A_1374 = arith.index_cast %swap3A_1373 : i32 to index
    %swap3A_1375 = arith.constant 112 : index
    %swap3A_1376 = tpu.vector_load %arg9[%swap3A_1374, %swap3A_1375] {strides = array<i32>} : memref<32x128xf32, #tpu.memory_space<vmem>>, vector<1x16xf32>,
    %swap3A_1377 = vector.shape_cast %swap3A_1376 : vector<1x16xf32> to vector<16xf32>
    %swap3A_1378 = vector.shape_cast %broadcast_in_dim3A_1 : vector<16xf32> to vector<1x16xf32>
    tpu.vector_store %arg9[%swap3A_1374, %swap3A_1375], %swap3A_1378 {strides = array<i32>} : memref<32x128xf32, #tpu.memory_space<vmem>>, vector<1x16xf32>,
    %swap3A_1379 = arith.constant 28 : i32
    %swap3A_1380 = arith.index_cast %swap3A_1379 : i32 to index
    %swap3A_1381 = arith.constant 0 : index
    %swap3A_1382 = tpu.vector_load %arg9[%swap3A_1380, %swap3A_1381] {strides = array<i32>} : memref<32x128xf32, #tpu.memory_space<vmem>>, vector<1x16xf32>,
    %swap3A_1383 = vector.shape_cast %swap3A_1382 : vector<1x16xf32> to vector<16xf32>
    %swap3A_1384 = vector.shape_cast %broadcast_in_dim3A_1 : vector<16xf32> to vector<1x16xf32>
    tpu.vector_store %arg9[%swap3A_1380, %swap3A_1381], %swap3A_1384 {strides = array<i32>} : memref<32x128xf32, #tpu.memory_space<vmem>>, vector<1x16xf32>,
    %swap3A_1385 = arith.constant 28 : i32
    %swap3A_1386 = arith.index_cast %swap3A_1385 : i32 to index
    %swap3A_1387 = arith.constant 16 : index
    %swap3A_1388 = tpu.vector_load %arg9[%swap3A_1386, %swap3A_1387] {strides = array<i32>} : memref<32x128xf32, #tpu.memory_space<vmem>>, vector<1x16xf32>,
    %swap3A_1389 = vector.shape_cast %swap3A_1388 : vector<1x16xf32> to vector<16xf32>
    %swap3A_1390 = vector.shape_cast %broadcast_in_dim3A_1 : vector<16xf32> to vector<1x16xf32>
    tpu.vector_store %arg9[%swap3A_1386, %swap3A_1387], %swap3A_1390 {strides = array<i32>} : memref<32x128xf32, #tpu.memory_space<vmem>>, vector<1x16xf32>,
    %swap3A_1391 = arith.constant 28 : i32
    %swap3A_1392 = arith.index_cast %swap3A_1391 : i32 to index
    %swap3A_1393 = arith.constant 32 : index
    %swap3A_1394 = tpu.vector_load %arg9[%swap3A_1392, %swap3A_1393] {strides = array<i32>} : memref<32x128xf32, #tpu.memory_space<vmem>>, vector<1x16xf32>,
    %swap3A_1395 = vector.shape_cast %swap3A_1394 : vector<1x16xf32> to vector<16xf32>
    %swap3A_1396 = vector.shape_cast %broadcast_in_dim3A_1 : vector<16xf32> to vector<1x16xf32>
    tpu.vector_store %arg9[%swap3A_1392, %swap3A_1393], %swap3A_1396 {strides = array<i32>} : memref<32x128xf32, #tpu.memory_space<vmem>>, vector<1x16xf32>,
    %swap3A_1397 = arith.constant 28 : i32
    %swap3A_1398 = arith.index_cast %swap3A_1397 : i32 to index
    %swap3A_1399 = arith.constant 48 : index
    %swap3A_1400 = tpu.vector_load %arg9[%swap3A_1398, %swap3A_1399] {strides = array<i32>} : memref<32x128xf32, #tpu.memory_space<vmem>>, vector<1x16xf32>,
    %swap3A_1401 = vector.shape_cast %swap3A_1400 : vector<1x16xf32> to vector<16xf32>
    %swap3A_1402 = vector.shape_cast %broadcast_in_dim3A_1 : vector<16xf32> to vector<1x16xf32>
    tpu.vector_store %arg9[%swap3A_1398, %swap3A_1399], %swap3A_1402 {strides = array<i32>} : memref<32x128xf32, #tpu.memory_space<vmem>>, vector<1x16xf32>,
    %swap3A_1403 = arith.constant 28 : i32
    %swap3A_1404 = arith.index_cast %swap3A_1403 : i32 to index
    %swap3A_1405 = arith.constant 64 : index
    %swap3A_1406 = tpu.vector_load %arg9[%swap3A_1404, %swap3A_1405] {strides = array<i32>} : memref<32x128xf32, #tpu.memory_space<vmem>>, vector<1x16xf32>,
    %swap3A_1407 = vector.shape_cast %swap3A_1406 : vector<1x16xf32> to vector<16xf32>
    %swap3A_1408 = vector.shape_cast %broadcast_in_dim3A_1 : vector<16xf32> to vector<1x16xf32>
    tpu.vector_store %arg9[%swap3A_1404, %swap3A_1405], %swap3A_1408 {strides = array<i32>} : memref<32x128xf32, #tpu.memory_space<vmem>>, vector<1x16xf32>,
    %swap3A_1409 = arith.constant 28 : i32
    %swap3A_1410 = arith.index_cast %swap3A_1409 : i32 to index
    %swap3A_1411 = arith.constant 80 : index
    %swap3A_1412 = tpu.vector_load %arg9[%swap3A_1410, %swap3A_1411] {strides = array<i32>} : memref<32x128xf32, #tpu.memory_space<vmem>>, vector<1x16xf32>,
    %swap3A_1413 = vector.shape_cast %swap3A_1412 : vector<1x16xf32> to vector<16xf32>
    %swap3A_1414 = vector.shape_cast %broadcast_in_dim3A_1 : vector<16xf32> to vector<1x16xf32>
    tpu.vector_store %arg9[%swap3A_1410, %swap3A_1411], %swap3A_1414 {strides = array<i32>} : memref<32x128xf32, #tpu.memory_space<vmem>>, vector<1x16xf32>,
    %swap3A_1415 = arith.constant 28 : i32
    %swap3A_1416 = arith.index_cast %swap3A_1415 : i32 to index
    %swap3A_1417 = arith.constant 96 : index
    %swap3A_1418 = tpu.vector_load %arg9[%swap3A_1416, %swap3A_1417] {strides = array<i32>} : memref<32x128xf32, #tpu.memory_space<vmem>>, vector<1x16xf32>,
    %swap3A_1419 = vector.shape_cast %swap3A_1418 : vector<1x16xf32> to vector<16xf32>
    %swap3A_1420 = vector.shape_cast %broadcast_in_dim3A_1 : vector<16xf32> to vector<1x16xf32>
    tpu.vector_store %arg9[%swap3A_1416, %swap3A_1417], %swap3A_1420 {strides = array<i32>} : memref<32x128xf32, #tpu.memory_space<vmem>>, vector<1x16xf32>,
    %swap3A_1421 = arith.constant 28 : i32
    %swap3A_1422 = arith.index_cast %swap3A_1421 : i32 to index
    %swap3A_1423 = arith.constant 112 : index
    %swap3A_1424 = tpu.vector_load %arg9[%swap3A_1422, %swap3A_1423] {strides = array<i32>} : memref<32x128xf32, #tpu.memory_space<vmem>>, vector<1x16xf32>,
    %swap3A_1425 = vector.shape_cast %swap3A_1424 : vector<1x16xf32> to vector<16xf32>
    %swap3A_1426 = vector.shape_cast %broadcast_in_dim3A_1 : vector<16xf32> to vector<1x16xf32>
    tpu.vector_store %arg9[%swap3A_1422, %swap3A_1423], %swap3A_1426 {strides = array<i32>} : memref<32x128xf32, #tpu.memory_space<vmem>>, vector<1x16xf32>,
    %swap3A_1427 = arith.constant 29 : i32
    %swap3A_1428 = arith.index_cast %swap3A_1427 : i32 to index
    %swap3A_1429 = arith.constant 0 : index
    %swap3A_1430 = tpu.vector_load %arg9[%swap3A_1428, %swap3A_1429] {strides = array<i32>} : memref<32x128xf32, #tpu.memory_space<vmem>>, vector<1x16xf32>,
    %swap3A_1431 = vector.shape_cast %swap3A_1430 : vector<1x16xf32> to vector<16xf32>
    %swap3A_1432 = vector.shape_cast %broadcast_in_dim3A_1 : vector<16xf32> to vector<1x16xf32>
    tpu.vector_store %arg9[%swap3A_1428, %swap3A_1429], %swap3A_1432 {strides = array<i32>} : memref<32x128xf32, #tpu.memory_space<vmem>>, vector<1x16xf32>,
    %swap3A_1433 = arith.constant 29 : i32
    %swap3A_1434 = arith.index_cast %swap3A_1433 : i32 to index
    %swap3A_1435 = arith.constant 16 : index
    %swap3A_1436 = tpu.vector_load %arg9[%swap3A_1434, %swap3A_1435] {strides = array<i32>} : memref<32x128xf32, #tpu.memory_space<vmem>>, vector<1x16xf32>,
    %swap3A_1437 = vector.shape_cast %swap3A_1436 : vector<1x16xf32> to vector<16xf32>
    %swap3A_1438 = vector.shape_cast %broadcast_in_dim3A_1 : vector<16xf32> to vector<1x16xf32>
    tpu.vector_store %arg9[%swap3A_1434, %swap3A_1435], %swap3A_1438 {strides = array<i32>} : memref<32x128xf32, #tpu.memory_space<vmem>>, vector<1x16xf32>,
    %swap3A_1439 = arith.constant 29 : i32
    %swap3A_1440 = arith.index_cast %swap3A_1439 : i32 to index
    %swap3A_1441 = arith.constant 32 : index
    %swap3A_1442 = tpu.vector_load %arg9[%swap3A_1440, %swap3A_1441] {strides = array<i32>} : memref<32x128xf32, #tpu.memory_space<vmem>>, vector<1x16xf32>,
    %swap3A_1443 = vector.shape_cast %swap3A_1442 : vector<1x16xf32> to vector<16xf32>
    %swap3A_1444 = vector.shape_cast %broadcast_in_dim3A_1 : vector<16xf32> to vector<1x16xf32>
    tpu.vector_store %arg9[%swap3A_1440, %swap3A_1441], %swap3A_1444 {strides = array<i32>} : memref<32x128xf32, #tpu.memory_space<vmem>>, vector<1x16xf32>,
    %swap3A_1445 = arith.constant 29 : i32
    %swap3A_1446 = arith.index_cast %swap3A_1445 : i32 to index
    %swap3A_1447 = arith.constant 48 : index
    %swap3A_1448 = tpu.vector_load %arg9[%swap3A_1446, %swap3A_1447] {strides = array<i32>} : memref<32x128xf32, #tpu.memory_space<vmem>>, vector<1x16xf32>,
    %swap3A_1449 = vector.shape_cast %swap3A_1448 : vector<1x16xf32> to vector<16xf32>
    %swap3A_1450 = vector.shape_cast %broadcast_in_dim3A_1 : vector<16xf32> to vector<1x16xf32>
    tpu.vector_store %arg9[%swap3A_1446, %swap3A_1447], %swap3A_1450 {strides = array<i32>} : memref<32x128xf32, #tpu.memory_space<vmem>>, vector<1x16xf32>,
    %swap3A_1451 = arith.constant 29 : i32
    %swap3A_1452 = arith.index_cast %swap3A_1451 : i32 to index
    %swap3A_1453 = arith.constant 64 : index
    %swap3A_1454 = tpu.vector_load %arg9[%swap3A_1452, %swap3A_1453] {strides = array<i32>} : memref<32x128xf32, #tpu.memory_space<vmem>>, vector<1x16xf32>,
    %swap3A_1455 = vector.shape_cast %swap3A_1454 : vector<1x16xf32> to vector<16xf32>
    %swap3A_1456 = vector.shape_cast %broadcast_in_dim3A_1 : vector<16xf32> to vector<1x16xf32>
    tpu.vector_store %arg9[%swap3A_1452, %swap3A_1453], %swap3A_1456 {strides = array<i32>} : memref<32x128xf32, #tpu.memory_space<vmem>>, vector<1x16xf32>,
    %swap3A_1457 = arith.constant 29 : i32
    %swap3A_1458 = arith.index_cast %swap3A_1457 : i32 to index
    %swap3A_1459 = arith.constant 80 : index
    %swap3A_1460 = tpu.vector_load %arg9[%swap3A_1458, %swap3A_1459] {strides = array<i32>} : memref<32x128xf32, #tpu.memory_space<vmem>>, vector<1x16xf32>,
    %swap3A_1461 = vector.shape_cast %swap3A_1460 : vector<1x16xf32> to vector<16xf32>
    %swap3A_1462 = vector.shape_cast %broadcast_in_dim3A_1 : vector<16xf32> to vector<1x16xf32>
    tpu.vector_store %arg9[%swap3A_1458, %swap3A_1459], %swap3A_1462 {strides = array<i32>} : memref<32x128xf32, #tpu.memory_space<vmem>>, vector<1x16xf32>,
    %swap3A_1463 = arith.constant 29 : i32
    %swap3A_1464 = arith.index_cast %swap3A_1463 : i32 to index
    %swap3A_1465 = arith.constant 96 : index
    %swap3A_1466 = tpu.vector_load %arg9[%swap3A_1464, %swap3A_1465] {strides = array<i32>} : memref<32x128xf32, #tpu.memory_space<vmem>>, vector<1x16xf32>,
    %swap3A_1467 = vector.shape_cast %swap3A_1466 : vector<1x16xf32> to vector<16xf32>
    %swap3A_1468 = vector.shape_cast %broadcast_in_dim3A_1 : vector<16xf32> to vector<1x16xf32>
    tpu.vector_store %arg9[%swap3A_1464, %swap3A_1465], %swap3A_1468 {strides = array<i32>} : memref<32x128xf32, #tpu.memory_space<vmem>>, vector<1x16xf32>,
    %swap3A_1469 = arith.constant 29 : i32
    %swap3A_1470 = arith.index_cast %swap3A_1469 : i32 to index
    %swap3A_1471 = arith.constant 112 : index
    %swap3A_1472 = tpu.vector_load %arg9[%swap3A_1470, %swap3A_1471] {strides = array<i32>} : memref<32x128xf32, #tpu.memory_space<vmem>>, vector<1x16xf32>,
    %swap3A_1473 = vector.shape_cast %swap3A_1472 : vector<1x16xf32> to vector<16xf32>
    %swap3A_1474 = vector.shape_cast %broadcast_in_dim3A_1 : vector<16xf32> to vector<1x16xf32>
    tpu.vector_store %arg9[%swap3A_1470, %swap3A_1471], %swap3A_1474 {strides = array<i32>} : memref<32x128xf32, #tpu.memory_space<vmem>>, vector<1x16xf32>,
    %swap3A_1475 = arith.constant 30 : i32
    %swap3A_1476 = arith.index_cast %swap3A_1475 : i32 to index
    %swap3A_1477 = arith.constant 0 : index
    %swap3A_1478 = tpu.vector_load %arg9[%swap3A_1476, %swap3A_1477] {strides = array<i32>} : memref<32x128xf32, #tpu.memory_space<vmem>>, vector<1x16xf32>,
    %swap3A_1479 = vector.shape_cast %swap3A_1478 : vector<1x16xf32> to vector<16xf32>
    %swap3A_1480 = vector.shape_cast %broadcast_in_dim3A_1 : vector<16xf32> to vector<1x16xf32>
    tpu.vector_store %arg9[%swap3A_1476, %swap3A_1477], %swap3A_1480 {strides = array<i32>} : memref<32x128xf32, #tpu.memory_space<vmem>>, vector<1x16xf32>,
    %swap3A_1481 = arith.constant 30 : i32
    %swap3A_1482 = arith.index_cast %swap3A_1481 : i32 to index
    %swap3A_1483 = arith.constant 16 : index
    %swap3A_1484 = tpu.vector_load %arg9[%swap3A_1482, %swap3A_1483] {strides = array<i32>} : memref<32x128xf32, #tpu.memory_space<vmem>>, vector<1x16xf32>,
    %swap3A_1485 = vector.shape_cast %swap3A_1484 : vector<1x16xf32> to vector<16xf32>
    %swap3A_1486 = vector.shape_cast %broadcast_in_dim3A_1 : vector<16xf32> to vector<1x16xf32>
    tpu.vector_store %arg9[%swap3A_1482, %swap3A_1483], %swap3A_1486 {strides = array<i32>} : memref<32x128xf32, #tpu.memory_space<vmem>>, vector<1x16xf32>,
    %swap3A_1487 = arith.constant 30 : i32
    %swap3A_1488 = arith.index_cast %swap3A_1487 : i32 to index
    %swap3A_1489 = arith.constant 32 : index
    %swap3A_1490 = tpu.vector_load %arg9[%swap3A_1488, %swap3A_1489] {strides = array<i32>} : memref<32x128xf32, #tpu.memory_space<vmem>>, vector<1x16xf32>,
    %swap3A_1491 = vector.shape_cast %swap3A_1490 : vector<1x16xf32> to vector<16xf32>
    %swap3A_1492 = vector.shape_cast %broadcast_in_dim3A_1 : vector<16xf32> to vector<1x16xf32>
    tpu.vector_store %arg9[%swap3A_1488, %swap3A_1489], %swap3A_1492 {strides = array<i32>} : memref<32x128xf32, #tpu.memory_space<vmem>>, vector<1x16xf32>,
    %swap3A_1493 = arith.constant 30 : i32
    %swap3A_1494 = arith.index_cast %swap3A_1493 : i32 to index
    %swap3A_1495 = arith.constant 48 : index
    %swap3A_1496 = tpu.vector_load %arg9[%swap3A_1494, %swap3A_1495] {strides = array<i32>} : memref<32x128xf32, #tpu.memory_space<vmem>>, vector<1x16xf32>,
    %swap3A_1497 = vector.shape_cast %swap3A_1496 : vector<1x16xf32> to vector<16xf32>
    %swap3A_1498 = vector.shape_cast %broadcast_in_dim3A_1 : vector<16xf32> to vector<1x16xf32>
    tpu.vector_store %arg9[%swap3A_1494, %swap3A_1495], %swap3A_1498 {strides = array<i32>} : memref<32x128xf32, #tpu.memory_space<vmem>>, vector<1x16xf32>,
    %swap3A_1499 = arith.constant 30 : i32
    %swap3A_1500 = arith.index_cast %swap3A_1499 : i32 to index
    %swap3A_1501 = arith.constant 64 : index
    %swap3A_1502 = tpu.vector_load %arg9[%swap3A_1500, %swap3A_1501] {strides = array<i32>} : memref<32x128xf32, #tpu.memory_space<vmem>>, vector<1x16xf32>,
    %swap3A_1503 = vector.shape_cast %swap3A_1502 : vector<1x16xf32> to vector<16xf32>
    %swap3A_1504 = vector.shape_cast %broadcast_in_dim3A_1 : vector<16xf32> to vector<1x16xf32>
    tpu.vector_store %arg9[%swap3A_1500, %swap3A_1501], %swap3A_1504 {strides = array<i32>} : memref<32x128xf32, #tpu.memory_space<vmem>>, vector<1x16xf32>,
    %swap3A_1505 = arith.constant 30 : i32
    %swap3A_1506 = arith.index_cast %swap3A_1505 : i32 to index
    %swap3A_1507 = arith.constant 80 : index
    %swap3A_1508 = tpu.vector_load %arg9[%swap3A_1506, %swap3A_1507] {strides = array<i32>} : memref<32x128xf32, #tpu.memory_space<vmem>>, vector<1x16xf32>,
    %swap3A_1509 = vector.shape_cast %swap3A_1508 : vector<1x16xf32> to vector<16xf32>
    %swap3A_1510 = vector.shape_cast %broadcast_in_dim3A_1 : vector<16xf32> to vector<1x16xf32>
    tpu.vector_store %arg9[%swap3A_1506, %swap3A_1507], %swap3A_1510 {strides = array<i32>} : memref<32x128xf32, #tpu.memory_space<vmem>>, vector<1x16xf32>,
    %swap3A_1511 = arith.constant 30 : i32
    %swap3A_1512 = arith.index_cast %swap3A_1511 : i32 to index
    %swap3A_1513 = arith.constant 96 : index
    %swap3A_1514 = tpu.vector_load %arg9[%swap3A_1512, %swap3A_1513] {strides = array<i32>} : memref<32x128xf32, #tpu.memory_space<vmem>>, vector<1x16xf32>,
    %swap3A_1515 = vector.shape_cast %swap3A_1514 : vector<1x16xf32> to vector<16xf32>
    %swap3A_1516 = vector.shape_cast %broadcast_in_dim3A_1 : vector<16xf32> to vector<1x16xf32>
    tpu.vector_store %arg9[%swap3A_1512, %swap3A_1513], %swap3A_1516 {strides = array<i32>} : memref<32x128xf32, #tpu.memory_space<vmem>>, vector<1x16xf32>,
    %swap3A_1517 = arith.constant 30 : i32
    %swap3A_1518 = arith.index_cast %swap3A_1517 : i32 to index
    %swap3A_1519 = arith.constant 112 : index
    %swap3A_1520 = tpu.vector_load %arg9[%swap3A_1518, %swap3A_1519] {strides = array<i32>} : memref<32x128xf32, #tpu.memory_space<vmem>>, vector<1x16xf32>,
    %swap3A_1521 = vector.shape_cast %swap3A_1520 : vector<1x16xf32> to vector<16xf32>
    %swap3A_1522 = vector.shape_cast %broadcast_in_dim3A_1 : vector<16xf32> to vector<1x16xf32>
    tpu.vector_store %arg9[%swap3A_1518, %swap3A_1519], %swap3A_1522 {strides = array<i32>} : memref<32x128xf32, #tpu.memory_space<vmem>>, vector<1x16xf32>,
    %swap3A_1523 = arith.constant 31 : i32
    %swap3A_1524 = arith.index_cast %swap3A_1523 : i32 to index
    %swap3A_1525 = arith.constant 0 : index
    %swap3A_1526 = tpu.vector_load %arg9[%swap3A_1524, %swap3A_1525] {strides = array<i32>} : memref<32x128xf32, #tpu.memory_space<vmem>>, vector<1x16xf32>,
    %swap3A_1527 = vector.shape_cast %swap3A_1526 : vector<1x16xf32> to vector<16xf32>
    %swap3A_1528 = vector.shape_cast %broadcast_in_dim3A_1 : vector<16xf32> to vector<1x16xf32>
    tpu.vector_store %arg9[%swap3A_1524, %swap3A_1525], %swap3A_1528 {strides = array<i32>} : memref<32x128xf32, #tpu.memory_space<vmem>>, vector<1x16xf32>,
    %swap3A_1529 = arith.constant 31 : i32
    %swap3A_1530 = arith.index_cast %swap3A_1529 : i32 to index
    %swap3A_1531 = arith.constant 16 : index
    %swap3A_1532 = tpu.vector_load %arg9[%swap3A_1530, %swap3A_1531] {strides = array<i32>} : memref<32x128xf32, #tpu.memory_space<vmem>>, vector<1x16xf32>,
    %swap3A_1533 = vector.shape_cast %swap3A_1532 : vector<1x16xf32> to vector<16xf32>
    %swap3A_1534 = vector.shape_cast %broadcast_in_dim3A_1 : vector<16xf32> to vector<1x16xf32>
    tpu.vector_store %arg9[%swap3A_1530, %swap3A_1531], %swap3A_1534 {strides = array<i32>} : memref<32x128xf32, #tpu.memory_space<vmem>>, vector<1x16xf32>,
    %swap3A_1535 = arith.constant 31 : i32
    %swap3A_1536 = arith.index_cast %swap3A_1535 : i32 to index
    %swap3A_1537 = arith.constant 32 : index
    %swap3A_1538 = tpu.vector_load %arg9[%swap3A_1536, %swap3A_1537] {strides = array<i32>} : memref<32x128xf32, #tpu.memory_space<vmem>>, vector<1x16xf32>,
    %swap3A_1539 = vector.shape_cast %swap3A_1538 : vector<1x16xf32> to vector<16xf32>
    %swap3A_1540 = vector.shape_cast %broadcast_in_dim3A_1 : vector<16xf32> to vector<1x16xf32>
    tpu.vector_store %arg9[%swap3A_1536, %swap3A_1537], %swap3A_1540 {strides = array<i32>} : memref<32x128xf32, #tpu.memory_space<vmem>>, vector<1x16xf32>,
    %swap3A_1541 = arith.constant 31 : i32
    %swap3A_1542 = arith.index_cast %swap3A_1541 : i32 to index
    %swap3A_1543 = arith.constant 48 : index
    %swap3A_1544 = tpu.vector_load %arg9[%swap3A_1542, %swap3A_1543] {strides = array<i32>} : memref<32x128xf32, #tpu.memory_space<vmem>>, vector<1x16xf32>,
    %swap3A_1545 = vector.shape_cast %swap3A_1544 : vector<1x16xf32> to vector<16xf32>
    %swap3A_1546 = vector.shape_cast %broadcast_in_dim3A_1 : vector<16xf32> to vector<1x16xf32>
    tpu.vector_store %arg9[%swap3A_1542, %swap3A_1543], %swap3A_1546 {strides = array<i32>} : memref<32x128xf32, #tpu.memory_space<vmem>>, vector<1x16xf32>,
    %swap3A_1547 = arith.constant 31 : i32
    %swap3A_1548 = arith.index_cast %swap3A_1547 : i32 to index
    %swap3A_1549 = arith.constant 64 : index
    %swap3A_1550 = tpu.vector_load %arg9[%swap3A_1548, %swap3A_1549] {strides = array<i32>} : memref<32x128xf32, #tpu.memory_space<vmem>>, vector<1x16xf32>,
    %swap3A_1551 = vector.shape_cast %swap3A_1550 : vector<1x16xf32> to vector<16xf32>
    %swap3A_1552 = vector.shape_cast %broadcast_in_dim3A_1 : vector<16xf32> to vector<1x16xf32>
    tpu.vector_store %arg9[%swap3A_1548, %swap3A_1549], %swap3A_1552 {strides = array<i32>} : memref<32x128xf32, #tpu.memory_space<vmem>>, vector<1x16xf32>,
    %swap3A_1553 = arith.constant 31 : i32
    %swap3A_1554 = arith.index_cast %swap3A_1553 : i32 to index
    %swap3A_1555 = arith.constant 80 : index
    %swap3A_1556 = tpu.vector_load %arg9[%swap3A_1554, %swap3A_1555] {strides = array<i32>} : memref<32x128xf32, #tpu.memory_space<vmem>>, vector<1x16xf32>,
    %swap3A_1557 = vector.shape_cast %swap3A_1556 : vector<1x16xf32> to vector<16xf32>
    %swap3A_1558 = vector.shape_cast %broadcast_in_dim3A_1 : vector<16xf32> to vector<1x16xf32>
    tpu.vector_store %arg9[%swap3A_1554, %swap3A_1555], %swap3A_1558 {strides = array<i32>} : memref<32x128xf32, #tpu.memory_space<vmem>>, vector<1x16xf32>,
    %swap3A_1559 = arith.constant 31 : i32
    %swap3A_1560 = arith.index_cast %swap3A_1559 : i32 to index
    %swap3A_1561 = arith.constant 96 : index
    %swap3A_1562 = tpu.vector_load %arg9[%swap3A_1560, %swap3A_1561] {strides = array<i32>} : memref<32x128xf32, #tpu.memory_space<vmem>>, vector<1x16xf32>,
    %swap3A_1563 = vector.shape_cast %swap3A_1562 : vector<1x16xf32> to vector<16xf32>
    %swap3A_1564 = vector.shape_cast %broadcast_in_dim3A_1 : vector<16xf32> to vector<1x16xf32>
    tpu.vector_store %arg9[%swap3A_1560, %swap3A_1561], %swap3A_1564 {strides = array<i32>} : memref<32x128xf32, #tpu.memory_space<vmem>>, vector<1x16xf32>,
    %swap3A_1565 = arith.constant 31 : i32
    %swap3A_1566 = arith.index_cast %swap3A_1565 : i32 to index
    %swap3A_1567 = arith.constant 112 : index
    %swap3A_1568 = tpu.vector_load %arg9[%swap3A_1566, %swap3A_1567] {strides = array<i32>} : memref<32x128xf32, #tpu.memory_space<vmem>>, vector<1x16xf32>,
    %swap3A_1569 = vector.shape_cast %swap3A_1568 : vector<1x16xf32> to vector<16xf32>
    %swap3A_1570 = vector.shape_cast %broadcast_in_dim3A_1 : vector<16xf32> to vector<1x16xf32>
    tpu.vector_store %arg9[%swap3A_1566, %swap3A_1567], %swap3A_1570 {strides = array<i32>} : memref<32x128xf32, #tpu.memory_space<vmem>>, vector<1x16xf32>,
    %mul3A_1571 = arith.constant 32 : i32
    %mul3A_1572 = arith.muli %arg1, %mul3A_1571 : i32
    "tpu.region"() ({
      %run_scoped3A_1743 = tpu.sem_alloc : memref<!tpu.dma_semaphore, #tpu.memory_space<semaphore_mem>>
      %dma_start3A_1744 = arith.constant 0 : i32
      %dma_start3A_1745 = tpu.memref_slice %arg10[%mul3A_1572, %dma_start3A_1744] : memref<512x128xf32, #tpu.memory_space<vmem_shared>> -> memref<32x128xf32, #tpu.memory_space<vmem_shared>>
      %dma_start3A_1746 = arith.constant 0 : i32
      %dma_start3A_1747 = tpu.memref_slice %arg10[%mul3A_1572, %dma_start3A_1746] : memref<512x128xf32, #tpu.memory_space<vmem_shared>> -> memref<32x128xf32, #tpu.memory_space<vmem_shared>>
      tpu.enqueue_dma source(%arg9 : memref<32x128xf32, #tpu.memory_space<vmem>>) target(%dma_start3A_1747 : memref<32x128xf32, #tpu.memory_space<vmem_shared>>) target_semaphore(%run_scoped3A_1743 : memref<!tpu.dma_semaphore, #tpu.memory_space<semaphore_mem>>)
      %dma_wait3A_1748 = arith.constant 0 : i32
      %dma_wait3A_1749 = tpu.memref_slice %arg10[%mul3A_1572, %dma_wait3A_1748] : memref<512x128xf32, #tpu.memory_space<vmem_shared>> -> memref<32x128xf32, #tpu.memory_space<vmem_shared>>
      %dma_wait3A_1750 = arith.constant 0 : i32
      %dma_wait3A_1751 = tpu.memref_slice %arg10[%mul3A_1572, %dma_wait3A_1750] : memref<512x128xf32, #tpu.memory_space<vmem_shared>> -> memref<32x128xf32, #tpu.memory_space<vmem_shared>>
      tpu.wait_dma2 semaphore(%run_scoped3A_1743 : memref<!tpu.dma_semaphore, #tpu.memory_space<semaphore_mem>>) src(%arg9 : memref<32x128xf32, #tpu.memory_space<vmem>>) dst(%dma_wait3A_1751 : memref<32x128xf32, #tpu.memory_space<vmem_shared>>)
      tpu.yield
    }) : () -> ()
    %mul3A_1573 = arith.constant 32 : i32
    %mul3A_1574 = arith.muli %arg1, %mul3A_1573 : i32
    %run_scoped3A = arith.constant 0 : i32
    "tpu.region"() ({
      %run_scoped3A_1743 = tpu.sem_alloc : memref<!tpu.dma_semaphore, #tpu.memory_space<semaphore_mem>>
      %dma_start3A_1744 = arith.constant 0 : i32
      %dma_start3A_1745 = tpu.memref_slice %arg9[%run_scoped3A, %dma_start3A_1744] : memref<32x128xf32, #tpu.memory_space<vmem>> -> memref<1x32xf32, #tpu.memory_space<vmem>>
      %dma_start3A_1746 = tpu.memref_squeeze %dma_start3A_1745 : memref<1x32xf32, #tpu.memory_space<vmem>> -> memref<32xf32, #tpu.memory_space<vmem>>
      %dma_start3A_1747 = tpu.memref_slice %arg11[%mul3A_1574] : memref<512xf32, #tpu.memory_space<vmem_shared>> -> memref<32xf32, #tpu.memory_space<vmem_shared>>
      %dma_start3A_1748 = tpu.memref_slice %arg11[%mul3A_1574] : memref<512xf32, #tpu.memory_space<vmem_shared>> -> memref<32xf32, #tpu.memory_space<vmem_shared>>
      %dma_start3A_1749 = arith.constant 0 : i32
      %dma_start3A_1750 = tpu.memref_slice %arg9[%run_scoped3A, %dma_start3A_1749] : memref<32x128xf32, #tpu.memory_space<vmem>> -> memref<1x32xf32, #tpu.memory_space<vmem>>
      %dma_start3A_1751 = tpu.memref_squeeze %dma_start3A_1750 : memref<1x32xf32, #tpu.memory_space<vmem>> -> memref<32xf32, #tpu.memory_space<vmem>>
      tpu.enqueue_dma source(%dma_start3A_1751 : memref<32xf32, #tpu.memory_space<vmem>>) target(%dma_start3A_1748 : memref<32xf32, #tpu.memory_space<vmem_shared>>) target_semaphore(%run_scoped3A_1743 : memref<!tpu.dma_semaphore, #tpu.memory_space<semaphore_mem>>)
      %dma_wait3A_1752 = arith.constant 0 : i32
      %dma_wait3A_1753 = tpu.memref_slice %arg9[%run_scoped3A, %dma_wait3A_1752] : memref<32x128xf32, #tpu.memory_space<vmem>> -> memref<1x32xf32, #tpu.memory_space<vmem>>
      %dma_wait3A_1754 = tpu.memref_squeeze %dma_wait3A_1753 : memref<1x32xf32, #tpu.memory_space<vmem>> -> memref<32xf32, #tpu.memory_space<vmem>>
      %dma_wait3A_1755 = tpu.memref_slice %arg11[%mul3A_1574] : memref<512xf32, #tpu.memory_space<vmem_shared>> -> memref<32xf32, #tpu.memory_space<vmem_shared>>
      %dma_wait3A_1756 = tpu.memref_slice %arg11[%mul3A_1574] : memref<512xf32, #tpu.memory_space<vmem_shared>> -> memref<32xf32, #tpu.memory_space<vmem_shared>>
      %dma_wait3A_1757 = arith.constant 0 : i32
      %dma_wait3A_1758 = tpu.memref_slice %arg9[%run_scoped3A, %dma_wait3A_1757] : memref<32x128xf32, #tpu.memory_space<vmem>> -> memref<1x32xf32, #tpu.memory_space<vmem>>
      %dma_wait3A_1759 = tpu.memref_squeeze %dma_wait3A_1758 : memref<1x32xf32, #tpu.memory_space<vmem>> -> memref<32xf32, #tpu.memory_space<vmem>>
      tpu.wait_dma2 semaphore(%run_scoped3A_1743 : memref<!tpu.dma_semaphore, #tpu.memory_space<semaphore_mem>>) src(%dma_wait3A_1759 : memref<32xf32, #tpu.memory_space<vmem>>) dst(%dma_wait3A_1756 : memref<32xf32, #tpu.memory_space<vmem_shared>>)
      tpu.yield
    }) : () -> ()
    %barrier3A = arith.constant 0 : index
    tpu.barrier barrier_id(%barrier3A)
    %add3A_1575 = arith.constant 0 : i32
    %add3A_1576 = arith.addi %add3A, %add3A_1575 : i32
    %mul3A_1577 = arith.constant 128 : i32
    %mul3A_1578 = arith.muli %add3A_1576, %mul3A_1577 : i32
    %dma_start3A = arith.constant 0 : i32
    %dma_start3A_1579 = arith.constant 0 : i32
    %dma_start3A_1580 = arith.constant 0 : i32
    %dma_start3A_1581 = tpu.memref_slice %arg6[%dma_start3A, %dma_start3A_1579, %dma_start3A_1580] : memref<6x128x128xf32, #tpu.memory_space<vmem>> -> memref<1x128x128xf32, #tpu.memory_space<vmem>>
    %dma_start3A_1582 = tpu.memref_squeeze %dma_start3A_1581 : memref<1x128x128xf32, #tpu.memory_space<vmem>> -> memref<128x128xf32, #tpu.memory_space<vmem>>
    %dma_start3A_1583 = arith.constant 0 : i32
    %dma_start3A_1584 = tpu.memref_slice %arg2[%mul3A_1578, %dma_start3A_1583] : memref<320000x128xf32, #tpu.memory_space<hbm>> -> memref<128x128xf32, #tpu.memory_space<hbm>>
    %dma_start3A_1585 = arith.constant 0 : i32
    %dma_start3A_1586 = arith.constant 0 : i32
    %dma_start3A_1587 = tpu.memref_slice %arg6[%dma_start3A, %dma_start3A_1585, %dma_start3A_1586] : memref<6x128x128xf32, #tpu.memory_space<vmem>> -> memref<1x128x128xf32, #tpu.memory_space<vmem>>
    %dma_start3A_1588 = tpu.memref_squeeze %dma_start3A_1587 : memref<1x128x128xf32, #tpu.memory_space<vmem>> -> memref<128x128xf32, #tpu.memory_space<vmem>>
    %dma_start3A_1589 = arith.constant 0 : i32
    %dma_start3A_1590 = tpu.memref_slice %arg2[%mul3A_1578, %dma_start3A_1589] : memref<320000x128xf32, #tpu.memory_space<hbm>> -> memref<128x128xf32, #tpu.memory_space<hbm>>
    tpu.enqueue_dma source(%dma_start3A_1590 : memref<128x128xf32, #tpu.memory_space<hbm>>) target(%dma_start3A_1588 : memref<128x128xf32, #tpu.memory_space<vmem>>) target_semaphore(%arg12 : memref<!tpu.dma_semaphore, #tpu.memory_space<semaphore_mem>>)
    %dma_start3A_1591 = arith.constant 0 : i32
    %dma_start3A_1592 = arith.constant 0 : i32
    %dma_start3A_1593 = tpu.memref_slice %arg7[%dma_start3A_1591, %dma_start3A_1592] : memref<6x128xi32, #tpu.memory_space<vmem>> -> memref<1x128xi32, #tpu.memory_space<vmem>>
    %dma_start3A_1594 = tpu.memref_squeeze %dma_start3A_1593 : memref<1x128xi32, #tpu.memory_space<vmem>> -> memref<128xi32, #tpu.memory_space<vmem>>
    %dma_start3A_1595 = tpu.memref_slice %arg3[%mul3A_1578] : memref<320000xi32, #tpu.memory_space<hbm>> -> memref<128xi32, #tpu.memory_space<hbm>>
    %dma_start3A_1596 = arith.constant 0 : i32
    %dma_start3A_1597 = tpu.memref_slice %arg7[%dma_start3A_1591, %dma_start3A_1596] : memref<6x128xi32, #tpu.memory_space<vmem>> -> memref<1x128xi32, #tpu.memory_space<vmem>>
    %dma_start3A_1598 = tpu.memref_squeeze %dma_start3A_1597 : memref<1x128xi32, #tpu.memory_space<vmem>> -> memref<128xi32, #tpu.memory_space<vmem>>
    %dma_start3A_1599 = tpu.memref_slice %arg3[%mul3A_1578] : memref<320000xi32, #tpu.memory_space<hbm>> -> memref<128xi32, #tpu.memory_space<hbm>>
    tpu.enqueue_dma source(%dma_start3A_1599 : memref<128xi32, #tpu.memory_space<hbm>>) target(%dma_start3A_1598 : memref<128xi32, #tpu.memory_space<vmem>>) target_semaphore(%arg18 : memref<!tpu.dma_semaphore, #tpu.memory_space<semaphore_mem>>)
    %add3A_1600 = arith.constant 32 : i32
    %add3A_1601 = arith.addi %add3A, %add3A_1600 : i32
    %mul3A_1602 = arith.constant 128 : i32
    %mul3A_1603 = arith.muli %add3A_1601, %mul3A_1602 : i32
    %dma_start3A_1604 = arith.constant 1 : i32
    %dma_start3A_1605 = arith.constant 0 : i32
    %dma_start3A_1606 = arith.constant 0 : i32
    %dma_start3A_1607 = tpu.memref_slice %arg6[%dma_start3A_1604, %dma_start3A_1605, %dma_start3A_1606] : memref<6x128x128xf32, #tpu.memory_space<vmem>> -> memref<1x128x128xf32, #tpu.memory_space<vmem>>
    %dma_start3A_1608 = tpu.memref_squeeze %dma_start3A_1607 : memref<1x128x128xf32, #tpu.memory_space<vmem>> -> memref<128x128xf32, #tpu.memory_space<vmem>>
    %dma_start3A_1609 = arith.constant 0 : i32
    %dma_start3A_1610 = tpu.memref_slice %arg2[%mul3A_1603, %dma_start3A_1609] : memref<320000x128xf32, #tpu.memory_space<hbm>> -> memref<128x128xf32, #tpu.memory_space<hbm>>
    %dma_start3A_1611 = arith.constant 0 : i32
    %dma_start3A_1612 = arith.constant 0 : i32
    %dma_start3A_1613 = tpu.memref_slice %arg6[%dma_start3A_1604, %dma_start3A_1611, %dma_start3A_1612] : memref<6x128x128xf32, #tpu.memory_space<vmem>> -> memref<1x128x128xf32, #tpu.memory_space<vmem>>
    %dma_start3A_1614 = tpu.memref_squeeze %dma_start3A_1613 : memref<1x128x128xf32, #tpu.memory_space<vmem>> -> memref<128x128xf32, #tpu.memory_space<vmem>>
    %dma_start3A_1615 = arith.constant 0 : i32
    %dma_start3A_1616 = tpu.memref_slice %arg2[%mul3A_1603, %dma_start3A_1615] : memref<320000x128xf32, #tpu.memory_space<hbm>> -> memref<128x128xf32, #tpu.memory_space<hbm>>
    tpu.enqueue_dma source(%dma_start3A_1616 : memref<128x128xf32, #tpu.memory_space<hbm>>) target(%dma_start3A_1614 : memref<128x128xf32, #tpu.memory_space<vmem>>) target_semaphore(%arg13 : memref<!tpu.dma_semaphore, #tpu.memory_space<semaphore_mem>>)
    %dma_start3A_1617 = arith.constant 1 : i32
    %dma_start3A_1618 = arith.constant 0 : i32
    %dma_start3A_1619 = tpu.memref_slice %arg7[%dma_start3A_1617, %dma_start3A_1618] : memref<6x128xi32, #tpu.memory_space<vmem>> -> memref<1x128xi32, #tpu.memory_space<vmem>>
    %dma_start3A_1620 = tpu.memref_squeeze %dma_start3A_1619 : memref<1x128xi32, #tpu.memory_space<vmem>> -> memref<128xi32, #tpu.memory_space<vmem>>
    %dma_start3A_1621 = tpu.memref_slice %arg3[%mul3A_1603] : memref<320000xi32, #tpu.memory_space<hbm>> -> memref<128xi32, #tpu.memory_space<hbm>>
    %dma_start3A_1622 = arith.constant 0 : i32
    %dma_start3A_1623 = tpu.memref_slice %arg7[%dma_start3A_1617, %dma_start3A_1622] : memref<6x128xi32, #tpu.memory_space<vmem>> -> memref<1x128xi32, #tpu.memory_space<vmem>>
    %dma_start3A_1624 = tpu.memref_squeeze %dma_start3A_1623 : memref<1x128xi32, #tpu.memory_space<vmem>> -> memref<128xi32, #tpu.memory_space<vmem>>
    %dma_start3A_1625 = tpu.memref_slice %arg3[%mul3A_1603] : memref<320000xi32, #tpu.memory_space<hbm>> -> memref<128xi32, #tpu.memory_space<hbm>>
    tpu.enqueue_dma source(%dma_start3A_1625 : memref<128xi32, #tpu.memory_space<hbm>>) target(%dma_start3A_1624 : memref<128xi32, #tpu.memory_space<vmem>>) target_semaphore(%arg19 : memref<!tpu.dma_semaphore, #tpu.memory_space<semaphore_mem>>)
    %scan3A = arith.constant 0 : i32
    %scan3A_1626 = arith.constant 0 : i32
    %scan3A_1627 = arith.constant 13 : i32
    %scan3A_1628 = arith.addi %scan3A_1626, %scan3A_1627 : i32
    %scan3A_1629 = arith.constant 1 : i32
    scf.for %scan3A_1743 = %scan3A_1626 to %scan3A_1628 step %scan3A_1629  : i32 {
      %mul3A_1744 = arith.constant 6 : i32
      %mul3A_1745 = arith.muli %scan3A_1743, %mul3A_1744 : i32
      %add3A_1746 = arith.constant 0 : i32
      %add3A_1747 = arith.addi %mul3A_1745, %add3A_1746 : i32
      %mul3A_1748 = arith.constant 32 : i32
      %mul3A_1749 = arith.muli %add3A_1747, %mul3A_1748 : i32
      %add3A_1750 = arith.addi %add3A, %mul3A_1749 : i32
      %mul3A_1751 = arith.constant 128 : i32
      %mul3A_1752 = arith.muli %add3A_1750, %mul3A_1751 : i32
      %dma_wait3A_1753 = arith.constant 0 : i32
      %dma_wait3A_1754 = arith.constant 0 : i32
      %dma_wait3A_1755 = arith.constant 0 : i32
      %dma_wait3A_1756 = tpu.memref_slice %arg6[%dma_wait3A_1753, %dma_wait3A_1754, %dma_wait3A_1755] : memref<6x128x128xf32, #tpu.memory_space<vmem>> -> memref<1x128x128xf32, #tpu.memory_space<vmem>>
      %dma_wait3A_1757 = tpu.memref_squeeze %dma_wait3A_1756 : memref<1x128x128xf32, #tpu.memory_space<vmem>> -> memref<128x128xf32, #tpu.memory_space<vmem>>
      %dma_wait3A_1758 = arith.constant 0 : i32
      %dma_wait3A_1759 = tpu.memref_slice %arg2[%mul3A_1752, %dma_wait3A_1758] : memref<320000x128xf32, #tpu.memory_space<hbm>> -> memref<128x128xf32, #tpu.memory_space<hbm>>
      %dma_wait3A_1760 = arith.constant 0 : i32
      %dma_wait3A_1761 = arith.constant 0 : i32
      %dma_wait3A_1762 = tpu.memref_slice %arg6[%dma_wait3A_1753, %dma_wait3A_1760, %dma_wait3A_1761] : memref<6x128x128xf32, #tpu.memory_space<vmem>> -> memref<1x128x128xf32, #tpu.memory_space<vmem>>
      %dma_wait3A_1763 = tpu.memref_squeeze %dma_wait3A_1762 : memref<1x128x128xf32, #tpu.memory_space<vmem>> -> memref<128x128xf32, #tpu.memory_space<vmem>>
      %dma_wait3A_1764 = arith.constant 0 : i32
      %dma_wait3A_1765 = tpu.memref_slice %arg2[%mul3A_1752, %dma_wait3A_1764] : memref<320000x128xf32, #tpu.memory_space<hbm>> -> memref<128x128xf32, #tpu.memory_space<hbm>>
      tpu.wait_dma2 semaphore(%arg12 : memref<!tpu.dma_semaphore, #tpu.memory_space<semaphore_mem>>) src(%dma_wait3A_1765 : memref<128x128xf32, #tpu.memory_space<hbm>>) dst(%dma_wait3A_1763 : memref<128x128xf32, #tpu.memory_space<vmem>>)
      %dma_wait3A_1766 = arith.constant 0 : i32
      %dma_wait3A_1767 = arith.constant 0 : i32
      %dma_wait3A_1768 = tpu.memref_slice %arg7[%dma_wait3A_1766, %dma_wait3A_1767] : memref<6x128xi32, #tpu.memory_space<vmem>> -> memref<1x128xi32, #tpu.memory_space<vmem>>
      %dma_wait3A_1769 = tpu.memref_squeeze %dma_wait3A_1768 : memref<1x128xi32, #tpu.memory_space<vmem>> -> memref<128xi32, #tpu.memory_space<vmem>>
      %dma_wait3A_1770 = tpu.memref_slice %arg3[%mul3A_1752] : memref<320000xi32, #tpu.memory_space<hbm>> -> memref<128xi32, #tpu.memory_space<hbm>>
      %dma_wait3A_1771 = arith.constant 0 : i32
      %dma_wait3A_1772 = tpu.memref_slice %arg7[%dma_wait3A_1766, %dma_wait3A_1771] : memref<6x128xi32, #tpu.memory_space<vmem>> -> memref<1x128xi32, #tpu.memory_space<vmem>>
      %dma_wait3A_1773 = tpu.memref_squeeze %dma_wait3A_1772 : memref<1x128xi32, #tpu.memory_space<vmem>> -> memref<128xi32, #tpu.memory_space<vmem>>
      %dma_wait3A_1774 = tpu.memref_slice %arg3[%mul3A_1752] : memref<320000xi32, #tpu.memory_space<hbm>> -> memref<128xi32, #tpu.memory_space<hbm>>
      tpu.wait_dma2 semaphore(%arg18 : memref<!tpu.dma_semaphore, #tpu.memory_space<semaphore_mem>>) src(%dma_wait3A_1774 : memref<128xi32, #tpu.memory_space<hbm>>) dst(%dma_wait3A_1773 : memref<128xi32, #tpu.memory_space<vmem>>)
      %dma_start3A_1775 = arith.constant 0 : i32
      %dma_start3A_1776 = arith.constant 0 : i32
      %dma_start3A_1777 = arith.constant 0 : i32
      %dma_start3A_1778 = arith.constant 0 : i32
      %dma_start3A_1779 = tpu.memref_slice %arg6[%dma_start3A_1775, %dma_start3A_1777, %dma_start3A_1778] : memref<6x128x128xf32, #tpu.memory_space<vmem>> -> memref<1x128x128xf32, #tpu.memory_space<vmem>>
      %dma_start3A_1780 = tpu.memref_squeeze %dma_start3A_1779 : memref<1x128x128xf32, #tpu.memory_space<vmem>> -> memref<128x128xf32, #tpu.memory_space<vmem>>
      %dma_start3A_1781 = arith.constant 0 : i32
      %dma_start3A_1782 = tpu.memref_slice %arg7[%dma_start3A_1776, %dma_start3A_1781] : memref<6x128xi32, #tpu.memory_space<vmem>> -> memref<1x128xi32, #tpu.memory_space<vmem>>
      %dma_start3A_1783 = tpu.memref_squeeze %dma_start3A_1782 : memref<1x128xi32, #tpu.memory_space<vmem>> -> memref<128xi32, #tpu.memory_space<vmem>>
      %dma_start3A_1784 = arith.constant 0 : i32
      %dma_start3A_1785 = arith.constant 0 : i32
      %dma_start3A_1786 = tpu.memref_slice %arg10[%dma_start3A_1784, %dma_start3A_1785] : memref<512x128xf32, #tpu.memory_space<vmem_shared>> -> memref<512x128xf32, #tpu.memory_space<vmem_shared>>
      tpu.enqueue_indirect_dma source(%dma_start3A_1780 : memref<128x128xf32, #tpu.memory_space<vmem>>) target(%dma_start3A_1786 : memref<512x128xf32, #tpu.memory_space<vmem_shared>>) offsets(%dma_start3A_1783 : memref<128xi32, #tpu.memory_space<vmem>>) semaphore(%arg24 : memref<!tpu.dma_semaphore, #tpu.memory_space<semaphore_mem>>) {add = true}
      %dma_start3A_1787 = arith.constant 0 : i32
      %dma_start3A_1788 = arith.constant 0 : i32
      %dma_start3A_1789 = tpu.memref_slice %arg7[%dma_start3A_1787, %dma_start3A_1788] : memref<6x128xi32, #tpu.memory_space<vmem>> -> memref<1x128xi32, #tpu.memory_space<vmem>>
      %dma_start3A_1790 = tpu.memref_squeeze %dma_start3A_1789 : memref<1x128xi32, #tpu.memory_space<vmem>> -> memref<128xi32, #tpu.memory_space<vmem>>
      %dma_start3A_1791 = arith.constant 0 : i32
      %dma_start3A_1792 = tpu.memref_slice %arg11[%dma_start3A_1791] : memref<512xf32, #tpu.memory_space<vmem_shared>> -> memref<512xf32, #tpu.memory_space<vmem_shared>>
      tpu.enqueue_indirect_dma source(%arg8 : memref<128xf32, #tpu.memory_space<vmem>>) target(%dma_start3A_1792 : memref<512xf32, #tpu.memory_space<vmem_shared>>) offsets(%dma_start3A_1790 : memref<128xi32, #tpu.memory_space<vmem>>) semaphore(%arg24 : memref<!tpu.dma_semaphore, #tpu.memory_space<semaphore_mem>>) {add = true}
      %add3A_1793 = arith.constant 2 : i32
      %add3A_1794 = arith.addi %add3A_1747, %add3A_1793 : i32
      %lt3A_1795 = arith.constant 78 : i32
      %lt3A_1796 = arith.cmpi slt, %add3A_1794, %lt3A_1795 : i32
      %convert_element_type3A_1797 = arith.extui %lt3A_1796 : i1 to i32
      %cond3A_1798 = arith.constant 0 : i32
      %cond3A_1799 = arith.cmpi ne, %convert_element_type3A_1797, %cond3A_1798 : i32
      scf.if %cond3A_1799 {
        %ge3A = arith.constant 6 : i32
        %ge3A_2080 = arith.cmpi sge, %add3A_1794, %ge3A : i32
        %convert_element_type3A_2081 = arith.extui %ge3A_2080 : i1 to i32
        %cond3A_2082 = arith.constant 0 : i32
        %cond3A_2083 = arith.cmpi ne, %convert_element_type3A_2081, %cond3A_2082 : i32
        scf.if %cond3A_2083 {
          %dma_wait3A_2111 = arith.constant 2 : i32
          %dma_wait3A_2112 = arith.constant 2 : i32
          %dma_wait3A_2113 = arith.constant 0 : i32
          %dma_wait3A_2114 = arith.constant 0 : i32
          %dma_wait3A_2115 = tpu.memref_slice %arg6[%dma_wait3A_2111, %dma_wait3A_2113, %dma_wait3A_2114] : memref<6x128x128xf32, #tpu.memory_space<vmem>> -> memref<1x128x128xf32, #tpu.memory_space<vmem>>
          %dma_wait3A_2116 = tpu.memref_squeeze %dma_wait3A_2115 : memref<1x128x128xf32, #tpu.memory_space<vmem>> -> memref<128x128xf32, #tpu.memory_space<vmem>>
          %dma_wait3A_2117 = arith.constant 0 : i32
          %dma_wait3A_2118 = tpu.memref_slice %arg7[%dma_wait3A_2112, %dma_wait3A_2117] : memref<6x128xi32, #tpu.memory_space<vmem>> -> memref<1x128xi32, #tpu.memory_space<vmem>>
          %dma_wait3A_2119 = tpu.memref_squeeze %dma_wait3A_2118 : memref<1x128xi32, #tpu.memory_space<vmem>> -> memref<128xi32, #tpu.memory_space<vmem>>
          %dma_wait3A_2120 = arith.constant 0 : i32
          %dma_wait3A_2121 = arith.constant 0 : i32
          %dma_wait3A_2122 = tpu.memref_slice %arg10[%dma_wait3A_2120, %dma_wait3A_2121] : memref<512x128xf32, #tpu.memory_space<vmem_shared>> -> memref<512x128xf32, #tpu.memory_space<vmem_shared>>
          tpu.wait_indirect_dma semaphore(%arg26 : memref<!tpu.dma_semaphore, #tpu.memory_space<semaphore_mem>>) src(%dma_wait3A_2116 : memref<128x128xf32, #tpu.memory_space<vmem>>) dst(%dma_wait3A_2122 : memref<512x128xf32, #tpu.memory_space<vmem_shared>>)
          %dma_wait3A_2123 = arith.constant 2 : i32
          %dma_wait3A_2124 = arith.constant 0 : i32
          %dma_wait3A_2125 = tpu.memref_slice %arg7[%dma_wait3A_2123, %dma_wait3A_2124] : memref<6x128xi32, #tpu.memory_space<vmem>> -> memref<1x128xi32, #tpu.memory_space<vmem>>
          %dma_wait3A_2126 = tpu.memref_squeeze %dma_wait3A_2125 : memref<1x128xi32, #tpu.memory_space<vmem>> -> memref<128xi32, #tpu.memory_space<vmem>>
          %dma_wait3A_2127 = arith.constant 0 : i32
          %dma_wait3A_2128 = tpu.memref_slice %arg11[%dma_wait3A_2127] : memref<512xf32, #tpu.memory_space<vmem_shared>> -> memref<512xf32, #tpu.memory_space<vmem_shared>>
          tpu.wait_indirect_dma semaphore(%arg26 : memref<!tpu.dma_semaphore, #tpu.memory_space<semaphore_mem>>) src(%arg8 : memref<128xf32, #tpu.memory_space<vmem>>) dst(%dma_wait3A_2128 : memref<512xf32, #tpu.memory_space<vmem_shared>>)
        } else {
        }
        %mul3A_2084 = arith.constant 32 : i32
        %mul3A_2085 = arith.muli %add3A_1794, %mul3A_2084 : i32
        %add3A_2086 = arith.addi %add3A, %mul3A_2085 : i32
        %mul3A_2087 = arith.constant 128 : i32
        %mul3A_2088 = arith.muli %add3A_2086, %mul3A_2087 : i32
        %dma_start3A_2089 = arith.constant 2 : i32
        %dma_start3A_2090 = arith.constant 0 : i32
        %dma_start3A_2091 = arith.constant 0 : i32
        %dma_start3A_2092 = tpu.memref_slice %arg6[%dma_start3A_2089, %dma_start3A_2090, %dma_start3A_2091] : memref<6x128x128xf32, #tpu.memory_space<vmem>> -> memref<1x128x128xf32, #tpu.memory_space<vmem>>
        %dma_start3A_2093 = tpu.memref_squeeze %dma_start3A_2092 : memref<1x128x128xf32, #tpu.memory_space<vmem>> -> memref<128x128xf32, #tpu.memory_space<vmem>>
        %dma_start3A_2094 = arith.constant 0 : i32
        %dma_start3A_2095 = tpu.memref_slice %arg2[%mul3A_2088, %dma_start3A_2094] : memref<320000x128xf32, #tpu.memory_space<hbm>> -> memref<128x128xf32, #tpu.memory_space<hbm>>
        %dma_start3A_2096 = arith.constant 0 : i32
        %dma_start3A_2097 = arith.constant 0 : i32
        %dma_start3A_2098 = tpu.memref_slice %arg6[%dma_start3A_2089, %dma_start3A_2096, %dma_start3A_2097] : memref<6x128x128xf32, #tpu.memory_space<vmem>> -> memref<1x128x128xf32, #tpu.memory_space<vmem>>
        %dma_start3A_2099 = tpu.memref_squeeze %dma_start3A_2098 : memref<1x128x128xf32, #tpu.memory_space<vmem>> -> memref<128x128xf32, #tpu.memory_space<vmem>>
        %dma_start3A_2100 = arith.constant 0 : i32
        %dma_start3A_2101 = tpu.memref_slice %arg2[%mul3A_2088, %dma_start3A_2100] : memref<320000x128xf32, #tpu.memory_space<hbm>> -> memref<128x128xf32, #tpu.memory_space<hbm>>
        tpu.enqueue_dma source(%dma_start3A_2101 : memref<128x128xf32, #tpu.memory_space<hbm>>) target(%dma_start3A_2099 : memref<128x128xf32, #tpu.memory_space<vmem>>) target_semaphore(%arg14 : memref<!tpu.dma_semaphore, #tpu.memory_space<semaphore_mem>>)
        %dma_start3A_2102 = arith.constant 2 : i32
        %dma_start3A_2103 = arith.constant 0 : i32
        %dma_start3A_2104 = tpu.memref_slice %arg7[%dma_start3A_2102, %dma_start3A_2103] : memref<6x128xi32, #tpu.memory_space<vmem>> -> memref<1x128xi32, #tpu.memory_space<vmem>>
        %dma_start3A_2105 = tpu.memref_squeeze %dma_start3A_2104 : memref<1x128xi32, #tpu.memory_space<vmem>> -> memref<128xi32, #tpu.memory_space<vmem>>
        %dma_start3A_2106 = tpu.memref_slice %arg3[%mul3A_2088] : memref<320000xi32, #tpu.memory_space<hbm>> -> memref<128xi32, #tpu.memory_space<hbm>>
        %dma_start3A_2107 = arith.constant 0 : i32
        %dma_start3A_2108 = tpu.memref_slice %arg7[%dma_start3A_2102, %dma_start3A_2107] : memref<6x128xi32, #tpu.memory_space<vmem>> -> memref<1x128xi32, #tpu.memory_space<vmem>>
        %dma_start3A_2109 = tpu.memref_squeeze %dma_start3A_2108 : memref<1x128xi32, #tpu.memory_space<vmem>> -> memref<128xi32, #tpu.memory_space<vmem>>
        %dma_start3A_2110 = tpu.memref_slice %arg3[%mul3A_2088] : memref<320000xi32, #tpu.memory_space<hbm>> -> memref<128xi32, #tpu.memory_space<hbm>>
        tpu.enqueue_dma source(%dma_start3A_2110 : memref<128xi32, #tpu.memory_space<hbm>>) target(%dma_start3A_2109 : memref<128xi32, #tpu.memory_space<vmem>>) target_semaphore(%arg20 : memref<!tpu.dma_semaphore, #tpu.memory_space<semaphore_mem>>)
      } else {
      }
      %mul3A_1800 = arith.constant 6 : i32
      %mul3A_1801 = arith.muli %scan3A_1743, %mul3A_1800 : i32
      %add3A_1802 = arith.constant 1 : i32
      %add3A_1803 = arith.addi %mul3A_1801, %add3A_1802 : i32
      %mul3A_1804 = arith.constant 32 : i32
      %mul3A_1805 = arith.muli %add3A_1803, %mul3A_1804 : i32
      %add3A_1806 = arith.addi %add3A, %mul3A_1805 : i32
      %mul3A_1807 = arith.constant 128 : i32
      %mul3A_1808 = arith.muli %add3A_1806, %mul3A_1807 : i32
      %dma_wait3A_1809 = arith.constant 1 : i32
      %dma_wait3A_1810 = arith.constant 0 : i32
      %dma_wait3A_1811 = arith.constant 0 : i32
      %dma_wait3A_1812 = tpu.memref_slice %arg6[%dma_wait3A_1809, %dma_wait3A_1810, %dma_wait3A_1811] : memref<6x128x128xf32, #tpu.memory_space<vmem>> -> memref<1x128x128xf32, #tpu.memory_space<vmem>>
      %dma_wait3A_1813 = tpu.memref_squeeze %dma_wait3A_1812 : memref<1x128x128xf32, #tpu.memory_space<vmem>> -> memref<128x128xf32, #tpu.memory_space<vmem>>
      %dma_wait3A_1814 = arith.constant 0 : i32
      %dma_wait3A_1815 = tpu.memref_slice %arg2[%mul3A_1808, %dma_wait3A_1814] : memref<320000x128xf32, #tpu.memory_space<hbm>> -> memref<128x128xf32, #tpu.memory_space<hbm>>
      %dma_wait3A_1816 = arith.constant 0 : i32
      %dma_wait3A_1817 = arith.constant 0 : i32
      %dma_wait3A_1818 = tpu.memref_slice %arg6[%dma_wait3A_1809, %dma_wait3A_1816, %dma_wait3A_1817] : memref<6x128x128xf32, #tpu.memory_space<vmem>> -> memref<1x128x128xf32, #tpu.memory_space<vmem>>
      %dma_wait3A_1819 = tpu.memref_squeeze %dma_wait3A_1818 : memref<1x128x128xf32, #tpu.memory_space<vmem>> -> memref<128x128xf32, #tpu.memory_space<vmem>>
      %dma_wait3A_1820 = arith.constant 0 : i32
      %dma_wait3A_1821 = tpu.memref_slice %arg2[%mul3A_1808, %dma_wait3A_1820] : memref<320000x128xf32, #tpu.memory_space<hbm>> -> memref<128x128xf32, #tpu.memory_space<hbm>>
      tpu.wait_dma2 semaphore(%arg13 : memref<!tpu.dma_semaphore, #tpu.memory_space<semaphore_mem>>) src(%dma_wait3A_1821 : memref<128x128xf32, #tpu.memory_space<hbm>>) dst(%dma_wait3A_1819 : memref<128x128xf32, #tpu.memory_space<vmem>>)
      %dma_wait3A_1822 = arith.constant 1 : i32
      %dma_wait3A_1823 = arith.constant 0 : i32
      %dma_wait3A_1824 = tpu.memref_slice %arg7[%dma_wait3A_1822, %dma_wait3A_1823] : memref<6x128xi32, #tpu.memory_space<vmem>> -> memref<1x128xi32, #tpu.memory_space<vmem>>
      %dma_wait3A_1825 = tpu.memref_squeeze %dma_wait3A_1824 : memref<1x128xi32, #tpu.memory_space<vmem>> -> memref<128xi32, #tpu.memory_space<vmem>>
      %dma_wait3A_1826 = tpu.memref_slice %arg3[%mul3A_1808] : memref<320000xi32, #tpu.memory_space<hbm>> -> memref<128xi32, #tpu.memory_space<hbm>>
      %dma_wait3A_1827 = arith.constant 0 : i32
      %dma_wait3A_1828 = tpu.memref_slice %arg7[%dma_wait3A_1822, %dma_wait3A_1827] : memref<6x128xi32, #tpu.memory_space<vmem>> -> memref<1x128xi32, #tpu.memory_space<vmem>>
      %dma_wait3A_1829 = tpu.memref_squeeze %dma_wait3A_1828 : memref<1x128xi32, #tpu.memory_space<vmem>> -> memref<128xi32, #tpu.memory_space<vmem>>
      %dma_wait3A_1830 = tpu.memref_slice %arg3[%mul3A_1808] : memref<320000xi32, #tpu.memory_space<hbm>> -> memref<128xi32, #tpu.memory_space<hbm>>
      tpu.wait_dma2 semaphore(%arg19 : memref<!tpu.dma_semaphore, #tpu.memory_space<semaphore_mem>>) src(%dma_wait3A_1830 : memref<128xi32, #tpu.memory_space<hbm>>) dst(%dma_wait3A_1829 : memref<128xi32, #tpu.memory_space<vmem>>)
      %dma_start3A_1831 = arith.constant 1 : i32
      %dma_start3A_1832 = arith.constant 1 : i32
      %dma_start3A_1833 = arith.constant 0 : i32
      %dma_start3A_1834 = arith.constant 0 : i32
      %dma_start3A_1835 = tpu.memref_slice %arg6[%dma_start3A_1831, %dma_start3A_1833, %dma_start3A_1834] : memref<6x128x128xf32, #tpu.memory_space<vmem>> -> memref<1x128x128xf32, #tpu.memory_space<vmem>>
      %dma_start3A_1836 = tpu.memref_squeeze %dma_start3A_1835 : memref<1x128x128xf32, #tpu.memory_space<vmem>> -> memref<128x128xf32, #tpu.memory_space<vmem>>
      %dma_start3A_1837 = arith.constant 0 : i32
      %dma_start3A_1838 = tpu.memref_slice %arg7[%dma_start3A_1832, %dma_start3A_1837] : memref<6x128xi32, #tpu.memory_space<vmem>> -> memref<1x128xi32, #tpu.memory_space<vmem>>
      %dma_start3A_1839 = tpu.memref_squeeze %dma_start3A_1838 : memref<1x128xi32, #tpu.memory_space<vmem>> -> memref<128xi32, #tpu.memory_space<vmem>>
      %dma_start3A_1840 = arith.constant 0 : i32
      %dma_start3A_1841 = arith.constant 0 : i32
      %dma_start3A_1842 = tpu.memref_slice %arg10[%dma_start3A_1840, %dma_start3A_1841] : memref<512x128xf32, #tpu.memory_space<vmem_shared>> -> memref<512x128xf32, #tpu.memory_space<vmem_shared>>
      tpu.enqueue_indirect_dma source(%dma_start3A_1836 : memref<128x128xf32, #tpu.memory_space<vmem>>) target(%dma_start3A_1842 : memref<512x128xf32, #tpu.memory_space<vmem_shared>>) offsets(%dma_start3A_1839 : memref<128xi32, #tpu.memory_space<vmem>>) semaphore(%arg25 : memref<!tpu.dma_semaphore, #tpu.memory_space<semaphore_mem>>) {add = true}
      %dma_start3A_1843 = arith.constant 1 : i32
      %dma_start3A_1844 = arith.constant 0 : i32
      %dma_start3A_1845 = tpu.memref_slice %arg7[%dma_start3A_1843, %dma_start3A_1844] : memref<6x128xi32, #tpu.memory_space<vmem>> -> memref<1x128xi32, #tpu.memory_space<vmem>>
      %dma_start3A_1846 = tpu.memref_squeeze %dma_start3A_1845 : memref<1x128xi32, #tpu.memory_space<vmem>> -> memref<128xi32, #tpu.memory_space<vmem>>
      %dma_start3A_1847 = arith.constant 0 : i32
      %dma_start3A_1848 = tpu.memref_slice %arg11[%dma_start3A_1847] : memref<512xf32, #tpu.memory_space<vmem_shared>> -> memref<512xf32, #tpu.memory_space<vmem_shared>>
      tpu.enqueue_indirect_dma source(%arg8 : memref<128xf32, #tpu.memory_space<vmem>>) target(%dma_start3A_1848 : memref<512xf32, #tpu.memory_space<vmem_shared>>) offsets(%dma_start3A_1846 : memref<128xi32, #tpu.memory_space<vmem>>) semaphore(%arg25 : memref<!tpu.dma_semaphore, #tpu.memory_space<semaphore_mem>>) {add = true}
      %add3A_1849 = arith.constant 2 : i32
      %add3A_1850 = arith.addi %add3A_1803, %add3A_1849 : i32
      %lt3A_1851 = arith.constant 78 : i32
      %lt3A_1852 = arith.cmpi slt, %add3A_1850, %lt3A_1851 : i32
      %convert_element_type3A_1853 = arith.extui %lt3A_1852 : i1 to i32
      %cond3A_1854 = arith.constant 0 : i32
      %cond3A_1855 = arith.cmpi ne, %convert_element_type3A_1853, %cond3A_1854 : i32
      scf.if %cond3A_1855 {
        %ge3A = arith.constant 6 : i32
        %ge3A_2080 = arith.cmpi sge, %add3A_1850, %ge3A : i32
        %convert_element_type3A_2081 = arith.extui %ge3A_2080 : i1 to i32
        %cond3A_2082 = arith.constant 0 : i32
        %cond3A_2083 = arith.cmpi ne, %convert_element_type3A_2081, %cond3A_2082 : i32
        scf.if %cond3A_2083 {
          %dma_wait3A_2111 = arith.constant 3 : i32
          %dma_wait3A_2112 = arith.constant 3 : i32
          %dma_wait3A_2113 = arith.constant 0 : i32
          %dma_wait3A_2114 = arith.constant 0 : i32
          %dma_wait3A_2115 = tpu.memref_slice %arg6[%dma_wait3A_2111, %dma_wait3A_2113, %dma_wait3A_2114] : memref<6x128x128xf32, #tpu.memory_space<vmem>> -> memref<1x128x128xf32, #tpu.memory_space<vmem>>
          %dma_wait3A_2116 = tpu.memref_squeeze %dma_wait3A_2115 : memref<1x128x128xf32, #tpu.memory_space<vmem>> -> memref<128x128xf32, #tpu.memory_space<vmem>>
          %dma_wait3A_2117 = arith.constant 0 : i32
          %dma_wait3A_2118 = tpu.memref_slice %arg7[%dma_wait3A_2112, %dma_wait3A_2117] : memref<6x128xi32, #tpu.memory_space<vmem>> -> memref<1x128xi32, #tpu.memory_space<vmem>>
          %dma_wait3A_2119 = tpu.memref_squeeze %dma_wait3A_2118 : memref<1x128xi32, #tpu.memory_space<vmem>> -> memref<128xi32, #tpu.memory_space<vmem>>
          %dma_wait3A_2120 = arith.constant 0 : i32
          %dma_wait3A_2121 = arith.constant 0 : i32
          %dma_wait3A_2122 = tpu.memref_slice %arg10[%dma_wait3A_2120, %dma_wait3A_2121] : memref<512x128xf32, #tpu.memory_space<vmem_shared>> -> memref<512x128xf32, #tpu.memory_space<vmem_shared>>
          tpu.wait_indirect_dma semaphore(%arg27 : memref<!tpu.dma_semaphore, #tpu.memory_space<semaphore_mem>>) src(%dma_wait3A_2116 : memref<128x128xf32, #tpu.memory_space<vmem>>) dst(%dma_wait3A_2122 : memref<512x128xf32, #tpu.memory_space<vmem_shared>>)
          %dma_wait3A_2123 = arith.constant 3 : i32
          %dma_wait3A_2124 = arith.constant 0 : i32
          %dma_wait3A_2125 = tpu.memref_slice %arg7[%dma_wait3A_2123, %dma_wait3A_2124] : memref<6x128xi32, #tpu.memory_space<vmem>> -> memref<1x128xi32, #tpu.memory_space<vmem>>
          %dma_wait3A_2126 = tpu.memref_squeeze %dma_wait3A_2125 : memref<1x128xi32, #tpu.memory_space<vmem>> -> memref<128xi32, #tpu.memory_space<vmem>>
          %dma_wait3A_2127 = arith.constant 0 : i32
          %dma_wait3A_2128 = tpu.memref_slice %arg11[%dma_wait3A_2127] : memref<512xf32, #tpu.memory_space<vmem_shared>> -> memref<512xf32, #tpu.memory_space<vmem_shared>>
          tpu.wait_indirect_dma semaphore(%arg27 : memref<!tpu.dma_semaphore, #tpu.memory_space<semaphore_mem>>) src(%arg8 : memref<128xf32, #tpu.memory_space<vmem>>) dst(%dma_wait3A_2128 : memref<512xf32, #tpu.memory_space<vmem_shared>>)
        } else {
        }
        %mul3A_2084 = arith.constant 32 : i32
        %mul3A_2085 = arith.muli %add3A_1850, %mul3A_2084 : i32
        %add3A_2086 = arith.addi %add3A, %mul3A_2085 : i32
        %mul3A_2087 = arith.constant 128 : i32
        %mul3A_2088 = arith.muli %add3A_2086, %mul3A_2087 : i32
        %dma_start3A_2089 = arith.constant 3 : i32
        %dma_start3A_2090 = arith.constant 0 : i32
        %dma_start3A_2091 = arith.constant 0 : i32
        %dma_start3A_2092 = tpu.memref_slice %arg6[%dma_start3A_2089, %dma_start3A_2090, %dma_start3A_2091] : memref<6x128x128xf32, #tpu.memory_space<vmem>> -> memref<1x128x128xf32, #tpu.memory_space<vmem>>
        %dma_start3A_2093 = tpu.memref_squeeze %dma_start3A_2092 : memref<1x128x128xf32, #tpu.memory_space<vmem>> -> memref<128x128xf32, #tpu.memory_space<vmem>>
        %dma_start3A_2094 = arith.constant 0 : i32
        %dma_start3A_2095 = tpu.memref_slice %arg2[%mul3A_2088, %dma_start3A_2094] : memref<320000x128xf32, #tpu.memory_space<hbm>> -> memref<128x128xf32, #tpu.memory_space<hbm>>
        %dma_start3A_2096 = arith.constant 0 : i32
        %dma_start3A_2097 = arith.constant 0 : i32
        %dma_start3A_2098 = tpu.memref_slice %arg6[%dma_start3A_2089, %dma_start3A_2096, %dma_start3A_2097] : memref<6x128x128xf32, #tpu.memory_space<vmem>> -> memref<1x128x128xf32, #tpu.memory_space<vmem>>
        %dma_start3A_2099 = tpu.memref_squeeze %dma_start3A_2098 : memref<1x128x128xf32, #tpu.memory_space<vmem>> -> memref<128x128xf32, #tpu.memory_space<vmem>>
        %dma_start3A_2100 = arith.constant 0 : i32
        %dma_start3A_2101 = tpu.memref_slice %arg2[%mul3A_2088, %dma_start3A_2100] : memref<320000x128xf32, #tpu.memory_space<hbm>> -> memref<128x128xf32, #tpu.memory_space<hbm>>
        tpu.enqueue_dma source(%dma_start3A_2101 : memref<128x128xf32, #tpu.memory_space<hbm>>) target(%dma_start3A_2099 : memref<128x128xf32, #tpu.memory_space<vmem>>) target_semaphore(%arg15 : memref<!tpu.dma_semaphore, #tpu.memory_space<semaphore_mem>>)
        %dma_start3A_2102 = arith.constant 3 : i32
        %dma_start3A_2103 = arith.constant 0 : i32
        %dma_start3A_2104 = tpu.memref_slice %arg7[%dma_start3A_2102, %dma_start3A_2103] : memref<6x128xi32, #tpu.memory_space<vmem>> -> memref<1x128xi32, #tpu.memory_space<vmem>>
        %dma_start3A_2105 = tpu.memref_squeeze %dma_start3A_2104 : memref<1x128xi32, #tpu.memory_space<vmem>> -> memref<128xi32, #tpu.memory_space<vmem>>
        %dma_start3A_2106 = tpu.memref_slice %arg3[%mul3A_2088] : memref<320000xi32, #tpu.memory_space<hbm>> -> memref<128xi32, #tpu.memory_space<hbm>>
        %dma_start3A_2107 = arith.constant 0 : i32
        %dma_start3A_2108 = tpu.memref_slice %arg7[%dma_start3A_2102, %dma_start3A_2107] : memref<6x128xi32, #tpu.memory_space<vmem>> -> memref<1x128xi32, #tpu.memory_space<vmem>>
        %dma_start3A_2109 = tpu.memref_squeeze %dma_start3A_2108 : memref<1x128xi32, #tpu.memory_space<vmem>> -> memref<128xi32, #tpu.memory_space<vmem>>
        %dma_start3A_2110 = tpu.memref_slice %arg3[%mul3A_2088] : memref<320000xi32, #tpu.memory_space<hbm>> -> memref<128xi32, #tpu.memory_space<hbm>>
        tpu.enqueue_dma source(%dma_start3A_2110 : memref<128xi32, #tpu.memory_space<hbm>>) target(%dma_start3A_2109 : memref<128xi32, #tpu.memory_space<vmem>>) target_semaphore(%arg21 : memref<!tpu.dma_semaphore, #tpu.memory_space<semaphore_mem>>)
      } else {
      }
      %mul3A_1856 = arith.constant 6 : i32
      %mul3A_1857 = arith.muli %scan3A_1743, %mul3A_1856 : i32
      %add3A_1858 = arith.constant 2 : i32
      %add3A_1859 = arith.addi %mul3A_1857, %add3A_1858 : i32
      %mul3A_1860 = arith.constant 32 : i32
      %mul3A_1861 = arith.muli %add3A_1859, %mul3A_1860 : i32
      %add3A_1862 = arith.addi %add3A, %mul3A_1861 : i32
      %mul3A_1863 = arith.constant 128 : i32
      %mul3A_1864 = arith.muli %add3A_1862, %mul3A_1863 : i32
      %dma_wait3A_1865 = arith.constant 2 : i32
      %dma_wait3A_1866 = arith.constant 0 : i32
      %dma_wait3A_1867 = arith.constant 0 : i32
      %dma_wait3A_1868 = tpu.memref_slice %arg6[%dma_wait3A_1865, %dma_wait3A_1866, %dma_wait3A_1867] : memref<6x128x128xf32, #tpu.memory_space<vmem>> -> memref<1x128x128xf32, #tpu.memory_space<vmem>>
      %dma_wait3A_1869 = tpu.memref_squeeze %dma_wait3A_1868 : memref<1x128x128xf32, #tpu.memory_space<vmem>> -> memref<128x128xf32, #tpu.memory_space<vmem>>
      %dma_wait3A_1870 = arith.constant 0 : i32
      %dma_wait3A_1871 = tpu.memref_slice %arg2[%mul3A_1864, %dma_wait3A_1870] : memref<320000x128xf32, #tpu.memory_space<hbm>> -> memref<128x128xf32, #tpu.memory_space<hbm>>
      %dma_wait3A_1872 = arith.constant 0 : i32
      %dma_wait3A_1873 = arith.constant 0 : i32
      %dma_wait3A_1874 = tpu.memref_slice %arg6[%dma_wait3A_1865, %dma_wait3A_1872, %dma_wait3A_1873] : memref<6x128x128xf32, #tpu.memory_space<vmem>> -> memref<1x128x128xf32, #tpu.memory_space<vmem>>
      %dma_wait3A_1875 = tpu.memref_squeeze %dma_wait3A_1874 : memref<1x128x128xf32, #tpu.memory_space<vmem>> -> memref<128x128xf32, #tpu.memory_space<vmem>>
      %dma_wait3A_1876 = arith.constant 0 : i32
      %dma_wait3A_1877 = tpu.memref_slice %arg2[%mul3A_1864, %dma_wait3A_1876] : memref<320000x128xf32, #tpu.memory_space<hbm>> -> memref<128x128xf32, #tpu.memory_space<hbm>>
      tpu.wait_dma2 semaphore(%arg14 : memref<!tpu.dma_semaphore, #tpu.memory_space<semaphore_mem>>) src(%dma_wait3A_1877 : memref<128x128xf32, #tpu.memory_space<hbm>>) dst(%dma_wait3A_1875 : memref<128x128xf32, #tpu.memory_space<vmem>>)
      %dma_wait3A_1878 = arith.constant 2 : i32
      %dma_wait3A_1879 = arith.constant 0 : i32
      %dma_wait3A_1880 = tpu.memref_slice %arg7[%dma_wait3A_1878, %dma_wait3A_1879] : memref<6x128xi32, #tpu.memory_space<vmem>> -> memref<1x128xi32, #tpu.memory_space<vmem>>
      %dma_wait3A_1881 = tpu.memref_squeeze %dma_wait3A_1880 : memref<1x128xi32, #tpu.memory_space<vmem>> -> memref<128xi32, #tpu.memory_space<vmem>>
      %dma_wait3A_1882 = tpu.memref_slice %arg3[%mul3A_1864] : memref<320000xi32, #tpu.memory_space<hbm>> -> memref<128xi32, #tpu.memory_space<hbm>>
      %dma_wait3A_1883 = arith.constant 0 : i32
      %dma_wait3A_1884 = tpu.memref_slice %arg7[%dma_wait3A_1878, %dma_wait3A_1883] : memref<6x128xi32, #tpu.memory_space<vmem>> -> memref<1x128xi32, #tpu.memory_space<vmem>>
      %dma_wait3A_1885 = tpu.memref_squeeze %dma_wait3A_1884 : memref<1x128xi32, #tpu.memory_space<vmem>> -> memref<128xi32, #tpu.memory_space<vmem>>
      %dma_wait3A_1886 = tpu.memref_slice %arg3[%mul3A_1864] : memref<320000xi32, #tpu.memory_space<hbm>> -> memref<128xi32, #tpu.memory_space<hbm>>
      tpu.wait_dma2 semaphore(%arg20 : memref<!tpu.dma_semaphore, #tpu.memory_space<semaphore_mem>>) src(%dma_wait3A_1886 : memref<128xi32, #tpu.memory_space<hbm>>) dst(%dma_wait3A_1885 : memref<128xi32, #tpu.memory_space<vmem>>)
      %dma_start3A_1887 = arith.constant 2 : i32
      %dma_start3A_1888 = arith.constant 2 : i32
      %dma_start3A_1889 = arith.constant 0 : i32
      %dma_start3A_1890 = arith.constant 0 : i32
      %dma_start3A_1891 = tpu.memref_slice %arg6[%dma_start3A_1887, %dma_start3A_1889, %dma_start3A_1890] : memref<6x128x128xf32, #tpu.memory_space<vmem>> -> memref<1x128x128xf32, #tpu.memory_space<vmem>>
      %dma_start3A_1892 = tpu.memref_squeeze %dma_start3A_1891 : memref<1x128x128xf32, #tpu.memory_space<vmem>> -> memref<128x128xf32, #tpu.memory_space<vmem>>
      %dma_start3A_1893 = arith.constant 0 : i32
      %dma_start3A_1894 = tpu.memref_slice %arg7[%dma_start3A_1888, %dma_start3A_1893] : memref<6x128xi32, #tpu.memory_space<vmem>> -> memref<1x128xi32, #tpu.memory_space<vmem>>
      %dma_start3A_1895 = tpu.memref_squeeze %dma_start3A_1894 : memref<1x128xi32, #tpu.memory_space<vmem>> -> memref<128xi32, #tpu.memory_space<vmem>>
      %dma_start3A_1896 = arith.constant 0 : i32
      %dma_start3A_1897 = arith.constant 0 : i32
      %dma_start3A_1898 = tpu.memref_slice %arg10[%dma_start3A_1896, %dma_start3A_1897] : memref<512x128xf32, #tpu.memory_space<vmem_shared>> -> memref<512x128xf32, #tpu.memory_space<vmem_shared>>
      tpu.enqueue_indirect_dma source(%dma_start3A_1892 : memref<128x128xf32, #tpu.memory_space<vmem>>) target(%dma_start3A_1898 : memref<512x128xf32, #tpu.memory_space<vmem_shared>>) offsets(%dma_start3A_1895 : memref<128xi32, #tpu.memory_space<vmem>>) semaphore(%arg26 : memref<!tpu.dma_semaphore, #tpu.memory_space<semaphore_mem>>) {add = true}
      %dma_start3A_1899 = arith.constant 2 : i32
      %dma_start3A_1900 = arith.constant 0 : i32
      %dma_start3A_1901 = tpu.memref_slice %arg7[%dma_start3A_1899, %dma_start3A_1900] : memref<6x128xi32, #tpu.memory_space<vmem>> -> memref<1x128xi32, #tpu.memory_space<vmem>>
      %dma_start3A_1902 = tpu.memref_squeeze %dma_start3A_1901 : memref<1x128xi32, #tpu.memory_space<vmem>> -> memref<128xi32, #tpu.memory_space<vmem>>
      %dma_start3A_1903 = arith.constant 0 : i32
      %dma_start3A_1904 = tpu.memref_slice %arg11[%dma_start3A_1903] : memref<512xf32, #tpu.memory_space<vmem_shared>> -> memref<512xf32, #tpu.memory_space<vmem_shared>>
      tpu.enqueue_indirect_dma source(%arg8 : memref<128xf32, #tpu.memory_space<vmem>>) target(%dma_start3A_1904 : memref<512xf32, #tpu.memory_space<vmem_shared>>) offsets(%dma_start3A_1902 : memref<128xi32, #tpu.memory_space<vmem>>) semaphore(%arg26 : memref<!tpu.dma_semaphore, #tpu.memory_space<semaphore_mem>>) {add = true}
      %add3A_1905 = arith.constant 2 : i32
      %add3A_1906 = arith.addi %add3A_1859, %add3A_1905 : i32
      %lt3A_1907 = arith.constant 78 : i32
      %lt3A_1908 = arith.cmpi slt, %add3A_1906, %lt3A_1907 : i32
      %convert_element_type3A_1909 = arith.extui %lt3A_1908 : i1 to i32
      %cond3A_1910 = arith.constant 0 : i32
      %cond3A_1911 = arith.cmpi ne, %convert_element_type3A_1909, %cond3A_1910 : i32
      scf.if %cond3A_1911 {
        %ge3A = arith.constant 6 : i32
        %ge3A_2080 = arith.cmpi sge, %add3A_1906, %ge3A : i32
        %convert_element_type3A_2081 = arith.extui %ge3A_2080 : i1 to i32
        %cond3A_2082 = arith.constant 0 : i32
        %cond3A_2083 = arith.cmpi ne, %convert_element_type3A_2081, %cond3A_2082 : i32
        scf.if %cond3A_2083 {
          %dma_wait3A_2111 = arith.constant 4 : i32
          %dma_wait3A_2112 = arith.constant 4 : i32
          %dma_wait3A_2113 = arith.constant 0 : i32
          %dma_wait3A_2114 = arith.constant 0 : i32
          %dma_wait3A_2115 = tpu.memref_slice %arg6[%dma_wait3A_2111, %dma_wait3A_2113, %dma_wait3A_2114] : memref<6x128x128xf32, #tpu.memory_space<vmem>> -> memref<1x128x128xf32, #tpu.memory_space<vmem>>
          %dma_wait3A_2116 = tpu.memref_squeeze %dma_wait3A_2115 : memref<1x128x128xf32, #tpu.memory_space<vmem>> -> memref<128x128xf32, #tpu.memory_space<vmem>>
          %dma_wait3A_2117 = arith.constant 0 : i32
          %dma_wait3A_2118 = tpu.memref_slice %arg7[%dma_wait3A_2112, %dma_wait3A_2117] : memref<6x128xi32, #tpu.memory_space<vmem>> -> memref<1x128xi32, #tpu.memory_space<vmem>>
          %dma_wait3A_2119 = tpu.memref_squeeze %dma_wait3A_2118 : memref<1x128xi32, #tpu.memory_space<vmem>> -> memref<128xi32, #tpu.memory_space<vmem>>
          %dma_wait3A_2120 = arith.constant 0 : i32
          %dma_wait3A_2121 = arith.constant 0 : i32
          %dma_wait3A_2122 = tpu.memref_slice %arg10[%dma_wait3A_2120, %dma_wait3A_2121] : memref<512x128xf32, #tpu.memory_space<vmem_shared>> -> memref<512x128xf32, #tpu.memory_space<vmem_shared>>
          tpu.wait_indirect_dma semaphore(%arg28 : memref<!tpu.dma_semaphore, #tpu.memory_space<semaphore_mem>>) src(%dma_wait3A_2116 : memref<128x128xf32, #tpu.memory_space<vmem>>) dst(%dma_wait3A_2122 : memref<512x128xf32, #tpu.memory_space<vmem_shared>>)
          %dma_wait3A_2123 = arith.constant 4 : i32
          %dma_wait3A_2124 = arith.constant 0 : i32
          %dma_wait3A_2125 = tpu.memref_slice %arg7[%dma_wait3A_2123, %dma_wait3A_2124] : memref<6x128xi32, #tpu.memory_space<vmem>> -> memref<1x128xi32, #tpu.memory_space<vmem>>
          %dma_wait3A_2126 = tpu.memref_squeeze %dma_wait3A_2125 : memref<1x128xi32, #tpu.memory_space<vmem>> -> memref<128xi32, #tpu.memory_space<vmem>>
          %dma_wait3A_2127 = arith.constant 0 : i32
          %dma_wait3A_2128 = tpu.memref_slice %arg11[%dma_wait3A_2127] : memref<512xf32, #tpu.memory_space<vmem_shared>> -> memref<512xf32, #tpu.memory_space<vmem_shared>>
          tpu.wait_indirect_dma semaphore(%arg28 : memref<!tpu.dma_semaphore, #tpu.memory_space<semaphore_mem>>) src(%arg8 : memref<128xf32, #tpu.memory_space<vmem>>) dst(%dma_wait3A_2128 : memref<512xf32, #tpu.memory_space<vmem_shared>>)
        } else {
        }
        %mul3A_2084 = arith.constant 32 : i32
        %mul3A_2085 = arith.muli %add3A_1906, %mul3A_2084 : i32
        %add3A_2086 = arith.addi %add3A, %mul3A_2085 : i32
        %mul3A_2087 = arith.constant 128 : i32
        %mul3A_2088 = arith.muli %add3A_2086, %mul3A_2087 : i32
        %dma_start3A_2089 = arith.constant 4 : i32
        %dma_start3A_2090 = arith.constant 0 : i32
        %dma_start3A_2091 = arith.constant 0 : i32
        %dma_start3A_2092 = tpu.memref_slice %arg6[%dma_start3A_2089, %dma_start3A_2090, %dma_start3A_2091] : memref<6x128x128xf32, #tpu.memory_space<vmem>> -> memref<1x128x128xf32, #tpu.memory_space<vmem>>
        %dma_start3A_2093 = tpu.memref_squeeze %dma_start3A_2092 : memref<1x128x128xf32, #tpu.memory_space<vmem>> -> memref<128x128xf32, #tpu.memory_space<vmem>>
        %dma_start3A_2094 = arith.constant 0 : i32
        %dma_start3A_2095 = tpu.memref_slice %arg2[%mul3A_2088, %dma_start3A_2094] : memref<320000x128xf32, #tpu.memory_space<hbm>> -> memref<128x128xf32, #tpu.memory_space<hbm>>
        %dma_start3A_2096 = arith.constant 0 : i32
        %dma_start3A_2097 = arith.constant 0 : i32
        %dma_start3A_2098 = tpu.memref_slice %arg6[%dma_start3A_2089, %dma_start3A_2096, %dma_start3A_2097] : memref<6x128x128xf32, #tpu.memory_space<vmem>> -> memref<1x128x128xf32, #tpu.memory_space<vmem>>
        %dma_start3A_2099 = tpu.memref_squeeze %dma_start3A_2098 : memref<1x128x128xf32, #tpu.memory_space<vmem>> -> memref<128x128xf32, #tpu.memory_space<vmem>>
        %dma_start3A_2100 = arith.constant 0 : i32
        %dma_start3A_2101 = tpu.memref_slice %arg2[%mul3A_2088, %dma_start3A_2100] : memref<320000x128xf32, #tpu.memory_space<hbm>> -> memref<128x128xf32, #tpu.memory_space<hbm>>
        tpu.enqueue_dma source(%dma_start3A_2101 : memref<128x128xf32, #tpu.memory_space<hbm>>) target(%dma_start3A_2099 : memref<128x128xf32, #tpu.memory_space<vmem>>) target_semaphore(%arg16 : memref<!tpu.dma_semaphore, #tpu.memory_space<semaphore_mem>>)
        %dma_start3A_2102 = arith.constant 4 : i32
        %dma_start3A_2103 = arith.constant 0 : i32
        %dma_start3A_2104 = tpu.memref_slice %arg7[%dma_start3A_2102, %dma_start3A_2103] : memref<6x128xi32, #tpu.memory_space<vmem>> -> memref<1x128xi32, #tpu.memory_space<vmem>>
        %dma_start3A_2105 = tpu.memref_squeeze %dma_start3A_2104 : memref<1x128xi32, #tpu.memory_space<vmem>> -> memref<128xi32, #tpu.memory_space<vmem>>
        %dma_start3A_2106 = tpu.memref_slice %arg3[%mul3A_2088] : memref<320000xi32, #tpu.memory_space<hbm>> -> memref<128xi32, #tpu.memory_space<hbm>>
        %dma_start3A_2107 = arith.constant 0 : i32
        %dma_start3A_2108 = tpu.memref_slice %arg7[%dma_start3A_2102, %dma_start3A_2107] : memref<6x128xi32, #tpu.memory_space<vmem>> -> memref<1x128xi32, #tpu.memory_space<vmem>>
        %dma_start3A_2109 = tpu.memref_squeeze %dma_start3A_2108 : memref<1x128xi32, #tpu.memory_space<vmem>> -> memref<128xi32, #tpu.memory_space<vmem>>
        %dma_start3A_2110 = tpu.memref_slice %arg3[%mul3A_2088] : memref<320000xi32, #tpu.memory_space<hbm>> -> memref<128xi32, #tpu.memory_space<hbm>>
        tpu.enqueue_dma source(%dma_start3A_2110 : memref<128xi32, #tpu.memory_space<hbm>>) target(%dma_start3A_2109 : memref<128xi32, #tpu.memory_space<vmem>>) target_semaphore(%arg22 : memref<!tpu.dma_semaphore, #tpu.memory_space<semaphore_mem>>)
      } else {
      }
      %mul3A_1912 = arith.constant 6 : i32
      %mul3A_1913 = arith.muli %scan3A_1743, %mul3A_1912 : i32
      %add3A_1914 = arith.constant 3 : i32
      %add3A_1915 = arith.addi %mul3A_1913, %add3A_1914 : i32
      %mul3A_1916 = arith.constant 32 : i32
      %mul3A_1917 = arith.muli %add3A_1915, %mul3A_1916 : i32
      %add3A_1918 = arith.addi %add3A, %mul3A_1917 : i32
      %mul3A_1919 = arith.constant 128 : i32
      %mul3A_1920 = arith.muli %add3A_1918, %mul3A_1919 : i32
      %dma_wait3A_1921 = arith.constant 3 : i32
      %dma_wait3A_1922 = arith.constant 0 : i32
      %dma_wait3A_1923 = arith.constant 0 : i32
      %dma_wait3A_1924 = tpu.memref_slice %arg6[%dma_wait3A_1921, %dma_wait3A_1922, %dma_wait3A_1923] : memref<6x128x128xf32, #tpu.memory_space<vmem>> -> memref<1x128x128xf32, #tpu.memory_space<vmem>>
      %dma_wait3A_1925 = tpu.memref_squeeze %dma_wait3A_1924 : memref<1x128x128xf32, #tpu.memory_space<vmem>> -> memref<128x128xf32, #tpu.memory_space<vmem>>
      %dma_wait3A_1926 = arith.constant 0 : i32
      %dma_wait3A_1927 = tpu.memref_slice %arg2[%mul3A_1920, %dma_wait3A_1926] : memref<320000x128xf32, #tpu.memory_space<hbm>> -> memref<128x128xf32, #tpu.memory_space<hbm>>
      %dma_wait3A_1928 = arith.constant 0 : i32
      %dma_wait3A_1929 = arith.constant 0 : i32
      %dma_wait3A_1930 = tpu.memref_slice %arg6[%dma_wait3A_1921, %dma_wait3A_1928, %dma_wait3A_1929] : memref<6x128x128xf32, #tpu.memory_space<vmem>> -> memref<1x128x128xf32, #tpu.memory_space<vmem>>
      %dma_wait3A_1931 = tpu.memref_squeeze %dma_wait3A_1930 : memref<1x128x128xf32, #tpu.memory_space<vmem>> -> memref<128x128xf32, #tpu.memory_space<vmem>>
      %dma_wait3A_1932 = arith.constant 0 : i32
      %dma_wait3A_1933 = tpu.memref_slice %arg2[%mul3A_1920, %dma_wait3A_1932] : memref<320000x128xf32, #tpu.memory_space<hbm>> -> memref<128x128xf32, #tpu.memory_space<hbm>>
      tpu.wait_dma2 semaphore(%arg15 : memref<!tpu.dma_semaphore, #tpu.memory_space<semaphore_mem>>) src(%dma_wait3A_1933 : memref<128x128xf32, #tpu.memory_space<hbm>>) dst(%dma_wait3A_1931 : memref<128x128xf32, #tpu.memory_space<vmem>>)
      %dma_wait3A_1934 = arith.constant 3 : i32
      %dma_wait3A_1935 = arith.constant 0 : i32
      %dma_wait3A_1936 = tpu.memref_slice %arg7[%dma_wait3A_1934, %dma_wait3A_1935] : memref<6x128xi32, #tpu.memory_space<vmem>> -> memref<1x128xi32, #tpu.memory_space<vmem>>
      %dma_wait3A_1937 = tpu.memref_squeeze %dma_wait3A_1936 : memref<1x128xi32, #tpu.memory_space<vmem>> -> memref<128xi32, #tpu.memory_space<vmem>>
      %dma_wait3A_1938 = tpu.memref_slice %arg3[%mul3A_1920] : memref<320000xi32, #tpu.memory_space<hbm>> -> memref<128xi32, #tpu.memory_space<hbm>>
      %dma_wait3A_1939 = arith.constant 0 : i32
      %dma_wait3A_1940 = tpu.memref_slice %arg7[%dma_wait3A_1934, %dma_wait3A_1939] : memref<6x128xi32, #tpu.memory_space<vmem>> -> memref<1x128xi32, #tpu.memory_space<vmem>>
      %dma_wait3A_1941 = tpu.memref_squeeze %dma_wait3A_1940 : memref<1x128xi32, #tpu.memory_space<vmem>> -> memref<128xi32, #tpu.memory_space<vmem>>
      %dma_wait3A_1942 = tpu.memref_slice %arg3[%mul3A_1920] : memref<320000xi32, #tpu.memory_space<hbm>> -> memref<128xi32, #tpu.memory_space<hbm>>
      tpu.wait_dma2 semaphore(%arg21 : memref<!tpu.dma_semaphore, #tpu.memory_space<semaphore_mem>>) src(%dma_wait3A_1942 : memref<128xi32, #tpu.memory_space<hbm>>) dst(%dma_wait3A_1941 : memref<128xi32, #tpu.memory_space<vmem>>)
      %dma_start3A_1943 = arith.constant 3 : i32
      %dma_start3A_1944 = arith.constant 3 : i32
      %dma_start3A_1945 = arith.constant 0 : i32
      %dma_start3A_1946 = arith.constant 0 : i32
      %dma_start3A_1947 = tpu.memref_slice %arg6[%dma_start3A_1943, %dma_start3A_1945, %dma_start3A_1946] : memref<6x128x128xf32, #tpu.memory_space<vmem>> -> memref<1x128x128xf32, #tpu.memory_space<vmem>>
      %dma_start3A_1948 = tpu.memref_squeeze %dma_start3A_1947 : memref<1x128x128xf32, #tpu.memory_space<vmem>> -> memref<128x128xf32, #tpu.memory_space<vmem>>
      %dma_start3A_1949 = arith.constant 0 : i32
      %dma_start3A_1950 = tpu.memref_slice %arg7[%dma_start3A_1944, %dma_start3A_1949] : memref<6x128xi32, #tpu.memory_space<vmem>> -> memref<1x128xi32, #tpu.memory_space<vmem>>
      %dma_start3A_1951 = tpu.memref_squeeze %dma_start3A_1950 : memref<1x128xi32, #tpu.memory_space<vmem>> -> memref<128xi32, #tpu.memory_space<vmem>>
      %dma_start3A_1952 = arith.constant 0 : i32
      %dma_start3A_1953 = arith.constant 0 : i32
      %dma_start3A_1954 = tpu.memref_slice %arg10[%dma_start3A_1952, %dma_start3A_1953] : memref<512x128xf32, #tpu.memory_space<vmem_shared>> -> memref<512x128xf32, #tpu.memory_space<vmem_shared>>
      tpu.enqueue_indirect_dma source(%dma_start3A_1948 : memref<128x128xf32, #tpu.memory_space<vmem>>) target(%dma_start3A_1954 : memref<512x128xf32, #tpu.memory_space<vmem_shared>>) offsets(%dma_start3A_1951 : memref<128xi32, #tpu.memory_space<vmem>>) semaphore(%arg27 : memref<!tpu.dma_semaphore, #tpu.memory_space<semaphore_mem>>) {add = true}
      %dma_start3A_1955 = arith.constant 3 : i32
      %dma_start3A_1956 = arith.constant 0 : i32
      %dma_start3A_1957 = tpu.memref_slice %arg7[%dma_start3A_1955, %dma_start3A_1956] : memref<6x128xi32, #tpu.memory_space<vmem>> -> memref<1x128xi32, #tpu.memory_space<vmem>>
      %dma_start3A_1958 = tpu.memref_squeeze %dma_start3A_1957 : memref<1x128xi32, #tpu.memory_space<vmem>> -> memref<128xi32, #tpu.memory_space<vmem>>
      %dma_start3A_1959 = arith.constant 0 : i32
      %dma_start3A_1960 = tpu.memref_slice %arg11[%dma_start3A_1959] : memref<512xf32, #tpu.memory_space<vmem_shared>> -> memref<512xf32, #tpu.memory_space<vmem_shared>>
      tpu.enqueue_indirect_dma source(%arg8 : memref<128xf32, #tpu.memory_space<vmem>>) target(%dma_start3A_1960 : memref<512xf32, #tpu.memory_space<vmem_shared>>) offsets(%dma_start3A_1958 : memref<128xi32, #tpu.memory_space<vmem>>) semaphore(%arg27 : memref<!tpu.dma_semaphore, #tpu.memory_space<semaphore_mem>>) {add = true}
      %add3A_1961 = arith.constant 2 : i32
      %add3A_1962 = arith.addi %add3A_1915, %add3A_1961 : i32
      %lt3A_1963 = arith.constant 78 : i32
      %lt3A_1964 = arith.cmpi slt, %add3A_1962, %lt3A_1963 : i32
      %convert_element_type3A_1965 = arith.extui %lt3A_1964 : i1 to i32
      %cond3A_1966 = arith.constant 0 : i32
      %cond3A_1967 = arith.cmpi ne, %convert_element_type3A_1965, %cond3A_1966 : i32
      scf.if %cond3A_1967 {
        %ge3A = arith.constant 6 : i32
        %ge3A_2080 = arith.cmpi sge, %add3A_1962, %ge3A : i32
        %convert_element_type3A_2081 = arith.extui %ge3A_2080 : i1 to i32
        %cond3A_2082 = arith.constant 0 : i32
        %cond3A_2083 = arith.cmpi ne, %convert_element_type3A_2081, %cond3A_2082 : i32
        scf.if %cond3A_2083 {
          %dma_wait3A_2111 = arith.constant 5 : i32
          %dma_wait3A_2112 = arith.constant 5 : i32
          %dma_wait3A_2113 = arith.constant 0 : i32
          %dma_wait3A_2114 = arith.constant 0 : i32
          %dma_wait3A_2115 = tpu.memref_slice %arg6[%dma_wait3A_2111, %dma_wait3A_2113, %dma_wait3A_2114] : memref<6x128x128xf32, #tpu.memory_space<vmem>> -> memref<1x128x128xf32, #tpu.memory_space<vmem>>
          %dma_wait3A_2116 = tpu.memref_squeeze %dma_wait3A_2115 : memref<1x128x128xf32, #tpu.memory_space<vmem>> -> memref<128x128xf32, #tpu.memory_space<vmem>>
          %dma_wait3A_2117 = arith.constant 0 : i32
          %dma_wait3A_2118 = tpu.memref_slice %arg7[%dma_wait3A_2112, %dma_wait3A_2117] : memref<6x128xi32, #tpu.memory_space<vmem>> -> memref<1x128xi32, #tpu.memory_space<vmem>>
          %dma_wait3A_2119 = tpu.memref_squeeze %dma_wait3A_2118 : memref<1x128xi32, #tpu.memory_space<vmem>> -> memref<128xi32, #tpu.memory_space<vmem>>
          %dma_wait3A_2120 = arith.constant 0 : i32
          %dma_wait3A_2121 = arith.constant 0 : i32
          %dma_wait3A_2122 = tpu.memref_slice %arg10[%dma_wait3A_2120, %dma_wait3A_2121] : memref<512x128xf32, #tpu.memory_space<vmem_shared>> -> memref<512x128xf32, #tpu.memory_space<vmem_shared>>
          tpu.wait_indirect_dma semaphore(%arg29 : memref<!tpu.dma_semaphore, #tpu.memory_space<semaphore_mem>>) src(%dma_wait3A_2116 : memref<128x128xf32, #tpu.memory_space<vmem>>) dst(%dma_wait3A_2122 : memref<512x128xf32, #tpu.memory_space<vmem_shared>>)
          %dma_wait3A_2123 = arith.constant 5 : i32
          %dma_wait3A_2124 = arith.constant 0 : i32
          %dma_wait3A_2125 = tpu.memref_slice %arg7[%dma_wait3A_2123, %dma_wait3A_2124] : memref<6x128xi32, #tpu.memory_space<vmem>> -> memref<1x128xi32, #tpu.memory_space<vmem>>
          %dma_wait3A_2126 = tpu.memref_squeeze %dma_wait3A_2125 : memref<1x128xi32, #tpu.memory_space<vmem>> -> memref<128xi32, #tpu.memory_space<vmem>>
          %dma_wait3A_2127 = arith.constant 0 : i32
          %dma_wait3A_2128 = tpu.memref_slice %arg11[%dma_wait3A_2127] : memref<512xf32, #tpu.memory_space<vmem_shared>> -> memref<512xf32, #tpu.memory_space<vmem_shared>>
          tpu.wait_indirect_dma semaphore(%arg29 : memref<!tpu.dma_semaphore, #tpu.memory_space<semaphore_mem>>) src(%arg8 : memref<128xf32, #tpu.memory_space<vmem>>) dst(%dma_wait3A_2128 : memref<512xf32, #tpu.memory_space<vmem_shared>>)
        } else {
        }
        %mul3A_2084 = arith.constant 32 : i32
        %mul3A_2085 = arith.muli %add3A_1962, %mul3A_2084 : i32
        %add3A_2086 = arith.addi %add3A, %mul3A_2085 : i32
        %mul3A_2087 = arith.constant 128 : i32
        %mul3A_2088 = arith.muli %add3A_2086, %mul3A_2087 : i32
        %dma_start3A_2089 = arith.constant 5 : i32
        %dma_start3A_2090 = arith.constant 0 : i32
        %dma_start3A_2091 = arith.constant 0 : i32
        %dma_start3A_2092 = tpu.memref_slice %arg6[%dma_start3A_2089, %dma_start3A_2090, %dma_start3A_2091] : memref<6x128x128xf32, #tpu.memory_space<vmem>> -> memref<1x128x128xf32, #tpu.memory_space<vmem>>
        %dma_start3A_2093 = tpu.memref_squeeze %dma_start3A_2092 : memref<1x128x128xf32, #tpu.memory_space<vmem>> -> memref<128x128xf32, #tpu.memory_space<vmem>>
        %dma_start3A_2094 = arith.constant 0 : i32
        %dma_start3A_2095 = tpu.memref_slice %arg2[%mul3A_2088, %dma_start3A_2094] : memref<320000x128xf32, #tpu.memory_space<hbm>> -> memref<128x128xf32, #tpu.memory_space<hbm>>
        %dma_start3A_2096 = arith.constant 0 : i32
        %dma_start3A_2097 = arith.constant 0 : i32
        %dma_start3A_2098 = tpu.memref_slice %arg6[%dma_start3A_2089, %dma_start3A_2096, %dma_start3A_2097] : memref<6x128x128xf32, #tpu.memory_space<vmem>> -> memref<1x128x128xf32, #tpu.memory_space<vmem>>
        %dma_start3A_2099 = tpu.memref_squeeze %dma_start3A_2098 : memref<1x128x128xf32, #tpu.memory_space<vmem>> -> memref<128x128xf32, #tpu.memory_space<vmem>>
        %dma_start3A_2100 = arith.constant 0 : i32
        %dma_start3A_2101 = tpu.memref_slice %arg2[%mul3A_2088, %dma_start3A_2100] : memref<320000x128xf32, #tpu.memory_space<hbm>> -> memref<128x128xf32, #tpu.memory_space<hbm>>
        tpu.enqueue_dma source(%dma_start3A_2101 : memref<128x128xf32, #tpu.memory_space<hbm>>) target(%dma_start3A_2099 : memref<128x128xf32, #tpu.memory_space<vmem>>) target_semaphore(%arg17 : memref<!tpu.dma_semaphore, #tpu.memory_space<semaphore_mem>>)
        %dma_start3A_2102 = arith.constant 5 : i32
        %dma_start3A_2103 = arith.constant 0 : i32
        %dma_start3A_2104 = tpu.memref_slice %arg7[%dma_start3A_2102, %dma_start3A_2103] : memref<6x128xi32, #tpu.memory_space<vmem>> -> memref<1x128xi32, #tpu.memory_space<vmem>>
        %dma_start3A_2105 = tpu.memref_squeeze %dma_start3A_2104 : memref<1x128xi32, #tpu.memory_space<vmem>> -> memref<128xi32, #tpu.memory_space<vmem>>
        %dma_start3A_2106 = tpu.memref_slice %arg3[%mul3A_2088] : memref<320000xi32, #tpu.memory_space<hbm>> -> memref<128xi32, #tpu.memory_space<hbm>>
        %dma_start3A_2107 = arith.constant 0 : i32
        %dma_start3A_2108 = tpu.memref_slice %arg7[%dma_start3A_2102, %dma_start3A_2107] : memref<6x128xi32, #tpu.memory_space<vmem>> -> memref<1x128xi32, #tpu.memory_space<vmem>>
        %dma_start3A_2109 = tpu.memref_squeeze %dma_start3A_2108 : memref<1x128xi32, #tpu.memory_space<vmem>> -> memref<128xi32, #tpu.memory_space<vmem>>
        %dma_start3A_2110 = tpu.memref_slice %arg3[%mul3A_2088] : memref<320000xi32, #tpu.memory_space<hbm>> -> memref<128xi32, #tpu.memory_space<hbm>>
        tpu.enqueue_dma source(%dma_start3A_2110 : memref<128xi32, #tpu.memory_space<hbm>>) target(%dma_start3A_2109 : memref<128xi32, #tpu.memory_space<vmem>>) target_semaphore(%arg23 : memref<!tpu.dma_semaphore, #tpu.memory_space<semaphore_mem>>)
      } else {
      }
      %mul3A_1968 = arith.constant 6 : i32
      %mul3A_1969 = arith.muli %scan3A_1743, %mul3A_1968 : i32
      %add3A_1970 = arith.constant 4 : i32
      %add3A_1971 = arith.addi %mul3A_1969, %add3A_1970 : i32
      %mul3A_1972 = arith.constant 32 : i32
      %mul3A_1973 = arith.muli %add3A_1971, %mul3A_1972 : i32
      %add3A_1974 = arith.addi %add3A, %mul3A_1973 : i32
      %mul3A_1975 = arith.constant 128 : i32
      %mul3A_1976 = arith.muli %add3A_1974, %mul3A_1975 : i32
      %dma_wait3A_1977 = arith.constant 4 : i32
      %dma_wait3A_1978 = arith.constant 0 : i32
      %dma_wait3A_1979 = arith.constant 0 : i32
      %dma_wait3A_1980 = tpu.memref_slice %arg6[%dma_wait3A_1977, %dma_wait3A_1978, %dma_wait3A_1979] : memref<6x128x128xf32, #tpu.memory_space<vmem>> -> memref<1x128x128xf32, #tpu.memory_space<vmem>>
      %dma_wait3A_1981 = tpu.memref_squeeze %dma_wait3A_1980 : memref<1x128x128xf32, #tpu.memory_space<vmem>> -> memref<128x128xf32, #tpu.memory_space<vmem>>
      %dma_wait3A_1982 = arith.constant 0 : i32
      %dma_wait3A_1983 = tpu.memref_slice %arg2[%mul3A_1976, %dma_wait3A_1982] : memref<320000x128xf32, #tpu.memory_space<hbm>> -> memref<128x128xf32, #tpu.memory_space<hbm>>
      %dma_wait3A_1984 = arith.constant 0 : i32
      %dma_wait3A_1985 = arith.constant 0 : i32
      %dma_wait3A_1986 = tpu.memref_slice %arg6[%dma_wait3A_1977, %dma_wait3A_1984, %dma_wait3A_1985] : memref<6x128x128xf32, #tpu.memory_space<vmem>> -> memref<1x128x128xf32, #tpu.memory_space<vmem>>
      %dma_wait3A_1987 = tpu.memref_squeeze %dma_wait3A_1986 : memref<1x128x128xf32, #tpu.memory_space<vmem>> -> memref<128x128xf32, #tpu.memory_space<vmem>>
      %dma_wait3A_1988 = arith.constant 0 : i32
      %dma_wait3A_1989 = tpu.memref_slice %arg2[%mul3A_1976, %dma_wait3A_1988] : memref<320000x128xf32, #tpu.memory_space<hbm>> -> memref<128x128xf32, #tpu.memory_space<hbm>>
      tpu.wait_dma2 semaphore(%arg16 : memref<!tpu.dma_semaphore, #tpu.memory_space<semaphore_mem>>) src(%dma_wait3A_1989 : memref<128x128xf32, #tpu.memory_space<hbm>>) dst(%dma_wait3A_1987 : memref<128x128xf32, #tpu.memory_space<vmem>>)
      %dma_wait3A_1990 = arith.constant 4 : i32
      %dma_wait3A_1991 = arith.constant 0 : i32
      %dma_wait3A_1992 = tpu.memref_slice %arg7[%dma_wait3A_1990, %dma_wait3A_1991] : memref<6x128xi32, #tpu.memory_space<vmem>> -> memref<1x128xi32, #tpu.memory_space<vmem>>
      %dma_wait3A_1993 = tpu.memref_squeeze %dma_wait3A_1992 : memref<1x128xi32, #tpu.memory_space<vmem>> -> memref<128xi32, #tpu.memory_space<vmem>>
      %dma_wait3A_1994 = tpu.memref_slice %arg3[%mul3A_1976] : memref<320000xi32, #tpu.memory_space<hbm>> -> memref<128xi32, #tpu.memory_space<hbm>>
      %dma_wait3A_1995 = arith.constant 0 : i32
      %dma_wait3A_1996 = tpu.memref_slice %arg7[%dma_wait3A_1990, %dma_wait3A_1995] : memref<6x128xi32, #tpu.memory_space<vmem>> -> memref<1x128xi32, #tpu.memory_space<vmem>>
      %dma_wait3A_1997 = tpu.memref_squeeze %dma_wait3A_1996 : memref<1x128xi32, #tpu.memory_space<vmem>> -> memref<128xi32, #tpu.memory_space<vmem>>
      %dma_wait3A_1998 = tpu.memref_slice %arg3[%mul3A_1976] : memref<320000xi32, #tpu.memory_space<hbm>> -> memref<128xi32, #tpu.memory_space<hbm>>
      tpu.wait_dma2 semaphore(%arg22 : memref<!tpu.dma_semaphore, #tpu.memory_space<semaphore_mem>>) src(%dma_wait3A_1998 : memref<128xi32, #tpu.memory_space<hbm>>) dst(%dma_wait3A_1997 : memref<128xi32, #tpu.memory_space<vmem>>)
      %dma_start3A_1999 = arith.constant 4 : i32
      %dma_start3A_2000 = arith.constant 4 : i32
      %dma_start3A_2001 = arith.constant 0 : i32
      %dma_start3A_2002 = arith.constant 0 : i32
      %dma_start3A_2003 = tpu.memref_slice %arg6[%dma_start3A_1999, %dma_start3A_2001, %dma_start3A_2002] : memref<6x128x128xf32, #tpu.memory_space<vmem>> -> memref<1x128x128xf32, #tpu.memory_space<vmem>>
      %dma_start3A_2004 = tpu.memref_squeeze %dma_start3A_2003 : memref<1x128x128xf32, #tpu.memory_space<vmem>> -> memref<128x128xf32, #tpu.memory_space<vmem>>
      %dma_start3A_2005 = arith.constant 0 : i32
      %dma_start3A_2006 = tpu.memref_slice %arg7[%dma_start3A_2000, %dma_start3A_2005] : memref<6x128xi32, #tpu.memory_space<vmem>> -> memref<1x128xi32, #tpu.memory_space<vmem>>
      %dma_start3A_2007 = tpu.memref_squeeze %dma_start3A_2006 : memref<1x128xi32, #tpu.memory_space<vmem>> -> memref<128xi32, #tpu.memory_space<vmem>>
      %dma_start3A_2008 = arith.constant 0 : i32
      %dma_start3A_2009 = arith.constant 0 : i32
      %dma_start3A_2010 = tpu.memref_slice %arg10[%dma_start3A_2008, %dma_start3A_2009] : memref<512x128xf32, #tpu.memory_space<vmem_shared>> -> memref<512x128xf32, #tpu.memory_space<vmem_shared>>
      tpu.enqueue_indirect_dma source(%dma_start3A_2004 : memref<128x128xf32, #tpu.memory_space<vmem>>) target(%dma_start3A_2010 : memref<512x128xf32, #tpu.memory_space<vmem_shared>>) offsets(%dma_start3A_2007 : memref<128xi32, #tpu.memory_space<vmem>>) semaphore(%arg28 : memref<!tpu.dma_semaphore, #tpu.memory_space<semaphore_mem>>) {add = true}
      %dma_start3A_2011 = arith.constant 4 : i32
      %dma_start3A_2012 = arith.constant 0 : i32
      %dma_start3A_2013 = tpu.memref_slice %arg7[%dma_start3A_2011, %dma_start3A_2012] : memref<6x128xi32, #tpu.memory_space<vmem>> -> memref<1x128xi32, #tpu.memory_space<vmem>>
      %dma_start3A_2014 = tpu.memref_squeeze %dma_start3A_2013 : memref<1x128xi32, #tpu.memory_space<vmem>> -> memref<128xi32, #tpu.memory_space<vmem>>
      %dma_start3A_2015 = arith.constant 0 : i32
      %dma_start3A_2016 = tpu.memref_slice %arg11[%dma_start3A_2015] : memref<512xf32, #tpu.memory_space<vmem_shared>> -> memref<512xf32, #tpu.memory_space<vmem_shared>>
      tpu.enqueue_indirect_dma source(%arg8 : memref<128xf32, #tpu.memory_space<vmem>>) target(%dma_start3A_2016 : memref<512xf32, #tpu.memory_space<vmem_shared>>) offsets(%dma_start3A_2014 : memref<128xi32, #tpu.memory_space<vmem>>) semaphore(%arg28 : memref<!tpu.dma_semaphore, #tpu.memory_space<semaphore_mem>>) {add = true}
      %add3A_2017 = arith.constant 2 : i32
      %add3A_2018 = arith.addi %add3A_1971, %add3A_2017 : i32
      %lt3A_2019 = arith.constant 78 : i32
      %lt3A_2020 = arith.cmpi slt, %add3A_2018, %lt3A_2019 : i32
      %convert_element_type3A_2021 = arith.extui %lt3A_2020 : i1 to i32
      %cond3A_2022 = arith.constant 0 : i32
      %cond3A_2023 = arith.cmpi ne, %convert_element_type3A_2021, %cond3A_2022 : i32
      scf.if %cond3A_2023 {
        %ge3A = arith.constant 6 : i32
        %ge3A_2080 = arith.cmpi sge, %add3A_2018, %ge3A : i32
        %convert_element_type3A_2081 = arith.extui %ge3A_2080 : i1 to i32
        %cond3A_2082 = arith.constant 0 : i32
        %cond3A_2083 = arith.cmpi ne, %convert_element_type3A_2081, %cond3A_2082 : i32
        scf.if %cond3A_2083 {
          %dma_wait3A_2111 = arith.constant 0 : i32
          %dma_wait3A_2112 = arith.constant 0 : i32
          %dma_wait3A_2113 = arith.constant 0 : i32
          %dma_wait3A_2114 = arith.constant 0 : i32
          %dma_wait3A_2115 = tpu.memref_slice %arg6[%dma_wait3A_2111, %dma_wait3A_2113, %dma_wait3A_2114] : memref<6x128x128xf32, #tpu.memory_space<vmem>> -> memref<1x128x128xf32, #tpu.memory_space<vmem>>
          %dma_wait3A_2116 = tpu.memref_squeeze %dma_wait3A_2115 : memref<1x128x128xf32, #tpu.memory_space<vmem>> -> memref<128x128xf32, #tpu.memory_space<vmem>>
          %dma_wait3A_2117 = arith.constant 0 : i32
          %dma_wait3A_2118 = tpu.memref_slice %arg7[%dma_wait3A_2112, %dma_wait3A_2117] : memref<6x128xi32, #tpu.memory_space<vmem>> -> memref<1x128xi32, #tpu.memory_space<vmem>>
          %dma_wait3A_2119 = tpu.memref_squeeze %dma_wait3A_2118 : memref<1x128xi32, #tpu.memory_space<vmem>> -> memref<128xi32, #tpu.memory_space<vmem>>
          %dma_wait3A_2120 = arith.constant 0 : i32
          %dma_wait3A_2121 = arith.constant 0 : i32
          %dma_wait3A_2122 = tpu.memref_slice %arg10[%dma_wait3A_2120, %dma_wait3A_2121] : memref<512x128xf32, #tpu.memory_space<vmem_shared>> -> memref<512x128xf32, #tpu.memory_space<vmem_shared>>
          tpu.wait_indirect_dma semaphore(%arg24 : memref<!tpu.dma_semaphore, #tpu.memory_space<semaphore_mem>>) src(%dma_wait3A_2116 : memref<128x128xf32, #tpu.memory_space<vmem>>) dst(%dma_wait3A_2122 : memref<512x128xf32, #tpu.memory_space<vmem_shared>>)
          %dma_wait3A_2123 = arith.constant 0 : i32
          %dma_wait3A_2124 = arith.constant 0 : i32
          %dma_wait3A_2125 = tpu.memref_slice %arg7[%dma_wait3A_2123, %dma_wait3A_2124] : memref<6x128xi32, #tpu.memory_space<vmem>> -> memref<1x128xi32, #tpu.memory_space<vmem>>
          %dma_wait3A_2126 = tpu.memref_squeeze %dma_wait3A_2125 : memref<1x128xi32, #tpu.memory_space<vmem>> -> memref<128xi32, #tpu.memory_space<vmem>>
          %dma_wait3A_2127 = arith.constant 0 : i32
          %dma_wait3A_2128 = tpu.memref_slice %arg11[%dma_wait3A_2127] : memref<512xf32, #tpu.memory_space<vmem_shared>> -> memref<512xf32, #tpu.memory_space<vmem_shared>>
          tpu.wait_indirect_dma semaphore(%arg24 : memref<!tpu.dma_semaphore, #tpu.memory_space<semaphore_mem>>) src(%arg8 : memref<128xf32, #tpu.memory_space<vmem>>) dst(%dma_wait3A_2128 : memref<512xf32, #tpu.memory_space<vmem_shared>>)
        } else {
        }
        %mul3A_2084 = arith.constant 32 : i32
        %mul3A_2085 = arith.muli %add3A_2018, %mul3A_2084 : i32
        %add3A_2086 = arith.addi %add3A, %mul3A_2085 : i32
        %mul3A_2087 = arith.constant 128 : i32
        %mul3A_2088 = arith.muli %add3A_2086, %mul3A_2087 : i32
        %dma_start3A_2089 = arith.constant 0 : i32
        %dma_start3A_2090 = arith.constant 0 : i32
        %dma_start3A_2091 = arith.constant 0 : i32
        %dma_start3A_2092 = tpu.memref_slice %arg6[%dma_start3A_2089, %dma_start3A_2090, %dma_start3A_2091] : memref<6x128x128xf32, #tpu.memory_space<vmem>> -> memref<1x128x128xf32, #tpu.memory_space<vmem>>
        %dma_start3A_2093 = tpu.memref_squeeze %dma_start3A_2092 : memref<1x128x128xf32, #tpu.memory_space<vmem>> -> memref<128x128xf32, #tpu.memory_space<vmem>>
        %dma_start3A_2094 = arith.constant 0 : i32
        %dma_start3A_2095 = tpu.memref_slice %arg2[%mul3A_2088, %dma_start3A_2094] : memref<320000x128xf32, #tpu.memory_space<hbm>> -> memref<128x128xf32, #tpu.memory_space<hbm>>
        %dma_start3A_2096 = arith.constant 0 : i32
        %dma_start3A_2097 = arith.constant 0 : i32
        %dma_start3A_2098 = tpu.memref_slice %arg6[%dma_start3A_2089, %dma_start3A_2096, %dma_start3A_2097] : memref<6x128x128xf32, #tpu.memory_space<vmem>> -> memref<1x128x128xf32, #tpu.memory_space<vmem>>
        %dma_start3A_2099 = tpu.memref_squeeze %dma_start3A_2098 : memref<1x128x128xf32, #tpu.memory_space<vmem>> -> memref<128x128xf32, #tpu.memory_space<vmem>>
        %dma_start3A_2100 = arith.constant 0 : i32
        %dma_start3A_2101 = tpu.memref_slice %arg2[%mul3A_2088, %dma_start3A_2100] : memref<320000x128xf32, #tpu.memory_space<hbm>> -> memref<128x128xf32, #tpu.memory_space<hbm>>
        tpu.enqueue_dma source(%dma_start3A_2101 : memref<128x128xf32, #tpu.memory_space<hbm>>) target(%dma_start3A_2099 : memref<128x128xf32, #tpu.memory_space<vmem>>) target_semaphore(%arg12 : memref<!tpu.dma_semaphore, #tpu.memory_space<semaphore_mem>>)
        %dma_start3A_2102 = arith.constant 0 : i32
        %dma_start3A_2103 = arith.constant 0 : i32
        %dma_start3A_2104 = tpu.memref_slice %arg7[%dma_start3A_2102, %dma_start3A_2103] : memref<6x128xi32, #tpu.memory_space<vmem>> -> memref<1x128xi32, #tpu.memory_space<vmem>>
        %dma_start3A_2105 = tpu.memref_squeeze %dma_start3A_2104 : memref<1x128xi32, #tpu.memory_space<vmem>> -> memref<128xi32, #tpu.memory_space<vmem>>
        %dma_start3A_2106 = tpu.memref_slice %arg3[%mul3A_2088] : memref<320000xi32, #tpu.memory_space<hbm>> -> memref<128xi32, #tpu.memory_space<hbm>>
        %dma_start3A_2107 = arith.constant 0 : i32
        %dma_start3A_2108 = tpu.memref_slice %arg7[%dma_start3A_2102, %dma_start3A_2107] : memref<6x128xi32, #tpu.memory_space<vmem>> -> memref<1x128xi32, #tpu.memory_space<vmem>>
        %dma_start3A_2109 = tpu.memref_squeeze %dma_start3A_2108 : memref<1x128xi32, #tpu.memory_space<vmem>> -> memref<128xi32, #tpu.memory_space<vmem>>
        %dma_start3A_2110 = tpu.memref_slice %arg3[%mul3A_2088] : memref<320000xi32, #tpu.memory_space<hbm>> -> memref<128xi32, #tpu.memory_space<hbm>>
        tpu.enqueue_dma source(%dma_start3A_2110 : memref<128xi32, #tpu.memory_space<hbm>>) target(%dma_start3A_2109 : memref<128xi32, #tpu.memory_space<vmem>>) target_semaphore(%arg18 : memref<!tpu.dma_semaphore, #tpu.memory_space<semaphore_mem>>)
      } else {
      }
      %mul3A_2024 = arith.constant 6 : i32
      %mul3A_2025 = arith.muli %scan3A_1743, %mul3A_2024 : i32
      %add3A_2026 = arith.constant 5 : i32
      %add3A_2027 = arith.addi %mul3A_2025, %add3A_2026 : i32
      %mul3A_2028 = arith.constant 32 : i32
      %mul3A_2029 = arith.muli %add3A_2027, %mul3A_2028 : i32
      %add3A_2030 = arith.addi %add3A, %mul3A_2029 : i32
      %mul3A_2031 = arith.constant 128 : i32
      %mul3A_2032 = arith.muli %add3A_2030, %mul3A_2031 : i32
      %dma_wait3A_2033 = arith.constant 5 : i32
      %dma_wait3A_2034 = arith.constant 0 : i32
      %dma_wait3A_2035 = arith.constant 0 : i32
      %dma_wait3A_2036 = tpu.memref_slice %arg6[%dma_wait3A_2033, %dma_wait3A_2034, %dma_wait3A_2035] : memref<6x128x128xf32, #tpu.memory_space<vmem>> -> memref<1x128x128xf32, #tpu.memory_space<vmem>>
      %dma_wait3A_2037 = tpu.memref_squeeze %dma_wait3A_2036 : memref<1x128x128xf32, #tpu.memory_space<vmem>> -> memref<128x128xf32, #tpu.memory_space<vmem>>
      %dma_wait3A_2038 = arith.constant 0 : i32
      %dma_wait3A_2039 = tpu.memref_slice %arg2[%mul3A_2032, %dma_wait3A_2038] : memref<320000x128xf32, #tpu.memory_space<hbm>> -> memref<128x128xf32, #tpu.memory_space<hbm>>
      %dma_wait3A_2040 = arith.constant 0 : i32
      %dma_wait3A_2041 = arith.constant 0 : i32
      %dma_wait3A_2042 = tpu.memref_slice %arg6[%dma_wait3A_2033, %dma_wait3A_2040, %dma_wait3A_2041] : memref<6x128x128xf32, #tpu.memory_space<vmem>> -> memref<1x128x128xf32, #tpu.memory_space<vmem>>
      %dma_wait3A_2043 = tpu.memref_squeeze %dma_wait3A_2042 : memref<1x128x128xf32, #tpu.memory_space<vmem>> -> memref<128x128xf32, #tpu.memory_space<vmem>>
      %dma_wait3A_2044 = arith.constant 0 : i32
      %dma_wait3A_2045 = tpu.memref_slice %arg2[%mul3A_2032, %dma_wait3A_2044] : memref<320000x128xf32, #tpu.memory_space<hbm>> -> memref<128x128xf32, #tpu.memory_space<hbm>>
      tpu.wait_dma2 semaphore(%arg17 : memref<!tpu.dma_semaphore, #tpu.memory_space<semaphore_mem>>) src(%dma_wait3A_2045 : memref<128x128xf32, #tpu.memory_space<hbm>>) dst(%dma_wait3A_2043 : memref<128x128xf32, #tpu.memory_space<vmem>>)
      %dma_wait3A_2046 = arith.constant 5 : i32
      %dma_wait3A_2047 = arith.constant 0 : i32
      %dma_wait3A_2048 = tpu.memref_slice %arg7[%dma_wait3A_2046, %dma_wait3A_2047] : memref<6x128xi32, #tpu.memory_space<vmem>> -> memref<1x128xi32, #tpu.memory_space<vmem>>
      %dma_wait3A_2049 = tpu.memref_squeeze %dma_wait3A_2048 : memref<1x128xi32, #tpu.memory_space<vmem>> -> memref<128xi32, #tpu.memory_space<vmem>>
      %dma_wait3A_2050 = tpu.memref_slice %arg3[%mul3A_2032] : memref<320000xi32, #tpu.memory_space<hbm>> -> memref<128xi32, #tpu.memory_space<hbm>>
      %dma_wait3A_2051 = arith.constant 0 : i32
      %dma_wait3A_2052 = tpu.memref_slice %arg7[%dma_wait3A_2046, %dma_wait3A_2051] : memref<6x128xi32, #tpu.memory_space<vmem>> -> memref<1x128xi32, #tpu.memory_space<vmem>>
      %dma_wait3A_2053 = tpu.memref_squeeze %dma_wait3A_2052 : memref<1x128xi32, #tpu.memory_space<vmem>> -> memref<128xi32, #tpu.memory_space<vmem>>
      %dma_wait3A_2054 = tpu.memref_slice %arg3[%mul3A_2032] : memref<320000xi32, #tpu.memory_space<hbm>> -> memref<128xi32, #tpu.memory_space<hbm>>
      tpu.wait_dma2 semaphore(%arg23 : memref<!tpu.dma_semaphore, #tpu.memory_space<semaphore_mem>>) src(%dma_wait3A_2054 : memref<128xi32, #tpu.memory_space<hbm>>) dst(%dma_wait3A_2053 : memref<128xi32, #tpu.memory_space<vmem>>)
      %dma_start3A_2055 = arith.constant 5 : i32
      %dma_start3A_2056 = arith.constant 5 : i32
      %dma_start3A_2057 = arith.constant 0 : i32
      %dma_start3A_2058 = arith.constant 0 : i32
      %dma_start3A_2059 = tpu.memref_slice %arg6[%dma_start3A_2055, %dma_start3A_2057, %dma_start3A_2058] : memref<6x128x128xf32, #tpu.memory_space<vmem>> -> memref<1x128x128xf32, #tpu.memory_space<vmem>>
      %dma_start3A_2060 = tpu.memref_squeeze %dma_start3A_2059 : memref<1x128x128xf32, #tpu.memory_space<vmem>> -> memref<128x128xf32, #tpu.memory_space<vmem>>
      %dma_start3A_2061 = arith.constant 0 : i32
      %dma_start3A_2062 = tpu.memref_slice %arg7[%dma_start3A_2056, %dma_start3A_2061] : memref<6x128xi32, #tpu.memory_space<vmem>> -> memref<1x128xi32, #tpu.memory_space<vmem>>
      %dma_start3A_2063 = tpu.memref_squeeze %dma_start3A_2062 : memref<1x128xi32, #tpu.memory_space<vmem>> -> memref<128xi32, #tpu.memory_space<vmem>>
      %dma_start3A_2064 = arith.constant 0 : i32
      %dma_start3A_2065 = arith.constant 0 : i32
      %dma_start3A_2066 = tpu.memref_slice %arg10[%dma_start3A_2064, %dma_start3A_2065] : memref<512x128xf32, #tpu.memory_space<vmem_shared>> -> memref<512x128xf32, #tpu.memory_space<vmem_shared>>
      tpu.enqueue_indirect_dma source(%dma_start3A_2060 : memref<128x128xf32, #tpu.memory_space<vmem>>) target(%dma_start3A_2066 : memref<512x128xf32, #tpu.memory_space<vmem_shared>>) offsets(%dma_start3A_2063 : memref<128xi32, #tpu.memory_space<vmem>>) semaphore(%arg29 : memref<!tpu.dma_semaphore, #tpu.memory_space<semaphore_mem>>) {add = true}
      %dma_start3A_2067 = arith.constant 5 : i32
      %dma_start3A_2068 = arith.constant 0 : i32
      %dma_start3A_2069 = tpu.memref_slice %arg7[%dma_start3A_2067, %dma_start3A_2068] : memref<6x128xi32, #tpu.memory_space<vmem>> -> memref<1x128xi32, #tpu.memory_space<vmem>>
      %dma_start3A_2070 = tpu.memref_squeeze %dma_start3A_2069 : memref<1x128xi32, #tpu.memory_space<vmem>> -> memref<128xi32, #tpu.memory_space<vmem>>
      %dma_start3A_2071 = arith.constant 0 : i32
      %dma_start3A_2072 = tpu.memref_slice %arg11[%dma_start3A_2071] : memref<512xf32, #tpu.memory_space<vmem_shared>> -> memref<512xf32, #tpu.memory_space<vmem_shared>>
      tpu.enqueue_indirect_dma source(%arg8 : memref<128xf32, #tpu.memory_space<vmem>>) target(%dma_start3A_2072 : memref<512xf32, #tpu.memory_space<vmem_shared>>) offsets(%dma_start3A_2070 : memref<128xi32, #tpu.memory_space<vmem>>) semaphore(%arg29 : memref<!tpu.dma_semaphore, #tpu.memory_space<semaphore_mem>>) {add = true}
      %add3A_2073 = arith.constant 2 : i32
      %add3A_2074 = arith.addi %add3A_2027, %add3A_2073 : i32
      %lt3A_2075 = arith.constant 78 : i32
      %lt3A_2076 = arith.cmpi slt, %add3A_2074, %lt3A_2075 : i32
      %convert_element_type3A_2077 = arith.extui %lt3A_2076 : i1 to i32
      %cond3A_2078 = arith.constant 0 : i32
      %cond3A_2079 = arith.cmpi ne, %convert_element_type3A_2077, %cond3A_2078 : i32
      scf.if %cond3A_2079 {
        %ge3A = arith.constant 6 : i32
        %ge3A_2080 = arith.cmpi sge, %add3A_2074, %ge3A : i32
        %convert_element_type3A_2081 = arith.extui %ge3A_2080 : i1 to i32
        %cond3A_2082 = arith.constant 0 : i32
        %cond3A_2083 = arith.cmpi ne, %convert_element_type3A_2081, %cond3A_2082 : i32
        scf.if %cond3A_2083 {
          %dma_wait3A_2111 = arith.constant 1 : i32
          %dma_wait3A_2112 = arith.constant 1 : i32
          %dma_wait3A_2113 = arith.constant 0 : i32
          %dma_wait3A_2114 = arith.constant 0 : i32
          %dma_wait3A_2115 = tpu.memref_slice %arg6[%dma_wait3A_2111, %dma_wait3A_2113, %dma_wait3A_2114] : memref<6x128x128xf32, #tpu.memory_space<vmem>> -> memref<1x128x128xf32, #tpu.memory_space<vmem>>
          %dma_wait3A_2116 = tpu.memref_squeeze %dma_wait3A_2115 : memref<1x128x128xf32, #tpu.memory_space<vmem>> -> memref<128x128xf32, #tpu.memory_space<vmem>>
          %dma_wait3A_2117 = arith.constant 0 : i32
          %dma_wait3A_2118 = tpu.memref_slice %arg7[%dma_wait3A_2112, %dma_wait3A_2117] : memref<6x128xi32, #tpu.memory_space<vmem>> -> memref<1x128xi32, #tpu.memory_space<vmem>>
          %dma_wait3A_2119 = tpu.memref_squeeze %dma_wait3A_2118 : memref<1x128xi32, #tpu.memory_space<vmem>> -> memref<128xi32, #tpu.memory_space<vmem>>
          %dma_wait3A_2120 = arith.constant 0 : i32
          %dma_wait3A_2121 = arith.constant 0 : i32
          %dma_wait3A_2122 = tpu.memref_slice %arg10[%dma_wait3A_2120, %dma_wait3A_2121] : memref<512x128xf32, #tpu.memory_space<vmem_shared>> -> memref<512x128xf32, #tpu.memory_space<vmem_shared>>
          tpu.wait_indirect_dma semaphore(%arg25 : memref<!tpu.dma_semaphore, #tpu.memory_space<semaphore_mem>>) src(%dma_wait3A_2116 : memref<128x128xf32, #tpu.memory_space<vmem>>) dst(%dma_wait3A_2122 : memref<512x128xf32, #tpu.memory_space<vmem_shared>>)
          %dma_wait3A_2123 = arith.constant 1 : i32
          %dma_wait3A_2124 = arith.constant 0 : i32
          %dma_wait3A_2125 = tpu.memref_slice %arg7[%dma_wait3A_2123, %dma_wait3A_2124] : memref<6x128xi32, #tpu.memory_space<vmem>> -> memref<1x128xi32, #tpu.memory_space<vmem>>
          %dma_wait3A_2126 = tpu.memref_squeeze %dma_wait3A_2125 : memref<1x128xi32, #tpu.memory_space<vmem>> -> memref<128xi32, #tpu.memory_space<vmem>>
          %dma_wait3A_2127 = arith.constant 0 : i32
          %dma_wait3A_2128 = tpu.memref_slice %arg11[%dma_wait3A_2127] : memref<512xf32, #tpu.memory_space<vmem_shared>> -> memref<512xf32, #tpu.memory_space<vmem_shared>>
          tpu.wait_indirect_dma semaphore(%arg25 : memref<!tpu.dma_semaphore, #tpu.memory_space<semaphore_mem>>) src(%arg8 : memref<128xf32, #tpu.memory_space<vmem>>) dst(%dma_wait3A_2128 : memref<512xf32, #tpu.memory_space<vmem_shared>>)
        } else {
        }
        %mul3A_2084 = arith.constant 32 : i32
        %mul3A_2085 = arith.muli %add3A_2074, %mul3A_2084 : i32
        %add3A_2086 = arith.addi %add3A, %mul3A_2085 : i32
        %mul3A_2087 = arith.constant 128 : i32
        %mul3A_2088 = arith.muli %add3A_2086, %mul3A_2087 : i32
        %dma_start3A_2089 = arith.constant 1 : i32
        %dma_start3A_2090 = arith.constant 0 : i32
        %dma_start3A_2091 = arith.constant 0 : i32
        %dma_start3A_2092 = tpu.memref_slice %arg6[%dma_start3A_2089, %dma_start3A_2090, %dma_start3A_2091] : memref<6x128x128xf32, #tpu.memory_space<vmem>> -> memref<1x128x128xf32, #tpu.memory_space<vmem>>
        %dma_start3A_2093 = tpu.memref_squeeze %dma_start3A_2092 : memref<1x128x128xf32, #tpu.memory_space<vmem>> -> memref<128x128xf32, #tpu.memory_space<vmem>>
        %dma_start3A_2094 = arith.constant 0 : i32
        %dma_start3A_2095 = tpu.memref_slice %arg2[%mul3A_2088, %dma_start3A_2094] : memref<320000x128xf32, #tpu.memory_space<hbm>> -> memref<128x128xf32, #tpu.memory_space<hbm>>
        %dma_start3A_2096 = arith.constant 0 : i32
        %dma_start3A_2097 = arith.constant 0 : i32
        %dma_start3A_2098 = tpu.memref_slice %arg6[%dma_start3A_2089, %dma_start3A_2096, %dma_start3A_2097] : memref<6x128x128xf32, #tpu.memory_space<vmem>> -> memref<1x128x128xf32, #tpu.memory_space<vmem>>
        %dma_start3A_2099 = tpu.memref_squeeze %dma_start3A_2098 : memref<1x128x128xf32, #tpu.memory_space<vmem>> -> memref<128x128xf32, #tpu.memory_space<vmem>>
        %dma_start3A_2100 = arith.constant 0 : i32
        %dma_start3A_2101 = tpu.memref_slice %arg2[%mul3A_2088, %dma_start3A_2100] : memref<320000x128xf32, #tpu.memory_space<hbm>> -> memref<128x128xf32, #tpu.memory_space<hbm>>
        tpu.enqueue_dma source(%dma_start3A_2101 : memref<128x128xf32, #tpu.memory_space<hbm>>) target(%dma_start3A_2099 : memref<128x128xf32, #tpu.memory_space<vmem>>) target_semaphore(%arg13 : memref<!tpu.dma_semaphore, #tpu.memory_space<semaphore_mem>>)
        %dma_start3A_2102 = arith.constant 1 : i32
        %dma_start3A_2103 = arith.constant 0 : i32
        %dma_start3A_2104 = tpu.memref_slice %arg7[%dma_start3A_2102, %dma_start3A_2103] : memref<6x128xi32, #tpu.memory_space<vmem>> -> memref<1x128xi32, #tpu.memory_space<vmem>>
        %dma_start3A_2105 = tpu.memref_squeeze %dma_start3A_2104 : memref<1x128xi32, #tpu.memory_space<vmem>> -> memref<128xi32, #tpu.memory_space<vmem>>
        %dma_start3A_2106 = tpu.memref_slice %arg3[%mul3A_2088] : memref<320000xi32, #tpu.memory_space<hbm>> -> memref<128xi32, #tpu.memory_space<hbm>>
        %dma_start3A_2107 = arith.constant 0 : i32
        %dma_start3A_2108 = tpu.memref_slice %arg7[%dma_start3A_2102, %dma_start3A_2107] : memref<6x128xi32, #tpu.memory_space<vmem>> -> memref<1x128xi32, #tpu.memory_space<vmem>>
        %dma_start3A_2109 = tpu.memref_squeeze %dma_start3A_2108 : memref<1x128xi32, #tpu.memory_space<vmem>> -> memref<128xi32, #tpu.memory_space<vmem>>
        %dma_start3A_2110 = tpu.memref_slice %arg3[%mul3A_2088] : memref<320000xi32, #tpu.memory_space<hbm>> -> memref<128xi32, #tpu.memory_space<hbm>>
        tpu.enqueue_dma source(%dma_start3A_2110 : memref<128xi32, #tpu.memory_space<hbm>>) target(%dma_start3A_2109 : memref<128xi32, #tpu.memory_space<vmem>>) target_semaphore(%arg19 : memref<!tpu.dma_semaphore, #tpu.memory_space<semaphore_mem>>)
      } else {
      }
    }
    %scan3A_1630 = arith.constant 13 : i32
    %lt3A = arith.constant 4 : i32
    %lt3A_1631 = arith.cmpi slt, %add3A, %lt3A : i32
    %convert_element_type3A = arith.extui %lt3A_1631 : i1 to i32
    %cond3A = arith.constant 0 : i32
    %cond3A_1632 = arith.cmpi ne, %convert_element_type3A, %cond3A : i32
    scf.if %cond3A_1632 {
      %dma_wait3A_1743 = arith.constant 0 : i32
      %dma_wait3A_1744 = arith.constant 0 : i32
      %dma_wait3A_1745 = arith.constant 0 : i32
      %dma_wait3A_1746 = arith.constant 0 : i32
      %dma_wait3A_1747 = tpu.memref_slice %arg6[%dma_wait3A_1743, %dma_wait3A_1745, %dma_wait3A_1746] : memref<6x128x128xf32, #tpu.memory_space<vmem>> -> memref<1x128x128xf32, #tpu.memory_space<vmem>>
      %dma_wait3A_1748 = tpu.memref_squeeze %dma_wait3A_1747 : memref<1x128x128xf32, #tpu.memory_space<vmem>> -> memref<128x128xf32, #tpu.memory_space<vmem>>
      %dma_wait3A_1749 = arith.constant 0 : i32
      %dma_wait3A_1750 = tpu.memref_slice %arg7[%dma_wait3A_1744, %dma_wait3A_1749] : memref<6x128xi32, #tpu.memory_space<vmem>> -> memref<1x128xi32, #tpu.memory_space<vmem>>
      %dma_wait3A_1751 = tpu.memref_squeeze %dma_wait3A_1750 : memref<1x128xi32, #tpu.memory_space<vmem>> -> memref<128xi32, #tpu.memory_space<vmem>>
      %dma_wait3A_1752 = arith.constant 0 : i32
      %dma_wait3A_1753 = arith.constant 0 : i32
      %dma_wait3A_1754 = tpu.memref_slice %arg10[%dma_wait3A_1752, %dma_wait3A_1753] : memref<512x128xf32, #tpu.memory_space<vmem_shared>> -> memref<512x128xf32, #tpu.memory_space<vmem_shared>>
      tpu.wait_indirect_dma semaphore(%arg24 : memref<!tpu.dma_semaphore, #tpu.memory_space<semaphore_mem>>) src(%dma_wait3A_1748 : memref<128x128xf32, #tpu.memory_space<vmem>>) dst(%dma_wait3A_1754 : memref<512x128xf32, #tpu.memory_space<vmem_shared>>)
      %dma_wait3A_1755 = arith.constant 0 : i32
      %dma_wait3A_1756 = arith.constant 0 : i32
      %dma_wait3A_1757 = tpu.memref_slice %arg7[%dma_wait3A_1755, %dma_wait3A_1756] : memref<6x128xi32, #tpu.memory_space<vmem>> -> memref<1x128xi32, #tpu.memory_space<vmem>>
      %dma_wait3A_1758 = tpu.memref_squeeze %dma_wait3A_1757 : memref<1x128xi32, #tpu.memory_space<vmem>> -> memref<128xi32, #tpu.memory_space<vmem>>
      %dma_wait3A_1759 = arith.constant 0 : i32
      %dma_wait3A_1760 = tpu.memref_slice %arg11[%dma_wait3A_1759] : memref<512xf32, #tpu.memory_space<vmem_shared>> -> memref<512xf32, #tpu.memory_space<vmem_shared>>
      tpu.wait_indirect_dma semaphore(%arg24 : memref<!tpu.dma_semaphore, #tpu.memory_space<semaphore_mem>>) src(%arg8 : memref<128xf32, #tpu.memory_space<vmem>>) dst(%dma_wait3A_1760 : memref<512xf32, #tpu.memory_space<vmem_shared>>)
      %add3A_1761 = arith.constant 2496 : i32
      %add3A_1762 = arith.addi %add3A_1761, %add3A : i32
      %mul3A_1763 = arith.constant 128 : i32
      %mul3A_1764 = arith.muli %add3A_1762, %mul3A_1763 : i32
      %dma_start3A_1765 = arith.constant 0 : i32
      %dma_start3A_1766 = arith.constant 0 : i32
      %dma_start3A_1767 = arith.constant 0 : i32
      %dma_start3A_1768 = tpu.memref_slice %arg6[%dma_start3A_1765, %dma_start3A_1766, %dma_start3A_1767] : memref<6x128x128xf32, #tpu.memory_space<vmem>> -> memref<1x128x128xf32, #tpu.memory_space<vmem>>
      %dma_start3A_1769 = tpu.memref_squeeze %dma_start3A_1768 : memref<1x128x128xf32, #tpu.memory_space<vmem>> -> memref<128x128xf32, #tpu.memory_space<vmem>>
      %dma_start3A_1770 = arith.constant 0 : i32
      %dma_start3A_1771 = tpu.memref_slice %arg2[%mul3A_1764, %dma_start3A_1770] : memref<320000x128xf32, #tpu.memory_space<hbm>> -> memref<128x128xf32, #tpu.memory_space<hbm>>
      %dma_start3A_1772 = arith.constant 0 : i32
      %dma_start3A_1773 = arith.constant 0 : i32
      %dma_start3A_1774 = tpu.memref_slice %arg6[%dma_start3A_1765, %dma_start3A_1772, %dma_start3A_1773] : memref<6x128x128xf32, #tpu.memory_space<vmem>> -> memref<1x128x128xf32, #tpu.memory_space<vmem>>
      %dma_start3A_1775 = tpu.memref_squeeze %dma_start3A_1774 : memref<1x128x128xf32, #tpu.memory_space<vmem>> -> memref<128x128xf32, #tpu.memory_space<vmem>>
      %dma_start3A_1776 = arith.constant 0 : i32
      %dma_start3A_1777 = tpu.memref_slice %arg2[%mul3A_1764, %dma_start3A_1776] : memref<320000x128xf32, #tpu.memory_space<hbm>> -> memref<128x128xf32, #tpu.memory_space<hbm>>
      tpu.enqueue_dma source(%dma_start3A_1777 : memref<128x128xf32, #tpu.memory_space<hbm>>) target(%dma_start3A_1775 : memref<128x128xf32, #tpu.memory_space<vmem>>) target_semaphore(%arg12 : memref<!tpu.dma_semaphore, #tpu.memory_space<semaphore_mem>>)
      %dma_start3A_1778 = arith.constant 0 : i32
      %dma_start3A_1779 = arith.constant 0 : i32
      %dma_start3A_1780 = tpu.memref_slice %arg7[%dma_start3A_1778, %dma_start3A_1779] : memref<6x128xi32, #tpu.memory_space<vmem>> -> memref<1x128xi32, #tpu.memory_space<vmem>>
      %dma_start3A_1781 = tpu.memref_squeeze %dma_start3A_1780 : memref<1x128xi32, #tpu.memory_space<vmem>> -> memref<128xi32, #tpu.memory_space<vmem>>
      %dma_start3A_1782 = tpu.memref_slice %arg3[%mul3A_1764] : memref<320000xi32, #tpu.memory_space<hbm>> -> memref<128xi32, #tpu.memory_space<hbm>>
      %dma_start3A_1783 = arith.constant 0 : i32
      %dma_start3A_1784 = tpu.memref_slice %arg7[%dma_start3A_1778, %dma_start3A_1783] : memref<6x128xi32, #tpu.memory_space<vmem>> -> memref<1x128xi32, #tpu.memory_space<vmem>>
      %dma_start3A_1785 = tpu.memref_squeeze %dma_start3A_1784 : memref<1x128xi32, #tpu.memory_space<vmem>> -> memref<128xi32, #tpu.memory_space<vmem>>
      %dma_start3A_1786 = tpu.memref_slice %arg3[%mul3A_1764] : memref<320000xi32, #tpu.memory_space<hbm>> -> memref<128xi32, #tpu.memory_space<hbm>>
      tpu.enqueue_dma source(%dma_start3A_1786 : memref<128xi32, #tpu.memory_space<hbm>>) target(%dma_start3A_1785 : memref<128xi32, #tpu.memory_space<vmem>>) target_semaphore(%arg18 : memref<!tpu.dma_semaphore, #tpu.memory_space<semaphore_mem>>)
      %dma_wait3A_1787 = arith.constant 0 : i32
      %dma_wait3A_1788 = arith.constant 0 : i32
      %dma_wait3A_1789 = arith.constant 0 : i32
      %dma_wait3A_1790 = tpu.memref_slice %arg6[%dma_wait3A_1787, %dma_wait3A_1788, %dma_wait3A_1789] : memref<6x128x128xf32, #tpu.memory_space<vmem>> -> memref<1x128x128xf32, #tpu.memory_space<vmem>>
      %dma_wait3A_1791 = tpu.memref_squeeze %dma_wait3A_1790 : memref<1x128x128xf32, #tpu.memory_space<vmem>> -> memref<128x128xf32, #tpu.memory_space<vmem>>
      %dma_wait3A_1792 = arith.constant 0 : i32
      %dma_wait3A_1793 = tpu.memref_slice %arg2[%mul3A_1764, %dma_wait3A_1792] : memref<320000x128xf32, #tpu.memory_space<hbm>> -> memref<128x128xf32, #tpu.memory_space<hbm>>
      %dma_wait3A_1794 = arith.constant 0 : i32
      %dma_wait3A_1795 = arith.constant 0 : i32
      %dma_wait3A_1796 = tpu.memref_slice %arg6[%dma_wait3A_1787, %dma_wait3A_1794, %dma_wait3A_1795] : memref<6x128x128xf32, #tpu.memory_space<vmem>> -> memref<1x128x128xf32, #tpu.memory_space<vmem>>
      %dma_wait3A_1797 = tpu.memref_squeeze %dma_wait3A_1796 : memref<1x128x128xf32, #tpu.memory_space<vmem>> -> memref<128x128xf32, #tpu.memory_space<vmem>>
      %dma_wait3A_1798 = arith.constant 0 : i32
      %dma_wait3A_1799 = tpu.memref_slice %arg2[%mul3A_1764, %dma_wait3A_1798] : memref<320000x128xf32, #tpu.memory_space<hbm>> -> memref<128x128xf32, #tpu.memory_space<hbm>>
      tpu.wait_dma2 semaphore(%arg12 : memref<!tpu.dma_semaphore, #tpu.memory_space<semaphore_mem>>) src(%dma_wait3A_1799 : memref<128x128xf32, #tpu.memory_space<hbm>>) dst(%dma_wait3A_1797 : memref<128x128xf32, #tpu.memory_space<vmem>>)
      %dma_wait3A_1800 = arith.constant 0 : i32
      %dma_wait3A_1801 = arith.constant 0 : i32
      %dma_wait3A_1802 = tpu.memref_slice %arg7[%dma_wait3A_1800, %dma_wait3A_1801] : memref<6x128xi32, #tpu.memory_space<vmem>> -> memref<1x128xi32, #tpu.memory_space<vmem>>
      %dma_wait3A_1803 = tpu.memref_squeeze %dma_wait3A_1802 : memref<1x128xi32, #tpu.memory_space<vmem>> -> memref<128xi32, #tpu.memory_space<vmem>>
      %dma_wait3A_1804 = tpu.memref_slice %arg3[%mul3A_1764] : memref<320000xi32, #tpu.memory_space<hbm>> -> memref<128xi32, #tpu.memory_space<hbm>>
      %dma_wait3A_1805 = arith.constant 0 : i32
      %dma_wait3A_1806 = tpu.memref_slice %arg7[%dma_wait3A_1800, %dma_wait3A_1805] : memref<6x128xi32, #tpu.memory_space<vmem>> -> memref<1x128xi32, #tpu.memory_space<vmem>>
      %dma_wait3A_1807 = tpu.memref_squeeze %dma_wait3A_1806 : memref<1x128xi32, #tpu.memory_space<vmem>> -> memref<128xi32, #tpu.memory_space<vmem>>
      %dma_wait3A_1808 = tpu.memref_slice %arg3[%mul3A_1764] : memref<320000xi32, #tpu.memory_space<hbm>> -> memref<128xi32, #tpu.memory_space<hbm>>
      tpu.wait_dma2 semaphore(%arg18 : memref<!tpu.dma_semaphore, #tpu.memory_space<semaphore_mem>>) src(%dma_wait3A_1808 : memref<128xi32, #tpu.memory_space<hbm>>) dst(%dma_wait3A_1807 : memref<128xi32, #tpu.memory_space<vmem>>)
      %dma_start3A_1809 = arith.constant 0 : i32
      %dma_start3A_1810 = arith.constant 0 : i32
      %dma_start3A_1811 = arith.constant 0 : i32
      %dma_start3A_1812 = arith.constant 0 : i32
      %dma_start3A_1813 = tpu.memref_slice %arg6[%dma_start3A_1809, %dma_start3A_1811, %dma_start3A_1812] : memref<6x128x128xf32, #tpu.memory_space<vmem>> -> memref<1x128x128xf32, #tpu.memory_space<vmem>>
      %dma_start3A_1814 = tpu.memref_squeeze %dma_start3A_1813 : memref<1x128x128xf32, #tpu.memory_space<vmem>> -> memref<128x128xf32, #tpu.memory_space<vmem>>
      %dma_start3A_1815 = arith.constant 0 : i32
      %dma_start3A_1816 = tpu.memref_slice %arg7[%dma_start3A_1810, %dma_start3A_1815] : memref<6x128xi32, #tpu.memory_space<vmem>> -> memref<1x128xi32, #tpu.memory_space<vmem>>
      %dma_start3A_1817 = tpu.memref_squeeze %dma_start3A_1816 : memref<1x128xi32, #tpu.memory_space<vmem>> -> memref<128xi32, #tpu.memory_space<vmem>>
      %dma_start3A_1818 = arith.constant 0 : i32
      %dma_start3A_1819 = arith.constant 0 : i32
      %dma_start3A_1820 = tpu.memref_slice %arg10[%dma_start3A_1818, %dma_start3A_1819] : memref<512x128xf32, #tpu.memory_space<vmem_shared>> -> memref<512x128xf32, #tpu.memory_space<vmem_shared>>
      tpu.enqueue_indirect_dma source(%dma_start3A_1814 : memref<128x128xf32, #tpu.memory_space<vmem>>) target(%dma_start3A_1820 : memref<512x128xf32, #tpu.memory_space<vmem_shared>>) offsets(%dma_start3A_1817 : memref<128xi32, #tpu.memory_space<vmem>>) semaphore(%arg24 : memref<!tpu.dma_semaphore, #tpu.memory_space<semaphore_mem>>) {add = true}
      %dma_start3A_1821 = arith.constant 0 : i32
      %dma_start3A_1822 = arith.constant 0 : i32
      %dma_start3A_1823 = tpu.memref_slice %arg7[%dma_start3A_1821, %dma_start3A_1822] : memref<6x128xi32, #tpu.memory_space<vmem>> -> memref<1x128xi32, #tpu.memory_space<vmem>>
      %dma_start3A_1824 = tpu.memref_squeeze %dma_start3A_1823 : memref<1x128xi32, #tpu.memory_space<vmem>> -> memref<128xi32, #tpu.memory_space<vmem>>
      %dma_start3A_1825 = arith.constant 0 : i32
      %dma_start3A_1826 = tpu.memref_slice %arg11[%dma_start3A_1825] : memref<512xf32, #tpu.memory_space<vmem_shared>> -> memref<512xf32, #tpu.memory_space<vmem_shared>>
      tpu.enqueue_indirect_dma source(%arg8 : memref<128xf32, #tpu.memory_space<vmem>>) target(%dma_start3A_1826 : memref<512xf32, #tpu.memory_space<vmem_shared>>) offsets(%dma_start3A_1824 : memref<128xi32, #tpu.memory_space<vmem>>) semaphore(%arg24 : memref<!tpu.dma_semaphore, #tpu.memory_space<semaphore_mem>>) {add = true}
    } else {
    }
    %dma_wait3A = arith.constant 1 : i32
    %dma_wait3A_1633 = arith.constant 1 : i32
    %dma_wait3A_1634 = arith.constant 0 : i32
    %dma_wait3A_1635 = arith.constant 0 : i32
    %dma_wait3A_1636 = tpu.memref_slice %arg6[%dma_wait3A, %dma_wait3A_1634, %dma_wait3A_1635] : memref<6x128x128xf32, #tpu.memory_space<vmem>> -> memref<1x128x128xf32, #tpu.memory_space<vmem>>
    %dma_wait3A_1637 = tpu.memref_squeeze %dma_wait3A_1636 : memref<1x128x128xf32, #tpu.memory_space<vmem>> -> memref<128x128xf32, #tpu.memory_space<vmem>>
    %dma_wait3A_1638 = arith.constant 0 : i32
    %dma_wait3A_1639 = tpu.memref_slice %arg7[%dma_wait3A_1633, %dma_wait3A_1638] : memref<6x128xi32, #tpu.memory_space<vmem>> -> memref<1x128xi32, #tpu.memory_space<vmem>>
    %dma_wait3A_1640 = tpu.memref_squeeze %dma_wait3A_1639 : memref<1x128xi32, #tpu.memory_space<vmem>> -> memref<128xi32, #tpu.memory_space<vmem>>
    %dma_wait3A_1641 = arith.constant 0 : i32
    %dma_wait3A_1642 = arith.constant 0 : i32
    %dma_wait3A_1643 = tpu.memref_slice %arg10[%dma_wait3A_1641, %dma_wait3A_1642] : memref<512x128xf32, #tpu.memory_space<vmem_shared>> -> memref<512x128xf32, #tpu.memory_space<vmem_shared>>
    tpu.wait_indirect_dma semaphore(%arg25 : memref<!tpu.dma_semaphore, #tpu.memory_space<semaphore_mem>>) src(%dma_wait3A_1637 : memref<128x128xf32, #tpu.memory_space<vmem>>) dst(%dma_wait3A_1643 : memref<512x128xf32, #tpu.memory_space<vmem_shared>>)
    %dma_wait3A_1644 = arith.constant 1 : i32
    %dma_wait3A_1645 = arith.constant 0 : i32
    %dma_wait3A_1646 = tpu.memref_slice %arg7[%dma_wait3A_1644, %dma_wait3A_1645] : memref<6x128xi32, #tpu.memory_space<vmem>> -> memref<1x128xi32, #tpu.memory_space<vmem>>
    %dma_wait3A_1647 = tpu.memref_squeeze %dma_wait3A_1646 : memref<1x128xi32, #tpu.memory_space<vmem>> -> memref<128xi32, #tpu.memory_space<vmem>>
    %dma_wait3A_1648 = arith.constant 0 : i32
    %dma_wait3A_1649 = tpu.memref_slice %arg11[%dma_wait3A_1648] : memref<512xf32, #tpu.memory_space<vmem_shared>> -> memref<512xf32, #tpu.memory_space<vmem_shared>>
    tpu.wait_indirect_dma semaphore(%arg25 : memref<!tpu.dma_semaphore, #tpu.memory_space<semaphore_mem>>) src(%arg8 : memref<128xf32, #tpu.memory_space<vmem>>) dst(%dma_wait3A_1649 : memref<512xf32, #tpu.memory_space<vmem_shared>>)
    %dma_wait3A_1650 = arith.constant 2 : i32
    %dma_wait3A_1651 = arith.constant 2 : i32
    %dma_wait3A_1652 = arith.constant 0 : i32
    %dma_wait3A_1653 = arith.constant 0 : i32
    %dma_wait3A_1654 = tpu.memref_slice %arg6[%dma_wait3A_1650, %dma_wait3A_1652, %dma_wait3A_1653] : memref<6x128x128xf32, #tpu.memory_space<vmem>> -> memref<1x128x128xf32, #tpu.memory_space<vmem>>
    %dma_wait3A_1655 = tpu.memref_squeeze %dma_wait3A_1654 : memref<1x128x128xf32, #tpu.memory_space<vmem>> -> memref<128x128xf32, #tpu.memory_space<vmem>>
    %dma_wait3A_1656 = arith.constant 0 : i32
    %dma_wait3A_1657 = tpu.memref_slice %arg7[%dma_wait3A_1651, %dma_wait3A_1656] : memref<6x128xi32, #tpu.memory_space<vmem>> -> memref<1x128xi32, #tpu.memory_space<vmem>>
    %dma_wait3A_1658 = tpu.memref_squeeze %dma_wait3A_1657 : memref<1x128xi32, #tpu.memory_space<vmem>> -> memref<128xi32, #tpu.memory_space<vmem>>
    %dma_wait3A_1659 = arith.constant 0 : i32
    %dma_wait3A_1660 = arith.constant 0 : i32
    %dma_wait3A_1661 = tpu.memref_slice %arg10[%dma_wait3A_1659, %dma_wait3A_1660] : memref<512x128xf32, #tpu.memory_space<vmem_shared>> -> memref<512x128xf32, #tpu.memory_space<vmem_shared>>
    tpu.wait_indirect_dma semaphore(%arg26 : memref<!tpu.dma_semaphore, #tpu.memory_space<semaphore_mem>>) src(%dma_wait3A_1655 : memref<128x128xf32, #tpu.memory_space<vmem>>) dst(%dma_wait3A_1661 : memref<512x128xf32, #tpu.memory_space<vmem_shared>>)
    %dma_wait3A_1662 = arith.constant 2 : i32
    %dma_wait3A_1663 = arith.constant 0 : i32
    %dma_wait3A_1664 = tpu.memref_slice %arg7[%dma_wait3A_1662, %dma_wait3A_1663] : memref<6x128xi32, #tpu.memory_space<vmem>> -> memref<1x128xi32, #tpu.memory_space<vmem>>
    %dma_wait3A_1665 = tpu.memref_squeeze %dma_wait3A_1664 : memref<1x128xi32, #tpu.memory_space<vmem>> -> memref<128xi32, #tpu.memory_space<vmem>>
    %dma_wait3A_1666 = arith.constant 0 : i32
    %dma_wait3A_1667 = tpu.memref_slice %arg11[%dma_wait3A_1666] : memref<512xf32, #tpu.memory_space<vmem_shared>> -> memref<512xf32, #tpu.memory_space<vmem_shared>>
    tpu.wait_indirect_dma semaphore(%arg26 : memref<!tpu.dma_semaphore, #tpu.memory_space<semaphore_mem>>) src(%arg8 : memref<128xf32, #tpu.memory_space<vmem>>) dst(%dma_wait3A_1667 : memref<512xf32, #tpu.memory_space<vmem_shared>>)
    %dma_wait3A_1668 = arith.constant 3 : i32
    %dma_wait3A_1669 = arith.constant 3 : i32
    %dma_wait3A_1670 = arith.constant 0 : i32
    %dma_wait3A_1671 = arith.constant 0 : i32
    %dma_wait3A_1672 = tpu.memref_slice %arg6[%dma_wait3A_1668, %dma_wait3A_1670, %dma_wait3A_1671] : memref<6x128x128xf32, #tpu.memory_space<vmem>> -> memref<1x128x128xf32, #tpu.memory_space<vmem>>
    %dma_wait3A_1673 = tpu.memref_squeeze %dma_wait3A_1672 : memref<1x128x128xf32, #tpu.memory_space<vmem>> -> memref<128x128xf32, #tpu.memory_space<vmem>>
    %dma_wait3A_1674 = arith.constant 0 : i32
    %dma_wait3A_1675 = tpu.memref_slice %arg7[%dma_wait3A_1669, %dma_wait3A_1674] : memref<6x128xi32, #tpu.memory_space<vmem>> -> memref<1x128xi32, #tpu.memory_space<vmem>>
    %dma_wait3A_1676 = tpu.memref_squeeze %dma_wait3A_1675 : memref<1x128xi32, #tpu.memory_space<vmem>> -> memref<128xi32, #tpu.memory_space<vmem>>
    %dma_wait3A_1677 = arith.constant 0 : i32
    %dma_wait3A_1678 = arith.constant 0 : i32
    %dma_wait3A_1679 = tpu.memref_slice %arg10[%dma_wait3A_1677, %dma_wait3A_1678] : memref<512x128xf32, #tpu.memory_space<vmem_shared>> -> memref<512x128xf32, #tpu.memory_space<vmem_shared>>
    tpu.wait_indirect_dma semaphore(%arg27 : memref<!tpu.dma_semaphore, #tpu.memory_space<semaphore_mem>>) src(%dma_wait3A_1673 : memref<128x128xf32, #tpu.memory_space<vmem>>) dst(%dma_wait3A_1679 : memref<512x128xf32, #tpu.memory_space<vmem_shared>>)
    %dma_wait3A_1680 = arith.constant 3 : i32
    %dma_wait3A_1681 = arith.constant 0 : i32
    %dma_wait3A_1682 = tpu.memref_slice %arg7[%dma_wait3A_1680, %dma_wait3A_1681] : memref<6x128xi32, #tpu.memory_space<vmem>> -> memref<1x128xi32, #tpu.memory_space<vmem>>
    %dma_wait3A_1683 = tpu.memref_squeeze %dma_wait3A_1682 : memref<1x128xi32, #tpu.memory_space<vmem>> -> memref<128xi32, #tpu.memory_space<vmem>>
    %dma_wait3A_1684 = arith.constant 0 : i32
    %dma_wait3A_1685 = tpu.memref_slice %arg11[%dma_wait3A_1684] : memref<512xf32, #tpu.memory_space<vmem_shared>> -> memref<512xf32, #tpu.memory_space<vmem_shared>>
    tpu.wait_indirect_dma semaphore(%arg27 : memref<!tpu.dma_semaphore, #tpu.memory_space<semaphore_mem>>) src(%arg8 : memref<128xf32, #tpu.memory_space<vmem>>) dst(%dma_wait3A_1685 : memref<512xf32, #tpu.memory_space<vmem_shared>>)
    %dma_wait3A_1686 = arith.constant 4 : i32
    %dma_wait3A_1687 = arith.constant 4 : i32
    %dma_wait3A_1688 = arith.constant 0 : i32
    %dma_wait3A_1689 = arith.constant 0 : i32
    %dma_wait3A_1690 = tpu.memref_slice %arg6[%dma_wait3A_1686, %dma_wait3A_1688, %dma_wait3A_1689] : memref<6x128x128xf32, #tpu.memory_space<vmem>> -> memref<1x128x128xf32, #tpu.memory_space<vmem>>
    %dma_wait3A_1691 = tpu.memref_squeeze %dma_wait3A_1690 : memref<1x128x128xf32, #tpu.memory_space<vmem>> -> memref<128x128xf32, #tpu.memory_space<vmem>>
    %dma_wait3A_1692 = arith.constant 0 : i32
    %dma_wait3A_1693 = tpu.memref_slice %arg7[%dma_wait3A_1687, %dma_wait3A_1692] : memref<6x128xi32, #tpu.memory_space<vmem>> -> memref<1x128xi32, #tpu.memory_space<vmem>>
    %dma_wait3A_1694 = tpu.memref_squeeze %dma_wait3A_1693 : memref<1x128xi32, #tpu.memory_space<vmem>> -> memref<128xi32, #tpu.memory_space<vmem>>
    %dma_wait3A_1695 = arith.constant 0 : i32
    %dma_wait3A_1696 = arith.constant 0 : i32
    %dma_wait3A_1697 = tpu.memref_slice %arg10[%dma_wait3A_1695, %dma_wait3A_1696] : memref<512x128xf32, #tpu.memory_space<vmem_shared>> -> memref<512x128xf32, #tpu.memory_space<vmem_shared>>
    tpu.wait_indirect_dma semaphore(%arg28 : memref<!tpu.dma_semaphore, #tpu.memory_space<semaphore_mem>>) src(%dma_wait3A_1691 : memref<128x128xf32, #tpu.memory_space<vmem>>) dst(%dma_wait3A_1697 : memref<512x128xf32, #tpu.memory_space<vmem_shared>>)
    %dma_wait3A_1698 = arith.constant 4 : i32
    %dma_wait3A_1699 = arith.constant 0 : i32
    %dma_wait3A_1700 = tpu.memref_slice %arg7[%dma_wait3A_1698, %dma_wait3A_1699] : memref<6x128xi32, #tpu.memory_space<vmem>> -> memref<1x128xi32, #tpu.memory_space<vmem>>
    %dma_wait3A_1701 = tpu.memref_squeeze %dma_wait3A_1700 : memref<1x128xi32, #tpu.memory_space<vmem>> -> memref<128xi32, #tpu.memory_space<vmem>>
    %dma_wait3A_1702 = arith.constant 0 : i32
    %dma_wait3A_1703 = tpu.memref_slice %arg11[%dma_wait3A_1702] : memref<512xf32, #tpu.memory_space<vmem_shared>> -> memref<512xf32, #tpu.memory_space<vmem_shared>>
    tpu.wait_indirect_dma semaphore(%arg28 : memref<!tpu.dma_semaphore, #tpu.memory_space<semaphore_mem>>) src(%arg8 : memref<128xf32, #tpu.memory_space<vmem>>) dst(%dma_wait3A_1703 : memref<512xf32, #tpu.memory_space<vmem_shared>>)
    %dma_wait3A_1704 = arith.constant 5 : i32
    %dma_wait3A_1705 = arith.constant 5 : i32
    %dma_wait3A_1706 = arith.constant 0 : i32
    %dma_wait3A_1707 = arith.constant 0 : i32
    %dma_wait3A_1708 = tpu.memref_slice %arg6[%dma_wait3A_1704, %dma_wait3A_1706, %dma_wait3A_1707] : memref<6x128x128xf32, #tpu.memory_space<vmem>> -> memref<1x128x128xf32, #tpu.memory_space<vmem>>
    %dma_wait3A_1709 = tpu.memref_squeeze %dma_wait3A_1708 : memref<1x128x128xf32, #tpu.memory_space<vmem>> -> memref<128x128xf32, #tpu.memory_space<vmem>>
    %dma_wait3A_1710 = arith.constant 0 : i32
    %dma_wait3A_1711 = tpu.memref_slice %arg7[%dma_wait3A_1705, %dma_wait3A_1710] : memref<6x128xi32, #tpu.memory_space<vmem>> -> memref<1x128xi32, #tpu.memory_space<vmem>>
    %dma_wait3A_1712 = tpu.memref_squeeze %dma_wait3A_1711 : memref<1x128xi32, #tpu.memory_space<vmem>> -> memref<128xi32, #tpu.memory_space<vmem>>
    %dma_wait3A_1713 = arith.constant 0 : i32
    %dma_wait3A_1714 = arith.constant 0 : i32
    %dma_wait3A_1715 = tpu.memref_slice %arg10[%dma_wait3A_1713, %dma_wait3A_1714] : memref<512x128xf32, #tpu.memory_space<vmem_shared>> -> memref<512x128xf32, #tpu.memory_space<vmem_shared>>
    tpu.wait_indirect_dma semaphore(%arg29 : memref<!tpu.dma_semaphore, #tpu.memory_space<semaphore_mem>>) src(%dma_wait3A_1709 : memref<128x128xf32, #tpu.memory_space<vmem>>) dst(%dma_wait3A_1715 : memref<512x128xf32, #tpu.memory_space<vmem_shared>>)
    %dma_wait3A_1716 = arith.constant 5 : i32
    %dma_wait3A_1717 = arith.constant 0 : i32
    %dma_wait3A_1718 = tpu.memref_slice %arg7[%dma_wait3A_1716, %dma_wait3A_1717] : memref<6x128xi32, #tpu.memory_space<vmem>> -> memref<1x128xi32, #tpu.memory_space<vmem>>
    %dma_wait3A_1719 = tpu.memref_squeeze %dma_wait3A_1718 : memref<1x128xi32, #tpu.memory_space<vmem>> -> memref<128xi32, #tpu.memory_space<vmem>>
    %dma_wait3A_1720 = arith.constant 0 : i32
    %dma_wait3A_1721 = tpu.memref_slice %arg11[%dma_wait3A_1720] : memref<512xf32, #tpu.memory_space<vmem_shared>> -> memref<512xf32, #tpu.memory_space<vmem_shared>>
    tpu.wait_indirect_dma semaphore(%arg29 : memref<!tpu.dma_semaphore, #tpu.memory_space<semaphore_mem>>) src(%arg8 : memref<128xf32, #tpu.memory_space<vmem>>) dst(%dma_wait3A_1721 : memref<512xf32, #tpu.memory_space<vmem_shared>>)
    %dma_wait3A_1722 = arith.constant 0 : i32
    %dma_wait3A_1723 = arith.constant 0 : i32
    %dma_wait3A_1724 = arith.constant 0 : i32
    %dma_wait3A_1725 = arith.constant 0 : i32
    %dma_wait3A_1726 = tpu.memref_slice %arg6[%dma_wait3A_1722, %dma_wait3A_1724, %dma_wait3A_1725] : memref<6x128x128xf32, #tpu.memory_space<vmem>> -> memref<1x128x128xf32, #tpu.memory_space<vmem>>
    %dma_wait3A_1727 = tpu.memref_squeeze %dma_wait3A_1726 : memref<1x128x128xf32, #tpu.memory_space<vmem>> -> memref<128x128xf32, #tpu.memory_space<vmem>>
    %dma_wait3A_1728 = arith.constant 0 : i32
    %dma_wait3A_1729 = tpu.memref_slice %arg7[%dma_wait3A_1723, %dma_wait3A_1728] : memref<6x128xi32, #tpu.memory_space<vmem>> -> memref<1x128xi32, #tpu.memory_space<vmem>>
    %dma_wait3A_1730 = tpu.memref_squeeze %dma_wait3A_1729 : memref<1x128xi32, #tpu.memory_space<vmem>> -> memref<128xi32, #tpu.memory_space<vmem>>
    %dma_wait3A_1731 = arith.constant 0 : i32
    %dma_wait3A_1732 = arith.constant 0 : i32
    %dma_wait3A_1733 = tpu.memref_slice %arg10[%dma_wait3A_1731, %dma_wait3A_1732] : memref<512x128xf32, #tpu.memory_space<vmem_shared>> -> memref<512x128xf32, #tpu.memory_space<vmem_shared>>
    tpu.wait_indirect_dma semaphore(%arg24 : memref<!tpu.dma_semaphore, #tpu.memory_space<semaphore_mem>>) src(%dma_wait3A_1727 : memref<128x128xf32, #tpu.memory_space<vmem>>) dst(%dma_wait3A_1733 : memref<512x128xf32, #tpu.memory_space<vmem_shared>>)
    %dma_wait3A_1734 = arith.constant 0 : i32
    %dma_wait3A_1735 = arith.constant 0 : i32
    %dma_wait3A_1736 = tpu.memref_slice %arg7[%dma_wait3A_1734, %dma_wait3A_1735] : memref<6x128xi32, #tpu.memory_space<vmem>> -> memref<1x128xi32, #tpu.memory_space<vmem>>
    %dma_wait3A_1737 = tpu.memref_squeeze %dma_wait3A_1736 : memref<1x128xi32, #tpu.memory_space<vmem>> -> memref<128xi32, #tpu.memory_space<vmem>>
    %dma_wait3A_1738 = arith.constant 0 : i32
    %dma_wait3A_1739 = tpu.memref_slice %arg11[%dma_wait3A_1738] : memref<512xf32, #tpu.memory_space<vmem_shared>> -> memref<512xf32, #tpu.memory_space<vmem_shared>>
    tpu.wait_indirect_dma semaphore(%arg24 : memref<!tpu.dma_semaphore, #tpu.memory_space<semaphore_mem>>) src(%arg8 : memref<128xf32, #tpu.memory_space<vmem>>) dst(%dma_wait3A_1739 : memref<512xf32, #tpu.memory_space<vmem_shared>>)
    %barrier3A_1740 = arith.constant 0 : index
    tpu.barrier barrier_id(%barrier3A_1740)
    %mul3A_1741 = arith.constant 32 : i32
    %mul3A_1742 = arith.muli %arg1, %mul3A_1741 : i32
    "tpu.region"() ({
      %run_scoped3A_1743 = tpu.sem_alloc : memref<!tpu.dma_semaphore, #tpu.memory_space<semaphore_mem>>
      %dma_start3A_1744 = arith.constant 0 : i32
      %dma_start3A_1745 = tpu.memref_slice %arg4[%arg0, %mul3A_1742, %dma_start3A_1744] : memref<2x512x128xf32, #tpu.memory_space<hbm>> -> memref<1x32x128xf32, #tpu.memory_space<hbm>>
      %dma_start3A_1746 = tpu.memref_squeeze %dma_start3A_1745 : memref<1x32x128xf32, #tpu.memory_space<hbm>> -> memref<32x128xf32, #tpu.memory_space<hbm>>
      %dma_start3A_1747 = arith.constant 0 : i32
      %dma_start3A_1748 = tpu.memref_slice %arg10[%mul3A_1742, %dma_start3A_1747] : memref<512x128xf32, #tpu.memory_space<vmem_shared>> -> memref<32x128xf32, #tpu.memory_space<vmem_shared>>
      tpu.enqueue_dma source(%dma_start3A_1748 : memref<32x128xf32, #tpu.memory_space<vmem_shared>>) target(%dma_start3A_1746 : memref<32x128xf32, #tpu.memory_space<hbm>>) target_semaphore(%run_scoped3A_1743 : memref<!tpu.dma_semaphore, #tpu.memory_space<semaphore_mem>>)
      %dma_wait3A_1749 = arith.constant 0 : i32
      %dma_wait3A_1750 = tpu.memref_slice %arg4[%arg0, %mul3A_1742, %dma_wait3A_1749] : memref<2x512x128xf32, #tpu.memory_space<hbm>> -> memref<1x32x128xf32, #tpu.memory_space<hbm>>
      %dma_wait3A_1751 = tpu.memref_squeeze %dma_wait3A_1750 : memref<1x32x128xf32, #tpu.memory_space<hbm>> -> memref<32x128xf32, #tpu.memory_space<hbm>>
      %dma_wait3A_1752 = arith.constant 0 : i32
      %dma_wait3A_1753 = tpu.memref_slice %arg10[%mul3A_1742, %dma_wait3A_1752] : memref<512x128xf32, #tpu.memory_space<vmem_shared>> -> memref<32x128xf32, #tpu.memory_space<vmem_shared>>
      tpu.wait_dma2 semaphore(%run_scoped3A_1743 : memref<!tpu.dma_semaphore, #tpu.memory_space<semaphore_mem>>) src(%dma_wait3A_1753 : memref<32x128xf32, #tpu.memory_space<vmem_shared>>) dst(%dma_wait3A_1751 : memref<32x128xf32, #tpu.memory_space<hbm>>)
      tpu.yield
    }) : () -> ()
    "tpu.region"() ({
      %run_scoped3A_1743 = tpu.sem_alloc : memref<!tpu.dma_semaphore, #tpu.memory_space<semaphore_mem>>
      %dma_start3A_1744 = arith.constant 0 : i32
      %dma_start3A_1745 = tpu.memref_slice %arg8[%dma_start3A_1744] : memref<128xf32, #tpu.memory_space<vmem>> -> memref<32xf32, #tpu.memory_space<vmem>>
      %dma_start3A_1746 = tpu.memref_slice %arg11[%mul3A_1742] : memref<512xf32, #tpu.memory_space<vmem_shared>> -> memref<32xf32, #tpu.memory_space<vmem_shared>>
      %dma_start3A_1747 = arith.constant 0 : i32
      %dma_start3A_1748 = tpu.memref_slice %arg8[%dma_start3A_1747] : memref<128xf32, #tpu.memory_space<vmem>> -> memref<32xf32, #tpu.memory_space<vmem>>
      %dma_start3A_1749 = tpu.memref_slice %arg11[%mul3A_1742] : memref<512xf32, #tpu.memory_space<vmem_shared>> -> memref<32xf32, #tpu.memory_space<vmem_shared>>
      tpu.enqueue_dma source(%dma_start3A_1749 : memref<32xf32, #tpu.memory_space<vmem_shared>>) target(%dma_start3A_1748 : memref<32xf32, #tpu.memory_space<vmem>>) target_semaphore(%run_scoped3A_1743 : memref<!tpu.dma_semaphore, #tpu.memory_space<semaphore_mem>>)
      %dma_wait3A_1750 = arith.constant 0 : i32
      %dma_wait3A_1751 = tpu.memref_slice %arg8[%dma_wait3A_1750] : memref<128xf32, #tpu.memory_space<vmem>> -> memref<32xf32, #tpu.memory_space<vmem>>
      %dma_wait3A_1752 = tpu.memref_slice %arg11[%mul3A_1742] : memref<512xf32, #tpu.memory_space<vmem_shared>> -> memref<32xf32, #tpu.memory_space<vmem_shared>>
      %dma_wait3A_1753 = arith.constant 0 : i32
      %dma_wait3A_1754 = tpu.memref_slice %arg8[%dma_wait3A_1753] : memref<128xf32, #tpu.memory_space<vmem>> -> memref<32xf32, #tpu.memory_space<vmem>>
      %dma_wait3A_1755 = tpu.memref_slice %arg11[%mul3A_1742] : memref<512xf32, #tpu.memory_space<vmem_shared>> -> memref<32xf32, #tpu.memory_space<vmem_shared>>
      tpu.wait_dma2 semaphore(%run_scoped3A_1743 : memref<!tpu.dma_semaphore, #tpu.memory_space<semaphore_mem>>) src(%dma_wait3A_1755 : memref<32xf32, #tpu.memory_space<vmem_shared>>) dst(%dma_wait3A_1754 : memref<32xf32, #tpu.memory_space<vmem>>)
      tpu.yield
    }) : () -> ()
    "tpu.region"() ({
      %run_scoped3A_1743 = tpu.sem_alloc : memref<!tpu.dma_semaphore, #tpu.memory_space<semaphore_mem>>
      %dma_start3A_1744 = arith.constant 0 : i32
      %dma_start3A_1745 = tpu.memref_slice %arg8[%dma_start3A_1744] : memref<128xf32, #tpu.memory_space<vmem>> -> memref<32xf32, #tpu.memory_space<vmem>>
      %dma_start3A_1746 = tpu.memref_slice %arg5[%arg0, %mul3A_1742] : memref<2x512xf32, #tpu.memory_space<hbm>> -> memref<1x32xf32, #tpu.memory_space<hbm>>
      %dma_start3A_1747 = tpu.memref_squeeze %dma_start3A_1746 : memref<1x32xf32, #tpu.memory_space<hbm>> -> memref<32xf32, #tpu.memory_space<hbm>>
      %dma_start3A_1748 = tpu.memref_slice %arg5[%arg0, %mul3A_1742] : memref<2x512xf32, #tpu.memory_space<hbm>> -> memref<1x32xf32, #tpu.memory_space<hbm>>
      %dma_start3A_1749 = tpu.memref_squeeze %dma_start3A_1748 : memref<1x32xf32, #tpu.memory_space<hbm>> -> memref<32xf32, #tpu.memory_space<hbm>>
      %dma_start3A_1750 = arith.constant 0 : i32
      %dma_start3A_1751 = tpu.memref_slice %arg8[%dma_start3A_1750] : memref<128xf32, #tpu.memory_space<vmem>> -> memref<32xf32, #tpu.memory_space<vmem>>
      tpu.enqueue_dma source(%dma_start3A_1751 : memref<32xf32, #tpu.memory_space<vmem>>) target(%dma_start3A_1749 : memref<32xf32, #tpu.memory_space<hbm>>) target_semaphore(%run_scoped3A_1743 : memref<!tpu.dma_semaphore, #tpu.memory_space<semaphore_mem>>)
      %dma_wait3A_1752 = arith.constant 0 : i32
      %dma_wait3A_1753 = tpu.memref_slice %arg8[%dma_wait3A_1752] : memref<128xf32, #tpu.memory_space<vmem>> -> memref<32xf32, #tpu.memory_space<vmem>>
      %dma_wait3A_1754 = tpu.memref_slice %arg5[%arg0, %mul3A_1742] : memref<2x512xf32, #tpu.memory_space<hbm>> -> memref<1x32xf32, #tpu.memory_space<hbm>>
      %dma_wait3A_1755 = tpu.memref_squeeze %dma_wait3A_1754 : memref<1x32xf32, #tpu.memory_space<hbm>> -> memref<32xf32, #tpu.memory_space<hbm>>
      %dma_wait3A_1756 = tpu.memref_slice %arg5[%arg0, %mul3A_1742] : memref<2x512xf32, #tpu.memory_space<hbm>> -> memref<1x32xf32, #tpu.memory_space<hbm>>
      %dma_wait3A_1757 = tpu.memref_squeeze %dma_wait3A_1756 : memref<1x32xf32, #tpu.memory_space<hbm>> -> memref<32xf32, #tpu.memory_space<hbm>>
      %dma_wait3A_1758 = arith.constant 0 : i32
      %dma_wait3A_1759 = tpu.memref_slice %arg8[%dma_wait3A_1758] : memref<128xf32, #tpu.memory_space<vmem>> -> memref<32xf32, #tpu.memory_space<vmem>>
      tpu.wait_dma2 semaphore(%run_scoped3A_1743 : memref<!tpu.dma_semaphore, #tpu.memory_space<semaphore_mem>>) src(%dma_wait3A_1759 : memref<32xf32, #tpu.memory_space<vmem>>) dst(%dma_wait3A_1757 : memref<32xf32, #tpu.memory_space<hbm>>)
      tpu.yield
    }) : () -> ()
    return
  }
}

module attributes {stable_mosaic.version = 14 : i64} {
  func.func @_finalize_body(%arg0: memref<2x512x128xf32, #tpu.memory_space<vmem>>, %arg1: memref<2x512x1xf32, #tpu.memory_space<vmem>>, %arg2: memref<512x128xf32, #tpu.memory_space<vmem>>) attributes {dimension_semantics = [], scalar_prefetch = 0 : i64, scratch_operands = 0 : i64, tpu.core_type = #tpu.core_type<tc>} {
    %get3A = arith.constant 0 : index
    %get3A_0 = arith.constant 0 : index
    %get3A_1 = arith.constant 0 : index
    %get3A_2 = vector.load %arg0[%get3A, %get3A_0, %get3A_1] : memref<2x512x128xf32, #tpu.memory_space<vmem>>, vector<1x512x128xf32>
    %get3A_3 = vector.shape_cast %get3A_2 : vector<1x512x128xf32> to vector<512x128xf32>
    %get3A_4 = arith.constant 1 : index
    %get3A_5 = arith.constant 0 : index
    %get3A_6 = arith.constant 0 : index
    %get3A_7 = vector.load %arg0[%get3A_4, %get3A_5, %get3A_6] : memref<2x512x128xf32, #tpu.memory_space<vmem>>, vector<1x512x128xf32>
    %get3A_8 = vector.shape_cast %get3A_7 : vector<1x512x128xf32> to vector<512x128xf32>
    %add3A = arith.addf %get3A_3, %get3A_8 : vector<512x128xf32>
    %get3A_9 = arith.constant 0 : index
    %get3A_10 = arith.constant 0 : index
    %get3A_11 = arith.constant 0 : index
    %get3A_12 = vector.load %arg1[%get3A_9, %get3A_10, %get3A_11] : memref<2x512x1xf32, #tpu.memory_space<vmem>>, vector<1x512x1xf32>
    %get3A_13 = vector.shape_cast %get3A_12 : vector<1x512x1xf32> to vector<512x1xf32>
    %get3A_14 = arith.constant 1 : index
    %get3A_15 = arith.constant 0 : index
    %get3A_16 = arith.constant 0 : index
    %get3A_17 = vector.load %arg1[%get3A_14, %get3A_15, %get3A_16] : memref<2x512x1xf32, #tpu.memory_space<vmem>>, vector<1x512x1xf32>
    %get3A_18 = vector.shape_cast %get3A_17 : vector<1x512x1xf32> to vector<512x1xf32>
    %add3A_19 = arith.addf %get3A_13, %get3A_18 : vector<512x1xf32>
    %max3A = arith.constant 1.000000e+00 : f32
    %max3A_20 = vector.broadcast %max3A : f32 to vector<512x1xf32>
    %max3A_21 = arith.maximumf %add3A_19, %max3A_20 : vector<512x1xf32>
    %div3A = vector.broadcast %max3A_21 : vector<512x1xf32> to vector<512x128xf32>
    %div3A_22 = arith.divf %add3A, %div3A : vector<512x128xf32>
    %swap3A = arith.constant 0 : index
    %swap3A_23 = arith.constant 0 : index
    %swap3A_24 = vector.load %arg2[%swap3A, %swap3A_23] : memref<512x128xf32, #tpu.memory_space<vmem>>, vector<512x128xf32>
    tpu.vector_store %arg2[%swap3A, %swap3A_23], %div3A_22 {strides = array<i32>} : memref<512x128xf32, #tpu.memory_space<vmem>>, vector<512x128xf32>,
    return
  }
}

</mosaic_0001>

<sc_bundles>
// kernel: kernel.4.cloned.1.call-start
scs
__scs_entry_jumppad:
0x0: {  	(pc) =	sbr.rel $0x88, $3  }
0x1: {  	(tag) =	ssettag $0x0;
	lr =	simm.s32 $0x1  }
0x2: {  	[smem:$0x3F9F] =	sst lr;
	_ =	strace $0xD0000000  }
0x3: {  	_ = 	snop  }
0x4: {  	_ = 	snop  }
0x5: {  	_ = 	snop  }
0x6: {  	_ = 	snop  }
0x7: {  	_ = 	snop  }
__scs_overlays_trampoline_lowered:
0x8: {  	[smem:$0x3FAE] =	sst s0  }
0x9: {  	[smem:$0x3FAF] =	sst s1  }
0xa: {  	[smem:$0x3FB0] =	sst s2  }
0xb: {  	[smem:$0x3FB1] =	sst s3  }
0xc: {  	[smem:$0x3FB2] =	sst s4  }
0xd: {  	[smem:$0x3FB3] =	sst s5  }
0xe: {  	[smem:$0x3FB4] =	sst s6  }
0xf: {  	[smem:$0x3FB5] =	sst s7  }
0x10: {  	[smem:$0x3FB6] =	sst s8  }
0x11: {  	[smem:$0x3FB7] =	sst s9;
	s0 =	simm.s32 @!p0 $0x0  }
0x12: {  	s1 =	sld [smem:$0x3F9D];
	s0 =	simm.s32 @p0 $0x1  }
0x13: {  	[smem:$0x3FB8] =	sst s0;
	s0 =	simm.s32 @!p1 $0x0  }
0x14: {  	s2 =	sld [smem:$0x3F9C];
	s0 =	simm.s32 @p1 $0x1  }
0x15: {  	[smem:$0x3FB9] =	sst s0;
	s0 =	simm.s32 @!p2 $0x0  }
0x16: {  	s3 =	sld [smem:$0x3FDB];
	s0 =	simm.s32 @p2 $0x1  }
0x17: {  	s4 =	simm.s32 $0x1BF5;
	[smem:$0x3FBB] =	sst s0  }
0x18: {  	s0 =	sld [smem:$0x3F9E];
	_ =	swait.ge [sflag:s4], $0x0  }
0x19: {  	s7 =	sld [smem:$0x3F9F]  }
0x1a: {  	s8 =	sadd.s32 $0xFFFFE003, lr  }
0x1b: {  	s9 =	sadd.s32 $0xFFFFFEF7, lr;
	s5 =	simm.s32 $0xFFFFFFFF;
	p2 =	slt.u32 s8, $0xFFFFF086  }
0x1c: {  	p1 =	slt.u32 s9, $0xF7A;
	s5 =	simm.s32 @!p2 $0x0  }
0x1d: {  	s5 =	simm.s32 @p1 $0x1;
	p0 =	seq.s32 s7, s2  }
0x1e: {  	s7 =	smul.u32 @!p0 $0xF7A, s2;
	p2 =	seq.s32 @!p0 s5, $0x0  }
0x1f: {  	s9 =	smul.u32 $0xF7A, s1;
	s8 =	simm.s32 @!p0 $0x1BF5;
	p2 =	por !p2, p0  }
0x20: {  	[sflag:s8] =	ssyncset.s32 @!p0 $0xFFFFF086;
	s6 =	sadd.s32 @!p0 s3, s7;
	s7 =	simm.s32 @!p0 $0x108  }
0x21: {  	s3 =	sadd.s32 s3, s9;
	s6 =	sadd.s32 @!p0 $0x88, s6;
	s7 =	simm.s32 @p2 $0x1082  }
0x22: {  	[simem:s7], [sflag:s8] =	dma.local @!p0 [hbm:s6], $0xF7A  }
0x23: {  	s9 =	sor.u32 $0xD0000000, s2;
	s6 =	simm.s32 $0x108;
	_ =	swait.ge @!p0 [sflag:s8], $0x0  }
0x24: {  	s3 =	sadd.s32 $0x88, s3;
	s6 =	simm.s32 @!p1 $0x1082;
	[sflag:s4] =	ssyncset.s32 $0xFFFFF086  }
0x25: {  	[simem:s6], [sflag:s4] =	dma.local [hbm:s3], $0xF7A  }
0x26: {  	[smem:$0x3F9F] =	sst s1;
	(tag) =	ssettag s2;
	_ =	strace s9  }
0x27: {  	s1 =	sld [smem:$0x3FAF]  }
0x28: {  	s2 =	sld [smem:$0x3FB0]  }
0x29: {  	s4 =	sld [smem:$0x3FB2]  }
0x2a: {  	p0 =	seq.s32 s5, $0x0;
	s5 =	sld [smem:$0x3FB3]  }
0x2b: {  	s6 =	sld [smem:$0x3FB4]  }
0x2c: {  	s7 =	sld [smem:$0x3FB5]  }
0x2d: {  	s3 =	simm.s32 $0x108;
	s8 =	sld [smem:$0x3FB6]  }
0x2e: {  	s3 =	simm.s32 @!p0 $0x1082;
	s9 =	sld [smem:$0x3FB7]  }
0x2f: {  	lr =	sadd.s32 s0, s3;
	s0 =	sld [smem:$0x3FAE]  }
0x30: {  	s3 =	sld [smem:$0x3FB1]  }
0x31: {  	[smem:$0x3FBA] =	sst s10  }
0x32: {  	s10 =	sld [smem:$0x3FB8];
	_ =	sdelay $0x3  }
0x33: {  	p0 =	seq.s32 s10, $0x1;
	s10 =	sld [smem:$0x3FBA];
	_ =	sdelay $0x3  }
0x34: {  	[smem:$0x3FBA] =	sst s10  }
0x35: {  	s10 =	sld [smem:$0x3FB9];
	_ =	sdelay $0x3  }
0x36: {  	p1 =	seq.s32 s10, $0x1;
	s10 =	sld [smem:$0x3FBA];
	_ =	sdelay $0x3  }
0x37: {  	[smem:$0x3FBA] =	sst s10  }
0x38: {  	s10 =	sld [smem:$0x3FBB]  }
0x39: {  	_ = 	snop;
	(pc) =	sbr.ind lr, $3  }
0x3a: {  	_ = 	snop  }
0x3b: {  	_ = 	snop  }
0x3c: {  	p2 =	seq.s32 s10, $0x1;
	s10 =	sld [smem:$0x3FBA]  }
0x3d: {  	_ =	shalt  }
0x3e: {  	_ =	shalt  }
0x3f: {  	_ =	shalt  }
0x40: {  	_ =	shalt  }
0x41: {  	_ =	shalt  }
0x42: {  	_ =	shalt  }
0x43: {  	_ =	shalt  }
0x44: {  	_ =	shalt  }
0x45: {  	_ =	shalt  }
0x46: {  	_ =	shalt  }
0x47: {  	_ =	shalt  }
0x48: {  	_ =	shalt  }
0x49: {  	_ =	shalt  }
0x4a: {  	_ =	shalt  }
0x4b: {  	_ =	shalt  }
0x4c: {  	_ =	shalt  }
0x4d: {  	_ =	shalt  }
0x4e: {  	_ =	shalt  }
0x4f: {  	_ =	shalt  }
0x50: {  	_ =	shalt  }
0x51: {  	_ =	shalt  }
0x52: {  	_ =	shalt  }
0x53: {  	_ =	shalt  }
0x54: {  	_ =	shalt  }
0x55: {  	_ =	shalt  }
0x56: {  	_ =	shalt  }
0x57: {  	_ =	shalt  }
0x58: {  	_ =	shalt  }
0x59: {  	_ =	shalt  }
0x5a: {  	_ =	shalt  }
0x5b: {  	_ =	shalt  }
0x5c: {  	_ =	shalt  }
0x5d: {  	_ =	shalt  }
0x5e: {  	_ =	shalt  }
0x5f: {  	_ =	shalt  }
0x60: {  	_ =	shalt  }
0x61: {  	_ =	shalt  }
0x62: {  	_ =	shalt  }
0x63: {  	_ =	shalt  }
0x64: {  	_ =	shalt  }
0x65: {  	_ =	shalt  }
0x66: {  	_ =	shalt  }
0x67: {  	_ =	shalt  }
0x68: {  	_ =	shalt  }
0x69: {  	_ =	shalt  }
0x6a: {  	_ =	shalt  }
0x6b: {  	_ =	shalt  }
0x6c: {  	_ =	shalt  }
0x6d: {  	_ =	shalt  }
0x6e: {  	_ =	shalt  }
0x6f: {  	_ =	shalt  }
0x70: {  	_ =	shalt  }
0x71: {  	_ =	shalt  }
0x72: {  	_ =	shalt  }
0x73: {  	_ =	shalt  }
0x74: {  	_ =	shalt  }
0x75: {  	_ =	shalt  }
0x76: {  	_ =	shalt  }
0x77: {  	_ =	shalt  }
0x78: {  	_ =	shalt  }
0x79: {  	_ =	shalt  }
0x7a: {  	_ =	shalt  }
0x7b: {  	_ =	shalt  }
0x7c: {  	_ =	shalt  }
0x7d: {  	_ =	shalt  }
0x7e: {  	_ =	shalt  }
0x7f: {  	_ =	shalt  }
0x80: {  	_ =	shalt  }
0x81: {  	_ =	shalt  }
0x82: {  	_ =	shalt  }
0x83: {  	_ =	shalt  }
0x84: {  	_ =	shalt  }
0x85: {  	_ =	shalt  }
0x86: {  	_ =	shalt  }
0x87: {  	_ =	shalt  }
.Lfunc_end0:
.L_simem_size_0:
called_computation_lowered:
.L_overlay_start_0:
0x88: {  	s2 =	sld [smem:$0x3FD9]  }
0x89: {  	s3 =	sld [smem:$0x3FFE];
	_ =	sdelay $0x1  }
0x8a: {  	s1 =	srdreg.scid  }
0x8b: {  	s0 =	sand.u32 $0x1, s1  }
0x8c: {  	s17 =	sshll.u32 s0, $0xA;
	s2 =	sadd.s32 s3, s2  }
0x8d: {  	s2 =	sadd.s32 s2, s17  }
0x8e: {  	[smem:$0x3FC6] =	sst s2  }
0x8f: {  	_ = 	snop  }
0x90: {  	s2 =	sld [smem:$0x3FC9]  }
0x91: {  	s18 =	sld [smem:$0x3FC8]  }
0x92: {  	s4 =	sld [smem:$0x3FD0];
	(tm) =	ssettm $0x1  }
0x93: {  	s5 =	sld [smem:$0x3FFB];
	_ =	sdelay $0x3  }
0x94: {  	_ =	strace s5  }
0x95: {  	s5 =	sld [smem:$0x3FFC];
	_ =	sdelay $0x3  }
0x96: {  	_ =	strace s5  }
0x97: {  	s5 =	sld [smem:$0x3FFD];
	_ =	sdelay $0x3  }
0x98: {  	_ =	strace s5  }
0x99: {  	_ =	strace $0x8FFFFFFF  }
0x9a: {  	s19 =	sld [smem:$0x3FDB];
	_ =	sdelay $0x1  }
0x9b: {  	s6 =	simm.s32 $_scs_section_size  }
0x9c: {  	s7 =	simm.s32 $_size__tile_overlayer_lowered;
	s8 =	simm.s32 $_tile_overlayer_lowered  }
0x9d: {  	s22 =	simm.s32 $0x1BFF;
	s21 =	sshll.u32 s8, $0x1;
	s5 =	sadd.s32 s6, s19  }
0x9e: {  	s9 =	simm.s32 $0x0;
	s20 =	sshll.u32 s7, $0x1;
	s7 =	sadd.s32 s21, s5  }
0x9f: {  	[timem:s9], [sflag:s22] =	dma.local [hbm:s7], s20  }
0xa0: {  	_ =	swait.ge [sflag:s22], s20  }
0xa1: {  	s6 =	ssub.s32 $0x0, s20;
	[sflag:s22] =	ssyncset.done $0x0  }
0xa2: {  	[sflag:s22] =	ssyncadd.s32 s6;
	_ =	sdelay $0x1  }
0xa3: {  	s23 =	simm.s32 $0x1B8B  }
0xa4: {  	_ =	swait.ge [sflag:s23], $0x1  }
0xa5: {  	[sflag:s23] =	ssyncset.done $0x0  }
0xa6: {  	s25 =	simm.s32 $0x1B8E;
	s24 =	sld [smem:$0x3FFE];
	[sflag:s23] =	ssyncadd.s32 $0xFFFFFFFF  }
0xa7: {  	s26 =	simm.s32 $execute0_lowered;
	[smem:$0x3FD2] =	sst s25  }
0xa8: {  	s7 =	sshll.u32 s26, $0x1;
	_ =	strace $0x80000046;
	[dreg:$0x1] =	wrdreg $0xFFFFFFFF  }
0xa9: {  	s28 =	simm.s32 $_size_execute0_lowered;
	s5 =	sadd.s32 s5, s7;
	[dreg:$0x0] =	wrdreg $0x0  }
0xaa: {  	s7 =	sshll.u32 s28, $0x1;
	[dreg:$0x2] =	wrdreg s5  }
0xab: {  	[dreg:$0x3] =	wrdreg s7  }
0xac: {  	[dreg:$0x4] =	wrdreg $0xC0  }
0xad: {  	_ =	task [dreg:s9], $0x5FFFF  }
0xae: {  	[dreg:$0x1] =	wrdreg $0xFFFFFFFF  }
0xaf: {  	[dreg:$0x0] =	wrdreg $0x60  }
0xb0: {  	[dreg:$0x2] =	wrdreg s2  }
0xb1: {  	[dreg:$0x3] =	wrdreg s18  }
0xb2: {  	[dreg:$0x4] =	wrdreg s24  }
0xb3: {  	[dreg:$0x5] =	wrdreg s4  }
0xb4: {  	[dreg:$0x6] =	wrdreg $0x194800  }
0xb5: {  	[dreg:$0x7] =	wrdreg $0x1A4800  }
0xb6: {  	[dreg:$0x8] =	wrdreg $0x9  }
0xb7: {  	_ =	task.clear_ibuf [dreg:s9], $0x9FFFF;
	_ =	strace $0x90000046  }
0xb8: {  	s29 =	simm.s32 $0x9;
	_ =	strace $0x80000048  }
0xb9: {  	_ =	swait.ge [sflag:s29], $0x1  }
0xba: {  	[sflag:s29] =	ssyncadd.s32 $0xFFFFFFFF  }
0xbb: {  	_ =	strace $0x90000048  }
0xbc: {  	_ =	sfence  }
0xbd: {  	s30 =	sld [smem:$0x0];
	_ =	sdelay $0x2  }
0xbe: {  	s31 =	sshll.u32 s1, $0xD;
	s1 =	sshrl.u32 s1, $0x2  }
0xbf: {  	s3 =	sand.u32 $0x4000, s31;
	s1 =	sadd.s32 s1, s30  }
0xc0: {  	s0 =	sor.u32 s3, s0;
	s1 =	sshll.u32 s1, $0x11  }
0xc1: {  	s0 =	sor.u32 s1, s0  }
0xc2: {  	s0 =	sadd.s32 $0x8F2B, s0  }
0xc3: {  	[sflag:s0] =	ssyncadd.remote.s32 $0x1  }
0xc4: {  	_ =	sfence.sel $0xFFFF  }
0xc5: {  	[dreg:$0x0] =	wrdreg $0xFFFFFFFF;
	(pc) =	sbr.abs _section_cstart, $3  }
0xc6: {  	[dreg:$0x1] =	wrdreg $0xFFFFFFFF  }
0xc7: {  	_ =	task.clear_ibuf [dreg:s9], $0x2FFFF;
	_ =	strace $0x9FFFFFFF  }
0xc8: {  	(tm) =	ssettm $0x7FFFFFFF  }
0xc9: {  	_ =	shalt  }
tec
execute0_lowered:
.L_overlay_start_1:
0x0: {  	(tag) =	ssettag $0x1  }
0x1: {  	s0 =	rddreg [dreg:$0x0]  }
0x2: {  	s14 =	rddreg [dreg:$0x1]  }
0x3: {  	s1 =	rddreg [dreg:$0x2]  }
0x4: {  	s4 =	rddreg [dreg:$0x3]  }
0x5: {  	s2 =	rddreg [dreg:$0x4]  }
0x6: {  	s3 =	rddreg [dreg:$0x5];
	s6 =	srdreg.scid;
	s5 =	simm.s32 $0x0  }
0x7: {  	s15 =	stileid.u32;
	s30 =	simm.s32 $0x18000;
	s6 =	sand.u32 $0x1, s6  }
0x8: {  	[smem:$0x7FF] =	sst s5;
	s8 =	sshll.u32 s15, $0x9;
	s19 =	sshll.u32 s15, $0x5  }
0x9: {  	s10 =	sshll.u32 s15, $0xC;
	s26 =	sshll.u32 s15, $0x6;
	s17 =	sshll.u32 s15, $0x7  }
0xa: {  	s7 =	ssub.s32 $0x2, s6;
	_ =	strace $0x80000047;
	s1 =	sadd.s32 s8, s1  }
0xb: {  	s18 =	sshll.u32 s6, $0x4;
	s21 =	sadd.s32 s19, s3;
	[dreg:$0xd] =	wrdreg s26  }
0xc: {  	s28 =	sand.u32 $0x300, s26;
	s29 =	sshll.u32 s6, $0x7;
	s31 =	sshll.u32 s6, $0xD  }
0xd: {  	s16 =	sshll.u32 s6, $0xB;
	s6 =	sshll.u32 s6, $0xF;
	s9 =	sshrl.u32 s7, $0x1  }
0xe: {  	s8 =	sor.u32 s15, s18;
	s18 =	sadd.s32 s10, s2;
	s1 =	sadd.s32 s31, s1  }
0xf: {  	[dreg:$0x8] =	wrdreg s21;
	s7 =	ssub.s32 s7, s9;
	s20 =	sshll.u32 s8, $0x7  }
0x10: {  	s11 =	sshll.u32 s8, $0xB;
	s12 =	sshll.u32 s8, $0x4;
	s9 =	sand.u32 $0x60, s19  }
0x11: {  	s1 =	sadd.s32 $0xA00, s1;
	s19 =	sshll.u32 s15, $0xB;
	p0 =	sgt.u32 s8, $0x3  }
0x12: {  	s8 =	simm.s32 $0x18400;
	[dreg:$0x7] =	wrdreg s18;
	s13 =	sor.u32 $0x1000, s20  }
0x13: {  	s11 =	sadd.s32 s0, s11;
	s22 =	sadd.s32 s14, s12;
	[dreg:$0x10] =	wrdreg s1  }
0x14: {  	s10 =	sor.u32 $0x4E000, s20;
	s7 =	smax.u32 s7, $0x1;
	[dreg:$0x9] =	wrdreg s11  }
0x15: {  	[dreg:$0xa] =	wrdreg s22;
	s23 =	sshll.u32 s13, $0x4;
	s25 =	sshll.u32 s10, $0x4  }
0x16: {  	s10 =	sshrl.u32 s10, $0x3;
	[dreg:$0x12] =	wrdreg s7;
	s11 =	sadd.s32 s0, s23  }
0x17: {  	s24 =	sshrl.u32 s13, $0x3;
	s10 =	sadd.s32 s14, s10;
	[dreg:$0xb] =	wrdreg s11  }
0x18: {  	s12 =	simm.s32 $0x0;
	s11 =	sadd.s32 s14, s24;
	[dreg:$0xf] =	wrdreg s10  }
0x19: {  	s7 =	simm.s32 $0xC;
	[dreg:$0xc] =	wrdreg s11;
	s11 =	sadd.s32 s0, s25  }
0x1a: {  	s10 =	simm.s32 $0x4000;
	[dreg:$0xe] =	wrdreg s11;
	s11 =	sor.u32 s29, s28  }
0x1b: {  	s0 =	sadd.s32 s6, s0;
	s6 =	simm.s32 $0x6;
	s9 =	sor.u32 s9, s11  }
0x1c: {  	s0 =	sadd.s32 s19, s0;
	s19 =	simm.s32 $0x4;
	s13 =	sshrl.u32 s9, $0x3  }
0x1d: {  	[dreg:$0x13] =	wrdreg s0;
	s11 =	simm.s32 $0x18080;
	s1 =	sadd.s32 s4, s13  }
0x1e: {  	s9 =	simm.s32 $0x13;
	s13 =	simm.s32 $0x18080;
	[dreg:$0x11] =	wrdreg s1  }
0x1f: {  	s1 =	sor.u32 s17, s16;
	s16 =	simm.s32 $0xC000;
	s17 =	simm.s32 $0x18180  }
0x20: {  	s20 =	sor.u32 $0x7000, s1;
	s23 =	sor.u32 $0x5000, s1;
	s24 =	sor.u32 $0x6000, s1  }
0x21: {  	s26 =	sor.u32 $0x4000, s1;
	s28 =	sor.u32 $0x3000, s1;
	s1 =	sor.u32 $0x2000, s1  }
0x22: {  	s22 =	sshrl.u32 s20, $0x3;
	[dreg:$0x15] =	wrdreg s24;
	s25 =	sshrl.u32 s23, $0x3  }
0x23: {  	s4 =	sshrl.u32 s28, $0x3;
	s31 =	sshrl.u32 s1, $0x3;
	s20 =	simm.s32 $0xA  }
0x24: {  	s23 =	simm.s32 $0x5;
	s24 =	simm.s32 $0xB;
	s0 =	sadd.s32 s22, s14  }
.Ltmp0:
0x25: {  	[dreg:$0x14] =	wrdreg s0;
	s0 =	sadd.s32 s25, s14;
	(pc) =	sbr.rel .LBB2_1-.Ltmp0, $4  }
0x26: {  	s29 =	sadd.s32 s4, s14;
	[dreg:$0x16] =	wrdreg s0;
	s0 =	sshrl.u32 s26, $0x3  }
0x27: {  	s1 =	simm.s32 $0xD;
	[dreg:$0x18] =	wrdreg s29;
	s0 =	sadd.s32 s0, s14  }
0x28: {  	s4 =	simm.s32 $0x80;
	[dreg:$0x17] =	wrdreg s0;
	s0 =	sadd.s32 s31, s14  }
0x29: {  	v0 =	vimm.f32 $1.000000000e+00;
	v1 =	vimm.f32 $0.0e+00;
	s22 =	simm.s32 $0x18280;
	s26 =	simm.s32 $0xE;
	[dreg:$0x19] =	wrdreg s0  }
.LBB2_4:
0x2a: {  	_ =	swait.ge [sflag:s6], $0x4000  }
0x2b: {  	[sflag:s6] =	ssyncset.done $0x0  }
0x2c: {  	[sflag:s6] =	ssyncadd.s32 $0xFFFFC000  }
0x2d: {  	_ =	swait.ge [sflag:s7], $0x80  }
0x2e: {  	[sflag:s7] =	ssyncset.done $0x0  }
0x2f: {  	[sflag:s7] =	ssyncadd.s32 $0xFFFFFF80  }
0x30: {  	[spmem:s2] =	stream.indirect.scatter.add.f32 [tilespmem:s15], [sflag:$0x12], $0x80, s22, s4, $0xb8;
	[tilespmem:$0x1A4A0] =	vst v63  }
0x31: {  	s9 =	simm.s32 @!p0 $0xD  }
0x32: {  	[spmem:s3] =	stream.indirect.scatter.add.f32 [tilespmem:s8], [sflag:$0x12], $0x1, s22, s4, $0xb8;
	[tilespmem:$0x1A4A0] =	vst v63  }
0x33: {  	_ =	swait.ge @!p0 [sflag:s9], $0x4000  }
0x34: {  	[sflag:s9] =	ssyncset.done @!p0 $0x0  }
0x35: {  	[sflag:s9] =	ssyncadd.s32 @!p0 $0xFFFFC000  }
0x36: {  	_ =	swait.ge @!p0 [sflag:s9], $0x80  }
0x37: {  	[sflag:s9] =	ssyncset.done @!p0 $0x0  }
0x38: {  	s0 =	rddreg [dreg:$0xe];
	[sflag:s9] =	ssyncadd.s32 @!p0 $0xFFFFFF80;
	s9 =	simm.s32 @!p0 $0x0  }
0x39: {  	[tilespmem:s9], [sflag:$0x1] =	stream.linear.gather @!p0 [hbm4b:s0+s9], $0x4000, $0x38;
	[tilespmem:$0x1A4A0] =	vst v63  }
0x3a: {  	s12 =	simm.s32 @!p0 $0x18000;
	s14 =	simm.s32 @!p0 $0x1;
	s0 =	rddreg [dreg:$0xf]  }
0x3b: {  	[tilespmem:s12], [sflag:$0x7] =	stream.linear.gather @!p0 [hbm4b:s0+s9], $0x80, $0x38;
	[tilespmem:$0x1A4A0] =	vst v63  }
0x3c: {  	_ =	swait.ge @!p0 [sflag:s14], $0x4000  }
0x3d: {  	[sflag:s14] =	ssyncset.done @!p0 $0x0  }
0x3e: {  	[sflag:s14] =	ssyncadd.s32 @!p0 $0xFFFFC000;
	s14 =	simm.s32 @!p0 $0x7  }
0x3f: {  	_ =	swait.ge @!p0 [sflag:s14], $0x80  }
0x40: {  	[sflag:s14] =	ssyncset.done @!p0 $0x0  }
0x41: {  	[sflag:s14] =	ssyncadd.s32 @!p0 $0xFFFFFF80;
	s14 =	simm.s32 @!p0 $0x80  }
0x42: {  	[spmem:s2] =	stream.indirect.scatter.add.f32 @!p0 [tilespmem:s9], [sflag:$0xD], $0x80, s12, s14, $0xb8;
	[tilespmem:$0x1A4A0] =	vst v63  }
0x43: {  	s9 =	simm.s32 @!p0 $0x18400  }
0x44: {  	[spmem:s3] =	stream.indirect.scatter.add.f32 @!p0 [tilespmem:s9], [sflag:$0xD], $0x1, s12, s14, $0xb8;
	[tilespmem:$0x1A4A0] =	vst v63  }
0x45: {  	_ =	swait.ge [sflag:s26], $0x4000  }
0x46: {  	[sflag:s26] =	ssyncset.done $0x0  }
0x47: {  	[sflag:s26] =	ssyncadd.s32 $0xFFFFC000  }
0x48: {  	_ =	swait.ge [sflag:s26], $0x80  }
0x49: {  	[sflag:s26] =	ssyncset.done $0x0  }
0x4a: {  	s9 =	simm.s32 $0xF;
	[sflag:s26] =	ssyncadd.s32 $0xFFFFFF80  }
0x4b: {  	_ =	swait.ge [sflag:s9], $0x4000  }
0x4c: {  	[sflag:s9] =	ssyncset.done $0x0  }
0x4d: {  	[sflag:s9] =	ssyncadd.s32 $0xFFFFC000  }
0x4e: {  	_ =	swait.ge [sflag:s9], $0x80  }
0x4f: {  	[sflag:s9] =	ssyncset.done $0x0  }
0x50: {  	s10 =	simm.s32 $0x10;
	[sflag:s9] =	ssyncadd.s32 $0xFFFFFF80  }
0x51: {  	_ =	swait.ge [sflag:s10], $0x4000  }
0x52: {  	[sflag:s10] =	ssyncset.done $0x0  }
0x53: {  	[sflag:s10] =	ssyncadd.s32 $0xFFFFC000  }
0x54: {  	_ =	swait.ge [sflag:s10], $0x80  }
0x55: {  	[sflag:s10] =	ssyncset.done $0x0  }
0x56: {  	s11 =	simm.s32 $0x11;
	[sflag:s10] =	ssyncadd.s32 $0xFFFFFF80  }
0x57: {  	_ =	swait.ge [sflag:s11], $0x4000  }
0x58: {  	[sflag:s11] =	ssyncset.done $0x0  }
0x59: {  	[sflag:s11] =	ssyncadd.s32 $0xFFFFC000  }
0x5a: {  	_ =	swait.ge [sflag:s11], $0x80  }
0x5b: {  	[sflag:s11] =	ssyncset.done $0x0  }
0x5c: {  	s12 =	simm.s32 $0x12;
	[sflag:s11] =	ssyncadd.s32 $0xFFFFFF80  }
0x5d: {  	_ =	swait.ge [sflag:s12], $0x4000  }
0x5e: {  	[sflag:s12] =	ssyncset.done $0x0  }
0x5f: {  	[sflag:s12] =	ssyncadd.s32 $0xFFFFC000  }
0x60: {  	_ =	swait.ge [sflag:s12], $0x80  }
0x61: {  	[sflag:s12] =	ssyncset.done $0x0  }
0x62: {  	[sflag:s12] =	ssyncadd.s32 $0xFFFFFF80  }
0x63: {  	_ =	swait.ge [sflag:s1], $0x4000  }
0x64: {  	[sflag:s1] =	ssyncset.done $0x0  }
0x65: {  	[sflag:s1] =	ssyncadd.s32 $0xFFFFC000  }
0x66: {  	_ =	swait.ge [sflag:s1], $0x80  }
0x67: {  	[sflag:s1] =	ssyncset.done $0x0  }
0x68: {  	[sflag:s1] =	ssyncadd.s32 $0xFFFFFF80  }
0x69: {  	[bflag:$0x0] =	sbarrier.arrive $0xFFFF  }
0x6a: {  	s14 =	rddreg [dreg:$0xd]  }
0x6b: {  	s9 =	simm.s32 $0x13;
	s18 =	rddreg [dreg:$0x7]  }
0x6c: {  	s25 =	rddreg [dreg:$0x10];
	s15 =	sor.u32 $0x1C13, s14;
	s21 =	sshrl.u32 s18, $0x3  }
0x6d: {  	[hbm:s25], [sflag:s15] =	dma.local [spmem:s21], $0x200  }
0x6e: {  	_ =	swait.ge [sflag:s9], $0x200  }
0x6f: {  	[sflag:s9] =	ssyncset.done $0x0  }
0x70: {  	s21 =	rddreg [dreg:$0x8];
	[sflag:s9] =	ssyncadd.s32 $0xFFFFFE00  }
0x71: {  	[tilespmem:s8], [sflag:$0x13] =	stream.linear.gather [spmem:s21], $0x20, $0x38;
	[tilespmem:$0x1A4A0] =	vst v63  }
0x72: {  	_ =	swait.ge [sflag:s9], $0x20  }
0x73: {  	[sflag:s9] =	ssyncset.done $0x0  }
0x74: {  	s28 =	rddreg [dreg:$0x11];
	[sflag:s9] =	ssyncadd.s32 $0xFFFFFFE0  }
0x75: {  	[hbm4b:s28+s5] =	stream.linear.scatter [tilespmem:s8], [sflag:$0x13], $0x20, $0x38;
	[tilespmem:$0x1A4A0] =	vst v63  }
0x76: {  	_ =	swait.ge [sflag:s9], $0x20  }
0x77: {  	s29 =	rddreg [dreg:$0x1a]  }
0x78: {  	s31 =	rddreg [dreg:$0x12];
	s12 =	sadd.s32 $0x1, s29  }
0x79: {  	p1 =	sne.s32 s12, s31  }
.Ltmp1:
0x7a: {  	_ = 	snop;
	(pc) =	sbr.rel @!p1 .LBB2_5-.Ltmp1, $3  }
0x7b: {  	_ =	sdelay $0x1  }
0x7c: {  	s30 =	simm.s32 $0x18000;
	[sflag:s9] =	ssyncset.done $0x0  }
0x7d: {  	s10 =	simm.s32 $0x4000;
	s11 =	simm.s32 $0x18080;
	[sflag:s9] =	ssyncadd.s32 $0xFFFFFFE0  }
.LBB2_1:
0x7e: {  	[tilespmem:$0x18400] =	vst v0  }
0x7f: {  	[tilespmem:$0x18410] =	vst v0  }
0x80: {  	[tilespmem:$0x18420] =	vst v0  }
0x81: {  	[tilespmem:$0x18430] =	vst v0  }
0x82: {  	[tilespmem:$0x18440] =	vst v0  }
0x83: {  	[tilespmem:$0x18450] =	vst v0  }
0x84: {  	[tilespmem:$0x18460] =	vst v0  }
0x85: {  	[tilespmem:$0x18470] =	vst v0  }
0x86: {  	[tilespmem:$0x18480] =	vst v1  }
0x87: {  	[tilespmem:$0x18490] =	vst v1  }
0x88: {  	[tilespmem:$0x184A0] =	vst v1  }
0x89: {  	[tilespmem:$0x184B0] =	vst v1  }
0x8a: {  	[tilespmem:$0x184C0] =	vst v1  }
0x8b: {  	[tilespmem:$0x184D0] =	vst v1  }
0x8c: {  	[tilespmem:$0x184E0] =	vst v1  }
0x8d: {  	[tilespmem:$0x184F0] =	vst v1  }
0x8e: {  	[tilespmem:$0x18500] =	vst v1  }
0x8f: {  	[tilespmem:$0x18510] =	vst v1  }
0x90: {  	[tilespmem:$0x18520] =	vst v1  }
0x91: {  	[tilespmem:$0x18530] =	vst v1  }
0x92: {  	[tilespmem:$0x18540] =	vst v1  }
0x93: {  	[tilespmem:$0x18550] =	vst v1  }
0x94: {  	[tilespmem:$0x18560] =	vst v1  }
0x95: {  	[tilespmem:$0x18570] =	vst v1  }
0x96: {  	[tilespmem:$0x18580] =	vst v1  }
0x97: {  	[tilespmem:$0x18590] =	vst v1  }
0x98: {  	[tilespmem:$0x185A0] =	vst v1  }
0x99: {  	[tilespmem:$0x185B0] =	vst v1  }
0x9a: {  	[tilespmem:$0x185C0] =	vst v1  }
0x9b: {  	[tilespmem:$0x185D0] =	vst v1  }
0x9c: {  	[tilespmem:$0x185E0] =	vst v1  }
0x9d: {  	[tilespmem:$0x185F0] =	vst v1  }
0x9e: {  	[tilespmem:$0x18600] =	vst v1  }
0x9f: {  	[tilespmem:$0x18610] =	vst v1  }
0xa0: {  	[tilespmem:$0x18620] =	vst v1  }
0xa1: {  	[tilespmem:$0x18630] =	vst v1  }
0xa2: {  	[tilespmem:$0x18640] =	vst v1  }
0xa3: {  	[tilespmem:$0x18650] =	vst v1  }
0xa4: {  	[tilespmem:$0x18660] =	vst v1  }
0xa5: {  	[tilespmem:$0x18670] =	vst v1  }
0xa6: {  	[tilespmem:$0x18680] =	vst v1  }
0xa7: {  	[tilespmem:$0x18690] =	vst v1  }
0xa8: {  	[tilespmem:$0x186A0] =	vst v1  }
0xa9: {  	[tilespmem:$0x186B0] =	vst v1  }
0xaa: {  	[tilespmem:$0x186C0] =	vst v1  }
0xab: {  	[tilespmem:$0x186D0] =	vst v1  }
0xac: {  	[tilespmem:$0x186E0] =	vst v1  }
0xad: {  	[tilespmem:$0x186F0] =	vst v1  }
0xae: {  	[tilespmem:$0x18700] =	vst v1  }
0xaf: {  	[tilespmem:$0x18710] =	vst v1  }
0xb0: {  	[tilespmem:$0x18720] =	vst v1  }
0xb1: {  	[tilespmem:$0x18730] =	vst v1  }
0xb2: {  	[tilespmem:$0x18740] =	vst v1  }
0xb3: {  	[tilespmem:$0x18750] =	vst v1  }
0xb4: {  	[tilespmem:$0x18760] =	vst v1  }
0xb5: {  	[tilespmem:$0x18770] =	vst v1  }
0xb6: {  	[tilespmem:$0x18780] =	vst v1  }
0xb7: {  	[tilespmem:$0x18790] =	vst v1  }
0xb8: {  	[tilespmem:$0x187A0] =	vst v1  }
0xb9: {  	[tilespmem:$0x187B0] =	vst v1  }
0xba: {  	[tilespmem:$0x187C0] =	vst v1  }
0xbb: {  	[tilespmem:$0x187D0] =	vst v1  }
0xbc: {  	[tilespmem:$0x187E0] =	vst v1  }
0xbd: {  	[tilespmem:$0x187F0] =	vst v1  }
0xbe: {  	[tilespmem:$0x18800] =	vst v1  }
0xbf: {  	[tilespmem:$0x18810] =	vst v1  }
0xc0: {  	[tilespmem:$0x18820] =	vst v1  }
0xc1: {  	[tilespmem:$0x18830] =	vst v1  }
0xc2: {  	[tilespmem:$0x18840] =	vst v1  }
0xc3: {  	[tilespmem:$0x18850] =	vst v1  }
0xc4: {  	[tilespmem:$0x18860] =	vst v1  }
0xc5: {  	[tilespmem:$0x18870] =	vst v1  }
0xc6: {  	[tilespmem:$0x18880] =	vst v1  }
0xc7: {  	[tilespmem:$0x18890] =	vst v1  }
0xc8: {  	[tilespmem:$0x188A0] =	vst v1  }
0xc9: {  	[tilespmem:$0x188B0] =	vst v1  }
0xca: {  	[tilespmem:$0x188C0] =	vst v1  }
0xcb: {  	[tilespmem:$0x188D0] =	vst v1  }
0xcc: {  	[tilespmem:$0x188E0] =	vst v1  }
0xcd: {  	[tilespmem:$0x188F0] =	vst v1  }
0xce: {  	[tilespmem:$0x18900] =	vst v1  }
0xcf: {  	[tilespmem:$0x18910] =	vst v1  }
0xd0: {  	[tilespmem:$0x18920] =	vst v1  }
0xd1: {  	[tilespmem:$0x18930] =	vst v1  }
0xd2: {  	[tilespmem:$0x18940] =	vst v1  }
0xd3: {  	[tilespmem:$0x18950] =	vst v1  }
0xd4: {  	[tilespmem:$0x18960] =	vst v1  }
0xd5: {  	[tilespmem:$0x18970] =	vst v1  }
0xd6: {  	[tilespmem:$0x18980] =	vst v1  }
0xd7: {  	[tilespmem:$0x18990] =	vst v1  }
0xd8: {  	[tilespmem:$0x189A0] =	vst v1  }
0xd9: {  	[tilespmem:$0x189B0] =	vst v1  }
0xda: {  	[tilespmem:$0x189C0] =	vst v1  }
0xdb: {  	[tilespmem:$0x189D0] =	vst v1  }
0xdc: {  	[tilespmem:$0x189E0] =	vst v1  }
0xdd: {  	[tilespmem:$0x189F0] =	vst v1  }
0xde: {  	[tilespmem:$0x18A00] =	vst v1  }
0xdf: {  	[tilespmem:$0x18A10] =	vst v1  }
0xe0: {  	[tilespmem:$0x18A20] =	vst v1  }
0xe1: {  	[tilespmem:$0x18A30] =	vst v1  }
0xe2: {  	[tilespmem:$0x18A40] =	vst v1  }
0xe3: {  	[tilespmem:$0x18A50] =	vst v1  }
0xe4: {  	[tilespmem:$0x18A60] =	vst v1  }
0xe5: {  	[tilespmem:$0x18A70] =	vst v1  }
0xe6: {  	[tilespmem:$0x18A80] =	vst v1  }
0xe7: {  	[tilespmem:$0x18A90] =	vst v1  }
0xe8: {  	[tilespmem:$0x18AA0] =	vst v1  }
0xe9: {  	[tilespmem:$0x18AB0] =	vst v1  }
0xea: {  	[tilespmem:$0x18AC0] =	vst v1  }
0xeb: {  	[tilespmem:$0x18AD0] =	vst v1  }
0xec: {  	[tilespmem:$0x18AE0] =	vst v1  }
0xed: {  	[tilespmem:$0x18AF0] =	vst v1  }
0xee: {  	[tilespmem:$0x18B00] =	vst v1  }
0xef: {  	[tilespmem:$0x18B10] =	vst v1  }
0xf0: {  	[tilespmem:$0x18B20] =	vst v1  }
0xf1: {  	[tilespmem:$0x18B30] =	vst v1  }
0xf2: {  	[tilespmem:$0x18B40] =	vst v1  }
0xf3: {  	[tilespmem:$0x18B50] =	vst v1  }
0xf4: {  	[tilespmem:$0x18B60] =	vst v1  }
0xf5: {  	[tilespmem:$0x18B70] =	vst v1  }
0xf6: {  	[tilespmem:$0x18B80] =	vst v1  }
0xf7: {  	[tilespmem:$0x18B90] =	vst v1  }
0xf8: {  	[tilespmem:$0x18BA0] =	vst v1  }
0xf9: {  	[tilespmem:$0x18BB0] =	vst v1  }
0xfa: {  	[tilespmem:$0x18BC0] =	vst v1  }
0xfb: {  	[tilespmem:$0x18BD0] =	vst v1  }
0xfc: {  	[tilespmem:$0x18BE0] =	vst v1  }
0xfd: {  	[tilespmem:$0x18BF0] =	vst v1  }
0xfe: {  	[tilespmem:$0x18C00] =	vst v1  }
0xff: {  	[tilespmem:$0x18C10] =	vst v1  }
0x100: {  	[tilespmem:$0x18C20] =	vst v1  }
0x101: {  	[tilespmem:$0x18C30] =	vst v1  }
0x102: {  	[tilespmem:$0x18C40] =	vst v1  }
0x103: {  	[tilespmem:$0x18C50] =	vst v1  }
0x104: {  	[tilespmem:$0x18C60] =	vst v1  }
0x105: {  	[tilespmem:$0x18C70] =	vst v1  }
0x106: {  	[tilespmem:$0x18C80] =	vst v1  }
0x107: {  	[tilespmem:$0x18C90] =	vst v1  }
0x108: {  	[tilespmem:$0x18CA0] =	vst v1  }
0x109: {  	[tilespmem:$0x18CB0] =	vst v1  }
0x10a: {  	[tilespmem:$0x18CC0] =	vst v1  }
0x10b: {  	[tilespmem:$0x18CD0] =	vst v1  }
0x10c: {  	[tilespmem:$0x18CE0] =	vst v1  }
0x10d: {  	[tilespmem:$0x18CF0] =	vst v1  }
0x10e: {  	[tilespmem:$0x18D00] =	vst v1  }
0x10f: {  	[tilespmem:$0x18D10] =	vst v1  }
0x110: {  	[tilespmem:$0x18D20] =	vst v1  }
0x111: {  	[tilespmem:$0x18D30] =	vst v1  }
0x112: {  	[tilespmem:$0x18D40] =	vst v1  }
0x113: {  	[tilespmem:$0x18D50] =	vst v1  }
0x114: {  	[tilespmem:$0x18D60] =	vst v1  }
0x115: {  	[tilespmem:$0x18D70] =	vst v1  }
0x116: {  	[tilespmem:$0x18D80] =	vst v1  }
0x117: {  	[tilespmem:$0x18D90] =	vst v1  }
0x118: {  	[tilespmem:$0x18DA0] =	vst v1  }
0x119: {  	[tilespmem:$0x18DB0] =	vst v1  }
0x11a: {  	[tilespmem:$0x18DC0] =	vst v1  }
0x11b: {  	[tilespmem:$0x18DD0] =	vst v1  }
0x11c: {  	[tilespmem:$0x18DE0] =	vst v1  }
0x11d: {  	[tilespmem:$0x18DF0] =	vst v1  }
0x11e: {  	[tilespmem:$0x18E00] =	vst v1  }
0x11f: {  	[tilespmem:$0x18E10] =	vst v1  }
0x120: {  	[tilespmem:$0x18E20] =	vst v1  }
0x121: {  	[tilespmem:$0x18E30] =	vst v1  }
0x122: {  	[tilespmem:$0x18E40] =	vst v1  }
0x123: {  	[tilespmem:$0x18E50] =	vst v1  }
0x124: {  	[tilespmem:$0x18E60] =	vst v1  }
0x125: {  	[tilespmem:$0x18E70] =	vst v1  }
0x126: {  	[tilespmem:$0x18E80] =	vst v1  }
0x127: {  	[tilespmem:$0x18E90] =	vst v1  }
0x128: {  	[tilespmem:$0x18EA0] =	vst v1  }
0x129: {  	[tilespmem:$0x18EB0] =	vst v1  }
0x12a: {  	[tilespmem:$0x18EC0] =	vst v1  }
0x12b: {  	[tilespmem:$0x18ED0] =	vst v1  }
0x12c: {  	[tilespmem:$0x18EE0] =	vst v1  }
0x12d: {  	[tilespmem:$0x18EF0] =	vst v1  }
0x12e: {  	[tilespmem:$0x18F00] =	vst v1  }
0x12f: {  	[tilespmem:$0x18F10] =	vst v1  }
0x130: {  	[tilespmem:$0x18F20] =	vst v1  }
0x131: {  	[tilespmem:$0x18F30] =	vst v1  }
0x132: {  	[tilespmem:$0x18F40] =	vst v1  }
0x133: {  	[tilespmem:$0x18F50] =	vst v1  }
0x134: {  	[tilespmem:$0x18F60] =	vst v1  }
0x135: {  	[tilespmem:$0x18F70] =	vst v1  }
0x136: {  	[tilespmem:$0x18F80] =	vst v1  }
0x137: {  	[tilespmem:$0x18F90] =	vst v1  }
0x138: {  	[tilespmem:$0x18FA0] =	vst v1  }
0x139: {  	[tilespmem:$0x18FB0] =	vst v1  }
0x13a: {  	[tilespmem:$0x18FC0] =	vst v1  }
0x13b: {  	[tilespmem:$0x18FD0] =	vst v1  }
0x13c: {  	[tilespmem:$0x18FE0] =	vst v1  }
0x13d: {  	[tilespmem:$0x18FF0] =	vst v1  }
0x13e: {  	[tilespmem:$0x19000] =	vst v1  }
0x13f: {  	[tilespmem:$0x19010] =	vst v1  }
0x140: {  	[tilespmem:$0x19020] =	vst v1  }
0x141: {  	[tilespmem:$0x19030] =	vst v1  }
0x142: {  	[tilespmem:$0x19040] =	vst v1  }
0x143: {  	[tilespmem:$0x19050] =	vst v1  }
0x144: {  	[tilespmem:$0x19060] =	vst v1  }
0x145: {  	[tilespmem:$0x19070] =	vst v1  }
0x146: {  	[tilespmem:$0x19080] =	vst v1  }
0x147: {  	[tilespmem:$0x19090] =	vst v1  }
0x148: {  	[tilespmem:$0x190A0] =	vst v1  }
0x149: {  	[tilespmem:$0x190B0] =	vst v1  }
0x14a: {  	[tilespmem:$0x190C0] =	vst v1  }
0x14b: {  	[tilespmem:$0x190D0] =	vst v1  }
0x14c: {  	[tilespmem:$0x190E0] =	vst v1  }
0x14d: {  	[tilespmem:$0x190F0] =	vst v1  }
0x14e: {  	[tilespmem:$0x19100] =	vst v1  }
0x14f: {  	[tilespmem:$0x19110] =	vst v1  }
0x150: {  	[tilespmem:$0x19120] =	vst v1  }
0x151: {  	[tilespmem:$0x19130] =	vst v1  }
0x152: {  	[tilespmem:$0x19140] =	vst v1  }
0x153: {  	[tilespmem:$0x19150] =	vst v1  }
0x154: {  	[tilespmem:$0x19160] =	vst v1  }
0x155: {  	[tilespmem:$0x19170] =	vst v1  }
0x156: {  	[tilespmem:$0x19180] =	vst v1  }
0x157: {  	[tilespmem:$0x19190] =	vst v1  }
0x158: {  	[tilespmem:$0x191A0] =	vst v1  }
0x159: {  	[tilespmem:$0x191B0] =	vst v1  }
0x15a: {  	[tilespmem:$0x191C0] =	vst v1  }
0x15b: {  	[tilespmem:$0x191D0] =	vst v1  }
0x15c: {  	[tilespmem:$0x191E0] =	vst v1  }
0x15d: {  	[tilespmem:$0x191F0] =	vst v1  }
0x15e: {  	[tilespmem:$0x19200] =	vst v1  }
0x15f: {  	[tilespmem:$0x19210] =	vst v1  }
0x160: {  	[tilespmem:$0x19220] =	vst v1  }
0x161: {  	[tilespmem:$0x19230] =	vst v1  }
0x162: {  	[tilespmem:$0x19240] =	vst v1  }
0x163: {  	[tilespmem:$0x19250] =	vst v1  }
0x164: {  	[tilespmem:$0x19260] =	vst v1  }
0x165: {  	[tilespmem:$0x19270] =	vst v1  }
0x166: {  	[tilespmem:$0x19280] =	vst v1  }
0x167: {  	[tilespmem:$0x19290] =	vst v1  }
0x168: {  	[tilespmem:$0x192A0] =	vst v1  }
0x169: {  	[tilespmem:$0x192B0] =	vst v1  }
0x16a: {  	[tilespmem:$0x192C0] =	vst v1  }
0x16b: {  	[tilespmem:$0x192D0] =	vst v1  }
0x16c: {  	[tilespmem:$0x192E0] =	vst v1  }
0x16d: {  	[tilespmem:$0x192F0] =	vst v1  }
0x16e: {  	[tilespmem:$0x19300] =	vst v1  }
0x16f: {  	[tilespmem:$0x19310] =	vst v1  }
0x170: {  	[tilespmem:$0x19320] =	vst v1  }
0x171: {  	[tilespmem:$0x19330] =	vst v1  }
0x172: {  	[tilespmem:$0x19340] =	vst v1  }
0x173: {  	[tilespmem:$0x19350] =	vst v1  }
0x174: {  	[tilespmem:$0x19360] =	vst v1  }
0x175: {  	[tilespmem:$0x19370] =	vst v1  }
0x176: {  	[tilespmem:$0x19380] =	vst v1  }
0x177: {  	[tilespmem:$0x19390] =	vst v1  }
0x178: {  	[tilespmem:$0x193A0] =	vst v1  }
0x179: {  	[tilespmem:$0x193B0] =	vst v1  }
0x17a: {  	[tilespmem:$0x193C0] =	vst v1  }
0x17b: {  	[tilespmem:$0x193D0] =	vst v1  }
0x17c: {  	[tilespmem:$0x19460] =	vst v1  }
0x17d: {  	[tilespmem:$0x19470] =	vst v1  }
0x17e: {  	[tilespmem:$0x193F0] =	vst v1  }
0x17f: {  	[tilespmem:$0x19400] =	vst v1  }
0x180: {  	[tilespmem:$0x19410] =	vst v1  }
0x181: {  	[tilespmem:$0x19420] =	vst v1  }
0x182: {  	[tilespmem:$0x19430] =	vst v1  }
0x183: {  	[tilespmem:$0x19440] =	vst v1  }
0x184: {  	[tilespmem:$0x19450] =	vst v1  }
0x185: {  	[dreg:$0x1a] =	wrdreg s12;
	[tilespmem:$0x193E0] =	vst v1;
	s0 =	simm.s32 $0x18480  }
0x186: {  	[spmem:s18] =	stream.linear.scatter [tilespmem:s0], [sflag:$0x13], $0x1000, $0x38;
	[tilespmem:$0x1A4A0] =	vst v63  }
0x187: {  	_ =	swait.ge [sflag:s9], $0x1000  }
0x188: {  	[sflag:s9] =	ssyncset.done $0x0  }
0x189: {  	[sflag:s9] =	ssyncadd.s32 $0xFFFFF000  }
0x18a: {  	[spmem:s21] =	stream.linear.scatter [tilespmem:s0], [sflag:$0x13], $0x20, $0x38;
	[tilespmem:$0x1A4A0] =	vst v63  }
0x18b: {  	_ =	swait.ge [sflag:s9], $0x20  }
0x18c: {  	[sflag:s9] =	ssyncset.done $0x0  }
0x18d: {  	[sflag:s9] =	ssyncadd.s32 $0xFFFFFFE0  }
0x18e: {  	[bflag:$0x0] =	sbarrier.arrive $0xFFFF  }
0x18f: {  	s18 =	rddreg [dreg:$0x9]  }
0x190: {  	s21 =	rddreg [dreg:$0xa]  }
0x191: {  	s25 =	rddreg [dreg:$0xb]  }
0x192: {  	s31 =	rddreg [dreg:$0xc]  }
0x193: {  	s29 =	rddreg [dreg:$0x18]  }
0x194: {  	s9 =	rddreg [dreg:$0x17]  }
0x195: {  	[tilespmem:s5], [sflag:$0x1] =	stream.linear.gather [hbm4b:s18+s5], $0x4000, $0x38;
	[tilespmem:$0x1A4A0] =	vst v63  }
0x196: {  	s14 =	rddreg [dreg:$0x16]  }
0x197: {  	[tilespmem:s30], [sflag:$0x7] =	stream.linear.gather [hbm4b:s21+s5], $0x80, $0x38;
	[tilespmem:$0x1A4A0] =	vst v63  }
0x198: {  	s12 =	rddreg [dreg:$0x15]  }
0x199: {  	[tilespmem:s10], [sflag:$0x2] =	stream.linear.gather [hbm4b:s25+s5], $0x4000, $0x38;
	[tilespmem:$0x1A4A0] =	vst v63  }
0x19a: {  	s28 =	simm.s32 $0x0;
	s18 =	rddreg [dreg:$0x19]  }
0x19b: {  	[tilespmem:s11], [sflag:$0x8] =	stream.linear.gather [hbm4b:s31+s5], $0x80, $0x38;
	[tilespmem:$0x1A4A0] =	vst v63  }
0x19c: {  	s21 =	rddreg [dreg:$0x14];
	s25 =	simm.s32 $0x14000;
	s11 =	simm.s32 $0x4000  }
.LBB2_2:
0x19d: {  	s0 =	simm.s32 $0x1  }
0x19e: {  	_ =	swait.ge [sflag:s0], $0x4000  }
0x19f: {  	[sflag:s0] =	ssyncset.done $0x0  }
0x1a0: {  	s10 =	simm.s32 $0x7;
	[sflag:s0] =	ssyncadd.s32 $0xFFFFC000  }
0x1a1: {  	_ =	swait.ge [sflag:s10], $0x80  }
0x1a2: {  	[sflag:s10] =	ssyncset.done $0x0  }
0x1a3: {  	p1 =	seq.s32 s28, $0x0;
	[sflag:s10] =	ssyncadd.s32 $0xFFFFFF80  }
0x1a4: {  	[spmem:s2] =	stream.indirect.scatter.add.f32 [tilespmem:s5], [sflag:$0xD], $0x80, s30, s4, $0xb8;
	[tilespmem:$0x1A4A0] =	vst v63  }
0x1a5: {  	s31 =	simm.s32 @!p1 $0xF  }
0x1a6: {  	[spmem:s3] =	stream.indirect.scatter.add.f32 [tilespmem:s8], [sflag:$0xD], $0x1, s30, s4, $0xb8;
	[tilespmem:$0x1A4A0] =	vst v63  }
0x1a7: {  	_ =	swait.ge @!p1 [sflag:s31], $0x4000  }
0x1a8: {  	[sflag:s31] =	ssyncset.done @!p1 $0x0  }
0x1a9: {  	[sflag:s31] =	ssyncadd.s32 @!p1 $0xFFFFC000  }
0x1aa: {  	_ =	swait.ge @!p1 [sflag:s31], $0x80  }
0x1ab: {  	s15 =	rddreg [dreg:$0x13]  }
0x1ac: {  	[sflag:s31] =	ssyncset.done @!p1 $0x0;
	s30 =	sadd.s32 s28, s15  }
0x1ad: {  	s0 =	simm.s32 $0x8000;
	[sflag:s31] =	ssyncadd.s32 @!p1 $0xFFFFFF80;
	s15 =	sadd.s32 $0x20000, s30  }
0x1ae: {  	[tilespmem:s0], [sflag:$0x3] =	stream.linear.gather [hbm4b:s15+s5], $0x4000, $0x38;
	[tilespmem:$0x1A4A0] =	vst v63  }
0x1af: {  	s31 =	simm.s32 $0x2;
	s15 =	simm.s32 $0x18100  }
0x1b0: {  	[tilespmem:s15], [sflag:$0x9] =	stream.linear.gather [hbm4b:s18+s5], $0x80, $0x38;
	[tilespmem:$0x1A4A0] =	vst v63  }
0x1b1: {  	_ =	swait.ge [sflag:s31], $0x4000  }
0x1b2: {  	[sflag:s31] =	ssyncset.done $0x0  }
0x1b3: {  	[sflag:s31] =	ssyncadd.s32 $0xFFFFC000;
	s31 =	simm.s32 $0x8  }
0x1b4: {  	_ =	swait.ge [sflag:s31], $0x80  }
0x1b5: {  	[sflag:s31] =	ssyncset.done $0x0  }
0x1b6: {  	[sflag:s31] =	ssyncadd.s32 $0xFFFFFF80  }
0x1b7: {  	[spmem:s2] =	stream.indirect.scatter.add.f32 [tilespmem:s11], [sflag:$0xE], $0x80, s13, s4, $0xb8;
	[tilespmem:$0x1A4A0] =	vst v63  }
0x1b8: {  	s31 =	simm.s32 @!p1 $0x10  }
0x1b9: {  	[spmem:s3] =	stream.indirect.scatter.add.f32 [tilespmem:s8], [sflag:$0xE], $0x1, s13, s4, $0xb8;
	[tilespmem:$0x1A4A0] =	vst v63  }
0x1ba: {  	_ =	swait.ge @!p1 [sflag:s31], $0x4000  }
0x1bb: {  	[sflag:s31] =	ssyncset.done @!p1 $0x0  }
0x1bc: {  	[sflag:s31] =	ssyncadd.s32 @!p1 $0xFFFFC000  }
0x1bd: {  	_ =	swait.ge @!p1 [sflag:s31], $0x80  }
0x1be: {  	[sflag:s31] =	ssyncset.done @!p1 $0x0  }
0x1bf: {  	[sflag:s31] =	ssyncadd.s32 @!p1 $0xFFFFFF80;
	s31 =	sadd.s32 $0x30000, s30  }
0x1c0: {  	[tilespmem:s16], [sflag:$0x4] =	stream.linear.gather [hbm4b:s31+s5], $0x4000, $0x38;
	[tilespmem:$0x1A4A0] =	vst v63  }
0x1c1: {  	s31 =	simm.s32 $0x3  }
0x1c2: {  	[tilespmem:s17], [sflag:$0xA] =	stream.linear.gather [hbm4b:s29+s5], $0x80, $0x38;
	[tilespmem:$0x1A4A0] =	vst v63  }
0x1c3: {  	_ =	swait.ge [sflag:s31], $0x4000  }
0x1c4: {  	[sflag:s31] =	ssyncset.done $0x0  }
0x1c5: {  	[sflag:s31] =	ssyncadd.s32 $0xFFFFC000;
	s31 =	simm.s32 $0x9  }
0x1c6: {  	_ =	swait.ge [sflag:s31], $0x80  }
0x1c7: {  	[sflag:s31] =	ssyncset.done $0x0  }
0x1c8: {  	[sflag:s31] =	ssyncadd.s32 $0xFFFFFF80  }
0x1c9: {  	[spmem:s2] =	stream.indirect.scatter.add.f32 [tilespmem:s0], [sflag:$0xF], $0x80, s15, s4, $0xb8;
	[tilespmem:$0x1A4A0] =	vst v63  }
0x1ca: {  	s31 =	simm.s32 @!p1 $0x11  }
0x1cb: {  	[spmem:s3] =	stream.indirect.scatter.add.f32 [tilespmem:s8], [sflag:$0xF], $0x1, s15, s4, $0xb8;
	[tilespmem:$0x1A4A0] =	vst v63  }
0x1cc: {  	_ =	swait.ge @!p1 [sflag:s31], $0x4000  }
0x1cd: {  	[sflag:s31] =	ssyncset.done @!p1 $0x0  }
0x1ce: {  	[sflag:s31] =	ssyncadd.s32 @!p1 $0xFFFFC000  }
0x1cf: {  	_ =	swait.ge @!p1 [sflag:s31], $0x80  }
0x1d0: {  	[sflag:s31] =	ssyncset.done @!p1 $0x0  }
0x1d1: {  	s0 =	simm.s32 $0x10000;
	s15 =	sadd.s32 $0x40000, s30;
	[sflag:s31] =	ssyncadd.s32 @!p1 $0xFFFFFF80  }
0x1d2: {  	[tilespmem:s0], [sflag:$0x5] =	stream.linear.gather [hbm4b:s15+s5], $0x4000, $0x38;
	[tilespmem:$0x1A4A0] =	vst v63  }
0x1d3: {  	s15 =	simm.s32 $0x18200  }
0x1d4: {  	[tilespmem:s15], [sflag:$0xB] =	stream.linear.gather [hbm4b:s9+s5], $0x80, $0x38;
	[tilespmem:$0x1A4A0] =	vst v63  }
0x1d5: {  	_ =	swait.ge [sflag:s19], $0x4000  }
0x1d6: {  	[sflag:s19] =	ssyncset.done $0x0  }
0x1d7: {  	[sflag:s19] =	ssyncadd.s32 $0xFFFFC000  }
0x1d8: {  	_ =	swait.ge [sflag:s20], $0x80  }
0x1d9: {  	[sflag:s20] =	ssyncset.done $0x0  }
0x1da: {  	[sflag:s20] =	ssyncadd.s32 $0xFFFFFF80  }
0x1db: {  	[spmem:s2] =	stream.indirect.scatter.add.f32 [tilespmem:s16], [sflag:$0x10], $0x80, s17, s4, $0xb8;
	[tilespmem:$0x1A4A0] =	vst v63  }
0x1dc: {  	s31 =	simm.s32 @!p1 $0x12  }
0x1dd: {  	[spmem:s3] =	stream.indirect.scatter.add.f32 [tilespmem:s8], [sflag:$0x10], $0x1, s17, s4, $0xb8;
	[tilespmem:$0x1A4A0] =	vst v63  }
0x1de: {  	_ =	swait.ge @!p1 [sflag:s31], $0x4000  }
0x1df: {  	[sflag:s31] =	ssyncset.done @!p1 $0x0  }
0x1e0: {  	[sflag:s31] =	ssyncadd.s32 @!p1 $0xFFFFC000  }
0x1e1: {  	_ =	swait.ge @!p1 [sflag:s31], $0x80  }
0x1e2: {  	[sflag:s31] =	ssyncset.done @!p1 $0x0  }
0x1e3: {  	[sflag:s31] =	ssyncadd.s32 @!p1 $0xFFFFFF80;
	s31 =	sadd.s32 $0x50000, s30  }
0x1e4: {  	[tilespmem:s25], [sflag:$0x6] =	stream.linear.gather [hbm4b:s31+s5], $0x4000, $0x38;
	[tilespmem:$0x1A4A0] =	vst v63  }
0x1e5: {  	_ = 	snop  }
0x1e6: {  	[tilespmem:s22], [sflag:$0xC] =	stream.linear.gather [hbm4b:s14+s5], $0x80, $0x38;
	[tilespmem:$0x1A4A0] =	vst v63  }
0x1e7: {  	_ =	swait.ge [sflag:s23], $0x4000  }
0x1e8: {  	[sflag:s23] =	ssyncset.done $0x0  }
0x1e9: {  	[sflag:s23] =	ssyncadd.s32 $0xFFFFC000  }
0x1ea: {  	_ =	swait.ge [sflag:s24], $0x80  }
0x1eb: {  	p1 =	seq.s32 s28, $0x480000;
	[sflag:s24] =	ssyncset.done $0x0  }
.Ltmp2:
0x1ec: {  	[sflag:s24] =	ssyncadd.s32 $0xFFFFFF80;
	(pc) =	sbr.rel @p1 .LBB2_4-.Ltmp2, $4  }
0x1ed: {  	[spmem:s2] =	stream.indirect.scatter.add.f32 [tilespmem:s0], [sflag:$0x11], $0x80, s15, s4, $0xb8;
	[tilespmem:$0x1A4A0] =	vst v63  }
0x1ee: {  	_ = 	snop  }
0x1ef: {  	[spmem:s3] =	stream.indirect.scatter.add.f32 [tilespmem:s8], [sflag:$0x11], $0x1, s15, s4, $0xb8;
	[tilespmem:$0x1A4A0] =	vst v63  }
0x1f0: {  	s10 =	simm.s32 $0x18000;
	s15 =	simm.s32 $0x14000  }
0x1f1: {  	_ =	swait.ge [sflag:s1], $0x4000  }
0x1f2: {  	[sflag:s1] =	ssyncset.done $0x0  }
0x1f3: {  	[sflag:s1] =	ssyncadd.s32 $0xFFFFC000  }
0x1f4: {  	_ =	swait.ge [sflag:s1], $0x80  }
0x1f5: {  	[sflag:s1] =	ssyncset.done $0x0  }
0x1f6: {  	s31 =	sadd.s32 $0x60000, s30;
	[sflag:s1] =	ssyncadd.s32 $0xFFFFFF80  }
0x1f7: {  	[tilespmem:s5], [sflag:$0x1] =	stream.linear.gather [hbm4b:s31+s5], $0x4000, $0x38;
	[tilespmem:$0x1A4A0] =	vst v63  }
0x1f8: {  	s25 =	sshrl.u32 s12, $0x3;
	s0 =	rddreg [dreg:$0x1]  }
0x1f9: {  	s31 =	sadd.s32 s0, s25  }
0x1fa: {  	[tilespmem:s10], [sflag:$0x7] =	stream.linear.gather [hbm4b:s31+s5], $0x80, $0x38;
	[tilespmem:$0x1A4A0] =	vst v63  }
0x1fb: {  	_ =	swait.ge [sflag:s6], $0x4000  }
0x1fc: {  	[sflag:s6] =	ssyncset.done $0x0  }
0x1fd: {  	[sflag:s6] =	ssyncadd.s32 $0xFFFFC000  }
0x1fe: {  	_ =	swait.ge [sflag:s7], $0x80  }
0x1ff: {  	[sflag:s7] =	ssyncset.done $0x0  }
0x200: {  	[sflag:s7] =	ssyncadd.s32 $0xFFFFFF80  }
0x201: {  	[spmem:s2] =	stream.indirect.scatter.add.f32 [tilespmem:s15], [sflag:$0x12], $0x80, s22, s4, $0xb8;
	[tilespmem:$0x1A4A0] =	vst v63  }
0x202: {  	_ = 	snop  }
0x203: {  	[spmem:s3] =	stream.indirect.scatter.add.f32 [tilespmem:s8], [sflag:$0x12], $0x1, s22, s4, $0xb8;
	[tilespmem:$0x1A4A0] =	vst v63  }
0x204: {  	_ =	swait.ge [sflag:s26], $0x4000  }
0x205: {  	[sflag:s26] =	ssyncset.done $0x0  }
0x206: {  	[sflag:s26] =	ssyncadd.s32 $0xFFFFC000  }
0x207: {  	s30 =	sadd.s32 $0x70000, s30;
	_ =	swait.ge [sflag:s26], $0x80  }
0x208: {  	s28 =	sadd.s32 $0x60000, s28;
	s12 =	sadd.s32 $0x6000, s12;
	[sflag:s26] =	ssyncset.done $0x0  }
.Ltmp3:
0x209: {  	s14 =	sadd.s32 $0xC00, s14;
	[sflag:s26] =	ssyncadd.s32 $0xFFFFFF80;
	(pc) =	sbr.rel .LBB2_2-.Ltmp3, $4  }
0x20a: {  	[tilespmem:s11], [sflag:$0x2] =	stream.linear.gather [hbm4b:s30+s5], $0x4000, $0x38;
	[tilespmem:$0x1A4A0] =	vst v63  }
0x20b: {  	s9 =	sadd.s32 $0xC00, s9;
	s29 =	sadd.s32 $0xC00, s29;
	s18 =	sadd.s32 $0xC00, s18  }
0x20c: {  	[tilespmem:s13], [sflag:$0x8] =	stream.linear.gather [hbm4b:s21+s5], $0x80, $0x38;
	[tilespmem:$0x1A4A0] =	vst v63  }
0x20d: {  	s25 =	simm.s32 $0x14000;
	s30 =	simm.s32 $0x18000;
	s21 =	sadd.s32 $0xC00, s21  }
.LBB2_5:
0x20e: {  	_ =	sfence.sel $0x180000  }
0x20f: {  	[bflag:$0x0] =	sbarrier.arrive $0xFFFF  }
0x210: {  	_ =	strace $0x90000047  }
0x211: {  	s0 =	stileid.u32;
	[bflag:$0x2] =	sbarrier.arrive $0xFFFF  }
0x212: {  	p0 =	sne.s32 s0, $0x0;
	s0 =	rddreg [dreg:$0x6]  }
0x213: {  	s0 =	sadd.s32 @!p0 $0x100000, s0  }
0x214: {  	[sflag:s0] =	ssyncadd.tile.s32 @!p0 $0x1;
	_ =	shalt  }
.Lfunc_end2:
_tile_overlayer_lowered:
.L_overlay_start_2:
0x215: {  	(tag) =	ssettag $0x2  }
0x216: {  	s0 =	rddreg [dreg:$0x0];
	s2 =	stileid.u32  }
0x217: {  	s1 =	rddreg [dreg:$0x1];
	p0 =	sne.s32 s2, $0x0  }
0x218: {  	s3 =	rddreg [dreg:$0x2];
	[bflag:$0x3] =	sbarrier.arrive $0xFFFF;
	s2 =	simm.s32 @!p0 $0x1C13  }
0x219: {  	[timem:s3], [sflag:s2] =	dma.local @!p0 [hbm:s0], s1  }
0x21a: {  	s0 =	simm.s32 @!p0 $0x13  }
0x21b: {  	_ =	swait.ge @!p0 [sflag:s0], s1  }
0x21c: {  	s1 =	ssub.s32 @!p0 $0x0, s1;
	[sflag:s0] =	ssyncset.done @!p0 $0x0  }
0x21d: {  	[sflag:s0] =	ssyncadd.s32 @!p0 s1  }
0x21e: {  	[bflag:$0x3] =	sbarrier.arrive $0xFFFF  }
0x21f: {  	_ =	shalt  }

</sc_bundles>
